<compile_context>
chip_gen: v7x
topology: tpu7x:2x2x1
jax: 0.10.2.dev20260603
libtpu: 0.0.44.dev20260713+nightly
codegen_flags: <defaults>
</compile_context>

<pallas_src>
import numpy as np
import jax
import jax.numpy as jnp
from jax import lax
from jax.experimental import pallas as pl
from jax.experimental.pallas import tpu as pltpu
from jax.experimental.pallas import tpu_sc as plsc

BATCH = 1024
NPART = 16384
NQ = 20
L = 16
NC, NS = 2, 16
NW = NC * NS
ROWS_PER_TILE = BATCH // NW
NVEC = NPART // L
NRP = 48
DUMMY = 47
QPAD = 32
UNROLL = 16
CUN = 4
SIGN = np.int32(-2147483648)
MASK31 = np.int32(2147483647)


def _rank_consts():
    qs = np.array([
        1028443341, 1036478745, 1041511909, 1044690750, 1047869591,
        1049812216, 1051401637, 1052991057, 1054580478, 1056169898,
        1057361963, 1058156674, 1058951384, 1059746094, 1060540804,
        1061335514, 1062130225, 1062924935, 1063719645, 1064514355,
    ], dtype=np.uint32).view(np.float32)
    pos = (qs * np.float32(NPART - 1)).astype(np.float32)
    lo = np.clip(np.floor(pos), 0, NPART - 1).astype(np.int64)
    hi = np.clip(np.ceil(pos), 0, NPART - 1).astype(np.int64)
    w = (pos - lo.astype(np.float32)).astype(np.float32)
    ranks = np.empty(NRP, dtype=np.int32)
    ranks[0:2 * NQ:2] = lo
    ranks[1:2 * NQ:2] = hi
    ranks[2 * NQ:] = hi[-1]
    return ranks, w


_RANKS, _HIW = _rank_consts()


def _to_sortable(xf):
    bits = lax.bitcast_convert_type(xf, jnp.int32)
    m = lax.shift_right_arithmetic(bits, 31)
    return lax.bitwise_xor(bits, lax.bitwise_or(SIGN, lax.bitwise_and(MASK31, m)))


def _from_sortable(u):
    m = lax.shift_right_arithmetic(u, 31)
    notm = lax.bitwise_xor(m, np.int32(-1))
    bits = lax.bitwise_xor(u, lax.bitwise_or(SIGN, lax.bitwise_and(MASK31, notm)))
    return lax.bitcast_convert_type(bits, jnp.float32)


def _srl(x, n):
    return lax.shift_right_logical(x, np.int32(n))


def _sc_quantile_body(x_hbm, rk_hbm, hw_hbm, qout_hbm, data, hist1, table2,
                      table3, table4, hist2, wa, cb, stage, vstage, qrow,
                      rk_v, hw_v, dsem):
    wid = lax.axis_index("s") * NC + lax.axis_index("c")
    lane = lax.iota(jnp.int32, L)
    zeros = lane * 0
    ones = zeros + 1
    dummy = zeros + DUMMY
    fzeros = zeros.astype(jnp.float32)
    pltpu.sync_copy(rk_hbm, rk_v)
    pltpu.sync_copy(hw_hbm, hw_v)
    kvecs = [rk_v[pl.ds(i * L, L)] for i in range(3)]
    hiw0 = hw_v[pl.ds(0, L)]
    hiw1 = hw_v[pl.ds(L, L)]

    def init1(i, _):
        for j in range(4):
            hist1[pl.ds((i * 4 + j) * L, L)] = zeros
            table2[pl.ds((i * 4 + j) * L, L)] = dummy
        return 0
    lax.fori_loop(0, 2048 // L // 4, init1, 0)

    def init2(i, _):
        for j in range(4):
            hist2[pl.ds((i * 4 + j) * L, L)] = zeros
            table3[pl.ds((i * 4 + j) * L, L)] = dummy
            table4[pl.ds((i * 4 + j) * L, L)] = dummy
        return 0
    lax.fori_loop(0, (NRP * 128) // L // 4, init2, 0)

    def rank_prep(table, pkeys):
        stage[pl.ds(1, L)] = pkeys[0]
        stage[pl.ds(1 + L, L)] = pkeys[1]
        stage[pl.ds(1 + 2 * L, L)] = pkeys[2]
        sh = [stage[pl.ds(i * L, L)] for i in range(3)]
        f0 = jnp.logical_or(pkeys[0] != sh[0], lane == 0)
        f1 = pkeys[1] != sh[1]
        f2 = pkeys[2] != sh[2]
        fi = [f0.astype(jnp.int32), f1.astype(jnp.int32), f2.astype(jnp.int32)]
        n0 = jnp.sum(fi[0])
        n1 = jnp.sum(fi[1])
        slots = [plsc.cumsum(fi[0]) - 1,
                 plsc.cumsum(fi[1]) + (n0 - 1),
                 plsc.cumsum(fi[2]) + (n0 + n1 - 1)]
        plsc.store_scatter(table, [pkeys[0]], slots[0], mask=f0)
        plsc.store_scatter(table, [pkeys[1]], slots[1], mask=f1)
        plsc.store_scatter(table, [pkeys[2]], slots[2], mask=f2)
        return slots

    def hist_scan(slots, kks):
        SCU = 8

        def sc(b0, carry):
            acc, bins, bef = carry
            hs = []
            for j in range(SCU):
                base = (b0 * SCU + j) * NRP
                hs.append([plsc.load_gather(hist2, [slots[g] + base])
                           for g in range(3)])
            for j in range(SCU):
                acc2, bins2, bef2 = [], [], []
                for g in range(3):
                    a = acc[g] + hs[j][g]
                    m = a <= kks[g]
                    acc2.append(a)
                    bins2.append(bins[g] + m.astype(jnp.int32))
                    bef2.append(jnp.where(m, a, bef[g]))
                acc, bins, bef = tuple(acc2), tuple(bins2), tuple(bef2)
            for j in range(SCU):
                base = (b0 * SCU + j) * NRP
                hist2[pl.ds(base, L)] = zeros
                hist2[pl.ds(base + L, L)] = zeros
                hist2[pl.ds(base + 2 * L, L)] = zeros
            return (acc, bins, bef)
        z3 = (zeros, zeros, zeros)
        _, bins, bef = lax.fori_loop(0, 128 // SCU, sc, (z3, z3, z3))
        return bins, bef

    row0 = wid * ROWS_PER_TILE
    pltpu.make_async_copy(x_hbm.at[row0], data.at[0], dsem).start()

    def row_body(i, _):
        buf = lax.rem(i, 2)
        pltpu.make_async_copy(x_hbm.at[row0 + i], data.at[buf], dsem).wait()

        @pl.when(i + 1 < ROWS_PER_TILE)
        def _prefetch():
            pltpu.make_async_copy(x_hbm.at[row0 + i + 1], data.at[1 - buf],
                                  dsem).start()

        def load_u(v):
            return _to_sortable(data[buf, pl.ds(v * L, L)])

        def p1(v, _):
            us = [load_u(v * UNROLL + j) for j in range(UNROLL)]
            keys = [_srl(u, 21) for u in us]
            for j in range(UNROLL):
                plsc.addupdate_scatter(hist1, [keys[j]], ones)
            for j in range(UNROLL):
                data[buf, pl.ds((v * UNROLL + j) * L, L)] = (
                    lax.bitcast_convert_type(us[j], jnp.float32))
            return 0
        lax.fori_loop(0, NVEC // UNROLL, p1, 0)

        def cs(b, carry):
            h = hist1[pl.ds(b * L, L)]
            c = plsc.cumsum(h) + carry
            hist1[pl.ds(b * L, L)] = c
            return c[L - 1]
        lax.fori_loop(0, 2048 // L, cs, np.int32(0))

        def bsearch(kvec):
            b = zeros
            for j in (1024, 512, 256, 128, 64, 32, 16, 8, 4, 2, 1):
                val = plsc.load_gather(hist1, [b + (j - 1)])
                b = jnp.where(val <= kvec, b + j, b)
            return b
        b1 = [bsearch(kvecs[g]) for g in range(3)]
        kks = []
        for g in range(3):
            prev = plsc.load_gather(hist1, [jnp.maximum(b1[g] - 1, 0)])
            bef = jnp.where(b1[g] > 0, prev, 0)
            kks.append(kvecs[g] - bef)
        kks = tuple(kks)

        def clr(b, _):
            for j in range(4):
                hist1[pl.ds((b * 4 + j) * L, L)] = zeros
            return 0
        lax.fori_loop(0, 2048 // L // 4, clr, 0)

        pk2 = tuple(b1)
        s2 = rank_prep(table2, pk2)

        def dp2(v, _):
            us = [lax.bitcast_convert_type(
                data[buf, pl.ds((v * UNROLL + j) * L, L)], jnp.int32)
                for j in range(UNROLL)]
            ss = [plsc.load_gather(table2, [_srl(u, 21)]) for u in us]
            idxs = [lax.bitwise_and(_srl(u, 14), np.int32(127)) * NRP + s
                    for s, u in zip(ss, us)]
            ws = [lax.bitwise_or(lax.shift_left(s, 21),
                                 lax.bitwise_and(u, np.int32(0x1FFFFF)))
                  for s, u in zip(ss, us)]
            for j in range(UNROLL):
                plsc.addupdate_scatter(hist2, [idxs[j]], ones)
            for j in range(UNROLL):
                wa[pl.ds((v * UNROLL + j) * L, L)] = ws[j]
            return 0
        lax.fori_loop(0, NVEC // UNROLL, dp2, 0)
        b2, bef = hist_scan(s2, kks)
        kks = tuple(kks[g] - bef[g] for g in range(3))

        pk3 = tuple(s2[g] * 128 + b2[g] for g in range(3))
        s3 = rank_prep(table3, pk3)

        def dp3(v, off):
            ws = [wa[pl.ds((v * UNROLL + j) * L, L)] for j in range(UNROLL)]
            sb = [plsc.load_gather(
                table3,
                [_srl(w, 21) * 128 + lax.bitwise_and(_srl(w, 14), np.int32(127))])
                for w in ws]
            idxs = [lax.bitwise_and(_srl(w, 7), np.int32(127)) * NRP + s
                    for s, w in zip(sb, ws)]
            cm = [s != DUMMY for s in sb]
            cnt = [jnp.sum(m.astype(jnp.int32)) for m in cm]
            for j in range(UNROLL):
                plsc.addupdate_scatter(hist2, [idxs[j]], ones)
            for j in range(UNROLL):
                plsc.store_compressed(cb.at[pl.ds(off, L)], ws[j], mask=cm[j])
                off = off + cnt[j]
            return off
        cb_n = lax.fori_loop(0, NVEC // UNROLL, dp3, np.int32(0))
        b3, bef = hist_scan(s3, kks)
        kks = tuple(kks[g] - bef[g] for g in range(3))

        pk4 = tuple(s3[g] * 128 + b3[g] for g in range(3))
        s4 = rank_prep(table4, pk4)

        def dp4(v, _):
            for j in range(CUN):
                base = (v * CUN + j) * L
                w = cb[pl.ds(base, L)]
                k2 = lax.bitwise_and(_srl(w, 14), np.int32(127))
                s2e = jnp.minimum(_srl(w, 21), DUMMY)
                sb = plsc.load_gather(table3, [s2e * 128 + k2])
                k3 = lax.bitwise_and(_srl(w, 7), np.int32(127))
                sc_ = plsc.load_gather(table4, [sb * 128 + k3])
                valid = (lane + base) < cb_n
                key = lax.bitwise_and(w, np.int32(127))
                plsc.addupdate_scatter(hist2, [key * NRP + sc_], ones,
                                       mask=valid)
            return 0
        n4 = _srl(cb_n + (CUN * L - 1), 6)
        lax.fori_loop(0, n4, dp4, 0)
        b4, bef = hist_scan(s4, kks)

        for g in range(3):
            plsc.store_scatter(table2, [pk2[g]], dummy)
            plsc.store_scatter(table3, [pk3[g]], dummy)
            plsc.store_scatter(table4, [pk4[g]], dummy)

        for g in range(3):
            u = lax.bitwise_or(
                lax.bitwise_or(lax.shift_left(b1[g], 21), lax.shift_left(b2[g], 14)),
                lax.bitwise_or(lax.shift_left(b3[g], 7), b4[g]))
            vstage[pl.ds(g * L, L)] = _from_sortable(u)
        vstage[pl.ds(3 * L, L)] = fzeros

        qlo0 = plsc.load_gather(vstage, [lane * 2])
        qhi0 = plsc.load_gather(vstage, [lane * 2 + 1])
        qv0 = qlo0 * (1.0 - hiw0) + qhi0 * hiw0
        qlo1 = plsc.load_gather(vstage, [lane * 2 + 2 * L])
        qhi1 = plsc.load_gather(vstage, [lane * 2 + 2 * L + 1])
        qv1 = qlo1 * (1.0 - hiw1) + qhi1 * hiw1
        qv1 = jnp.where(lane < (NQ - L), qv1, 0.0)
        qrow[i, pl.ds(0, L)] = qv0
        qrow[i, pl.ds(L, L)] = qv1
        return 0

    lax.fori_loop(0, ROWS_PER_TILE, row_body, 0)
    pltpu.sync_copy(qrow, qout_hbm.at[pl.ds(wid * ROWS_PER_TILE, ROWS_PER_TILE)])


def _sc_quantile(x):
    mesh = plsc.VectorSubcoreMesh(core_axis_name="c", subcore_axis_name="s",
                                  num_cores=NC, num_subcores=NS)
    f = pl.kernel(
        _sc_quantile_body,
        out_type=jax.ShapeDtypeStruct((BATCH, QPAD), jnp.float32),
        mesh=mesh,
        compiler_params=pltpu.CompilerParams(needs_layout_passes=False),
        scratch_types=[
            pltpu.VMEM((2, NPART), jnp.float32),
            pltpu.VMEM((2048,), jnp.int32),
            pltpu.VMEM((2048,), jnp.int32),
            pltpu.VMEM((NRP * 128,), jnp.int32),
            pltpu.VMEM((NRP * 128,), jnp.int32),
            pltpu.VMEM((NRP * 128,), jnp.int32),
            pltpu.VMEM((NPART,), jnp.int32),
            pltpu.VMEM((NPART + CUN * L,), jnp.int32),
            pltpu.VMEM((64,), jnp.int32),
            pltpu.VMEM((4 * L,), jnp.float32),
            pltpu.VMEM((ROWS_PER_TILE, QPAD), jnp.float32),
            pltpu.VMEM((NRP,), jnp.int32),
            pltpu.VMEM((QPAD,), jnp.float32),
            pltpu.SemaphoreType.DMA,
        ],
    )
    hw = np.pad(_HIW, (0, QPAD - NQ)).astype(np.float32)
    return f(x, jnp.asarray(_RANKS), jnp.asarray(hw))


def _mlp_body(q_ref, w1t_ref, b1_ref, w2t_ref, b2_ref, o_ref):
    q = q_ref[...]
    h = jnp.maximum(
        jnp.dot(q, w1t_ref[...], preferred_element_type=jnp.float32) + b1_ref[...],
        0.0)
    o_ref[...] = (jnp.dot(h, w2t_ref[...], preferred_element_type=jnp.float32)
                  + b2_ref[...])


def kernel(x, W1, b1, W2, b2):
    qpad = _sc_quantile(x)
    w1t = jnp.pad(W1.T, ((0, QPAD - NQ), (0, 0)))
    w2t = W2.T
    z = pl.pallas_call(
        _mlp_body,
        out_shape=jax.ShapeDtypeStruct((BATCH, W2.shape[0]), jnp.float32),
    )(qpad, w1t, b1.reshape(1, -1), w2t, b2.reshape(1, -1))
    return z

# --- scband reference (transcript-rebuilt; emitter-appended) ---
"""Pipeline reference for scband-encoder-82910048681992 (READ-ONLY COPY).

The authoritative reference and input builder live on the scoring server;
editing this copy changes nothing except your own understanding.
"""

import jax, jax.numpy as jnp
import numpy as np


def setup_inputs(seed: int = 0) -> dict:
    key = jax.random.key(seed)
    k1, k2, k3, k4, k5 = jax.random.split(key, 5)
    batch, n_particles = 1024, 16384
    dim_z = 16
    x = jax.random.normal(k1, (batch, n_particles), dtype=jnp.float32)
    # nn.Linear(20, 32)
    bound1 = 1.0 / np.sqrt(20.0)
    W1 = jax.random.uniform(k2, (32, 20), dtype=jnp.float32, minval=-bound1, maxval=bound1)
    b1 = jax.random.uniform(k3, (32,), dtype=jnp.float32, minval=-bound1, maxval=bound1)
    # nn.Linear(32, dim_z)
    bound2 = 1.0 / np.sqrt(32.0)
    W2 = jax.random.uniform(k4, (dim_z, 32), dtype=jnp.float32, minval=-bound2, maxval=bound2)
    b2 = jax.random.uniform(k5, (dim_z,), dtype=jnp.float32, minval=-bound2, maxval=bound2)
    return {"x": x, "W1": W1, "b1": b1, "W2": W2, "b2": b2}


def reference(x, W1, b1, W2, b2):
    # torch.quantile(x, linspace(0.05, 0.95, 20), dim=1).T  (linear interpolation)
    qs = jnp.linspace(0.05, 0.95, 20, dtype=jnp.float32)
    q = jnp.quantile(x, qs, axis=1)  # [20, batch]
    q = q.T  # [batch, 20]
    h = jnp.maximum(q @ W1.T + b1, 0.0)
    z = h @ W2.T + b2
    return z

if __name__ == "__main__":
    import jax
    _d = setup_inputs()
    print(jax.jit(kernel)(*tuple(_d.values())))

</pallas_src>

<mosaic_0001>
#map = affine_map<(d0, d1) -> (0, 0)>
#map1 = affine_map<(d0, d1) -> (0)>
module attributes {stable_mosaic.version = 14 : i64} {
  func.func @_sc_quantile_body(%arg0: i32, %arg1: i32, %arg2: memref<1024x16384xf32, #tpu.memory_space<hbm>>, %arg3: memref<48xi32, #tpu.memory_space<hbm>>, %arg4: memref<32xf32, #tpu.memory_space<hbm>>, %arg5: memref<1024x32xf32, #tpu.memory_space<hbm>>, %arg6: memref<2x16384xf32, #tpu.memory_space<vmem>>, %arg7: memref<2048xi32, #tpu.memory_space<vmem>>, %arg8: memref<2048xi32, #tpu.memory_space<vmem>>, %arg9: memref<6144xi32, #tpu.memory_space<vmem>>, %arg10: memref<6144xi32, #tpu.memory_space<vmem>>, %arg11: memref<6144xi32, #tpu.memory_space<vmem>>, %arg12: memref<16384xi32, #tpu.memory_space<vmem>>, %arg13: memref<16448xi32, #tpu.memory_space<vmem>>, %arg14: memref<64xi32, #tpu.memory_space<vmem>>, %arg15: memref<64xf32, #tpu.memory_space<vmem>>, %arg16: memref<32x32xf32, #tpu.memory_space<vmem>>, %arg17: memref<48xi32, #tpu.memory_space<vmem>>, %arg18: memref<32xf32, #tpu.memory_space<vmem>>, %arg19: memref<!tpu.dma_semaphore, #tpu.memory_space<semaphore_mem>>) attributes {dimension_semantics = [#tpu.dimension_semantics<core_parallel>, #tpu.dimension_semantics<subcore_parallel>], iteration_bounds = array<i64: 2, 16>, scalar_prefetch = 0 : i64, scratch_operands = 14 : i64, tpu.core_type = #tpu.core_type<sc_vector_subcore>, window_params = [{transform_indices = #map}, {transform_indices = #map1}, {transform_indices = #map1}, {transform_indices = #map}]} {
    %mul3A = arith.constant 2 : i32
    %mul3A_0 = arith.muli %arg1, %mul3A : i32
    %add3A = arith.addi %mul3A_0, %arg0 : i32
    %iota3A = tpu.iota {dimensions = array<i32: 0>} : vector<16xi32>
    %mul3A_1 = arith.constant 0 : i32
    %mul3A_2 = vector.broadcast %mul3A_1 : i32 to vector<16xi32>
    %mul3A_3 = arith.muli %iota3A, %mul3A_2 : vector<16xi32>
    %add3A_4 = arith.constant 1 : i32
    %add3A_5 = vector.broadcast %add3A_4 : i32 to vector<16xi32>
    %add3A_6 = arith.addi %mul3A_3, %add3A_5 : vector<16xi32>
    %add3A_7 = arith.constant 47 : i32
    %add3A_8 = vector.broadcast %add3A_7 : i32 to vector<16xi32>
    %add3A_9 = arith.addi %mul3A_3, %add3A_8 : vector<16xi32>
    %convert_element_type3A = arith.sitofp %mul3A_3 : vector<16xi32> to vector<16xf32>
    "tpu.region"() ({
      %run_scoped3A = tpu.sem_alloc : memref<!tpu.dma_semaphore, #tpu.memory_space<semaphore_mem>>
      tpu.enqueue_dma source(%arg3 : memref<48xi32, #tpu.memory_space<hbm>>) target(%arg17 : memref<48xi32, #tpu.memory_space<vmem>>) target_semaphore(%run_scoped3A : memref<!tpu.dma_semaphore, #tpu.memory_space<semaphore_mem>>)
      tpu.wait_dma2 semaphore(%run_scoped3A : memref<!tpu.dma_semaphore, #tpu.memory_space<semaphore_mem>>) src(%arg3 : memref<48xi32, #tpu.memory_space<hbm>>) dst(%arg17 : memref<48xi32, #tpu.memory_space<vmem>>)
      tpu.yield
    }) : () -> ()
    "tpu.region"() ({
      %run_scoped3A = tpu.sem_alloc : memref<!tpu.dma_semaphore, #tpu.memory_space<semaphore_mem>>
      tpu.enqueue_dma source(%arg4 : memref<32xf32, #tpu.memory_space<hbm>>) target(%arg18 : memref<32xf32, #tpu.memory_space<vmem>>) target_semaphore(%run_scoped3A : memref<!tpu.dma_semaphore, #tpu.memory_space<semaphore_mem>>)
      tpu.wait_dma2 semaphore(%run_scoped3A : memref<!tpu.dma_semaphore, #tpu.memory_space<semaphore_mem>>) src(%arg4 : memref<32xf32, #tpu.memory_space<hbm>>) dst(%arg18 : memref<32xf32, #tpu.memory_space<vmem>>)
      tpu.yield
    }) : () -> ()
    %get3A = arith.constant 0 : index
    %get3A_10 = tpu.vector_load %arg17[%get3A] {strides = array<i32>} : memref<48xi32, #tpu.memory_space<vmem>>, vector<16xi32>,
    %get3A_11 = arith.constant 16 : index
    %get3A_12 = tpu.vector_load %arg17[%get3A_11] {strides = array<i32>} : memref<48xi32, #tpu.memory_space<vmem>>, vector<16xi32>,
    %get3A_13 = arith.constant 32 : index
    %get3A_14 = tpu.vector_load %arg17[%get3A_13] {strides = array<i32>} : memref<48xi32, #tpu.memory_space<vmem>>, vector<16xi32>,
    %get3A_15 = arith.constant 0 : index
    %get3A_16 = tpu.vector_load %arg18[%get3A_15] {strides = array<i32>} : memref<32xf32, #tpu.memory_space<vmem>>, vector<16xf32>,
    %get3A_17 = arith.constant 16 : index
    %get3A_18 = tpu.vector_load %arg18[%get3A_17] {strides = array<i32>} : memref<32xf32, #tpu.memory_space<vmem>>, vector<16xf32>,
    %scan3A = arith.constant 0 : i32
    %scan3A_19 = arith.constant 0 : i32
    %scan3A_20 = arith.constant 32 : i32
    %scan3A_21 = arith.addi %scan3A_19, %scan3A_20 : i32
    %scan3A_22 = arith.constant 1 : i32
    %scan3A_23 = scf.for %scan3A_55 = %scan3A_19 to %scan3A_21 step %scan3A_22 iter_args(%scan3A_56 = %scan3A) -> (i32)  : i32 {
      %mul3A_57 = arith.constant 4 : i32
      %mul3A_58 = arith.muli %scan3A_55, %mul3A_57 : i32
      %add3A_59 = arith.constant 0 : i32
      %add3A_60 = arith.addi %mul3A_58, %add3A_59 : i32
      %mul3A_61 = arith.constant 16 : i32
      %mul3A_62 = arith.muli %add3A_60, %mul3A_61 : i32
      %swap3A = arith.index_cast %mul3A_62 : i32 to index
      %swap3A_63 = tpu.vector_load %arg7[%swap3A] {strides = array<i32>} : memref<2048xi32, #tpu.memory_space<vmem>>, vector<16xi32>,
      tpu.vector_store %arg7[%swap3A], %mul3A_3 {strides = array<i32>} : memref<2048xi32, #tpu.memory_space<vmem>>, vector<16xi32>,
      %mul3A_64 = arith.constant 4 : i32
      %mul3A_65 = arith.muli %scan3A_55, %mul3A_64 : i32
      %add3A_66 = arith.constant 0 : i32
      %add3A_67 = arith.addi %mul3A_65, %add3A_66 : i32
      %mul3A_68 = arith.constant 16 : i32
      %mul3A_69 = arith.muli %add3A_67, %mul3A_68 : i32
      %swap3A_70 = arith.index_cast %mul3A_69 : i32 to index
      %swap3A_71 = tpu.vector_load %arg8[%swap3A_70] {strides = array<i32>} : memref<2048xi32, #tpu.memory_space<vmem>>, vector<16xi32>,
      tpu.vector_store %arg8[%swap3A_70], %add3A_9 {strides = array<i32>} : memref<2048xi32, #tpu.memory_space<vmem>>, vector<16xi32>,
      %mul3A_72 = arith.constant 4 : i32
      %mul3A_73 = arith.muli %scan3A_55, %mul3A_72 : i32
      %add3A_74 = arith.constant 1 : i32
      %add3A_75 = arith.addi %mul3A_73, %add3A_74 : i32
      %mul3A_76 = arith.constant 16 : i32
      %mul3A_77 = arith.muli %add3A_75, %mul3A_76 : i32
      %swap3A_78 = arith.index_cast %mul3A_77 : i32 to index
      %swap3A_79 = tpu.vector_load %arg7[%swap3A_78] {strides = array<i32>} : memref<2048xi32, #tpu.memory_space<vmem>>, vector<16xi32>,
      tpu.vector_store %arg7[%swap3A_78], %mul3A_3 {strides = array<i32>} : memref<2048xi32, #tpu.memory_space<vmem>>, vector<16xi32>,
      %mul3A_80 = arith.constant 4 : i32
      %mul3A_81 = arith.muli %scan3A_55, %mul3A_80 : i32
      %add3A_82 = arith.constant 1 : i32
      %add3A_83 = arith.addi %mul3A_81, %add3A_82 : i32
      %mul3A_84 = arith.constant 16 : i32
      %mul3A_85 = arith.muli %add3A_83, %mul3A_84 : i32
      %swap3A_86 = arith.index_cast %mul3A_85 : i32 to index
      %swap3A_87 = tpu.vector_load %arg8[%swap3A_86] {strides = array<i32>} : memref<2048xi32, #tpu.memory_space<vmem>>, vector<16xi32>,
      tpu.vector_store %arg8[%swap3A_86], %add3A_9 {strides = array<i32>} : memref<2048xi32, #tpu.memory_space<vmem>>, vector<16xi32>,
      %mul3A_88 = arith.constant 4 : i32
      %mul3A_89 = arith.muli %scan3A_55, %mul3A_88 : i32
      %add3A_90 = arith.constant 2 : i32
      %add3A_91 = arith.addi %mul3A_89, %add3A_90 : i32
      %mul3A_92 = arith.constant 16 : i32
      %mul3A_93 = arith.muli %add3A_91, %mul3A_92 : i32
      %swap3A_94 = arith.index_cast %mul3A_93 : i32 to index
      %swap3A_95 = tpu.vector_load %arg7[%swap3A_94] {strides = array<i32>} : memref<2048xi32, #tpu.memory_space<vmem>>, vector<16xi32>,
      tpu.vector_store %arg7[%swap3A_94], %mul3A_3 {strides = array<i32>} : memref<2048xi32, #tpu.memory_space<vmem>>, vector<16xi32>,
      %mul3A_96 = arith.constant 4 : i32
      %mul3A_97 = arith.muli %scan3A_55, %mul3A_96 : i32
      %add3A_98 = arith.constant 2 : i32
      %add3A_99 = arith.addi %mul3A_97, %add3A_98 : i32
      %mul3A_100 = arith.constant 16 : i32
      %mul3A_101 = arith.muli %add3A_99, %mul3A_100 : i32
      %swap3A_102 = arith.index_cast %mul3A_101 : i32 to index
      %swap3A_103 = tpu.vector_load %arg8[%swap3A_102] {strides = array<i32>} : memref<2048xi32, #tpu.memory_space<vmem>>, vector<16xi32>,
      tpu.vector_store %arg8[%swap3A_102], %add3A_9 {strides = array<i32>} : memref<2048xi32, #tpu.memory_space<vmem>>, vector<16xi32>,
      %mul3A_104 = arith.constant 4 : i32
      %mul3A_105 = arith.muli %scan3A_55, %mul3A_104 : i32
      %add3A_106 = arith.constant 3 : i32
      %add3A_107 = arith.addi %mul3A_105, %add3A_106 : i32
      %mul3A_108 = arith.constant 16 : i32
      %mul3A_109 = arith.muli %add3A_107, %mul3A_108 : i32
      %swap3A_110 = arith.index_cast %mul3A_109 : i32 to index
      %swap3A_111 = tpu.vector_load %arg7[%swap3A_110] {strides = array<i32>} : memref<2048xi32, #tpu.memory_space<vmem>>, vector<16xi32>,
      tpu.vector_store %arg7[%swap3A_110], %mul3A_3 {strides = array<i32>} : memref<2048xi32, #tpu.memory_space<vmem>>, vector<16xi32>,
      %mul3A_112 = arith.constant 4 : i32
      %mul3A_113 = arith.muli %scan3A_55, %mul3A_112 : i32
      %add3A_114 = arith.constant 3 : i32
      %add3A_115 = arith.addi %mul3A_113, %add3A_114 : i32
      %mul3A_116 = arith.constant 16 : i32
      %mul3A_117 = arith.muli %add3A_115, %mul3A_116 : i32
      %swap3A_118 = arith.index_cast %mul3A_117 : i32 to index
      %swap3A_119 = tpu.vector_load %arg8[%swap3A_118] {strides = array<i32>} : memref<2048xi32, #tpu.memory_space<vmem>>, vector<16xi32>,
      tpu.vector_store %arg8[%swap3A_118], %add3A_9 {strides = array<i32>} : memref<2048xi32, #tpu.memory_space<vmem>>, vector<16xi32>,
      %scan3A_120 = arith.constant 0 : i32
      scf.yield %scan3A_120 : i32
    }
    %scan3A_24 = arith.constant 32 : i32
    %scan3A_25 = arith.constant 0 : i32
    %scan3A_26 = arith.constant 0 : i32
    %scan3A_27 = arith.constant 96 : i32
    %scan3A_28 = arith.addi %scan3A_26, %scan3A_27 : i32
    %scan3A_29 = arith.constant 1 : i32
    %scan3A_30 = scf.for %scan3A_55 = %scan3A_26 to %scan3A_28 step %scan3A_29 iter_args(%scan3A_56 = %scan3A_25) -> (i32)  : i32 {
      %mul3A_57 = arith.constant 4 : i32
      %mul3A_58 = arith.muli %scan3A_55, %mul3A_57 : i32
      %add3A_59 = arith.constant 0 : i32
      %add3A_60 = arith.addi %mul3A_58, %add3A_59 : i32
      %mul3A_61 = arith.constant 16 : i32
      %mul3A_62 = arith.muli %add3A_60, %mul3A_61 : i32
      %swap3A = arith.index_cast %mul3A_62 : i32 to index
      %swap3A_63 = tpu.vector_load %arg11[%swap3A] {strides = array<i32>} : memref<6144xi32, #tpu.memory_space<vmem>>, vector<16xi32>,
      tpu.vector_store %arg11[%swap3A], %mul3A_3 {strides = array<i32>} : memref<6144xi32, #tpu.memory_space<vmem>>, vector<16xi32>,
      %mul3A_64 = arith.constant 4 : i32
      %mul3A_65 = arith.muli %scan3A_55, %mul3A_64 : i32
      %add3A_66 = arith.constant 0 : i32
      %add3A_67 = arith.addi %mul3A_65, %add3A_66 : i32
      %mul3A_68 = arith.constant 16 : i32
      %mul3A_69 = arith.muli %add3A_67, %mul3A_68 : i32
      %swap3A_70 = arith.index_cast %mul3A_69 : i32 to index
      %swap3A_71 = tpu.vector_load %arg9[%swap3A_70] {strides = array<i32>} : memref<6144xi32, #tpu.memory_space<vmem>>, vector<16xi32>,
      tpu.vector_store %arg9[%swap3A_70], %add3A_9 {strides = array<i32>} : memref<6144xi32, #tpu.memory_space<vmem>>, vector<16xi32>,
      %mul3A_72 = arith.constant 4 : i32
      %mul3A_73 = arith.muli %scan3A_55, %mul3A_72 : i32
      %add3A_74 = arith.constant 0 : i32
      %add3A_75 = arith.addi %mul3A_73, %add3A_74 : i32
      %mul3A_76 = arith.constant 16 : i32
      %mul3A_77 = arith.muli %add3A_75, %mul3A_76 : i32
      %swap3A_78 = arith.index_cast %mul3A_77 : i32 to index
      %swap3A_79 = tpu.vector_load %arg10[%swap3A_78] {strides = array<i32>} : memref<6144xi32, #tpu.memory_space<vmem>>, vector<16xi32>,
      tpu.vector_store %arg10[%swap3A_78], %add3A_9 {strides = array<i32>} : memref<6144xi32, #tpu.memory_space<vmem>>, vector<16xi32>,
      %mul3A_80 = arith.constant 4 : i32
      %mul3A_81 = arith.muli %scan3A_55, %mul3A_80 : i32
      %add3A_82 = arith.constant 1 : i32
      %add3A_83 = arith.addi %mul3A_81, %add3A_82 : i32
      %mul3A_84 = arith.constant 16 : i32
      %mul3A_85 = arith.muli %add3A_83, %mul3A_84 : i32
      %swap3A_86 = arith.index_cast %mul3A_85 : i32 to index
      %swap3A_87 = tpu.vector_load %arg11[%swap3A_86] {strides = array<i32>} : memref<6144xi32, #tpu.memory_space<vmem>>, vector<16xi32>,
      tpu.vector_store %arg11[%swap3A_86], %mul3A_3 {strides = array<i32>} : memref<6144xi32, #tpu.memory_space<vmem>>, vector<16xi32>,
      %mul3A_88 = arith.constant 4 : i32
      %mul3A_89 = arith.muli %scan3A_55, %mul3A_88 : i32
      %add3A_90 = arith.constant 1 : i32
      %add3A_91 = arith.addi %mul3A_89, %add3A_90 : i32
      %mul3A_92 = arith.constant 16 : i32
      %mul3A_93 = arith.muli %add3A_91, %mul3A_92 : i32
      %swap3A_94 = arith.index_cast %mul3A_93 : i32 to index
      %swap3A_95 = tpu.vector_load %arg9[%swap3A_94] {strides = array<i32>} : memref<6144xi32, #tpu.memory_space<vmem>>, vector<16xi32>,
      tpu.vector_store %arg9[%swap3A_94], %add3A_9 {strides = array<i32>} : memref<6144xi32, #tpu.memory_space<vmem>>, vector<16xi32>,
      %mul3A_96 = arith.constant 4 : i32
      %mul3A_97 = arith.muli %scan3A_55, %mul3A_96 : i32
      %add3A_98 = arith.constant 1 : i32
      %add3A_99 = arith.addi %mul3A_97, %add3A_98 : i32
      %mul3A_100 = arith.constant 16 : i32
      %mul3A_101 = arith.muli %add3A_99, %mul3A_100 : i32
      %swap3A_102 = arith.index_cast %mul3A_101 : i32 to index
      %swap3A_103 = tpu.vector_load %arg10[%swap3A_102] {strides = array<i32>} : memref<6144xi32, #tpu.memory_space<vmem>>, vector<16xi32>,
      tpu.vector_store %arg10[%swap3A_102], %add3A_9 {strides = array<i32>} : memref<6144xi32, #tpu.memory_space<vmem>>, vector<16xi32>,
      %mul3A_104 = arith.constant 4 : i32
      %mul3A_105 = arith.muli %scan3A_55, %mul3A_104 : i32
      %add3A_106 = arith.constant 2 : i32
      %add3A_107 = arith.addi %mul3A_105, %add3A_106 : i32
      %mul3A_108 = arith.constant 16 : i32
      %mul3A_109 = arith.muli %add3A_107, %mul3A_108 : i32
      %swap3A_110 = arith.index_cast %mul3A_109 : i32 to index
      %swap3A_111 = tpu.vector_load %arg11[%swap3A_110] {strides = array<i32>} : memref<6144xi32, #tpu.memory_space<vmem>>, vector<16xi32>,
      tpu.vector_store %arg11[%swap3A_110], %mul3A_3 {strides = array<i32>} : memref<6144xi32, #tpu.memory_space<vmem>>, vector<16xi32>,
      %mul3A_112 = arith.constant 4 : i32
      %mul3A_113 = arith.muli %scan3A_55, %mul3A_112 : i32
      %add3A_114 = arith.constant 2 : i32
      %add3A_115 = arith.addi %mul3A_113, %add3A_114 : i32
      %mul3A_116 = arith.constant 16 : i32
      %mul3A_117 = arith.muli %add3A_115, %mul3A_116 : i32
      %swap3A_118 = arith.index_cast %mul3A_117 : i32 to index
      %swap3A_119 = tpu.vector_load %arg9[%swap3A_118] {strides = array<i32>} : memref<6144xi32, #tpu.memory_space<vmem>>, vector<16xi32>,
      tpu.vector_store %arg9[%swap3A_118], %add3A_9 {strides = array<i32>} : memref<6144xi32, #tpu.memory_space<vmem>>, vector<16xi32>,
      %mul3A_120 = arith.constant 4 : i32
      %mul3A_121 = arith.muli %scan3A_55, %mul3A_120 : i32
      %add3A_122 = arith.constant 2 : i32
      %add3A_123 = arith.addi %mul3A_121, %add3A_122 : i32
      %mul3A_124 = arith.constant 16 : i32
      %mul3A_125 = arith.muli %add3A_123, %mul3A_124 : i32
      %swap3A_126 = arith.index_cast %mul3A_125 : i32 to index
      %swap3A_127 = tpu.vector_load %arg10[%swap3A_126] {strides = array<i32>} : memref<6144xi32, #tpu.memory_space<vmem>>, vector<16xi32>,
      tpu.vector_store %arg10[%swap3A_126], %add3A_9 {strides = array<i32>} : memref<6144xi32, #tpu.memory_space<vmem>>, vector<16xi32>,
      %mul3A_128 = arith.constant 4 : i32
      %mul3A_129 = arith.muli %scan3A_55, %mul3A_128 : i32
      %add3A_130 = arith.constant 3 : i32
      %add3A_131 = arith.addi %mul3A_129, %add3A_130 : i32
      %mul3A_132 = arith.constant 16 : i32
      %mul3A_133 = arith.muli %add3A_131, %mul3A_132 : i32
      %swap3A_134 = arith.index_cast %mul3A_133 : i32 to index
      %swap3A_135 = tpu.vector_load %arg11[%swap3A_134] {strides = array<i32>} : memref<6144xi32, #tpu.memory_space<vmem>>, vector<16xi32>,
      tpu.vector_store %arg11[%swap3A_134], %mul3A_3 {strides = array<i32>} : memref<6144xi32, #tpu.memory_space<vmem>>, vector<16xi32>,
      %mul3A_136 = arith.constant 4 : i32
      %mul3A_137 = arith.muli %scan3A_55, %mul3A_136 : i32
      %add3A_138 = arith.constant 3 : i32
      %add3A_139 = arith.addi %mul3A_137, %add3A_138 : i32
      %mul3A_140 = arith.constant 16 : i32
      %mul3A_141 = arith.muli %add3A_139, %mul3A_140 : i32
      %swap3A_142 = arith.index_cast %mul3A_141 : i32 to index
      %swap3A_143 = tpu.vector_load %arg9[%swap3A_142] {strides = array<i32>} : memref<6144xi32, #tpu.memory_space<vmem>>, vector<16xi32>,
      tpu.vector_store %arg9[%swap3A_142], %add3A_9 {strides = array<i32>} : memref<6144xi32, #tpu.memory_space<vmem>>, vector<16xi32>,
      %mul3A_144 = arith.constant 4 : i32
      %mul3A_145 = arith.muli %scan3A_55, %mul3A_144 : i32
      %add3A_146 = arith.constant 3 : i32
      %add3A_147 = arith.addi %mul3A_145, %add3A_146 : i32
      %mul3A_148 = arith.constant 16 : i32
      %mul3A_149 = arith.muli %add3A_147, %mul3A_148 : i32
      %swap3A_150 = arith.index_cast %mul3A_149 : i32 to index
      %swap3A_151 = tpu.vector_load %arg10[%swap3A_150] {strides = array<i32>} : memref<6144xi32, #tpu.memory_space<vmem>>, vector<16xi32>,
      tpu.vector_store %arg10[%swap3A_150], %add3A_9 {strides = array<i32>} : memref<6144xi32, #tpu.memory_space<vmem>>, vector<16xi32>,
      %scan3A_152 = arith.constant 0 : i32
      scf.yield %scan3A_152 : i32
    }
    %scan3A_31 = arith.constant 96 : i32
    %mul3A_32 = arith.constant 32 : i32
    %mul3A_33 = arith.muli %add3A, %mul3A_32 : i32
    %dma_start3A = arith.constant 0 : i32
    %dma_start3A_34 = arith.constant 0 : i32
    %dma_start3A_35 = tpu.memref_slice %arg6[%dma_start3A, %dma_start3A_34] : memref<2x16384xf32, #tpu.memory_space<vmem>> -> memref<1x16384xf32, #tpu.memory_space<vmem>>
    %dma_start3A_36 = tpu.memref_squeeze %dma_start3A_35 : memref<1x16384xf32, #tpu.memory_space<vmem>> -> memref<16384xf32, #tpu.memory_space<vmem>>
    %dma_start3A_37 = arith.constant 0 : i32
    %dma_start3A_38 = tpu.memref_slice %arg2[%mul3A_33, %dma_start3A_37] : memref<1024x16384xf32, #tpu.memory_space<hbm>> -> memref<1x16384xf32, #tpu.memory_space<hbm>>
    %dma_start3A_39 = tpu.memref_squeeze %dma_start3A_38 : memref<1x16384xf32, #tpu.memory_space<hbm>> -> memref<16384xf32, #tpu.memory_space<hbm>>
    %dma_start3A_40 = arith.constant 0 : i32
    %dma_start3A_41 = tpu.memref_slice %arg6[%dma_start3A, %dma_start3A_40] : memref<2x16384xf32, #tpu.memory_space<vmem>> -> memref<1x16384xf32, #tpu.memory_space<vmem>>
    %dma_start3A_42 = tpu.memref_squeeze %dma_start3A_41 : memref<1x16384xf32, #tpu.memory_space<vmem>> -> memref<16384xf32, #tpu.memory_space<vmem>>
    %dma_start3A_43 = arith.constant 0 : i32
    %dma_start3A_44 = tpu.memref_slice %arg2[%mul3A_33, %dma_start3A_43] : memref<1024x16384xf32, #tpu.memory_space<hbm>> -> memref<1x16384xf32, #tpu.memory_space<hbm>>
    %dma_start3A_45 = tpu.memref_squeeze %dma_start3A_44 : memref<1x16384xf32, #tpu.memory_space<hbm>> -> memref<16384xf32, #tpu.memory_space<hbm>>
    tpu.enqueue_dma source(%dma_start3A_45 : memref<16384xf32, #tpu.memory_space<hbm>>) target(%dma_start3A_42 : memref<16384xf32, #tpu.memory_space<vmem>>) target_semaphore(%arg19 : memref<!tpu.dma_semaphore, #tpu.memory_space<semaphore_mem>>)
    %scan3A_46 = arith.constant 0 : i32
    %scan3A_47 = arith.constant 0 : i32
    %scan3A_48 = arith.constant 32 : i32
    %scan3A_49 = arith.addi %scan3A_47, %scan3A_48 : i32
    %scan3A_50 = arith.constant 1 : i32
    %scan3A_51 = scf.for %scan3A_55 = %scan3A_47 to %scan3A_49 step %scan3A_50 iter_args(%scan3A_56 = %scan3A_46) -> (i32)  : i32 {
      %rem3A = arith.constant 2 : i32
      %rem3A_57 = arith.remsi %scan3A_55, %rem3A : i32
      %add3A_58 = arith.addi %mul3A_33, %scan3A_55 : i32
      %dma_wait3A = arith.constant 0 : i32
      %dma_wait3A_59 = tpu.memref_slice %arg6[%rem3A_57, %dma_wait3A] : memref<2x16384xf32, #tpu.memory_space<vmem>> -> memref<1x16384xf32, #tpu.memory_space<vmem>>
      %dma_wait3A_60 = tpu.memref_squeeze %dma_wait3A_59 : memref<1x16384xf32, #tpu.memory_space<vmem>> -> memref<16384xf32, #tpu.memory_space<vmem>>
      %dma_wait3A_61 = arith.constant 0 : i32
      %dma_wait3A_62 = tpu.memref_slice %arg2[%add3A_58, %dma_wait3A_61] : memref<1024x16384xf32, #tpu.memory_space<hbm>> -> memref<1x16384xf32, #tpu.memory_space<hbm>>
      %dma_wait3A_63 = tpu.memref_squeeze %dma_wait3A_62 : memref<1x16384xf32, #tpu.memory_space<hbm>> -> memref<16384xf32, #tpu.memory_space<hbm>>
      %dma_wait3A_64 = arith.constant 0 : i32
      %dma_wait3A_65 = tpu.memref_slice %arg6[%rem3A_57, %dma_wait3A_64] : memref<2x16384xf32, #tpu.memory_space<vmem>> -> memref<1x16384xf32, #tpu.memory_space<vmem>>
      %dma_wait3A_66 = tpu.memref_squeeze %dma_wait3A_65 : memref<1x16384xf32, #tpu.memory_space<vmem>> -> memref<16384xf32, #tpu.memory_space<vmem>>
      %dma_wait3A_67 = arith.constant 0 : i32
      %dma_wait3A_68 = tpu.memref_slice %arg2[%add3A_58, %dma_wait3A_67] : memref<1024x16384xf32, #tpu.memory_space<hbm>> -> memref<1x16384xf32, #tpu.memory_space<hbm>>
      %dma_wait3A_69 = tpu.memref_squeeze %dma_wait3A_68 : memref<1x16384xf32, #tpu.memory_space<hbm>> -> memref<16384xf32, #tpu.memory_space<hbm>>
      tpu.wait_dma2 semaphore(%arg19 : memref<!tpu.dma_semaphore, #tpu.memory_space<semaphore_mem>>) src(%dma_wait3A_69 : memref<16384xf32, #tpu.memory_space<hbm>>) dst(%dma_wait3A_66 : memref<16384xf32, #tpu.memory_space<vmem>>)
      %add3A_70 = arith.constant 1 : i32
      %add3A_71 = arith.addi %scan3A_55, %add3A_70 : i32
      %lt3A = arith.constant 32 : i32
      %lt3A_72 = arith.cmpi slt, %add3A_71, %lt3A : i32
      %convert_element_type3A_73 = arith.extui %lt3A_72 : i1 to i32
      %cond3A = arith.constant 0 : i32
      %cond3A_74 = arith.cmpi ne, %convert_element_type3A_73, %cond3A : i32
      scf.if %cond3A_74 {
        %add3A_784 = arith.addi %mul3A_33, %scan3A_55 : i32
        %add3A_785 = arith.constant 1 : i32
        %add3A_786 = arith.addi %add3A_784, %add3A_785 : i32
        %sub3A_787 = arith.constant 1 : i32
        %sub3A_788 = arith.subi %sub3A_787, %rem3A_57 : i32
        %dma_start3A_789 = arith.constant 0 : i32
        %dma_start3A_790 = tpu.memref_slice %arg6[%sub3A_788, %dma_start3A_789] : memref<2x16384xf32, #tpu.memory_space<vmem>> -> memref<1x16384xf32, #tpu.memory_space<vmem>>
        %dma_start3A_791 = tpu.memref_squeeze %dma_start3A_790 : memref<1x16384xf32, #tpu.memory_space<vmem>> -> memref<16384xf32, #tpu.memory_space<vmem>>
        %dma_start3A_792 = arith.constant 0 : i32
        %dma_start3A_793 = tpu.memref_slice %arg2[%add3A_786, %dma_start3A_792] : memref<1024x16384xf32, #tpu.memory_space<hbm>> -> memref<1x16384xf32, #tpu.memory_space<hbm>>
        %dma_start3A_794 = tpu.memref_squeeze %dma_start3A_793 : memref<1x16384xf32, #tpu.memory_space<hbm>> -> memref<16384xf32, #tpu.memory_space<hbm>>
        %dma_start3A_795 = arith.constant 0 : i32
        %dma_start3A_796 = tpu.memref_slice %arg6[%sub3A_788, %dma_start3A_795] : memref<2x16384xf32, #tpu.memory_space<vmem>> -> memref<1x16384xf32, #tpu.memory_space<vmem>>
        %dma_start3A_797 = tpu.memref_squeeze %dma_start3A_796 : memref<1x16384xf32, #tpu.memory_space<vmem>> -> memref<16384xf32, #tpu.memory_space<vmem>>
        %dma_start3A_798 = arith.constant 0 : i32
        %dma_start3A_799 = tpu.memref_slice %arg2[%add3A_786, %dma_start3A_798] : memref<1024x16384xf32, #tpu.memory_space<hbm>> -> memref<1x16384xf32, #tpu.memory_space<hbm>>
        %dma_start3A_800 = tpu.memref_squeeze %dma_start3A_799 : memref<1x16384xf32, #tpu.memory_space<hbm>> -> memref<16384xf32, #tpu.memory_space<hbm>>
        tpu.enqueue_dma source(%dma_start3A_800 : memref<16384xf32, #tpu.memory_space<hbm>>) target(%dma_start3A_797 : memref<16384xf32, #tpu.memory_space<vmem>>) target_semaphore(%arg19 : memref<!tpu.dma_semaphore, #tpu.memory_space<semaphore_mem>>)
      } else {
      }
      %scan3A_75 = arith.constant 0 : i32
      %scan3A_76 = arith.constant 0 : i32
      %scan3A_77 = arith.constant 64 : i32
      %scan3A_78 = arith.addi %scan3A_76, %scan3A_77 : i32
      %scan3A_79 = arith.constant 1 : i32
      %scan3A_80 = scf.for %scan3A_784 = %scan3A_76 to %scan3A_78 step %scan3A_79 iter_args(%scan3A_785 = %scan3A_75) -> (i32)  : i32 {
        %mul3A_786 = arith.constant 16 : i32
        %mul3A_787 = arith.muli %scan3A_784, %mul3A_786 : i32
        %add3A_788 = arith.constant 0 : i32
        %add3A_789 = arith.addi %mul3A_787, %add3A_788 : i32
        %mul3A_790 = arith.constant 16 : i32
        %mul3A_791 = arith.muli %add3A_789, %mul3A_790 : i32
        %get3A_792 = arith.index_cast %rem3A_57 : i32 to index
        %get3A_793 = arith.index_cast %mul3A_791 : i32 to index
        %get3A_794 = tpu.vector_load %arg6[%get3A_792, %get3A_793] {strides = array<i32>} : memref<2x16384xf32, #tpu.memory_space<vmem>>, vector<16xf32>,
        %bitcast_convert_type3A_795 = tpu.bitcast %get3A_794 : vector<16xf32> -> vector<16xi32>
        %shift_right_arithmetic3A_796 = arith.constant 31 : i32
        %shift_right_arithmetic3A_797 = vector.broadcast %shift_right_arithmetic3A_796 : i32 to vector<16xi32>
        %shift_right_arithmetic3A_798 = arith.shrsi %bitcast_convert_type3A_795, %shift_right_arithmetic3A_797 : vector<16xi32>
        %and3A_799 = arith.constant 2147483647 : i32
        %and3A_800 = vector.broadcast %and3A_799 : i32 to vector<16xi32>
        %and3A_801 = arith.andi %and3A_800, %shift_right_arithmetic3A_798 : vector<16xi32>
        %or3A_802 = arith.constant -2147483648 : i32
        %or3A_803 = vector.broadcast %or3A_802 : i32 to vector<16xi32>
        %or3A_804 = arith.ori %or3A_803, %and3A_801 : vector<16xi32>
        %xor3A_805 = arith.xori %bitcast_convert_type3A_795, %or3A_804 : vector<16xi32>
        %mul3A_806 = arith.constant 16 : i32
        %mul3A_807 = arith.muli %scan3A_784, %mul3A_806 : i32
        %add3A_808 = arith.constant 1 : i32
        %add3A_809 = arith.addi %mul3A_807, %add3A_808 : i32
        %mul3A_810 = arith.constant 16 : i32
        %mul3A_811 = arith.muli %add3A_809, %mul3A_810 : i32
        %get3A_812 = arith.index_cast %rem3A_57 : i32 to index
        %get3A_813 = arith.index_cast %mul3A_811 : i32 to index
        %get3A_814 = tpu.vector_load %arg6[%get3A_812, %get3A_813] {strides = array<i32>} : memref<2x16384xf32, #tpu.memory_space<vmem>>, vector<16xf32>,
        %bitcast_convert_type3A_815 = tpu.bitcast %get3A_814 : vector<16xf32> -> vector<16xi32>
        %shift_right_arithmetic3A_816 = arith.constant 31 : i32
        %shift_right_arithmetic3A_817 = vector.broadcast %shift_right_arithmetic3A_816 : i32 to vector<16xi32>
        %shift_right_arithmetic3A_818 = arith.shrsi %bitcast_convert_type3A_815, %shift_right_arithmetic3A_817 : vector<16xi32>
        %and3A_819 = arith.constant 2147483647 : i32
        %and3A_820 = vector.broadcast %and3A_819 : i32 to vector<16xi32>
        %and3A_821 = arith.andi %and3A_820, %shift_right_arithmetic3A_818 : vector<16xi32>
        %or3A_822 = arith.constant -2147483648 : i32
        %or3A_823 = vector.broadcast %or3A_822 : i32 to vector<16xi32>
        %or3A_824 = arith.ori %or3A_823, %and3A_821 : vector<16xi32>
        %xor3A_825 = arith.xori %bitcast_convert_type3A_815, %or3A_824 : vector<16xi32>
        %mul3A_826 = arith.constant 16 : i32
        %mul3A_827 = arith.muli %scan3A_784, %mul3A_826 : i32
        %add3A_828 = arith.constant 2 : i32
        %add3A_829 = arith.addi %mul3A_827, %add3A_828 : i32
        %mul3A_830 = arith.constant 16 : i32
        %mul3A_831 = arith.muli %add3A_829, %mul3A_830 : i32
        %get3A_832 = arith.index_cast %rem3A_57 : i32 to index
        %get3A_833 = arith.index_cast %mul3A_831 : i32 to index
        %get3A_834 = tpu.vector_load %arg6[%get3A_832, %get3A_833] {strides = array<i32>} : memref<2x16384xf32, #tpu.memory_space<vmem>>, vector<16xf32>,
        %bitcast_convert_type3A_835 = tpu.bitcast %get3A_834 : vector<16xf32> -> vector<16xi32>
        %shift_right_arithmetic3A_836 = arith.constant 31 : i32
        %shift_right_arithmetic3A_837 = vector.broadcast %shift_right_arithmetic3A_836 : i32 to vector<16xi32>
        %shift_right_arithmetic3A_838 = arith.shrsi %bitcast_convert_type3A_835, %shift_right_arithmetic3A_837 : vector<16xi32>
        %and3A_839 = arith.constant 2147483647 : i32
        %and3A_840 = vector.broadcast %and3A_839 : i32 to vector<16xi32>
        %and3A_841 = arith.andi %and3A_840, %shift_right_arithmetic3A_838 : vector<16xi32>
        %or3A_842 = arith.constant -2147483648 : i32
        %or3A_843 = vector.broadcast %or3A_842 : i32 to vector<16xi32>
        %or3A_844 = arith.ori %or3A_843, %and3A_841 : vector<16xi32>
        %xor3A_845 = arith.xori %bitcast_convert_type3A_835, %or3A_844 : vector<16xi32>
        %mul3A_846 = arith.constant 16 : i32
        %mul3A_847 = arith.muli %scan3A_784, %mul3A_846 : i32
        %add3A_848 = arith.constant 3 : i32
        %add3A_849 = arith.addi %mul3A_847, %add3A_848 : i32
        %mul3A_850 = arith.constant 16 : i32
        %mul3A_851 = arith.muli %add3A_849, %mul3A_850 : i32
        %get3A_852 = arith.index_cast %rem3A_57 : i32 to index
        %get3A_853 = arith.index_cast %mul3A_851 : i32 to index
        %get3A_854 = tpu.vector_load %arg6[%get3A_852, %get3A_853] {strides = array<i32>} : memref<2x16384xf32, #tpu.memory_space<vmem>>, vector<16xf32>,
        %bitcast_convert_type3A_855 = tpu.bitcast %get3A_854 : vector<16xf32> -> vector<16xi32>
        %shift_right_arithmetic3A_856 = arith.constant 31 : i32
        %shift_right_arithmetic3A_857 = vector.broadcast %shift_right_arithmetic3A_856 : i32 to vector<16xi32>
        %shift_right_arithmetic3A_858 = arith.shrsi %bitcast_convert_type3A_855, %shift_right_arithmetic3A_857 : vector<16xi32>
        %and3A_859 = arith.constant 2147483647 : i32
        %and3A_860 = vector.broadcast %and3A_859 : i32 to vector<16xi32>
        %and3A_861 = arith.andi %and3A_860, %shift_right_arithmetic3A_858 : vector<16xi32>
        %or3A_862 = arith.constant -2147483648 : i32
        %or3A_863 = vector.broadcast %or3A_862 : i32 to vector<16xi32>
        %or3A_864 = arith.ori %or3A_863, %and3A_861 : vector<16xi32>
        %xor3A_865 = arith.xori %bitcast_convert_type3A_855, %or3A_864 : vector<16xi32>
        %mul3A_866 = arith.constant 16 : i32
        %mul3A_867 = arith.muli %scan3A_784, %mul3A_866 : i32
        %add3A_868 = arith.constant 4 : i32
        %add3A_869 = arith.addi %mul3A_867, %add3A_868 : i32
        %mul3A_870 = arith.constant 16 : i32
        %mul3A_871 = arith.muli %add3A_869, %mul3A_870 : i32
        %get3A_872 = arith.index_cast %rem3A_57 : i32 to index
        %get3A_873 = arith.index_cast %mul3A_871 : i32 to index
        %get3A_874 = tpu.vector_load %arg6[%get3A_872, %get3A_873] {strides = array<i32>} : memref<2x16384xf32, #tpu.memory_space<vmem>>, vector<16xf32>,
        %bitcast_convert_type3A_875 = tpu.bitcast %get3A_874 : vector<16xf32> -> vector<16xi32>
        %shift_right_arithmetic3A_876 = arith.constant 31 : i32
        %shift_right_arithmetic3A_877 = vector.broadcast %shift_right_arithmetic3A_876 : i32 to vector<16xi32>
        %shift_right_arithmetic3A_878 = arith.shrsi %bitcast_convert_type3A_875, %shift_right_arithmetic3A_877 : vector<16xi32>
        %and3A_879 = arith.constant 2147483647 : i32
        %and3A_880 = vector.broadcast %and3A_879 : i32 to vector<16xi32>
        %and3A_881 = arith.andi %and3A_880, %shift_right_arithmetic3A_878 : vector<16xi32>
        %or3A_882 = arith.constant -2147483648 : i32
        %or3A_883 = vector.broadcast %or3A_882 : i32 to vector<16xi32>
        %or3A_884 = arith.ori %or3A_883, %and3A_881 : vector<16xi32>
        %xor3A_885 = arith.xori %bitcast_convert_type3A_875, %or3A_884 : vector<16xi32>
        %mul3A_886 = arith.constant 16 : i32
        %mul3A_887 = arith.muli %scan3A_784, %mul3A_886 : i32
        %add3A_888 = arith.constant 5 : i32
        %add3A_889 = arith.addi %mul3A_887, %add3A_888 : i32
        %mul3A_890 = arith.constant 16 : i32
        %mul3A_891 = arith.muli %add3A_889, %mul3A_890 : i32
        %get3A_892 = arith.index_cast %rem3A_57 : i32 to index
        %get3A_893 = arith.index_cast %mul3A_891 : i32 to index
        %get3A_894 = tpu.vector_load %arg6[%get3A_892, %get3A_893] {strides = array<i32>} : memref<2x16384xf32, #tpu.memory_space<vmem>>, vector<16xf32>,
        %bitcast_convert_type3A_895 = tpu.bitcast %get3A_894 : vector<16xf32> -> vector<16xi32>
        %shift_right_arithmetic3A_896 = arith.constant 31 : i32
        %shift_right_arithmetic3A_897 = vector.broadcast %shift_right_arithmetic3A_896 : i32 to vector<16xi32>
        %shift_right_arithmetic3A_898 = arith.shrsi %bitcast_convert_type3A_895, %shift_right_arithmetic3A_897 : vector<16xi32>
        %and3A_899 = arith.constant 2147483647 : i32
        %and3A_900 = vector.broadcast %and3A_899 : i32 to vector<16xi32>
        %and3A_901 = arith.andi %and3A_900, %shift_right_arithmetic3A_898 : vector<16xi32>
        %or3A_902 = arith.constant -2147483648 : i32
        %or3A_903 = vector.broadcast %or3A_902 : i32 to vector<16xi32>
        %or3A_904 = arith.ori %or3A_903, %and3A_901 : vector<16xi32>
        %xor3A_905 = arith.xori %bitcast_convert_type3A_895, %or3A_904 : vector<16xi32>
        %mul3A_906 = arith.constant 16 : i32
        %mul3A_907 = arith.muli %scan3A_784, %mul3A_906 : i32
        %add3A_908 = arith.constant 6 : i32
        %add3A_909 = arith.addi %mul3A_907, %add3A_908 : i32
        %mul3A_910 = arith.constant 16 : i32
        %mul3A_911 = arith.muli %add3A_909, %mul3A_910 : i32
        %get3A_912 = arith.index_cast %rem3A_57 : i32 to index
        %get3A_913 = arith.index_cast %mul3A_911 : i32 to index
        %get3A_914 = tpu.vector_load %arg6[%get3A_912, %get3A_913] {strides = array<i32>} : memref<2x16384xf32, #tpu.memory_space<vmem>>, vector<16xf32>,
        %bitcast_convert_type3A_915 = tpu.bitcast %get3A_914 : vector<16xf32> -> vector<16xi32>
        %shift_right_arithmetic3A_916 = arith.constant 31 : i32
        %shift_right_arithmetic3A_917 = vector.broadcast %shift_right_arithmetic3A_916 : i32 to vector<16xi32>
        %shift_right_arithmetic3A_918 = arith.shrsi %bitcast_convert_type3A_915, %shift_right_arithmetic3A_917 : vector<16xi32>
        %and3A_919 = arith.constant 2147483647 : i32
        %and3A_920 = vector.broadcast %and3A_919 : i32 to vector<16xi32>
        %and3A_921 = arith.andi %and3A_920, %shift_right_arithmetic3A_918 : vector<16xi32>
        %or3A_922 = arith.constant -2147483648 : i32
        %or3A_923 = vector.broadcast %or3A_922 : i32 to vector<16xi32>
        %or3A_924 = arith.ori %or3A_923, %and3A_921 : vector<16xi32>
        %xor3A_925 = arith.xori %bitcast_convert_type3A_915, %or3A_924 : vector<16xi32>
        %mul3A_926 = arith.constant 16 : i32
        %mul3A_927 = arith.muli %scan3A_784, %mul3A_926 : i32
        %add3A_928 = arith.constant 7 : i32
        %add3A_929 = arith.addi %mul3A_927, %add3A_928 : i32
        %mul3A_930 = arith.constant 16 : i32
        %mul3A_931 = arith.muli %add3A_929, %mul3A_930 : i32
        %get3A_932 = arith.index_cast %rem3A_57 : i32 to index
        %get3A_933 = arith.index_cast %mul3A_931 : i32 to index
        %get3A_934 = tpu.vector_load %arg6[%get3A_932, %get3A_933] {strides = array<i32>} : memref<2x16384xf32, #tpu.memory_space<vmem>>, vector<16xf32>,
        %bitcast_convert_type3A_935 = tpu.bitcast %get3A_934 : vector<16xf32> -> vector<16xi32>
        %shift_right_arithmetic3A_936 = arith.constant 31 : i32
        %shift_right_arithmetic3A_937 = vector.broadcast %shift_right_arithmetic3A_936 : i32 to vector<16xi32>
        %shift_right_arithmetic3A_938 = arith.shrsi %bitcast_convert_type3A_935, %shift_right_arithmetic3A_937 : vector<16xi32>
        %and3A_939 = arith.constant 2147483647 : i32
        %and3A_940 = vector.broadcast %and3A_939 : i32 to vector<16xi32>
        %and3A_941 = arith.andi %and3A_940, %shift_right_arithmetic3A_938 : vector<16xi32>
        %or3A_942 = arith.constant -2147483648 : i32
        %or3A_943 = vector.broadcast %or3A_942 : i32 to vector<16xi32>
        %or3A_944 = arith.ori %or3A_943, %and3A_941 : vector<16xi32>
        %xor3A_945 = arith.xori %bitcast_convert_type3A_935, %or3A_944 : vector<16xi32>
        %mul3A_946 = arith.constant 16 : i32
        %mul3A_947 = arith.muli %scan3A_784, %mul3A_946 : i32
        %add3A_948 = arith.constant 8 : i32
        %add3A_949 = arith.addi %mul3A_947, %add3A_948 : i32
        %mul3A_950 = arith.constant 16 : i32
        %mul3A_951 = arith.muli %add3A_949, %mul3A_950 : i32
        %get3A_952 = arith.index_cast %rem3A_57 : i32 to index
        %get3A_953 = arith.index_cast %mul3A_951 : i32 to index
        %get3A_954 = tpu.vector_load %arg6[%get3A_952, %get3A_953] {strides = array<i32>} : memref<2x16384xf32, #tpu.memory_space<vmem>>, vector<16xf32>,
        %bitcast_convert_type3A_955 = tpu.bitcast %get3A_954 : vector<16xf32> -> vector<16xi32>
        %shift_right_arithmetic3A_956 = arith.constant 31 : i32
        %shift_right_arithmetic3A_957 = vector.broadcast %shift_right_arithmetic3A_956 : i32 to vector<16xi32>
        %shift_right_arithmetic3A_958 = arith.shrsi %bitcast_convert_type3A_955, %shift_right_arithmetic3A_957 : vector<16xi32>
        %and3A_959 = arith.constant 2147483647 : i32
        %and3A_960 = vector.broadcast %and3A_959 : i32 to vector<16xi32>
        %and3A_961 = arith.andi %and3A_960, %shift_right_arithmetic3A_958 : vector<16xi32>
        %or3A_962 = arith.constant -2147483648 : i32
        %or3A_963 = vector.broadcast %or3A_962 : i32 to vector<16xi32>
        %or3A_964 = arith.ori %or3A_963, %and3A_961 : vector<16xi32>
        %xor3A_965 = arith.xori %bitcast_convert_type3A_955, %or3A_964 : vector<16xi32>
        %mul3A_966 = arith.constant 16 : i32
        %mul3A_967 = arith.muli %scan3A_784, %mul3A_966 : i32
        %add3A_968 = arith.constant 9 : i32
        %add3A_969 = arith.addi %mul3A_967, %add3A_968 : i32
        %mul3A_970 = arith.constant 16 : i32
        %mul3A_971 = arith.muli %add3A_969, %mul3A_970 : i32
        %get3A_972 = arith.index_cast %rem3A_57 : i32 to index
        %get3A_973 = arith.index_cast %mul3A_971 : i32 to index
        %get3A_974 = tpu.vector_load %arg6[%get3A_972, %get3A_973] {strides = array<i32>} : memref<2x16384xf32, #tpu.memory_space<vmem>>, vector<16xf32>,
        %bitcast_convert_type3A_975 = tpu.bitcast %get3A_974 : vector<16xf32> -> vector<16xi32>
        %shift_right_arithmetic3A_976 = arith.constant 31 : i32
        %shift_right_arithmetic3A_977 = vector.broadcast %shift_right_arithmetic3A_976 : i32 to vector<16xi32>
        %shift_right_arithmetic3A_978 = arith.shrsi %bitcast_convert_type3A_975, %shift_right_arithmetic3A_977 : vector<16xi32>
        %and3A_979 = arith.constant 2147483647 : i32
        %and3A_980 = vector.broadcast %and3A_979 : i32 to vector<16xi32>
        %and3A_981 = arith.andi %and3A_980, %shift_right_arithmetic3A_978 : vector<16xi32>
        %or3A_982 = arith.constant -2147483648 : i32
        %or3A_983 = vector.broadcast %or3A_982 : i32 to vector<16xi32>
        %or3A_984 = arith.ori %or3A_983, %and3A_981 : vector<16xi32>
        %xor3A_985 = arith.xori %bitcast_convert_type3A_975, %or3A_984 : vector<16xi32>
        %mul3A_986 = arith.constant 16 : i32
        %mul3A_987 = arith.muli %scan3A_784, %mul3A_986 : i32
        %add3A_988 = arith.constant 10 : i32
        %add3A_989 = arith.addi %mul3A_987, %add3A_988 : i32
        %mul3A_990 = arith.constant 16 : i32
        %mul3A_991 = arith.muli %add3A_989, %mul3A_990 : i32
        %get3A_992 = arith.index_cast %rem3A_57 : i32 to index
        %get3A_993 = arith.index_cast %mul3A_991 : i32 to index
        %get3A_994 = tpu.vector_load %arg6[%get3A_992, %get3A_993] {strides = array<i32>} : memref<2x16384xf32, #tpu.memory_space<vmem>>, vector<16xf32>,
        %bitcast_convert_type3A_995 = tpu.bitcast %get3A_994 : vector<16xf32> -> vector<16xi32>
        %shift_right_arithmetic3A_996 = arith.constant 31 : i32
        %shift_right_arithmetic3A_997 = vector.broadcast %shift_right_arithmetic3A_996 : i32 to vector<16xi32>
        %shift_right_arithmetic3A_998 = arith.shrsi %bitcast_convert_type3A_995, %shift_right_arithmetic3A_997 : vector<16xi32>
        %and3A_999 = arith.constant 2147483647 : i32
        %and3A_1000 = vector.broadcast %and3A_999 : i32 to vector<16xi32>
        %and3A_1001 = arith.andi %and3A_1000, %shift_right_arithmetic3A_998 : vector<16xi32>
        %or3A_1002 = arith.constant -2147483648 : i32
        %or3A_1003 = vector.broadcast %or3A_1002 : i32 to vector<16xi32>
        %or3A_1004 = arith.ori %or3A_1003, %and3A_1001 : vector<16xi32>
        %xor3A_1005 = arith.xori %bitcast_convert_type3A_995, %or3A_1004 : vector<16xi32>
        %mul3A_1006 = arith.constant 16 : i32
        %mul3A_1007 = arith.muli %scan3A_784, %mul3A_1006 : i32
        %add3A_1008 = arith.constant 11 : i32
        %add3A_1009 = arith.addi %mul3A_1007, %add3A_1008 : i32
        %mul3A_1010 = arith.constant 16 : i32
        %mul3A_1011 = arith.muli %add3A_1009, %mul3A_1010 : i32
        %get3A_1012 = arith.index_cast %rem3A_57 : i32 to index
        %get3A_1013 = arith.index_cast %mul3A_1011 : i32 to index
        %get3A_1014 = tpu.vector_load %arg6[%get3A_1012, %get3A_1013] {strides = array<i32>} : memref<2x16384xf32, #tpu.memory_space<vmem>>, vector<16xf32>,
        %bitcast_convert_type3A_1015 = tpu.bitcast %get3A_1014 : vector<16xf32> -> vector<16xi32>
        %shift_right_arithmetic3A_1016 = arith.constant 31 : i32
        %shift_right_arithmetic3A_1017 = vector.broadcast %shift_right_arithmetic3A_1016 : i32 to vector<16xi32>
        %shift_right_arithmetic3A_1018 = arith.shrsi %bitcast_convert_type3A_1015, %shift_right_arithmetic3A_1017 : vector<16xi32>
        %and3A_1019 = arith.constant 2147483647 : i32
        %and3A_1020 = vector.broadcast %and3A_1019 : i32 to vector<16xi32>
        %and3A_1021 = arith.andi %and3A_1020, %shift_right_arithmetic3A_1018 : vector<16xi32>
        %or3A_1022 = arith.constant -2147483648 : i32
        %or3A_1023 = vector.broadcast %or3A_1022 : i32 to vector<16xi32>
        %or3A_1024 = arith.ori %or3A_1023, %and3A_1021 : vector<16xi32>
        %xor3A_1025 = arith.xori %bitcast_convert_type3A_1015, %or3A_1024 : vector<16xi32>
        %mul3A_1026 = arith.constant 16 : i32
        %mul3A_1027 = arith.muli %scan3A_784, %mul3A_1026 : i32
        %add3A_1028 = arith.constant 12 : i32
        %add3A_1029 = arith.addi %mul3A_1027, %add3A_1028 : i32
        %mul3A_1030 = arith.constant 16 : i32
        %mul3A_1031 = arith.muli %add3A_1029, %mul3A_1030 : i32
        %get3A_1032 = arith.index_cast %rem3A_57 : i32 to index
        %get3A_1033 = arith.index_cast %mul3A_1031 : i32 to index
        %get3A_1034 = tpu.vector_load %arg6[%get3A_1032, %get3A_1033] {strides = array<i32>} : memref<2x16384xf32, #tpu.memory_space<vmem>>, vector<16xf32>,
        %bitcast_convert_type3A_1035 = tpu.bitcast %get3A_1034 : vector<16xf32> -> vector<16xi32>
        %shift_right_arithmetic3A_1036 = arith.constant 31 : i32
        %shift_right_arithmetic3A_1037 = vector.broadcast %shift_right_arithmetic3A_1036 : i32 to vector<16xi32>
        %shift_right_arithmetic3A_1038 = arith.shrsi %bitcast_convert_type3A_1035, %shift_right_arithmetic3A_1037 : vector<16xi32>
        %and3A_1039 = arith.constant 2147483647 : i32
        %and3A_1040 = vector.broadcast %and3A_1039 : i32 to vector<16xi32>
        %and3A_1041 = arith.andi %and3A_1040, %shift_right_arithmetic3A_1038 : vector<16xi32>
        %or3A_1042 = arith.constant -2147483648 : i32
        %or3A_1043 = vector.broadcast %or3A_1042 : i32 to vector<16xi32>
        %or3A_1044 = arith.ori %or3A_1043, %and3A_1041 : vector<16xi32>
        %xor3A_1045 = arith.xori %bitcast_convert_type3A_1035, %or3A_1044 : vector<16xi32>
        %mul3A_1046 = arith.constant 16 : i32
        %mul3A_1047 = arith.muli %scan3A_784, %mul3A_1046 : i32
        %add3A_1048 = arith.constant 13 : i32
        %add3A_1049 = arith.addi %mul3A_1047, %add3A_1048 : i32
        %mul3A_1050 = arith.constant 16 : i32
        %mul3A_1051 = arith.muli %add3A_1049, %mul3A_1050 : i32
        %get3A_1052 = arith.index_cast %rem3A_57 : i32 to index
        %get3A_1053 = arith.index_cast %mul3A_1051 : i32 to index
        %get3A_1054 = tpu.vector_load %arg6[%get3A_1052, %get3A_1053] {strides = array<i32>} : memref<2x16384xf32, #tpu.memory_space<vmem>>, vector<16xf32>,
        %bitcast_convert_type3A_1055 = tpu.bitcast %get3A_1054 : vector<16xf32> -> vector<16xi32>
        %shift_right_arithmetic3A_1056 = arith.constant 31 : i32
        %shift_right_arithmetic3A_1057 = vector.broadcast %shift_right_arithmetic3A_1056 : i32 to vector<16xi32>
        %shift_right_arithmetic3A_1058 = arith.shrsi %bitcast_convert_type3A_1055, %shift_right_arithmetic3A_1057 : vector<16xi32>
        %and3A_1059 = arith.constant 2147483647 : i32
        %and3A_1060 = vector.broadcast %and3A_1059 : i32 to vector<16xi32>
        %and3A_1061 = arith.andi %and3A_1060, %shift_right_arithmetic3A_1058 : vector<16xi32>
        %or3A_1062 = arith.constant -2147483648 : i32
        %or3A_1063 = vector.broadcast %or3A_1062 : i32 to vector<16xi32>
        %or3A_1064 = arith.ori %or3A_1063, %and3A_1061 : vector<16xi32>
        %xor3A_1065 = arith.xori %bitcast_convert_type3A_1055, %or3A_1064 : vector<16xi32>
        %mul3A_1066 = arith.constant 16 : i32
        %mul3A_1067 = arith.muli %scan3A_784, %mul3A_1066 : i32
        %add3A_1068 = arith.constant 14 : i32
        %add3A_1069 = arith.addi %mul3A_1067, %add3A_1068 : i32
        %mul3A_1070 = arith.constant 16 : i32
        %mul3A_1071 = arith.muli %add3A_1069, %mul3A_1070 : i32
        %get3A_1072 = arith.index_cast %rem3A_57 : i32 to index
        %get3A_1073 = arith.index_cast %mul3A_1071 : i32 to index
        %get3A_1074 = tpu.vector_load %arg6[%get3A_1072, %get3A_1073] {strides = array<i32>} : memref<2x16384xf32, #tpu.memory_space<vmem>>, vector<16xf32>,
        %bitcast_convert_type3A_1075 = tpu.bitcast %get3A_1074 : vector<16xf32> -> vector<16xi32>
        %shift_right_arithmetic3A_1076 = arith.constant 31 : i32
        %shift_right_arithmetic3A_1077 = vector.broadcast %shift_right_arithmetic3A_1076 : i32 to vector<16xi32>
        %shift_right_arithmetic3A_1078 = arith.shrsi %bitcast_convert_type3A_1075, %shift_right_arithmetic3A_1077 : vector<16xi32>
        %and3A_1079 = arith.constant 2147483647 : i32
        %and3A_1080 = vector.broadcast %and3A_1079 : i32 to vector<16xi32>
        %and3A_1081 = arith.andi %and3A_1080, %shift_right_arithmetic3A_1078 : vector<16xi32>
        %or3A_1082 = arith.constant -2147483648 : i32
        %or3A_1083 = vector.broadcast %or3A_1082 : i32 to vector<16xi32>
        %or3A_1084 = arith.ori %or3A_1083, %and3A_1081 : vector<16xi32>
        %xor3A_1085 = arith.xori %bitcast_convert_type3A_1075, %or3A_1084 : vector<16xi32>
        %mul3A_1086 = arith.constant 16 : i32
        %mul3A_1087 = arith.muli %scan3A_784, %mul3A_1086 : i32
        %add3A_1088 = arith.constant 15 : i32
        %add3A_1089 = arith.addi %mul3A_1087, %add3A_1088 : i32
        %mul3A_1090 = arith.constant 16 : i32
        %mul3A_1091 = arith.muli %add3A_1089, %mul3A_1090 : i32
        %get3A_1092 = arith.index_cast %rem3A_57 : i32 to index
        %get3A_1093 = arith.index_cast %mul3A_1091 : i32 to index
        %get3A_1094 = tpu.vector_load %arg6[%get3A_1092, %get3A_1093] {strides = array<i32>} : memref<2x16384xf32, #tpu.memory_space<vmem>>, vector<16xf32>,
        %bitcast_convert_type3A_1095 = tpu.bitcast %get3A_1094 : vector<16xf32> -> vector<16xi32>
        %shift_right_arithmetic3A_1096 = arith.constant 31 : i32
        %shift_right_arithmetic3A_1097 = vector.broadcast %shift_right_arithmetic3A_1096 : i32 to vector<16xi32>
        %shift_right_arithmetic3A_1098 = arith.shrsi %bitcast_convert_type3A_1095, %shift_right_arithmetic3A_1097 : vector<16xi32>
        %and3A_1099 = arith.constant 2147483647 : i32
        %and3A_1100 = vector.broadcast %and3A_1099 : i32 to vector<16xi32>
        %and3A_1101 = arith.andi %and3A_1100, %shift_right_arithmetic3A_1098 : vector<16xi32>
        %or3A_1102 = arith.constant -2147483648 : i32
        %or3A_1103 = vector.broadcast %or3A_1102 : i32 to vector<16xi32>
        %or3A_1104 = arith.ori %or3A_1103, %and3A_1101 : vector<16xi32>
        %xor3A_1105 = arith.xori %bitcast_convert_type3A_1095, %or3A_1104 : vector<16xi32>
        %shift_right_logical3A_1106 = arith.constant 21 : i32
        %shift_right_logical3A_1107 = vector.broadcast %shift_right_logical3A_1106 : i32 to vector<16xi32>
        %shift_right_logical3A_1108 = arith.shrui %xor3A_805, %shift_right_logical3A_1107 : vector<16xi32>
        %shift_right_logical3A_1109 = arith.constant 21 : i32
        %shift_right_logical3A_1110 = vector.broadcast %shift_right_logical3A_1109 : i32 to vector<16xi32>
        %shift_right_logical3A_1111 = arith.shrui %xor3A_825, %shift_right_logical3A_1110 : vector<16xi32>
        %shift_right_logical3A_1112 = arith.constant 21 : i32
        %shift_right_logical3A_1113 = vector.broadcast %shift_right_logical3A_1112 : i32 to vector<16xi32>
        %shift_right_logical3A_1114 = arith.shrui %xor3A_845, %shift_right_logical3A_1113 : vector<16xi32>
        %shift_right_logical3A_1115 = arith.constant 21 : i32
        %shift_right_logical3A_1116 = vector.broadcast %shift_right_logical3A_1115 : i32 to vector<16xi32>
        %shift_right_logical3A_1117 = arith.shrui %xor3A_865, %shift_right_logical3A_1116 : vector<16xi32>
        %shift_right_logical3A_1118 = arith.constant 21 : i32
        %shift_right_logical3A_1119 = vector.broadcast %shift_right_logical3A_1118 : i32 to vector<16xi32>
        %shift_right_logical3A_1120 = arith.shrui %xor3A_885, %shift_right_logical3A_1119 : vector<16xi32>
        %shift_right_logical3A_1121 = arith.constant 21 : i32
        %shift_right_logical3A_1122 = vector.broadcast %shift_right_logical3A_1121 : i32 to vector<16xi32>
        %shift_right_logical3A_1123 = arith.shrui %xor3A_905, %shift_right_logical3A_1122 : vector<16xi32>
        %shift_right_logical3A_1124 = arith.constant 21 : i32
        %shift_right_logical3A_1125 = vector.broadcast %shift_right_logical3A_1124 : i32 to vector<16xi32>
        %shift_right_logical3A_1126 = arith.shrui %xor3A_925, %shift_right_logical3A_1125 : vector<16xi32>
        %shift_right_logical3A_1127 = arith.constant 21 : i32
        %shift_right_logical3A_1128 = vector.broadcast %shift_right_logical3A_1127 : i32 to vector<16xi32>
        %shift_right_logical3A_1129 = arith.shrui %xor3A_945, %shift_right_logical3A_1128 : vector<16xi32>
        %shift_right_logical3A_1130 = arith.constant 21 : i32
        %shift_right_logical3A_1131 = vector.broadcast %shift_right_logical3A_1130 : i32 to vector<16xi32>
        %shift_right_logical3A_1132 = arith.shrui %xor3A_965, %shift_right_logical3A_1131 : vector<16xi32>
        %shift_right_logical3A_1133 = arith.constant 21 : i32
        %shift_right_logical3A_1134 = vector.broadcast %shift_right_logical3A_1133 : i32 to vector<16xi32>
        %shift_right_logical3A_1135 = arith.shrui %xor3A_985, %shift_right_logical3A_1134 : vector<16xi32>
        %shift_right_logical3A_1136 = arith.constant 21 : i32
        %shift_right_logical3A_1137 = vector.broadcast %shift_right_logical3A_1136 : i32 to vector<16xi32>
        %shift_right_logical3A_1138 = arith.shrui %xor3A_1005, %shift_right_logical3A_1137 : vector<16xi32>
        %shift_right_logical3A_1139 = arith.constant 21 : i32
        %shift_right_logical3A_1140 = vector.broadcast %shift_right_logical3A_1139 : i32 to vector<16xi32>
        %shift_right_logical3A_1141 = arith.shrui %xor3A_1025, %shift_right_logical3A_1140 : vector<16xi32>
        %shift_right_logical3A_1142 = arith.constant 21 : i32
        %shift_right_logical3A_1143 = vector.broadcast %shift_right_logical3A_1142 : i32 to vector<16xi32>
        %shift_right_logical3A_1144 = arith.shrui %xor3A_1045, %shift_right_logical3A_1143 : vector<16xi32>
        %shift_right_logical3A_1145 = arith.constant 21 : i32
        %shift_right_logical3A_1146 = vector.broadcast %shift_right_logical3A_1145 : i32 to vector<16xi32>
        %shift_right_logical3A_1147 = arith.shrui %xor3A_1065, %shift_right_logical3A_1146 : vector<16xi32>
        %shift_right_logical3A_1148 = arith.constant 21 : i32
        %shift_right_logical3A_1149 = vector.broadcast %shift_right_logical3A_1148 : i32 to vector<16xi32>
        %shift_right_logical3A_1150 = arith.shrui %xor3A_1085, %shift_right_logical3A_1149 : vector<16xi32>
        %shift_right_logical3A_1151 = arith.constant 21 : i32
        %shift_right_logical3A_1152 = vector.broadcast %shift_right_logical3A_1151 : i32 to vector<16xi32>
        %shift_right_logical3A_1153 = arith.shrui %xor3A_1105, %shift_right_logical3A_1152 : vector<16xi32>
        tpu.vector_store_idx %arg7[%shift_right_logical3A_1108], %add3A_6 {add = true} : memref<2048xi32, #tpu.memory_space<vmem>>[vector<16xi32>], vector<16xi32>,
        tpu.vector_store_idx %arg7[%shift_right_logical3A_1111], %add3A_6 {add = true} : memref<2048xi32, #tpu.memory_space<vmem>>[vector<16xi32>], vector<16xi32>,
        tpu.vector_store_idx %arg7[%shift_right_logical3A_1114], %add3A_6 {add = true} : memref<2048xi32, #tpu.memory_space<vmem>>[vector<16xi32>], vector<16xi32>,
        tpu.vector_store_idx %arg7[%shift_right_logical3A_1117], %add3A_6 {add = true} : memref<2048xi32, #tpu.memory_space<vmem>>[vector<16xi32>], vector<16xi32>,
        tpu.vector_store_idx %arg7[%shift_right_logical3A_1120], %add3A_6 {add = true} : memref<2048xi32, #tpu.memory_space<vmem>>[vector<16xi32>], vector<16xi32>,
        tpu.vector_store_idx %arg7[%shift_right_logical3A_1123], %add3A_6 {add = true} : memref<2048xi32, #tpu.memory_space<vmem>>[vector<16xi32>], vector<16xi32>,
        tpu.vector_store_idx %arg7[%shift_right_logical3A_1126], %add3A_6 {add = true} : memref<2048xi32, #tpu.memory_space<vmem>>[vector<16xi32>], vector<16xi32>,
        tpu.vector_store_idx %arg7[%shift_right_logical3A_1129], %add3A_6 {add = true} : memref<2048xi32, #tpu.memory_space<vmem>>[vector<16xi32>], vector<16xi32>,
        tpu.vector_store_idx %arg7[%shift_right_logical3A_1132], %add3A_6 {add = true} : memref<2048xi32, #tpu.memory_space<vmem>>[vector<16xi32>], vector<16xi32>,
        tpu.vector_store_idx %arg7[%shift_right_logical3A_1135], %add3A_6 {add = true} : memref<2048xi32, #tpu.memory_space<vmem>>[vector<16xi32>], vector<16xi32>,
        tpu.vector_store_idx %arg7[%shift_right_logical3A_1138], %add3A_6 {add = true} : memref<2048xi32, #tpu.memory_space<vmem>>[vector<16xi32>], vector<16xi32>,
        tpu.vector_store_idx %arg7[%shift_right_logical3A_1141], %add3A_6 {add = true} : memref<2048xi32, #tpu.memory_space<vmem>>[vector<16xi32>], vector<16xi32>,
        tpu.vector_store_idx %arg7[%shift_right_logical3A_1144], %add3A_6 {add = true} : memref<2048xi32, #tpu.memory_space<vmem>>[vector<16xi32>], vector<16xi32>,
        tpu.vector_store_idx %arg7[%shift_right_logical3A_1147], %add3A_6 {add = true} : memref<2048xi32, #tpu.memory_space<vmem>>[vector<16xi32>], vector<16xi32>,
        tpu.vector_store_idx %arg7[%shift_right_logical3A_1150], %add3A_6 {add = true} : memref<2048xi32, #tpu.memory_space<vmem>>[vector<16xi32>], vector<16xi32>,
        tpu.vector_store_idx %arg7[%shift_right_logical3A_1153], %add3A_6 {add = true} : memref<2048xi32, #tpu.memory_space<vmem>>[vector<16xi32>], vector<16xi32>,
        %bitcast_convert_type3A_1154 = tpu.bitcast %xor3A_805 : vector<16xi32> -> vector<16xf32>
        %mul3A_1155 = arith.constant 16 : i32
        %mul3A_1156 = arith.muli %scan3A_784, %mul3A_1155 : i32
        %add3A_1157 = arith.constant 0 : i32
        %add3A_1158 = arith.addi %mul3A_1156, %add3A_1157 : i32
        %mul3A_1159 = arith.constant 16 : i32
        %mul3A_1160 = arith.muli %add3A_1158, %mul3A_1159 : i32
        %swap3A_1161 = arith.index_cast %rem3A_57 : i32 to index
        %swap3A_1162 = arith.index_cast %mul3A_1160 : i32 to index
        %swap3A_1163 = tpu.vector_load %arg6[%swap3A_1161, %swap3A_1162] {strides = array<i32>} : memref<2x16384xf32, #tpu.memory_space<vmem>>, vector<16xf32>,
        tpu.vector_store %arg6[%swap3A_1161, %swap3A_1162], %bitcast_convert_type3A_1154 {strides = array<i32>} : memref<2x16384xf32, #tpu.memory_space<vmem>>, vector<16xf32>,
        %bitcast_convert_type3A_1164 = tpu.bitcast %xor3A_825 : vector<16xi32> -> vector<16xf32>
        %mul3A_1165 = arith.constant 16 : i32
        %mul3A_1166 = arith.muli %scan3A_784, %mul3A_1165 : i32
        %add3A_1167 = arith.constant 1 : i32
        %add3A_1168 = arith.addi %mul3A_1166, %add3A_1167 : i32
        %mul3A_1169 = arith.constant 16 : i32
        %mul3A_1170 = arith.muli %add3A_1168, %mul3A_1169 : i32
        %swap3A_1171 = arith.index_cast %rem3A_57 : i32 to index
        %swap3A_1172 = arith.index_cast %mul3A_1170 : i32 to index
        %swap3A_1173 = tpu.vector_load %arg6[%swap3A_1171, %swap3A_1172] {strides = array<i32>} : memref<2x16384xf32, #tpu.memory_space<vmem>>, vector<16xf32>,
        tpu.vector_store %arg6[%swap3A_1171, %swap3A_1172], %bitcast_convert_type3A_1164 {strides = array<i32>} : memref<2x16384xf32, #tpu.memory_space<vmem>>, vector<16xf32>,
        %bitcast_convert_type3A_1174 = tpu.bitcast %xor3A_845 : vector<16xi32> -> vector<16xf32>
        %mul3A_1175 = arith.constant 16 : i32
        %mul3A_1176 = arith.muli %scan3A_784, %mul3A_1175 : i32
        %add3A_1177 = arith.constant 2 : i32
        %add3A_1178 = arith.addi %mul3A_1176, %add3A_1177 : i32
        %mul3A_1179 = arith.constant 16 : i32
        %mul3A_1180 = arith.muli %add3A_1178, %mul3A_1179 : i32
        %swap3A_1181 = arith.index_cast %rem3A_57 : i32 to index
        %swap3A_1182 = arith.index_cast %mul3A_1180 : i32 to index
        %swap3A_1183 = tpu.vector_load %arg6[%swap3A_1181, %swap3A_1182] {strides = array<i32>} : memref<2x16384xf32, #tpu.memory_space<vmem>>, vector<16xf32>,
        tpu.vector_store %arg6[%swap3A_1181, %swap3A_1182], %bitcast_convert_type3A_1174 {strides = array<i32>} : memref<2x16384xf32, #tpu.memory_space<vmem>>, vector<16xf32>,
        %bitcast_convert_type3A_1184 = tpu.bitcast %xor3A_865 : vector<16xi32> -> vector<16xf32>
        %mul3A_1185 = arith.constant 16 : i32
        %mul3A_1186 = arith.muli %scan3A_784, %mul3A_1185 : i32
        %add3A_1187 = arith.constant 3 : i32
        %add3A_1188 = arith.addi %mul3A_1186, %add3A_1187 : i32
        %mul3A_1189 = arith.constant 16 : i32
        %mul3A_1190 = arith.muli %add3A_1188, %mul3A_1189 : i32
        %swap3A_1191 = arith.index_cast %rem3A_57 : i32 to index
        %swap3A_1192 = arith.index_cast %mul3A_1190 : i32 to index
        %swap3A_1193 = tpu.vector_load %arg6[%swap3A_1191, %swap3A_1192] {strides = array<i32>} : memref<2x16384xf32, #tpu.memory_space<vmem>>, vector<16xf32>,
        tpu.vector_store %arg6[%swap3A_1191, %swap3A_1192], %bitcast_convert_type3A_1184 {strides = array<i32>} : memref<2x16384xf32, #tpu.memory_space<vmem>>, vector<16xf32>,
        %bitcast_convert_type3A_1194 = tpu.bitcast %xor3A_885 : vector<16xi32> -> vector<16xf32>
        %mul3A_1195 = arith.constant 16 : i32
        %mul3A_1196 = arith.muli %scan3A_784, %mul3A_1195 : i32
        %add3A_1197 = arith.constant 4 : i32
        %add3A_1198 = arith.addi %mul3A_1196, %add3A_1197 : i32
        %mul3A_1199 = arith.constant 16 : i32
        %mul3A_1200 = arith.muli %add3A_1198, %mul3A_1199 : i32
        %swap3A_1201 = arith.index_cast %rem3A_57 : i32 to index
        %swap3A_1202 = arith.index_cast %mul3A_1200 : i32 to index
        %swap3A_1203 = tpu.vector_load %arg6[%swap3A_1201, %swap3A_1202] {strides = array<i32>} : memref<2x16384xf32, #tpu.memory_space<vmem>>, vector<16xf32>,
        tpu.vector_store %arg6[%swap3A_1201, %swap3A_1202], %bitcast_convert_type3A_1194 {strides = array<i32>} : memref<2x16384xf32, #tpu.memory_space<vmem>>, vector<16xf32>,
        %bitcast_convert_type3A_1204 = tpu.bitcast %xor3A_905 : vector<16xi32> -> vector<16xf32>
        %mul3A_1205 = arith.constant 16 : i32
        %mul3A_1206 = arith.muli %scan3A_784, %mul3A_1205 : i32
        %add3A_1207 = arith.constant 5 : i32
        %add3A_1208 = arith.addi %mul3A_1206, %add3A_1207 : i32
        %mul3A_1209 = arith.constant 16 : i32
        %mul3A_1210 = arith.muli %add3A_1208, %mul3A_1209 : i32
        %swap3A_1211 = arith.index_cast %rem3A_57 : i32 to index
        %swap3A_1212 = arith.index_cast %mul3A_1210 : i32 to index
        %swap3A_1213 = tpu.vector_load %arg6[%swap3A_1211, %swap3A_1212] {strides = array<i32>} : memref<2x16384xf32, #tpu.memory_space<vmem>>, vector<16xf32>,
        tpu.vector_store %arg6[%swap3A_1211, %swap3A_1212], %bitcast_convert_type3A_1204 {strides = array<i32>} : memref<2x16384xf32, #tpu.memory_space<vmem>>, vector<16xf32>,
        %bitcast_convert_type3A_1214 = tpu.bitcast %xor3A_925 : vector<16xi32> -> vector<16xf32>
        %mul3A_1215 = arith.constant 16 : i32
        %mul3A_1216 = arith.muli %scan3A_784, %mul3A_1215 : i32
        %add3A_1217 = arith.constant 6 : i32
        %add3A_1218 = arith.addi %mul3A_1216, %add3A_1217 : i32
        %mul3A_1219 = arith.constant 16 : i32
        %mul3A_1220 = arith.muli %add3A_1218, %mul3A_1219 : i32
        %swap3A_1221 = arith.index_cast %rem3A_57 : i32 to index
        %swap3A_1222 = arith.index_cast %mul3A_1220 : i32 to index
        %swap3A_1223 = tpu.vector_load %arg6[%swap3A_1221, %swap3A_1222] {strides = array<i32>} : memref<2x16384xf32, #tpu.memory_space<vmem>>, vector<16xf32>,
        tpu.vector_store %arg6[%swap3A_1221, %swap3A_1222], %bitcast_convert_type3A_1214 {strides = array<i32>} : memref<2x16384xf32, #tpu.memory_space<vmem>>, vector<16xf32>,
        %bitcast_convert_type3A_1224 = tpu.bitcast %xor3A_945 : vector<16xi32> -> vector<16xf32>
        %mul3A_1225 = arith.constant 16 : i32
        %mul3A_1226 = arith.muli %scan3A_784, %mul3A_1225 : i32
        %add3A_1227 = arith.constant 7 : i32
        %add3A_1228 = arith.addi %mul3A_1226, %add3A_1227 : i32
        %mul3A_1229 = arith.constant 16 : i32
        %mul3A_1230 = arith.muli %add3A_1228, %mul3A_1229 : i32
        %swap3A_1231 = arith.index_cast %rem3A_57 : i32 to index
        %swap3A_1232 = arith.index_cast %mul3A_1230 : i32 to index
        %swap3A_1233 = tpu.vector_load %arg6[%swap3A_1231, %swap3A_1232] {strides = array<i32>} : memref<2x16384xf32, #tpu.memory_space<vmem>>, vector<16xf32>,
        tpu.vector_store %arg6[%swap3A_1231, %swap3A_1232], %bitcast_convert_type3A_1224 {strides = array<i32>} : memref<2x16384xf32, #tpu.memory_space<vmem>>, vector<16xf32>,
        %bitcast_convert_type3A_1234 = tpu.bitcast %xor3A_965 : vector<16xi32> -> vector<16xf32>
        %mul3A_1235 = arith.constant 16 : i32
        %mul3A_1236 = arith.muli %scan3A_784, %mul3A_1235 : i32
        %add3A_1237 = arith.constant 8 : i32
        %add3A_1238 = arith.addi %mul3A_1236, %add3A_1237 : i32
        %mul3A_1239 = arith.constant 16 : i32
        %mul3A_1240 = arith.muli %add3A_1238, %mul3A_1239 : i32
        %swap3A_1241 = arith.index_cast %rem3A_57 : i32 to index
        %swap3A_1242 = arith.index_cast %mul3A_1240 : i32 to index
        %swap3A_1243 = tpu.vector_load %arg6[%swap3A_1241, %swap3A_1242] {strides = array<i32>} : memref<2x16384xf32, #tpu.memory_space<vmem>>, vector<16xf32>,
        tpu.vector_store %arg6[%swap3A_1241, %swap3A_1242], %bitcast_convert_type3A_1234 {strides = array<i32>} : memref<2x16384xf32, #tpu.memory_space<vmem>>, vector<16xf32>,
        %bitcast_convert_type3A_1244 = tpu.bitcast %xor3A_985 : vector<16xi32> -> vector<16xf32>
        %mul3A_1245 = arith.constant 16 : i32
        %mul3A_1246 = arith.muli %scan3A_784, %mul3A_1245 : i32
        %add3A_1247 = arith.constant 9 : i32
        %add3A_1248 = arith.addi %mul3A_1246, %add3A_1247 : i32
        %mul3A_1249 = arith.constant 16 : i32
        %mul3A_1250 = arith.muli %add3A_1248, %mul3A_1249 : i32
        %swap3A_1251 = arith.index_cast %rem3A_57 : i32 to index
        %swap3A_1252 = arith.index_cast %mul3A_1250 : i32 to index
        %swap3A_1253 = tpu.vector_load %arg6[%swap3A_1251, %swap3A_1252] {strides = array<i32>} : memref<2x16384xf32, #tpu.memory_space<vmem>>, vector<16xf32>,
        tpu.vector_store %arg6[%swap3A_1251, %swap3A_1252], %bitcast_convert_type3A_1244 {strides = array<i32>} : memref<2x16384xf32, #tpu.memory_space<vmem>>, vector<16xf32>,
        %bitcast_convert_type3A_1254 = tpu.bitcast %xor3A_1005 : vector<16xi32> -> vector<16xf32>
        %mul3A_1255 = arith.constant 16 : i32
        %mul3A_1256 = arith.muli %scan3A_784, %mul3A_1255 : i32
        %add3A_1257 = arith.constant 10 : i32
        %add3A_1258 = arith.addi %mul3A_1256, %add3A_1257 : i32
        %mul3A_1259 = arith.constant 16 : i32
        %mul3A_1260 = arith.muli %add3A_1258, %mul3A_1259 : i32
        %swap3A_1261 = arith.index_cast %rem3A_57 : i32 to index
        %swap3A_1262 = arith.index_cast %mul3A_1260 : i32 to index
        %swap3A_1263 = tpu.vector_load %arg6[%swap3A_1261, %swap3A_1262] {strides = array<i32>} : memref<2x16384xf32, #tpu.memory_space<vmem>>, vector<16xf32>,
        tpu.vector_store %arg6[%swap3A_1261, %swap3A_1262], %bitcast_convert_type3A_1254 {strides = array<i32>} : memref<2x16384xf32, #tpu.memory_space<vmem>>, vector<16xf32>,
        %bitcast_convert_type3A_1264 = tpu.bitcast %xor3A_1025 : vector<16xi32> -> vector<16xf32>
        %mul3A_1265 = arith.constant 16 : i32
        %mul3A_1266 = arith.muli %scan3A_784, %mul3A_1265 : i32
        %add3A_1267 = arith.constant 11 : i32
        %add3A_1268 = arith.addi %mul3A_1266, %add3A_1267 : i32
        %mul3A_1269 = arith.constant 16 : i32
        %mul3A_1270 = arith.muli %add3A_1268, %mul3A_1269 : i32
        %swap3A_1271 = arith.index_cast %rem3A_57 : i32 to index
        %swap3A_1272 = arith.index_cast %mul3A_1270 : i32 to index
        %swap3A_1273 = tpu.vector_load %arg6[%swap3A_1271, %swap3A_1272] {strides = array<i32>} : memref<2x16384xf32, #tpu.memory_space<vmem>>, vector<16xf32>,
        tpu.vector_store %arg6[%swap3A_1271, %swap3A_1272], %bitcast_convert_type3A_1264 {strides = array<i32>} : memref<2x16384xf32, #tpu.memory_space<vmem>>, vector<16xf32>,
        %bitcast_convert_type3A_1274 = tpu.bitcast %xor3A_1045 : vector<16xi32> -> vector<16xf32>
        %mul3A_1275 = arith.constant 16 : i32
        %mul3A_1276 = arith.muli %scan3A_784, %mul3A_1275 : i32
        %add3A_1277 = arith.constant 12 : i32
        %add3A_1278 = arith.addi %mul3A_1276, %add3A_1277 : i32
        %mul3A_1279 = arith.constant 16 : i32
        %mul3A_1280 = arith.muli %add3A_1278, %mul3A_1279 : i32
        %swap3A_1281 = arith.index_cast %rem3A_57 : i32 to index
        %swap3A_1282 = arith.index_cast %mul3A_1280 : i32 to index
        %swap3A_1283 = tpu.vector_load %arg6[%swap3A_1281, %swap3A_1282] {strides = array<i32>} : memref<2x16384xf32, #tpu.memory_space<vmem>>, vector<16xf32>,
        tpu.vector_store %arg6[%swap3A_1281, %swap3A_1282], %bitcast_convert_type3A_1274 {strides = array<i32>} : memref<2x16384xf32, #tpu.memory_space<vmem>>, vector<16xf32>,
        %bitcast_convert_type3A_1284 = tpu.bitcast %xor3A_1065 : vector<16xi32> -> vector<16xf32>
        %mul3A_1285 = arith.constant 16 : i32
        %mul3A_1286 = arith.muli %scan3A_784, %mul3A_1285 : i32
        %add3A_1287 = arith.constant 13 : i32
        %add3A_1288 = arith.addi %mul3A_1286, %add3A_1287 : i32
        %mul3A_1289 = arith.constant 16 : i32
        %mul3A_1290 = arith.muli %add3A_1288, %mul3A_1289 : i32
        %swap3A_1291 = arith.index_cast %rem3A_57 : i32 to index
        %swap3A_1292 = arith.index_cast %mul3A_1290 : i32 to index
        %swap3A_1293 = tpu.vector_load %arg6[%swap3A_1291, %swap3A_1292] {strides = array<i32>} : memref<2x16384xf32, #tpu.memory_space<vmem>>, vector<16xf32>,
        tpu.vector_store %arg6[%swap3A_1291, %swap3A_1292], %bitcast_convert_type3A_1284 {strides = array<i32>} : memref<2x16384xf32, #tpu.memory_space<vmem>>, vector<16xf32>,
        %bitcast_convert_type3A_1294 = tpu.bitcast %xor3A_1085 : vector<16xi32> -> vector<16xf32>
        %mul3A_1295 = arith.constant 16 : i32
        %mul3A_1296 = arith.muli %scan3A_784, %mul3A_1295 : i32
        %add3A_1297 = arith.constant 14 : i32
        %add3A_1298 = arith.addi %mul3A_1296, %add3A_1297 : i32
        %mul3A_1299 = arith.constant 16 : i32
        %mul3A_1300 = arith.muli %add3A_1298, %mul3A_1299 : i32
        %swap3A_1301 = arith.index_cast %rem3A_57 : i32 to index
        %swap3A_1302 = arith.index_cast %mul3A_1300 : i32 to index
        %swap3A_1303 = tpu.vector_load %arg6[%swap3A_1301, %swap3A_1302] {strides = array<i32>} : memref<2x16384xf32, #tpu.memory_space<vmem>>, vector<16xf32>,
        tpu.vector_store %arg6[%swap3A_1301, %swap3A_1302], %bitcast_convert_type3A_1294 {strides = array<i32>} : memref<2x16384xf32, #tpu.memory_space<vmem>>, vector<16xf32>,
        %bitcast_convert_type3A_1304 = tpu.bitcast %xor3A_1105 : vector<16xi32> -> vector<16xf32>
        %mul3A_1305 = arith.constant 16 : i32
        %mul3A_1306 = arith.muli %scan3A_784, %mul3A_1305 : i32
        %add3A_1307 = arith.constant 15 : i32
        %add3A_1308 = arith.addi %mul3A_1306, %add3A_1307 : i32
        %mul3A_1309 = arith.constant 16 : i32
        %mul3A_1310 = arith.muli %add3A_1308, %mul3A_1309 : i32
        %swap3A_1311 = arith.index_cast %rem3A_57 : i32 to index
        %swap3A_1312 = arith.index_cast %mul3A_1310 : i32 to index
        %swap3A_1313 = tpu.vector_load %arg6[%swap3A_1311, %swap3A_1312] {strides = array<i32>} : memref<2x16384xf32, #tpu.memory_space<vmem>>, vector<16xf32>,
        tpu.vector_store %arg6[%swap3A_1311, %swap3A_1312], %bitcast_convert_type3A_1304 {strides = array<i32>} : memref<2x16384xf32, #tpu.memory_space<vmem>>, vector<16xf32>,
        %scan3A_1314 = arith.constant 0 : i32
        scf.yield %scan3A_1314 : i32
      }
      %scan3A_81 = arith.constant 64 : i32
      %scan3A_82 = arith.constant 0 : i32
      %scan3A_83 = arith.constant 0 : i32
      %scan3A_84 = arith.constant 128 : i32
      %scan3A_85 = arith.addi %scan3A_83, %scan3A_84 : i32
      %scan3A_86 = arith.constant 1 : i32
      %scan3A_87 = scf.for %scan3A_784 = %scan3A_83 to %scan3A_85 step %scan3A_86 iter_args(%scan3A_785 = %scan3A_82) -> (i32)  : i32 {
        %mul3A_786 = arith.constant 16 : i32
        %mul3A_787 = arith.muli %scan3A_784, %mul3A_786 : i32
        %get3A_788 = arith.index_cast %mul3A_787 : i32 to index
        %get3A_789 = tpu.vector_load %arg7[%get3A_788] {strides = array<i32>} : memref<2048xi32, #tpu.memory_space<vmem>>, vector<16xi32>,
        %broadcast_in_dim3A_790 = arith.constant true
        %broadcast_in_dim3A_791 = vector.broadcast %broadcast_in_dim3A_790 : i1 to vector<16xi1>
        %masked_cumsum3A_792 = tpu.scan <sum>, %get3A_789 masked %broadcast_in_dim3A_791 : vector<16xi32>, vector<16xi1> -> vector<16xi32>
        %add3A_793 = vector.broadcast %scan3A_785 : i32 to vector<16xi32>
        %add3A_794 = arith.addi %masked_cumsum3A_792, %add3A_793 : vector<16xi32>
        %mul3A_795 = arith.constant 16 : i32
        %mul3A_796 = arith.muli %scan3A_784, %mul3A_795 : i32
        %swap3A_797 = arith.index_cast %mul3A_796 : i32 to index
        %swap3A_798 = tpu.vector_load %arg7[%swap3A_797] {strides = array<i32>} : memref<2048xi32, #tpu.memory_space<vmem>>, vector<16xi32>,
        tpu.vector_store %arg7[%swap3A_797], %add3A_794 {strides = array<i32>} : memref<2048xi32, #tpu.memory_space<vmem>>, vector<16xi32>,
        %slice3A = vector.extract_strided_slice %add3A_794 {offsets = [15], sizes = [1], strides = [1]} : vector<16xi32> to vector<1xi32>
        %squeeze3A = vector.extract %slice3A[0] : i32 from vector<1xi32>
        scf.yield %squeeze3A : i32
      }
      %scan3A_88 = arith.constant 128 : i32
      %add3A_89 = arith.constant 1023 : i32
      %add3A_90 = vector.broadcast %add3A_89 : i32 to vector<16xi32>
      %add3A_91 = arith.addi %mul3A_3, %add3A_90 : vector<16xi32>
      %gather3A = tpu.vector_load_idx %arg7[%add3A_91] : memref<2048xi32, #tpu.memory_space<vmem>>[vector<16xi32>], vector<16xi32>,
      %le3A = arith.cmpi sle, %gather3A, %get3A_10 : vector<16xi32>
      %add3A_92 = arith.constant 1024 : i32
      %add3A_93 = vector.broadcast %add3A_92 : i32 to vector<16xi32>
      %add3A_94 = arith.addi %mul3A_3, %add3A_93 : vector<16xi32>
      %select_n3A = arith.select %le3A, %add3A_94, %mul3A_3 : vector<16xi1>, vector<16xi32>
      %add3A_95 = arith.constant 511 : i32
      %add3A_96 = vector.broadcast %add3A_95 : i32 to vector<16xi32>
      %add3A_97 = arith.addi %select_n3A, %add3A_96 : vector<16xi32>
      %gather3A_98 = tpu.vector_load_idx %arg7[%add3A_97] : memref<2048xi32, #tpu.memory_space<vmem>>[vector<16xi32>], vector<16xi32>,
      %le3A_99 = arith.cmpi sle, %gather3A_98, %get3A_10 : vector<16xi32>
      %add3A_100 = arith.constant 512 : i32
      %add3A_101 = vector.broadcast %add3A_100 : i32 to vector<16xi32>
      %add3A_102 = arith.addi %select_n3A, %add3A_101 : vector<16xi32>
      %select_n3A_103 = arith.select %le3A_99, %add3A_102, %select_n3A : vector<16xi1>, vector<16xi32>
      %add3A_104 = arith.constant 255 : i32
      %add3A_105 = vector.broadcast %add3A_104 : i32 to vector<16xi32>
      %add3A_106 = arith.addi %select_n3A_103, %add3A_105 : vector<16xi32>
      %gather3A_107 = tpu.vector_load_idx %arg7[%add3A_106] : memref<2048xi32, #tpu.memory_space<vmem>>[vector<16xi32>], vector<16xi32>,
      %le3A_108 = arith.cmpi sle, %gather3A_107, %get3A_10 : vector<16xi32>
      %add3A_109 = arith.constant 256 : i32
      %add3A_110 = vector.broadcast %add3A_109 : i32 to vector<16xi32>
      %add3A_111 = arith.addi %select_n3A_103, %add3A_110 : vector<16xi32>
      %select_n3A_112 = arith.select %le3A_108, %add3A_111, %select_n3A_103 : vector<16xi1>, vector<16xi32>
      %add3A_113 = arith.constant 127 : i32
      %add3A_114 = vector.broadcast %add3A_113 : i32 to vector<16xi32>
      %add3A_115 = arith.addi %select_n3A_112, %add3A_114 : vector<16xi32>
      %gather3A_116 = tpu.vector_load_idx %arg7[%add3A_115] : memref<2048xi32, #tpu.memory_space<vmem>>[vector<16xi32>], vector<16xi32>,
      %le3A_117 = arith.cmpi sle, %gather3A_116, %get3A_10 : vector<16xi32>
      %add3A_118 = arith.constant 128 : i32
      %add3A_119 = vector.broadcast %add3A_118 : i32 to vector<16xi32>
      %add3A_120 = arith.addi %select_n3A_112, %add3A_119 : vector<16xi32>
      %select_n3A_121 = arith.select %le3A_117, %add3A_120, %select_n3A_112 : vector<16xi1>, vector<16xi32>
      %add3A_122 = arith.constant 63 : i32
      %add3A_123 = vector.broadcast %add3A_122 : i32 to vector<16xi32>
      %add3A_124 = arith.addi %select_n3A_121, %add3A_123 : vector<16xi32>
      %gather3A_125 = tpu.vector_load_idx %arg7[%add3A_124] : memref<2048xi32, #tpu.memory_space<vmem>>[vector<16xi32>], vector<16xi32>,
      %le3A_126 = arith.cmpi sle, %gather3A_125, %get3A_10 : vector<16xi32>
      %add3A_127 = arith.constant 64 : i32
      %add3A_128 = vector.broadcast %add3A_127 : i32 to vector<16xi32>
      %add3A_129 = arith.addi %select_n3A_121, %add3A_128 : vector<16xi32>
      %select_n3A_130 = arith.select %le3A_126, %add3A_129, %select_n3A_121 : vector<16xi1>, vector<16xi32>
      %add3A_131 = arith.constant 31 : i32
      %add3A_132 = vector.broadcast %add3A_131 : i32 to vector<16xi32>
      %add3A_133 = arith.addi %select_n3A_130, %add3A_132 : vector<16xi32>
      %gather3A_134 = tpu.vector_load_idx %arg7[%add3A_133] : memref<2048xi32, #tpu.memory_space<vmem>>[vector<16xi32>], vector<16xi32>,
      %le3A_135 = arith.cmpi sle, %gather3A_134, %get3A_10 : vector<16xi32>
      %add3A_136 = arith.constant 32 : i32
      %add3A_137 = vector.broadcast %add3A_136 : i32 to vector<16xi32>
      %add3A_138 = arith.addi %select_n3A_130, %add3A_137 : vector<16xi32>
      %select_n3A_139 = arith.select %le3A_135, %add3A_138, %select_n3A_130 : vector<16xi1>, vector<16xi32>
      %add3A_140 = arith.constant 15 : i32
      %add3A_141 = vector.broadcast %add3A_140 : i32 to vector<16xi32>
      %add3A_142 = arith.addi %select_n3A_139, %add3A_141 : vector<16xi32>
      %gather3A_143 = tpu.vector_load_idx %arg7[%add3A_142] : memref<2048xi32, #tpu.memory_space<vmem>>[vector<16xi32>], vector<16xi32>,
      %le3A_144 = arith.cmpi sle, %gather3A_143, %get3A_10 : vector<16xi32>
      %add3A_145 = arith.constant 16 : i32
      %add3A_146 = vector.broadcast %add3A_145 : i32 to vector<16xi32>
      %add3A_147 = arith.addi %select_n3A_139, %add3A_146 : vector<16xi32>
      %select_n3A_148 = arith.select %le3A_144, %add3A_147, %select_n3A_139 : vector<16xi1>, vector<16xi32>
      %add3A_149 = arith.constant 7 : i32
      %add3A_150 = vector.broadcast %add3A_149 : i32 to vector<16xi32>
      %add3A_151 = arith.addi %select_n3A_148, %add3A_150 : vector<16xi32>
      %gather3A_152 = tpu.vector_load_idx %arg7[%add3A_151] : memref<2048xi32, #tpu.memory_space<vmem>>[vector<16xi32>], vector<16xi32>,
      %le3A_153 = arith.cmpi sle, %gather3A_152, %get3A_10 : vector<16xi32>
      %add3A_154 = arith.constant 8 : i32
      %add3A_155 = vector.broadcast %add3A_154 : i32 to vector<16xi32>
      %add3A_156 = arith.addi %select_n3A_148, %add3A_155 : vector<16xi32>
      %select_n3A_157 = arith.select %le3A_153, %add3A_156, %select_n3A_148 : vector<16xi1>, vector<16xi32>
      %add3A_158 = arith.constant 3 : i32
      %add3A_159 = vector.broadcast %add3A_158 : i32 to vector<16xi32>
      %add3A_160 = arith.addi %select_n3A_157, %add3A_159 : vector<16xi32>
      %gather3A_161 = tpu.vector_load_idx %arg7[%add3A_160] : memref<2048xi32, #tpu.memory_space<vmem>>[vector<16xi32>], vector<16xi32>,
      %le3A_162 = arith.cmpi sle, %gather3A_161, %get3A_10 : vector<16xi32>
      %add3A_163 = arith.constant 4 : i32
      %add3A_164 = vector.broadcast %add3A_163 : i32 to vector<16xi32>
      %add3A_165 = arith.addi %select_n3A_157, %add3A_164 : vector<16xi32>
      %select_n3A_166 = arith.select %le3A_162, %add3A_165, %select_n3A_157 : vector<16xi1>, vector<16xi32>
      %add3A_167 = arith.constant 1 : i32
      %add3A_168 = vector.broadcast %add3A_167 : i32 to vector<16xi32>
      %add3A_169 = arith.addi %select_n3A_166, %add3A_168 : vector<16xi32>
      %gather3A_170 = tpu.vector_load_idx %arg7[%add3A_169] : memref<2048xi32, #tpu.memory_space<vmem>>[vector<16xi32>], vector<16xi32>,
      %le3A_171 = arith.cmpi sle, %gather3A_170, %get3A_10 : vector<16xi32>
      %add3A_172 = arith.constant 2 : i32
      %add3A_173 = vector.broadcast %add3A_172 : i32 to vector<16xi32>
      %add3A_174 = arith.addi %select_n3A_166, %add3A_173 : vector<16xi32>
      %select_n3A_175 = arith.select %le3A_171, %add3A_174, %select_n3A_166 : vector<16xi1>, vector<16xi32>
      %add3A_176 = arith.constant 0 : i32
      %add3A_177 = vector.broadcast %add3A_176 : i32 to vector<16xi32>
      %add3A_178 = arith.addi %select_n3A_175, %add3A_177 : vector<16xi32>
      %gather3A_179 = tpu.vector_load_idx %arg7[%add3A_178] : memref<2048xi32, #tpu.memory_space<vmem>>[vector<16xi32>], vector<16xi32>,
      %le3A_180 = arith.cmpi sle, %gather3A_179, %get3A_10 : vector<16xi32>
      %add3A_181 = arith.constant 1 : i32
      %add3A_182 = vector.broadcast %add3A_181 : i32 to vector<16xi32>
      %add3A_183 = arith.addi %select_n3A_175, %add3A_182 : vector<16xi32>
      %select_n3A_184 = arith.select %le3A_180, %add3A_183, %select_n3A_175 : vector<16xi1>, vector<16xi32>
      %add3A_185 = arith.constant 1023 : i32
      %add3A_186 = vector.broadcast %add3A_185 : i32 to vector<16xi32>
      %add3A_187 = arith.addi %mul3A_3, %add3A_186 : vector<16xi32>
      %gather3A_188 = tpu.vector_load_idx %arg7[%add3A_187] : memref<2048xi32, #tpu.memory_space<vmem>>[vector<16xi32>], vector<16xi32>,
      %le3A_189 = arith.cmpi sle, %gather3A_188, %get3A_12 : vector<16xi32>
      %add3A_190 = arith.constant 1024 : i32
      %add3A_191 = vector.broadcast %add3A_190 : i32 to vector<16xi32>
      %add3A_192 = arith.addi %mul3A_3, %add3A_191 : vector<16xi32>
      %select_n3A_193 = arith.select %le3A_189, %add3A_192, %mul3A_3 : vector<16xi1>, vector<16xi32>
      %add3A_194 = arith.constant 511 : i32
      %add3A_195 = vector.broadcast %add3A_194 : i32 to vector<16xi32>
      %add3A_196 = arith.addi %select_n3A_193, %add3A_195 : vector<16xi32>
      %gather3A_197 = tpu.vector_load_idx %arg7[%add3A_196] : memref<2048xi32, #tpu.memory_space<vmem>>[vector<16xi32>], vector<16xi32>,
      %le3A_198 = arith.cmpi sle, %gather3A_197, %get3A_12 : vector<16xi32>
      %add3A_199 = arith.constant 512 : i32
      %add3A_200 = vector.broadcast %add3A_199 : i32 to vector<16xi32>
      %add3A_201 = arith.addi %select_n3A_193, %add3A_200 : vector<16xi32>
      %select_n3A_202 = arith.select %le3A_198, %add3A_201, %select_n3A_193 : vector<16xi1>, vector<16xi32>
      %add3A_203 = arith.constant 255 : i32
      %add3A_204 = vector.broadcast %add3A_203 : i32 to vector<16xi32>
      %add3A_205 = arith.addi %select_n3A_202, %add3A_204 : vector<16xi32>
      %gather3A_206 = tpu.vector_load_idx %arg7[%add3A_205] : memref<2048xi32, #tpu.memory_space<vmem>>[vector<16xi32>], vector<16xi32>,
      %le3A_207 = arith.cmpi sle, %gather3A_206, %get3A_12 : vector<16xi32>
      %add3A_208 = arith.constant 256 : i32
      %add3A_209 = vector.broadcast %add3A_208 : i32 to vector<16xi32>
      %add3A_210 = arith.addi %select_n3A_202, %add3A_209 : vector<16xi32>
      %select_n3A_211 = arith.select %le3A_207, %add3A_210, %select_n3A_202 : vector<16xi1>, vector<16xi32>
      %add3A_212 = arith.constant 127 : i32
      %add3A_213 = vector.broadcast %add3A_212 : i32 to vector<16xi32>
      %add3A_214 = arith.addi %select_n3A_211, %add3A_213 : vector<16xi32>
      %gather3A_215 = tpu.vector_load_idx %arg7[%add3A_214] : memref<2048xi32, #tpu.memory_space<vmem>>[vector<16xi32>], vector<16xi32>,
      %le3A_216 = arith.cmpi sle, %gather3A_215, %get3A_12 : vector<16xi32>
      %add3A_217 = arith.constant 128 : i32
      %add3A_218 = vector.broadcast %add3A_217 : i32 to vector<16xi32>
      %add3A_219 = arith.addi %select_n3A_211, %add3A_218 : vector<16xi32>
      %select_n3A_220 = arith.select %le3A_216, %add3A_219, %select_n3A_211 : vector<16xi1>, vector<16xi32>
      %add3A_221 = arith.constant 63 : i32
      %add3A_222 = vector.broadcast %add3A_221 : i32 to vector<16xi32>
      %add3A_223 = arith.addi %select_n3A_220, %add3A_222 : vector<16xi32>
      %gather3A_224 = tpu.vector_load_idx %arg7[%add3A_223] : memref<2048xi32, #tpu.memory_space<vmem>>[vector<16xi32>], vector<16xi32>,
      %le3A_225 = arith.cmpi sle, %gather3A_224, %get3A_12 : vector<16xi32>
      %add3A_226 = arith.constant 64 : i32
      %add3A_227 = vector.broadcast %add3A_226 : i32 to vector<16xi32>
      %add3A_228 = arith.addi %select_n3A_220, %add3A_227 : vector<16xi32>
      %select_n3A_229 = arith.select %le3A_225, %add3A_228, %select_n3A_220 : vector<16xi1>, vector<16xi32>
      %add3A_230 = arith.constant 31 : i32
      %add3A_231 = vector.broadcast %add3A_230 : i32 to vector<16xi32>
      %add3A_232 = arith.addi %select_n3A_229, %add3A_231 : vector<16xi32>
      %gather3A_233 = tpu.vector_load_idx %arg7[%add3A_232] : memref<2048xi32, #tpu.memory_space<vmem>>[vector<16xi32>], vector<16xi32>,
      %le3A_234 = arith.cmpi sle, %gather3A_233, %get3A_12 : vector<16xi32>
      %add3A_235 = arith.constant 32 : i32
      %add3A_236 = vector.broadcast %add3A_235 : i32 to vector<16xi32>
      %add3A_237 = arith.addi %select_n3A_229, %add3A_236 : vector<16xi32>
      %select_n3A_238 = arith.select %le3A_234, %add3A_237, %select_n3A_229 : vector<16xi1>, vector<16xi32>
      %add3A_239 = arith.constant 15 : i32
      %add3A_240 = vector.broadcast %add3A_239 : i32 to vector<16xi32>
      %add3A_241 = arith.addi %select_n3A_238, %add3A_240 : vector<16xi32>
      %gather3A_242 = tpu.vector_load_idx %arg7[%add3A_241] : memref<2048xi32, #tpu.memory_space<vmem>>[vector<16xi32>], vector<16xi32>,
      %le3A_243 = arith.cmpi sle, %gather3A_242, %get3A_12 : vector<16xi32>
      %add3A_244 = arith.constant 16 : i32
      %add3A_245 = vector.broadcast %add3A_244 : i32 to vector<16xi32>
      %add3A_246 = arith.addi %select_n3A_238, %add3A_245 : vector<16xi32>
      %select_n3A_247 = arith.select %le3A_243, %add3A_246, %select_n3A_238 : vector<16xi1>, vector<16xi32>
      %add3A_248 = arith.constant 7 : i32
      %add3A_249 = vector.broadcast %add3A_248 : i32 to vector<16xi32>
      %add3A_250 = arith.addi %select_n3A_247, %add3A_249 : vector<16xi32>
      %gather3A_251 = tpu.vector_load_idx %arg7[%add3A_250] : memref<2048xi32, #tpu.memory_space<vmem>>[vector<16xi32>], vector<16xi32>,
      %le3A_252 = arith.cmpi sle, %gather3A_251, %get3A_12 : vector<16xi32>
      %add3A_253 = arith.constant 8 : i32
      %add3A_254 = vector.broadcast %add3A_253 : i32 to vector<16xi32>
      %add3A_255 = arith.addi %select_n3A_247, %add3A_254 : vector<16xi32>
      %select_n3A_256 = arith.select %le3A_252, %add3A_255, %select_n3A_247 : vector<16xi1>, vector<16xi32>
      %add3A_257 = arith.constant 3 : i32
      %add3A_258 = vector.broadcast %add3A_257 : i32 to vector<16xi32>
      %add3A_259 = arith.addi %select_n3A_256, %add3A_258 : vector<16xi32>
      %gather3A_260 = tpu.vector_load_idx %arg7[%add3A_259] : memref<2048xi32, #tpu.memory_space<vmem>>[vector<16xi32>], vector<16xi32>,
      %le3A_261 = arith.cmpi sle, %gather3A_260, %get3A_12 : vector<16xi32>
      %add3A_262 = arith.constant 4 : i32
      %add3A_263 = vector.broadcast %add3A_262 : i32 to vector<16xi32>
      %add3A_264 = arith.addi %select_n3A_256, %add3A_263 : vector<16xi32>
      %select_n3A_265 = arith.select %le3A_261, %add3A_264, %select_n3A_256 : vector<16xi1>, vector<16xi32>
      %add3A_266 = arith.constant 1 : i32
      %add3A_267 = vector.broadcast %add3A_266 : i32 to vector<16xi32>
      %add3A_268 = arith.addi %select_n3A_265, %add3A_267 : vector<16xi32>
      %gather3A_269 = tpu.vector_load_idx %arg7[%add3A_268] : memref<2048xi32, #tpu.memory_space<vmem>>[vector<16xi32>], vector<16xi32>,
      %le3A_270 = arith.cmpi sle, %gather3A_269, %get3A_12 : vector<16xi32>
      %add3A_271 = arith.constant 2 : i32
      %add3A_272 = vector.broadcast %add3A_271 : i32 to vector<16xi32>
      %add3A_273 = arith.addi %select_n3A_265, %add3A_272 : vector<16xi32>
      %select_n3A_274 = arith.select %le3A_270, %add3A_273, %select_n3A_265 : vector<16xi1>, vector<16xi32>
      %add3A_275 = arith.constant 0 : i32
      %add3A_276 = vector.broadcast %add3A_275 : i32 to vector<16xi32>
      %add3A_277 = arith.addi %select_n3A_274, %add3A_276 : vector<16xi32>
      %gather3A_278 = tpu.vector_load_idx %arg7[%add3A_277] : memref<2048xi32, #tpu.memory_space<vmem>>[vector<16xi32>], vector<16xi32>,
      %le3A_279 = arith.cmpi sle, %gather3A_278, %get3A_12 : vector<16xi32>
      %add3A_280 = arith.constant 1 : i32
      %add3A_281 = vector.broadcast %add3A_280 : i32 to vector<16xi32>
      %add3A_282 = arith.addi %select_n3A_274, %add3A_281 : vector<16xi32>
      %select_n3A_283 = arith.select %le3A_279, %add3A_282, %select_n3A_274 : vector<16xi1>, vector<16xi32>
      %add3A_284 = arith.constant 1023 : i32
      %add3A_285 = vector.broadcast %add3A_284 : i32 to vector<16xi32>
      %add3A_286 = arith.addi %mul3A_3, %add3A_285 : vector<16xi32>
      %gather3A_287 = tpu.vector_load_idx %arg7[%add3A_286] : memref<2048xi32, #tpu.memory_space<vmem>>[vector<16xi32>], vector<16xi32>,
      %le3A_288 = arith.cmpi sle, %gather3A_287, %get3A_14 : vector<16xi32>
      %add3A_289 = arith.constant 1024 : i32
      %add3A_290 = vector.broadcast %add3A_289 : i32 to vector<16xi32>
      %add3A_291 = arith.addi %mul3A_3, %add3A_290 : vector<16xi32>
      %select_n3A_292 = arith.select %le3A_288, %add3A_291, %mul3A_3 : vector<16xi1>, vector<16xi32>
      %add3A_293 = arith.constant 511 : i32
      %add3A_294 = vector.broadcast %add3A_293 : i32 to vector<16xi32>
      %add3A_295 = arith.addi %select_n3A_292, %add3A_294 : vector<16xi32>
      %gather3A_296 = tpu.vector_load_idx %arg7[%add3A_295] : memref<2048xi32, #tpu.memory_space<vmem>>[vector<16xi32>], vector<16xi32>,
      %le3A_297 = arith.cmpi sle, %gather3A_296, %get3A_14 : vector<16xi32>
      %add3A_298 = arith.constant 512 : i32
      %add3A_299 = vector.broadcast %add3A_298 : i32 to vector<16xi32>
      %add3A_300 = arith.addi %select_n3A_292, %add3A_299 : vector<16xi32>
      %select_n3A_301 = arith.select %le3A_297, %add3A_300, %select_n3A_292 : vector<16xi1>, vector<16xi32>
      %add3A_302 = arith.constant 255 : i32
      %add3A_303 = vector.broadcast %add3A_302 : i32 to vector<16xi32>
      %add3A_304 = arith.addi %select_n3A_301, %add3A_303 : vector<16xi32>
      %gather3A_305 = tpu.vector_load_idx %arg7[%add3A_304] : memref<2048xi32, #tpu.memory_space<vmem>>[vector<16xi32>], vector<16xi32>,
      %le3A_306 = arith.cmpi sle, %gather3A_305, %get3A_14 : vector<16xi32>
      %add3A_307 = arith.constant 256 : i32
      %add3A_308 = vector.broadcast %add3A_307 : i32 to vector<16xi32>
      %add3A_309 = arith.addi %select_n3A_301, %add3A_308 : vector<16xi32>
      %select_n3A_310 = arith.select %le3A_306, %add3A_309, %select_n3A_301 : vector<16xi1>, vector<16xi32>
      %add3A_311 = arith.constant 127 : i32
      %add3A_312 = vector.broadcast %add3A_311 : i32 to vector<16xi32>
      %add3A_313 = arith.addi %select_n3A_310, %add3A_312 : vector<16xi32>
      %gather3A_314 = tpu.vector_load_idx %arg7[%add3A_313] : memref<2048xi32, #tpu.memory_space<vmem>>[vector<16xi32>], vector<16xi32>,
      %le3A_315 = arith.cmpi sle, %gather3A_314, %get3A_14 : vector<16xi32>
      %add3A_316 = arith.constant 128 : i32
      %add3A_317 = vector.broadcast %add3A_316 : i32 to vector<16xi32>
      %add3A_318 = arith.addi %select_n3A_310, %add3A_317 : vector<16xi32>
      %select_n3A_319 = arith.select %le3A_315, %add3A_318, %select_n3A_310 : vector<16xi1>, vector<16xi32>
      %add3A_320 = arith.constant 63 : i32
      %add3A_321 = vector.broadcast %add3A_320 : i32 to vector<16xi32>
      %add3A_322 = arith.addi %select_n3A_319, %add3A_321 : vector<16xi32>
      %gather3A_323 = tpu.vector_load_idx %arg7[%add3A_322] : memref<2048xi32, #tpu.memory_space<vmem>>[vector<16xi32>], vector<16xi32>,
      %le3A_324 = arith.cmpi sle, %gather3A_323, %get3A_14 : vector<16xi32>
      %add3A_325 = arith.constant 64 : i32
      %add3A_326 = vector.broadcast %add3A_325 : i32 to vector<16xi32>
      %add3A_327 = arith.addi %select_n3A_319, %add3A_326 : vector<16xi32>
      %select_n3A_328 = arith.select %le3A_324, %add3A_327, %select_n3A_319 : vector<16xi1>, vector<16xi32>
      %add3A_329 = arith.constant 31 : i32
      %add3A_330 = vector.broadcast %add3A_329 : i32 to vector<16xi32>
      %add3A_331 = arith.addi %select_n3A_328, %add3A_330 : vector<16xi32>
      %gather3A_332 = tpu.vector_load_idx %arg7[%add3A_331] : memref<2048xi32, #tpu.memory_space<vmem>>[vector<16xi32>], vector<16xi32>,
      %le3A_333 = arith.cmpi sle, %gather3A_332, %get3A_14 : vector<16xi32>
      %add3A_334 = arith.constant 32 : i32
      %add3A_335 = vector.broadcast %add3A_334 : i32 to vector<16xi32>
      %add3A_336 = arith.addi %select_n3A_328, %add3A_335 : vector<16xi32>
      %select_n3A_337 = arith.select %le3A_333, %add3A_336, %select_n3A_328 : vector<16xi1>, vector<16xi32>
      %add3A_338 = arith.constant 15 : i32
      %add3A_339 = vector.broadcast %add3A_338 : i32 to vector<16xi32>
      %add3A_340 = arith.addi %select_n3A_337, %add3A_339 : vector<16xi32>
      %gather3A_341 = tpu.vector_load_idx %arg7[%add3A_340] : memref<2048xi32, #tpu.memory_space<vmem>>[vector<16xi32>], vector<16xi32>,
      %le3A_342 = arith.cmpi sle, %gather3A_341, %get3A_14 : vector<16xi32>
      %add3A_343 = arith.constant 16 : i32
      %add3A_344 = vector.broadcast %add3A_343 : i32 to vector<16xi32>
      %add3A_345 = arith.addi %select_n3A_337, %add3A_344 : vector<16xi32>
      %select_n3A_346 = arith.select %le3A_342, %add3A_345, %select_n3A_337 : vector<16xi1>, vector<16xi32>
      %add3A_347 = arith.constant 7 : i32
      %add3A_348 = vector.broadcast %add3A_347 : i32 to vector<16xi32>
      %add3A_349 = arith.addi %select_n3A_346, %add3A_348 : vector<16xi32>
      %gather3A_350 = tpu.vector_load_idx %arg7[%add3A_349] : memref<2048xi32, #tpu.memory_space<vmem>>[vector<16xi32>], vector<16xi32>,
      %le3A_351 = arith.cmpi sle, %gather3A_350, %get3A_14 : vector<16xi32>
      %add3A_352 = arith.constant 8 : i32
      %add3A_353 = vector.broadcast %add3A_352 : i32 to vector<16xi32>
      %add3A_354 = arith.addi %select_n3A_346, %add3A_353 : vector<16xi32>
      %select_n3A_355 = arith.select %le3A_351, %add3A_354, %select_n3A_346 : vector<16xi1>, vector<16xi32>
      %add3A_356 = arith.constant 3 : i32
      %add3A_357 = vector.broadcast %add3A_356 : i32 to vector<16xi32>
      %add3A_358 = arith.addi %select_n3A_355, %add3A_357 : vector<16xi32>
      %gather3A_359 = tpu.vector_load_idx %arg7[%add3A_358] : memref<2048xi32, #tpu.memory_space<vmem>>[vector<16xi32>], vector<16xi32>,
      %le3A_360 = arith.cmpi sle, %gather3A_359, %get3A_14 : vector<16xi32>
      %add3A_361 = arith.constant 4 : i32
      %add3A_362 = vector.broadcast %add3A_361 : i32 to vector<16xi32>
      %add3A_363 = arith.addi %select_n3A_355, %add3A_362 : vector<16xi32>
      %select_n3A_364 = arith.select %le3A_360, %add3A_363, %select_n3A_355 : vector<16xi1>, vector<16xi32>
      %add3A_365 = arith.constant 1 : i32
      %add3A_366 = vector.broadcast %add3A_365 : i32 to vector<16xi32>
      %add3A_367 = arith.addi %select_n3A_364, %add3A_366 : vector<16xi32>
      %gather3A_368 = tpu.vector_load_idx %arg7[%add3A_367] : memref<2048xi32, #tpu.memory_space<vmem>>[vector<16xi32>], vector<16xi32>,
      %le3A_369 = arith.cmpi sle, %gather3A_368, %get3A_14 : vector<16xi32>
      %add3A_370 = arith.constant 2 : i32
      %add3A_371 = vector.broadcast %add3A_370 : i32 to vector<16xi32>
      %add3A_372 = arith.addi %select_n3A_364, %add3A_371 : vector<16xi32>
      %select_n3A_373 = arith.select %le3A_369, %add3A_372, %select_n3A_364 : vector<16xi1>, vector<16xi32>
      %add3A_374 = arith.constant 0 : i32
      %add3A_375 = vector.broadcast %add3A_374 : i32 to vector<16xi32>
      %add3A_376 = arith.addi %select_n3A_373, %add3A_375 : vector<16xi32>
      %gather3A_377 = tpu.vector_load_idx %arg7[%add3A_376] : memref<2048xi32, #tpu.memory_space<vmem>>[vector<16xi32>], vector<16xi32>,
      %le3A_378 = arith.cmpi sle, %gather3A_377, %get3A_14 : vector<16xi32>
      %add3A_379 = arith.constant 1 : i32
      %add3A_380 = vector.broadcast %add3A_379 : i32 to vector<16xi32>
      %add3A_381 = arith.addi %select_n3A_373, %add3A_380 : vector<16xi32>
      %select_n3A_382 = arith.select %le3A_378, %add3A_381, %select_n3A_373 : vector<16xi1>, vector<16xi32>
      %sub3A = arith.constant 1 : i32
      %sub3A_383 = vector.broadcast %sub3A : i32 to vector<16xi32>
      %sub3A_384 = arith.subi %select_n3A_184, %sub3A_383 : vector<16xi32>
      %max3A = arith.constant 0 : i32
      %max3A_385 = vector.broadcast %max3A : i32 to vector<16xi32>
      %max3A_386 = arith.maxsi %sub3A_384, %max3A_385 : vector<16xi32>
      %gather3A_387 = tpu.vector_load_idx %arg7[%max3A_386] : memref<2048xi32, #tpu.memory_space<vmem>>[vector<16xi32>], vector<16xi32>,
      %gt3A = arith.constant 0 : i32
      %gt3A_388 = vector.broadcast %gt3A : i32 to vector<16xi32>
      %gt3A_389 = arith.cmpi sgt, %select_n3A_184, %gt3A_388 : vector<16xi32>
      %jit3A = arith.constant 0 : i32
      %broadcast_in_dim3A = vector.broadcast %jit3A : i32 to vector<16xi32>
      %select_n3A_390 = arith.select %gt3A_389, %gather3A_387, %broadcast_in_dim3A : vector<16xi1>, vector<16xi32>
      %sub3A_391 = arith.subi %get3A_10, %select_n3A_390 : vector<16xi32>
      %sub3A_392 = arith.constant 1 : i32
      %sub3A_393 = vector.broadcast %sub3A_392 : i32 to vector<16xi32>
      %sub3A_394 = arith.subi %select_n3A_283, %sub3A_393 : vector<16xi32>
      %max3A_395 = arith.constant 0 : i32
      %max3A_396 = vector.broadcast %max3A_395 : i32 to vector<16xi32>
      %max3A_397 = arith.maxsi %sub3A_394, %max3A_396 : vector<16xi32>
      %gather3A_398 = tpu.vector_load_idx %arg7[%max3A_397] : memref<2048xi32, #tpu.memory_space<vmem>>[vector<16xi32>], vector<16xi32>,
      %gt3A_399 = arith.constant 0 : i32
      %gt3A_400 = vector.broadcast %gt3A_399 : i32 to vector<16xi32>
      %gt3A_401 = arith.cmpi sgt, %select_n3A_283, %gt3A_400 : vector<16xi32>
      %jit3A_402 = arith.constant 0 : i32
      %broadcast_in_dim3A_403 = vector.broadcast %jit3A_402 : i32 to vector<16xi32>
      %select_n3A_404 = arith.select %gt3A_401, %gather3A_398, %broadcast_in_dim3A_403 : vector<16xi1>, vector<16xi32>
      %sub3A_405 = arith.subi %get3A_12, %select_n3A_404 : vector<16xi32>
      %sub3A_406 = arith.constant 1 : i32
      %sub3A_407 = vector.broadcast %sub3A_406 : i32 to vector<16xi32>
      %sub3A_408 = arith.subi %select_n3A_382, %sub3A_407 : vector<16xi32>
      %max3A_409 = arith.constant 0 : i32
      %max3A_410 = vector.broadcast %max3A_409 : i32 to vector<16xi32>
      %max3A_411 = arith.maxsi %sub3A_408, %max3A_410 : vector<16xi32>
      %gather3A_412 = tpu.vector_load_idx %arg7[%max3A_411] : memref<2048xi32, #tpu.memory_space<vmem>>[vector<16xi32>], vector<16xi32>,
      %gt3A_413 = arith.constant 0 : i32
      %gt3A_414 = vector.broadcast %gt3A_413 : i32 to vector<16xi32>
      %gt3A_415 = arith.cmpi sgt, %select_n3A_382, %gt3A_414 : vector<16xi32>
      %jit3A_416 = arith.constant 0 : i32
      %broadcast_in_dim3A_417 = vector.broadcast %jit3A_416 : i32 to vector<16xi32>
      %select_n3A_418 = arith.select %gt3A_415, %gather3A_412, %broadcast_in_dim3A_417 : vector<16xi1>, vector<16xi32>
      %sub3A_419 = arith.subi %get3A_14, %select_n3A_418 : vector<16xi32>
      %scan3A_420 = arith.constant 0 : i32
      %scan3A_421 = arith.constant 0 : i32
      %scan3A_422 = arith.constant 32 : i32
      %scan3A_423 = arith.addi %scan3A_421, %scan3A_422 : i32
      %scan3A_424 = arith.constant 1 : i32
      %scan3A_425 = scf.for %scan3A_784 = %scan3A_421 to %scan3A_423 step %scan3A_424 iter_args(%scan3A_785 = %scan3A_420) -> (i32)  : i32 {
        %mul3A_786 = arith.constant 4 : i32
        %mul3A_787 = arith.muli %scan3A_784, %mul3A_786 : i32
        %add3A_788 = arith.constant 0 : i32
        %add3A_789 = arith.addi %mul3A_787, %add3A_788 : i32
        %mul3A_790 = arith.constant 16 : i32
        %mul3A_791 = arith.muli %add3A_789, %mul3A_790 : i32
        %swap3A_792 = arith.index_cast %mul3A_791 : i32 to index
        %swap3A_793 = tpu.vector_load %arg7[%swap3A_792] {strides = array<i32>} : memref<2048xi32, #tpu.memory_space<vmem>>, vector<16xi32>,
        tpu.vector_store %arg7[%swap3A_792], %mul3A_3 {strides = array<i32>} : memref<2048xi32, #tpu.memory_space<vmem>>, vector<16xi32>,
        %mul3A_794 = arith.constant 4 : i32
        %mul3A_795 = arith.muli %scan3A_784, %mul3A_794 : i32
        %add3A_796 = arith.constant 1 : i32
        %add3A_797 = arith.addi %mul3A_795, %add3A_796 : i32
        %mul3A_798 = arith.constant 16 : i32
        %mul3A_799 = arith.muli %add3A_797, %mul3A_798 : i32
        %swap3A_800 = arith.index_cast %mul3A_799 : i32 to index
        %swap3A_801 = tpu.vector_load %arg7[%swap3A_800] {strides = array<i32>} : memref<2048xi32, #tpu.memory_space<vmem>>, vector<16xi32>,
        tpu.vector_store %arg7[%swap3A_800], %mul3A_3 {strides = array<i32>} : memref<2048xi32, #tpu.memory_space<vmem>>, vector<16xi32>,
        %mul3A_802 = arith.constant 4 : i32
        %mul3A_803 = arith.muli %scan3A_784, %mul3A_802 : i32
        %add3A_804 = arith.constant 2 : i32
        %add3A_805 = arith.addi %mul3A_803, %add3A_804 : i32
        %mul3A_806 = arith.constant 16 : i32
        %mul3A_807 = arith.muli %add3A_805, %mul3A_806 : i32
        %swap3A_808 = arith.index_cast %mul3A_807 : i32 to index
        %swap3A_809 = tpu.vector_load %arg7[%swap3A_808] {strides = array<i32>} : memref<2048xi32, #tpu.memory_space<vmem>>, vector<16xi32>,
        tpu.vector_store %arg7[%swap3A_808], %mul3A_3 {strides = array<i32>} : memref<2048xi32, #tpu.memory_space<vmem>>, vector<16xi32>,
        %mul3A_810 = arith.constant 4 : i32
        %mul3A_811 = arith.muli %scan3A_784, %mul3A_810 : i32
        %add3A_812 = arith.constant 3 : i32
        %add3A_813 = arith.addi %mul3A_811, %add3A_812 : i32
        %mul3A_814 = arith.constant 16 : i32
        %mul3A_815 = arith.muli %add3A_813, %mul3A_814 : i32
        %swap3A_816 = arith.index_cast %mul3A_815 : i32 to index
        %swap3A_817 = tpu.vector_load %arg7[%swap3A_816] {strides = array<i32>} : memref<2048xi32, #tpu.memory_space<vmem>>, vector<16xi32>,
        tpu.vector_store %arg7[%swap3A_816], %mul3A_3 {strides = array<i32>} : memref<2048xi32, #tpu.memory_space<vmem>>, vector<16xi32>,
        %scan3A_818 = arith.constant 0 : i32
        scf.yield %scan3A_818 : i32
      }
      %scan3A_426 = arith.constant 32 : i32
      %swap3A = arith.constant 1 : index
      %swap3A_427 = tpu.vector_load %arg14[%swap3A] {strides = array<i32>} : memref<64xi32, #tpu.memory_space<vmem>>, vector<16xi32>,
      tpu.vector_store %arg14[%swap3A], %select_n3A_184 {strides = array<i32>} : memref<64xi32, #tpu.memory_space<vmem>>, vector<16xi32>,
      %swap3A_428 = arith.constant 17 : index
      %swap3A_429 = tpu.vector_load %arg14[%swap3A_428] {strides = array<i32>} : memref<64xi32, #tpu.memory_space<vmem>>, vector<16xi32>,
      tpu.vector_store %arg14[%swap3A_428], %select_n3A_283 {strides = array<i32>} : memref<64xi32, #tpu.memory_space<vmem>>, vector<16xi32>,
      %swap3A_430 = arith.constant 33 : index
      %swap3A_431 = tpu.vector_load %arg14[%swap3A_430] {strides = array<i32>} : memref<64xi32, #tpu.memory_space<vmem>>, vector<16xi32>,
      tpu.vector_store %arg14[%swap3A_430], %select_n3A_382 {strides = array<i32>} : memref<64xi32, #tpu.memory_space<vmem>>, vector<16xi32>,
      %get3A_432 = arith.constant 0 : index
      %get3A_433 = tpu.vector_load %arg14[%get3A_432] {strides = array<i32>} : memref<64xi32, #tpu.memory_space<vmem>>, vector<16xi32>,
      %get3A_434 = arith.constant 16 : index
      %get3A_435 = tpu.vector_load %arg14[%get3A_434] {strides = array<i32>} : memref<64xi32, #tpu.memory_space<vmem>>, vector<16xi32>,
      %get3A_436 = arith.constant 32 : index
      %get3A_437 = tpu.vector_load %arg14[%get3A_436] {strides = array<i32>} : memref<64xi32, #tpu.memory_space<vmem>>, vector<16xi32>,
      %ne3A = arith.cmpi ne, %select_n3A_184, %get3A_433 : vector<16xi32>
      %eq3A = arith.constant 0 : i32
      %eq3A_438 = vector.broadcast %eq3A : i32 to vector<16xi32>
      %eq3A_439 = arith.cmpi eq, %iota3A, %eq3A_438 : vector<16xi32>
      %or3A = arith.ori %ne3A, %eq3A_439 : vector<16xi1>
      %ne3A_440 = arith.cmpi ne, %select_n3A_283, %get3A_435 : vector<16xi32>
      %ne3A_441 = arith.cmpi ne, %select_n3A_382, %get3A_437 : vector<16xi32>
      %convert_element_type3A_442 = arith.extui %or3A : vector<16xi1> to vector<16xi32>
      %convert_element_type3A_443 = arith.extui %ne3A_440 : vector<16xi1> to vector<16xi32>
      %convert_element_type3A_444 = arith.extui %ne3A_441 : vector<16xi1> to vector<16xi32>
      %reduce_sum3A = arith.constant true
      %reduce_sum3A_445 = vector.broadcast %reduce_sum3A : i1 to vector<16xi1>
      %reduce_sum3A_446 = tpu.scan <sum>, %convert_element_type3A_442 masked %reduce_sum3A_445 : vector<16xi32>, vector<16xi1> -> vector<16xi32>
      %reduce_sum3A_447 = vector.extract %reduce_sum3A_446[15] : i32 from vector<16xi32>
      %reduce_sum3A_448 = arith.constant true
      %reduce_sum3A_449 = vector.broadcast %reduce_sum3A_448 : i1 to vector<16xi1>
      %reduce_sum3A_450 = tpu.scan <sum>, %convert_element_type3A_443 masked %reduce_sum3A_449 : vector<16xi32>, vector<16xi1> -> vector<16xi32>
      %reduce_sum3A_451 = vector.extract %reduce_sum3A_450[15] : i32 from vector<16xi32>
      %broadcast_in_dim3A_452 = arith.constant true
      %broadcast_in_dim3A_453 = vector.broadcast %broadcast_in_dim3A_452 : i1 to vector<16xi1>
      %masked_cumsum3A = tpu.scan <sum>, %convert_element_type3A_442 masked %broadcast_in_dim3A_453 : vector<16xi32>, vector<16xi1> -> vector<16xi32>
      %sub3A_454 = arith.constant 1 : i32
      %sub3A_455 = vector.broadcast %sub3A_454 : i32 to vector<16xi32>
      %sub3A_456 = arith.subi %masked_cumsum3A, %sub3A_455 : vector<16xi32>
      %broadcast_in_dim3A_457 = arith.constant true
      %broadcast_in_dim3A_458 = vector.broadcast %broadcast_in_dim3A_457 : i1 to vector<16xi1>
      %masked_cumsum3A_459 = tpu.scan <sum>, %convert_element_type3A_443 masked %broadcast_in_dim3A_458 : vector<16xi32>, vector<16xi1> -> vector<16xi32>
      %sub3A_460 = arith.constant 1 : i32
      %sub3A_461 = arith.subi %reduce_sum3A_447, %sub3A_460 : i32
      %add3A_462 = vector.broadcast %sub3A_461 : i32 to vector<16xi32>
      %add3A_463 = arith.addi %masked_cumsum3A_459, %add3A_462 : vector<16xi32>
      %broadcast_in_dim3A_464 = arith.constant true
      %broadcast_in_dim3A_465 = vector.broadcast %broadcast_in_dim3A_464 : i1 to vector<16xi1>
      %masked_cumsum3A_466 = tpu.scan <sum>, %convert_element_type3A_444 masked %broadcast_in_dim3A_465 : vector<16xi32>, vector<16xi1> -> vector<16xi32>
      %add3A_467 = arith.addi %reduce_sum3A_447, %reduce_sum3A_451 : i32
      %sub3A_468 = arith.constant 1 : i32
      %sub3A_469 = arith.subi %add3A_467, %sub3A_468 : i32
      %add3A_470 = vector.broadcast %sub3A_469 : i32 to vector<16xi32>
      %add3A_471 = arith.addi %masked_cumsum3A_466, %add3A_470 : vector<16xi32>
      tpu.vector_store_idx %arg8[%select_n3A_184], %sub3A_456 masked %or3A : memref<2048xi32, #tpu.memory_space<vmem>>[vector<16xi32>], vector<16xi32>, vector<16xi1>
      tpu.vector_store_idx %arg8[%select_n3A_283], %add3A_463 masked %ne3A_440 : memref<2048xi32, #tpu.memory_space<vmem>>[vector<16xi32>], vector<16xi32>, vector<16xi1>
      tpu.vector_store_idx %arg8[%select_n3A_382], %add3A_471 masked %ne3A_441 : memref<2048xi32, #tpu.memory_space<vmem>>[vector<16xi32>], vector<16xi32>, vector<16xi1>
      %scan3A_472 = arith.constant 0 : i32
      %scan3A_473 = arith.constant 0 : i32
      %scan3A_474 = arith.constant 64 : i32
      %scan3A_475 = arith.addi %scan3A_473, %scan3A_474 : i32
      %scan3A_476 = arith.constant 1 : i32
      %scan3A_477 = scf.for %scan3A_784 = %scan3A_473 to %scan3A_475 step %scan3A_476 iter_args(%scan3A_785 = %scan3A_472) -> (i32)  : i32 {
        %mul3A_786 = arith.constant 16 : i32
        %mul3A_787 = arith.muli %scan3A_784, %mul3A_786 : i32
        %add3A_788 = arith.constant 0 : i32
        %add3A_789 = arith.addi %mul3A_787, %add3A_788 : i32
        %mul3A_790 = arith.constant 16 : i32
        %mul3A_791 = arith.muli %add3A_789, %mul3A_790 : i32
        %get3A_792 = arith.index_cast %rem3A_57 : i32 to index
        %get3A_793 = arith.index_cast %mul3A_791 : i32 to index
        %get3A_794 = tpu.vector_load %arg6[%get3A_792, %get3A_793] {strides = array<i32>} : memref<2x16384xf32, #tpu.memory_space<vmem>>, vector<16xf32>,
        %bitcast_convert_type3A_795 = tpu.bitcast %get3A_794 : vector<16xf32> -> vector<16xi32>
        %mul3A_796 = arith.constant 16 : i32
        %mul3A_797 = arith.muli %scan3A_784, %mul3A_796 : i32
        %add3A_798 = arith.constant 1 : i32
        %add3A_799 = arith.addi %mul3A_797, %add3A_798 : i32
        %mul3A_800 = arith.constant 16 : i32
        %mul3A_801 = arith.muli %add3A_799, %mul3A_800 : i32
        %get3A_802 = arith.index_cast %rem3A_57 : i32 to index
        %get3A_803 = arith.index_cast %mul3A_801 : i32 to index
        %get3A_804 = tpu.vector_load %arg6[%get3A_802, %get3A_803] {strides = array<i32>} : memref<2x16384xf32, #tpu.memory_space<vmem>>, vector<16xf32>,
        %bitcast_convert_type3A_805 = tpu.bitcast %get3A_804 : vector<16xf32> -> vector<16xi32>
        %mul3A_806 = arith.constant 16 : i32
        %mul3A_807 = arith.muli %scan3A_784, %mul3A_806 : i32
        %add3A_808 = arith.constant 2 : i32
        %add3A_809 = arith.addi %mul3A_807, %add3A_808 : i32
        %mul3A_810 = arith.constant 16 : i32
        %mul3A_811 = arith.muli %add3A_809, %mul3A_810 : i32
        %get3A_812 = arith.index_cast %rem3A_57 : i32 to index
        %get3A_813 = arith.index_cast %mul3A_811 : i32 to index
        %get3A_814 = tpu.vector_load %arg6[%get3A_812, %get3A_813] {strides = array<i32>} : memref<2x16384xf32, #tpu.memory_space<vmem>>, vector<16xf32>,
        %bitcast_convert_type3A_815 = tpu.bitcast %get3A_814 : vector<16xf32> -> vector<16xi32>
        %mul3A_816 = arith.constant 16 : i32
        %mul3A_817 = arith.muli %scan3A_784, %mul3A_816 : i32
        %add3A_818 = arith.constant 3 : i32
        %add3A_819 = arith.addi %mul3A_817, %add3A_818 : i32
        %mul3A_820 = arith.constant 16 : i32
        %mul3A_821 = arith.muli %add3A_819, %mul3A_820 : i32
        %get3A_822 = arith.index_cast %rem3A_57 : i32 to index
        %get3A_823 = arith.index_cast %mul3A_821 : i32 to index
        %get3A_824 = tpu.vector_load %arg6[%get3A_822, %get3A_823] {strides = array<i32>} : memref<2x16384xf32, #tpu.memory_space<vmem>>, vector<16xf32>,
        %bitcast_convert_type3A_825 = tpu.bitcast %get3A_824 : vector<16xf32> -> vector<16xi32>
        %mul3A_826 = arith.constant 16 : i32
        %mul3A_827 = arith.muli %scan3A_784, %mul3A_826 : i32
        %add3A_828 = arith.constant 4 : i32
        %add3A_829 = arith.addi %mul3A_827, %add3A_828 : i32
        %mul3A_830 = arith.constant 16 : i32
        %mul3A_831 = arith.muli %add3A_829, %mul3A_830 : i32
        %get3A_832 = arith.index_cast %rem3A_57 : i32 to index
        %get3A_833 = arith.index_cast %mul3A_831 : i32 to index
        %get3A_834 = tpu.vector_load %arg6[%get3A_832, %get3A_833] {strides = array<i32>} : memref<2x16384xf32, #tpu.memory_space<vmem>>, vector<16xf32>,
        %bitcast_convert_type3A_835 = tpu.bitcast %get3A_834 : vector<16xf32> -> vector<16xi32>
        %mul3A_836 = arith.constant 16 : i32
        %mul3A_837 = arith.muli %scan3A_784, %mul3A_836 : i32
        %add3A_838 = arith.constant 5 : i32
        %add3A_839 = arith.addi %mul3A_837, %add3A_838 : i32
        %mul3A_840 = arith.constant 16 : i32
        %mul3A_841 = arith.muli %add3A_839, %mul3A_840 : i32
        %get3A_842 = arith.index_cast %rem3A_57 : i32 to index
        %get3A_843 = arith.index_cast %mul3A_841 : i32 to index
        %get3A_844 = tpu.vector_load %arg6[%get3A_842, %get3A_843] {strides = array<i32>} : memref<2x16384xf32, #tpu.memory_space<vmem>>, vector<16xf32>,
        %bitcast_convert_type3A_845 = tpu.bitcast %get3A_844 : vector<16xf32> -> vector<16xi32>
        %mul3A_846 = arith.constant 16 : i32
        %mul3A_847 = arith.muli %scan3A_784, %mul3A_846 : i32
        %add3A_848 = arith.constant 6 : i32
        %add3A_849 = arith.addi %mul3A_847, %add3A_848 : i32
        %mul3A_850 = arith.constant 16 : i32
        %mul3A_851 = arith.muli %add3A_849, %mul3A_850 : i32
        %get3A_852 = arith.index_cast %rem3A_57 : i32 to index
        %get3A_853 = arith.index_cast %mul3A_851 : i32 to index
        %get3A_854 = tpu.vector_load %arg6[%get3A_852, %get3A_853] {strides = array<i32>} : memref<2x16384xf32, #tpu.memory_space<vmem>>, vector<16xf32>,
        %bitcast_convert_type3A_855 = tpu.bitcast %get3A_854 : vector<16xf32> -> vector<16xi32>
        %mul3A_856 = arith.constant 16 : i32
        %mul3A_857 = arith.muli %scan3A_784, %mul3A_856 : i32
        %add3A_858 = arith.constant 7 : i32
        %add3A_859 = arith.addi %mul3A_857, %add3A_858 : i32
        %mul3A_860 = arith.constant 16 : i32
        %mul3A_861 = arith.muli %add3A_859, %mul3A_860 : i32
        %get3A_862 = arith.index_cast %rem3A_57 : i32 to index
        %get3A_863 = arith.index_cast %mul3A_861 : i32 to index
        %get3A_864 = tpu.vector_load %arg6[%get3A_862, %get3A_863] {strides = array<i32>} : memref<2x16384xf32, #tpu.memory_space<vmem>>, vector<16xf32>,
        %bitcast_convert_type3A_865 = tpu.bitcast %get3A_864 : vector<16xf32> -> vector<16xi32>
        %mul3A_866 = arith.constant 16 : i32
        %mul3A_867 = arith.muli %scan3A_784, %mul3A_866 : i32
        %add3A_868 = arith.constant 8 : i32
        %add3A_869 = arith.addi %mul3A_867, %add3A_868 : i32
        %mul3A_870 = arith.constant 16 : i32
        %mul3A_871 = arith.muli %add3A_869, %mul3A_870 : i32
        %get3A_872 = arith.index_cast %rem3A_57 : i32 to index
        %get3A_873 = arith.index_cast %mul3A_871 : i32 to index
        %get3A_874 = tpu.vector_load %arg6[%get3A_872, %get3A_873] {strides = array<i32>} : memref<2x16384xf32, #tpu.memory_space<vmem>>, vector<16xf32>,
        %bitcast_convert_type3A_875 = tpu.bitcast %get3A_874 : vector<16xf32> -> vector<16xi32>
        %mul3A_876 = arith.constant 16 : i32
        %mul3A_877 = arith.muli %scan3A_784, %mul3A_876 : i32
        %add3A_878 = arith.constant 9 : i32
        %add3A_879 = arith.addi %mul3A_877, %add3A_878 : i32
        %mul3A_880 = arith.constant 16 : i32
        %mul3A_881 = arith.muli %add3A_879, %mul3A_880 : i32
        %get3A_882 = arith.index_cast %rem3A_57 : i32 to index
        %get3A_883 = arith.index_cast %mul3A_881 : i32 to index
        %get3A_884 = tpu.vector_load %arg6[%get3A_882, %get3A_883] {strides = array<i32>} : memref<2x16384xf32, #tpu.memory_space<vmem>>, vector<16xf32>,
        %bitcast_convert_type3A_885 = tpu.bitcast %get3A_884 : vector<16xf32> -> vector<16xi32>
        %mul3A_886 = arith.constant 16 : i32
        %mul3A_887 = arith.muli %scan3A_784, %mul3A_886 : i32
        %add3A_888 = arith.constant 10 : i32
        %add3A_889 = arith.addi %mul3A_887, %add3A_888 : i32
        %mul3A_890 = arith.constant 16 : i32
        %mul3A_891 = arith.muli %add3A_889, %mul3A_890 : i32
        %get3A_892 = arith.index_cast %rem3A_57 : i32 to index
        %get3A_893 = arith.index_cast %mul3A_891 : i32 to index
        %get3A_894 = tpu.vector_load %arg6[%get3A_892, %get3A_893] {strides = array<i32>} : memref<2x16384xf32, #tpu.memory_space<vmem>>, vector<16xf32>,
        %bitcast_convert_type3A_895 = tpu.bitcast %get3A_894 : vector<16xf32> -> vector<16xi32>
        %mul3A_896 = arith.constant 16 : i32
        %mul3A_897 = arith.muli %scan3A_784, %mul3A_896 : i32
        %add3A_898 = arith.constant 11 : i32
        %add3A_899 = arith.addi %mul3A_897, %add3A_898 : i32
        %mul3A_900 = arith.constant 16 : i32
        %mul3A_901 = arith.muli %add3A_899, %mul3A_900 : i32
        %get3A_902 = arith.index_cast %rem3A_57 : i32 to index
        %get3A_903 = arith.index_cast %mul3A_901 : i32 to index
        %get3A_904 = tpu.vector_load %arg6[%get3A_902, %get3A_903] {strides = array<i32>} : memref<2x16384xf32, #tpu.memory_space<vmem>>, vector<16xf32>,
        %bitcast_convert_type3A_905 = tpu.bitcast %get3A_904 : vector<16xf32> -> vector<16xi32>
        %mul3A_906 = arith.constant 16 : i32
        %mul3A_907 = arith.muli %scan3A_784, %mul3A_906 : i32
        %add3A_908 = arith.constant 12 : i32
        %add3A_909 = arith.addi %mul3A_907, %add3A_908 : i32
        %mul3A_910 = arith.constant 16 : i32
        %mul3A_911 = arith.muli %add3A_909, %mul3A_910 : i32
        %get3A_912 = arith.index_cast %rem3A_57 : i32 to index
        %get3A_913 = arith.index_cast %mul3A_911 : i32 to index
        %get3A_914 = tpu.vector_load %arg6[%get3A_912, %get3A_913] {strides = array<i32>} : memref<2x16384xf32, #tpu.memory_space<vmem>>, vector<16xf32>,
        %bitcast_convert_type3A_915 = tpu.bitcast %get3A_914 : vector<16xf32> -> vector<16xi32>
        %mul3A_916 = arith.constant 16 : i32
        %mul3A_917 = arith.muli %scan3A_784, %mul3A_916 : i32
        %add3A_918 = arith.constant 13 : i32
        %add3A_919 = arith.addi %mul3A_917, %add3A_918 : i32
        %mul3A_920 = arith.constant 16 : i32
        %mul3A_921 = arith.muli %add3A_919, %mul3A_920 : i32
        %get3A_922 = arith.index_cast %rem3A_57 : i32 to index
        %get3A_923 = arith.index_cast %mul3A_921 : i32 to index
        %get3A_924 = tpu.vector_load %arg6[%get3A_922, %get3A_923] {strides = array<i32>} : memref<2x16384xf32, #tpu.memory_space<vmem>>, vector<16xf32>,
        %bitcast_convert_type3A_925 = tpu.bitcast %get3A_924 : vector<16xf32> -> vector<16xi32>
        %mul3A_926 = arith.constant 16 : i32
        %mul3A_927 = arith.muli %scan3A_784, %mul3A_926 : i32
        %add3A_928 = arith.constant 14 : i32
        %add3A_929 = arith.addi %mul3A_927, %add3A_928 : i32
        %mul3A_930 = arith.constant 16 : i32
        %mul3A_931 = arith.muli %add3A_929, %mul3A_930 : i32
        %get3A_932 = arith.index_cast %rem3A_57 : i32 to index
        %get3A_933 = arith.index_cast %mul3A_931 : i32 to index
        %get3A_934 = tpu.vector_load %arg6[%get3A_932, %get3A_933] {strides = array<i32>} : memref<2x16384xf32, #tpu.memory_space<vmem>>, vector<16xf32>,
        %bitcast_convert_type3A_935 = tpu.bitcast %get3A_934 : vector<16xf32> -> vector<16xi32>
        %mul3A_936 = arith.constant 16 : i32
        %mul3A_937 = arith.muli %scan3A_784, %mul3A_936 : i32
        %add3A_938 = arith.constant 15 : i32
        %add3A_939 = arith.addi %mul3A_937, %add3A_938 : i32
        %mul3A_940 = arith.constant 16 : i32
        %mul3A_941 = arith.muli %add3A_939, %mul3A_940 : i32
        %get3A_942 = arith.index_cast %rem3A_57 : i32 to index
        %get3A_943 = arith.index_cast %mul3A_941 : i32 to index
        %get3A_944 = tpu.vector_load %arg6[%get3A_942, %get3A_943] {strides = array<i32>} : memref<2x16384xf32, #tpu.memory_space<vmem>>, vector<16xf32>,
        %bitcast_convert_type3A_945 = tpu.bitcast %get3A_944 : vector<16xf32> -> vector<16xi32>
        %shift_right_logical3A_946 = arith.constant 21 : i32
        %shift_right_logical3A_947 = vector.broadcast %shift_right_logical3A_946 : i32 to vector<16xi32>
        %shift_right_logical3A_948 = arith.shrui %bitcast_convert_type3A_795, %shift_right_logical3A_947 : vector<16xi32>
        %gather3A_949 = tpu.vector_load_idx %arg8[%shift_right_logical3A_948] : memref<2048xi32, #tpu.memory_space<vmem>>[vector<16xi32>], vector<16xi32>,
        %shift_right_logical3A_950 = arith.constant 21 : i32
        %shift_right_logical3A_951 = vector.broadcast %shift_right_logical3A_950 : i32 to vector<16xi32>
        %shift_right_logical3A_952 = arith.shrui %bitcast_convert_type3A_805, %shift_right_logical3A_951 : vector<16xi32>
        %gather3A_953 = tpu.vector_load_idx %arg8[%shift_right_logical3A_952] : memref<2048xi32, #tpu.memory_space<vmem>>[vector<16xi32>], vector<16xi32>,
        %shift_right_logical3A_954 = arith.constant 21 : i32
        %shift_right_logical3A_955 = vector.broadcast %shift_right_logical3A_954 : i32 to vector<16xi32>
        %shift_right_logical3A_956 = arith.shrui %bitcast_convert_type3A_815, %shift_right_logical3A_955 : vector<16xi32>
        %gather3A_957 = tpu.vector_load_idx %arg8[%shift_right_logical3A_956] : memref<2048xi32, #tpu.memory_space<vmem>>[vector<16xi32>], vector<16xi32>,
        %shift_right_logical3A_958 = arith.constant 21 : i32
        %shift_right_logical3A_959 = vector.broadcast %shift_right_logical3A_958 : i32 to vector<16xi32>
        %shift_right_logical3A_960 = arith.shrui %bitcast_convert_type3A_825, %shift_right_logical3A_959 : vector<16xi32>
        %gather3A_961 = tpu.vector_load_idx %arg8[%shift_right_logical3A_960] : memref<2048xi32, #tpu.memory_space<vmem>>[vector<16xi32>], vector<16xi32>,
        %shift_right_logical3A_962 = arith.constant 21 : i32
        %shift_right_logical3A_963 = vector.broadcast %shift_right_logical3A_962 : i32 to vector<16xi32>
        %shift_right_logical3A_964 = arith.shrui %bitcast_convert_type3A_835, %shift_right_logical3A_963 : vector<16xi32>
        %gather3A_965 = tpu.vector_load_idx %arg8[%shift_right_logical3A_964] : memref<2048xi32, #tpu.memory_space<vmem>>[vector<16xi32>], vector<16xi32>,
        %shift_right_logical3A_966 = arith.constant 21 : i32
        %shift_right_logical3A_967 = vector.broadcast %shift_right_logical3A_966 : i32 to vector<16xi32>
        %shift_right_logical3A_968 = arith.shrui %bitcast_convert_type3A_845, %shift_right_logical3A_967 : vector<16xi32>
        %gather3A_969 = tpu.vector_load_idx %arg8[%shift_right_logical3A_968] : memref<2048xi32, #tpu.memory_space<vmem>>[vector<16xi32>], vector<16xi32>,
        %shift_right_logical3A_970 = arith.constant 21 : i32
        %shift_right_logical3A_971 = vector.broadcast %shift_right_logical3A_970 : i32 to vector<16xi32>
        %shift_right_logical3A_972 = arith.shrui %bitcast_convert_type3A_855, %shift_right_logical3A_971 : vector<16xi32>
        %gather3A_973 = tpu.vector_load_idx %arg8[%shift_right_logical3A_972] : memref<2048xi32, #tpu.memory_space<vmem>>[vector<16xi32>], vector<16xi32>,
        %shift_right_logical3A_974 = arith.constant 21 : i32
        %shift_right_logical3A_975 = vector.broadcast %shift_right_logical3A_974 : i32 to vector<16xi32>
        %shift_right_logical3A_976 = arith.shrui %bitcast_convert_type3A_865, %shift_right_logical3A_975 : vector<16xi32>
        %gather3A_977 = tpu.vector_load_idx %arg8[%shift_right_logical3A_976] : memref<2048xi32, #tpu.memory_space<vmem>>[vector<16xi32>], vector<16xi32>,
        %shift_right_logical3A_978 = arith.constant 21 : i32
        %shift_right_logical3A_979 = vector.broadcast %shift_right_logical3A_978 : i32 to vector<16xi32>
        %shift_right_logical3A_980 = arith.shrui %bitcast_convert_type3A_875, %shift_right_logical3A_979 : vector<16xi32>
        %gather3A_981 = tpu.vector_load_idx %arg8[%shift_right_logical3A_980] : memref<2048xi32, #tpu.memory_space<vmem>>[vector<16xi32>], vector<16xi32>,
        %shift_right_logical3A_982 = arith.constant 21 : i32
        %shift_right_logical3A_983 = vector.broadcast %shift_right_logical3A_982 : i32 to vector<16xi32>
        %shift_right_logical3A_984 = arith.shrui %bitcast_convert_type3A_885, %shift_right_logical3A_983 : vector<16xi32>
        %gather3A_985 = tpu.vector_load_idx %arg8[%shift_right_logical3A_984] : memref<2048xi32, #tpu.memory_space<vmem>>[vector<16xi32>], vector<16xi32>,
        %shift_right_logical3A_986 = arith.constant 21 : i32
        %shift_right_logical3A_987 = vector.broadcast %shift_right_logical3A_986 : i32 to vector<16xi32>
        %shift_right_logical3A_988 = arith.shrui %bitcast_convert_type3A_895, %shift_right_logical3A_987 : vector<16xi32>
        %gather3A_989 = tpu.vector_load_idx %arg8[%shift_right_logical3A_988] : memref<2048xi32, #tpu.memory_space<vmem>>[vector<16xi32>], vector<16xi32>,
        %shift_right_logical3A_990 = arith.constant 21 : i32
        %shift_right_logical3A_991 = vector.broadcast %shift_right_logical3A_990 : i32 to vector<16xi32>
        %shift_right_logical3A_992 = arith.shrui %bitcast_convert_type3A_905, %shift_right_logical3A_991 : vector<16xi32>
        %gather3A_993 = tpu.vector_load_idx %arg8[%shift_right_logical3A_992] : memref<2048xi32, #tpu.memory_space<vmem>>[vector<16xi32>], vector<16xi32>,
        %shift_right_logical3A_994 = arith.constant 21 : i32
        %shift_right_logical3A_995 = vector.broadcast %shift_right_logical3A_994 : i32 to vector<16xi32>
        %shift_right_logical3A_996 = arith.shrui %bitcast_convert_type3A_915, %shift_right_logical3A_995 : vector<16xi32>
        %gather3A_997 = tpu.vector_load_idx %arg8[%shift_right_logical3A_996] : memref<2048xi32, #tpu.memory_space<vmem>>[vector<16xi32>], vector<16xi32>,
        %shift_right_logical3A_998 = arith.constant 21 : i32
        %shift_right_logical3A_999 = vector.broadcast %shift_right_logical3A_998 : i32 to vector<16xi32>
        %shift_right_logical3A_1000 = arith.shrui %bitcast_convert_type3A_925, %shift_right_logical3A_999 : vector<16xi32>
        %gather3A_1001 = tpu.vector_load_idx %arg8[%shift_right_logical3A_1000] : memref<2048xi32, #tpu.memory_space<vmem>>[vector<16xi32>], vector<16xi32>,
        %shift_right_logical3A_1002 = arith.constant 21 : i32
        %shift_right_logical3A_1003 = vector.broadcast %shift_right_logical3A_1002 : i32 to vector<16xi32>
        %shift_right_logical3A_1004 = arith.shrui %bitcast_convert_type3A_935, %shift_right_logical3A_1003 : vector<16xi32>
        %gather3A_1005 = tpu.vector_load_idx %arg8[%shift_right_logical3A_1004] : memref<2048xi32, #tpu.memory_space<vmem>>[vector<16xi32>], vector<16xi32>,
        %shift_right_logical3A_1006 = arith.constant 21 : i32
        %shift_right_logical3A_1007 = vector.broadcast %shift_right_logical3A_1006 : i32 to vector<16xi32>
        %shift_right_logical3A_1008 = arith.shrui %bitcast_convert_type3A_945, %shift_right_logical3A_1007 : vector<16xi32>
        %gather3A_1009 = tpu.vector_load_idx %arg8[%shift_right_logical3A_1008] : memref<2048xi32, #tpu.memory_space<vmem>>[vector<16xi32>], vector<16xi32>,
        %shift_right_logical3A_1010 = arith.constant 14 : i32
        %shift_right_logical3A_1011 = vector.broadcast %shift_right_logical3A_1010 : i32 to vector<16xi32>
        %shift_right_logical3A_1012 = arith.shrui %bitcast_convert_type3A_795, %shift_right_logical3A_1011 : vector<16xi32>
        %and3A_1013 = arith.constant 127 : i32
        %and3A_1014 = vector.broadcast %and3A_1013 : i32 to vector<16xi32>
        %and3A_1015 = arith.andi %shift_right_logical3A_1012, %and3A_1014 : vector<16xi32>
        %mul3A_1016 = arith.constant 48 : i32
        %mul3A_1017 = vector.broadcast %mul3A_1016 : i32 to vector<16xi32>
        %mul3A_1018 = arith.muli %and3A_1015, %mul3A_1017 : vector<16xi32>
        %add3A_1019 = arith.addi %mul3A_1018, %gather3A_949 : vector<16xi32>
        %shift_right_logical3A_1020 = arith.constant 14 : i32
        %shift_right_logical3A_1021 = vector.broadcast %shift_right_logical3A_1020 : i32 to vector<16xi32>
        %shift_right_logical3A_1022 = arith.shrui %bitcast_convert_type3A_805, %shift_right_logical3A_1021 : vector<16xi32>
        %and3A_1023 = arith.constant 127 : i32
        %and3A_1024 = vector.broadcast %and3A_1023 : i32 to vector<16xi32>
        %and3A_1025 = arith.andi %shift_right_logical3A_1022, %and3A_1024 : vector<16xi32>
        %mul3A_1026 = arith.constant 48 : i32
        %mul3A_1027 = vector.broadcast %mul3A_1026 : i32 to vector<16xi32>
        %mul3A_1028 = arith.muli %and3A_1025, %mul3A_1027 : vector<16xi32>
        %add3A_1029 = arith.addi %mul3A_1028, %gather3A_953 : vector<16xi32>
        %shift_right_logical3A_1030 = arith.constant 14 : i32
        %shift_right_logical3A_1031 = vector.broadcast %shift_right_logical3A_1030 : i32 to vector<16xi32>
        %shift_right_logical3A_1032 = arith.shrui %bitcast_convert_type3A_815, %shift_right_logical3A_1031 : vector<16xi32>
        %and3A_1033 = arith.constant 127 : i32
        %and3A_1034 = vector.broadcast %and3A_1033 : i32 to vector<16xi32>
        %and3A_1035 = arith.andi %shift_right_logical3A_1032, %and3A_1034 : vector<16xi32>
        %mul3A_1036 = arith.constant 48 : i32
        %mul3A_1037 = vector.broadcast %mul3A_1036 : i32 to vector<16xi32>
        %mul3A_1038 = arith.muli %and3A_1035, %mul3A_1037 : vector<16xi32>
        %add3A_1039 = arith.addi %mul3A_1038, %gather3A_957 : vector<16xi32>
        %shift_right_logical3A_1040 = arith.constant 14 : i32
        %shift_right_logical3A_1041 = vector.broadcast %shift_right_logical3A_1040 : i32 to vector<16xi32>
        %shift_right_logical3A_1042 = arith.shrui %bitcast_convert_type3A_825, %shift_right_logical3A_1041 : vector<16xi32>
        %and3A_1043 = arith.constant 127 : i32
        %and3A_1044 = vector.broadcast %and3A_1043 : i32 to vector<16xi32>
        %and3A_1045 = arith.andi %shift_right_logical3A_1042, %and3A_1044 : vector<16xi32>
        %mul3A_1046 = arith.constant 48 : i32
        %mul3A_1047 = vector.broadcast %mul3A_1046 : i32 to vector<16xi32>
        %mul3A_1048 = arith.muli %and3A_1045, %mul3A_1047 : vector<16xi32>
        %add3A_1049 = arith.addi %mul3A_1048, %gather3A_961 : vector<16xi32>
        %shift_right_logical3A_1050 = arith.constant 14 : i32
        %shift_right_logical3A_1051 = vector.broadcast %shift_right_logical3A_1050 : i32 to vector<16xi32>
        %shift_right_logical3A_1052 = arith.shrui %bitcast_convert_type3A_835, %shift_right_logical3A_1051 : vector<16xi32>
        %and3A_1053 = arith.constant 127 : i32
        %and3A_1054 = vector.broadcast %and3A_1053 : i32 to vector<16xi32>
        %and3A_1055 = arith.andi %shift_right_logical3A_1052, %and3A_1054 : vector<16xi32>
        %mul3A_1056 = arith.constant 48 : i32
        %mul3A_1057 = vector.broadcast %mul3A_1056 : i32 to vector<16xi32>
        %mul3A_1058 = arith.muli %and3A_1055, %mul3A_1057 : vector<16xi32>
        %add3A_1059 = arith.addi %mul3A_1058, %gather3A_965 : vector<16xi32>
        %shift_right_logical3A_1060 = arith.constant 14 : i32
        %shift_right_logical3A_1061 = vector.broadcast %shift_right_logical3A_1060 : i32 to vector<16xi32>
        %shift_right_logical3A_1062 = arith.shrui %bitcast_convert_type3A_845, %shift_right_logical3A_1061 : vector<16xi32>
        %and3A_1063 = arith.constant 127 : i32
        %and3A_1064 = vector.broadcast %and3A_1063 : i32 to vector<16xi32>
        %and3A_1065 = arith.andi %shift_right_logical3A_1062, %and3A_1064 : vector<16xi32>
        %mul3A_1066 = arith.constant 48 : i32
        %mul3A_1067 = vector.broadcast %mul3A_1066 : i32 to vector<16xi32>
        %mul3A_1068 = arith.muli %and3A_1065, %mul3A_1067 : vector<16xi32>
        %add3A_1069 = arith.addi %mul3A_1068, %gather3A_969 : vector<16xi32>
        %shift_right_logical3A_1070 = arith.constant 14 : i32
        %shift_right_logical3A_1071 = vector.broadcast %shift_right_logical3A_1070 : i32 to vector<16xi32>
        %shift_right_logical3A_1072 = arith.shrui %bitcast_convert_type3A_855, %shift_right_logical3A_1071 : vector<16xi32>
        %and3A_1073 = arith.constant 127 : i32
        %and3A_1074 = vector.broadcast %and3A_1073 : i32 to vector<16xi32>
        %and3A_1075 = arith.andi %shift_right_logical3A_1072, %and3A_1074 : vector<16xi32>
        %mul3A_1076 = arith.constant 48 : i32
        %mul3A_1077 = vector.broadcast %mul3A_1076 : i32 to vector<16xi32>
        %mul3A_1078 = arith.muli %and3A_1075, %mul3A_1077 : vector<16xi32>
        %add3A_1079 = arith.addi %mul3A_1078, %gather3A_973 : vector<16xi32>
        %shift_right_logical3A_1080 = arith.constant 14 : i32
        %shift_right_logical3A_1081 = vector.broadcast %shift_right_logical3A_1080 : i32 to vector<16xi32>
        %shift_right_logical3A_1082 = arith.shrui %bitcast_convert_type3A_865, %shift_right_logical3A_1081 : vector<16xi32>
        %and3A_1083 = arith.constant 127 : i32
        %and3A_1084 = vector.broadcast %and3A_1083 : i32 to vector<16xi32>
        %and3A_1085 = arith.andi %shift_right_logical3A_1082, %and3A_1084 : vector<16xi32>
        %mul3A_1086 = arith.constant 48 : i32
        %mul3A_1087 = vector.broadcast %mul3A_1086 : i32 to vector<16xi32>
        %mul3A_1088 = arith.muli %and3A_1085, %mul3A_1087 : vector<16xi32>
        %add3A_1089 = arith.addi %mul3A_1088, %gather3A_977 : vector<16xi32>
        %shift_right_logical3A_1090 = arith.constant 14 : i32
        %shift_right_logical3A_1091 = vector.broadcast %shift_right_logical3A_1090 : i32 to vector<16xi32>
        %shift_right_logical3A_1092 = arith.shrui %bitcast_convert_type3A_875, %shift_right_logical3A_1091 : vector<16xi32>
        %and3A_1093 = arith.constant 127 : i32
        %and3A_1094 = vector.broadcast %and3A_1093 : i32 to vector<16xi32>
        %and3A_1095 = arith.andi %shift_right_logical3A_1092, %and3A_1094 : vector<16xi32>
        %mul3A_1096 = arith.constant 48 : i32
        %mul3A_1097 = vector.broadcast %mul3A_1096 : i32 to vector<16xi32>
        %mul3A_1098 = arith.muli %and3A_1095, %mul3A_1097 : vector<16xi32>
        %add3A_1099 = arith.addi %mul3A_1098, %gather3A_981 : vector<16xi32>
        %shift_right_logical3A_1100 = arith.constant 14 : i32
        %shift_right_logical3A_1101 = vector.broadcast %shift_right_logical3A_1100 : i32 to vector<16xi32>
        %shift_right_logical3A_1102 = arith.shrui %bitcast_convert_type3A_885, %shift_right_logical3A_1101 : vector<16xi32>
        %and3A_1103 = arith.constant 127 : i32
        %and3A_1104 = vector.broadcast %and3A_1103 : i32 to vector<16xi32>
        %and3A_1105 = arith.andi %shift_right_logical3A_1102, %and3A_1104 : vector<16xi32>
        %mul3A_1106 = arith.constant 48 : i32
        %mul3A_1107 = vector.broadcast %mul3A_1106 : i32 to vector<16xi32>
        %mul3A_1108 = arith.muli %and3A_1105, %mul3A_1107 : vector<16xi32>
        %add3A_1109 = arith.addi %mul3A_1108, %gather3A_985 : vector<16xi32>
        %shift_right_logical3A_1110 = arith.constant 14 : i32
        %shift_right_logical3A_1111 = vector.broadcast %shift_right_logical3A_1110 : i32 to vector<16xi32>
        %shift_right_logical3A_1112 = arith.shrui %bitcast_convert_type3A_895, %shift_right_logical3A_1111 : vector<16xi32>
        %and3A_1113 = arith.constant 127 : i32
        %and3A_1114 = vector.broadcast %and3A_1113 : i32 to vector<16xi32>
        %and3A_1115 = arith.andi %shift_right_logical3A_1112, %and3A_1114 : vector<16xi32>
        %mul3A_1116 = arith.constant 48 : i32
        %mul3A_1117 = vector.broadcast %mul3A_1116 : i32 to vector<16xi32>
        %mul3A_1118 = arith.muli %and3A_1115, %mul3A_1117 : vector<16xi32>
        %add3A_1119 = arith.addi %mul3A_1118, %gather3A_989 : vector<16xi32>
        %shift_right_logical3A_1120 = arith.constant 14 : i32
        %shift_right_logical3A_1121 = vector.broadcast %shift_right_logical3A_1120 : i32 to vector<16xi32>
        %shift_right_logical3A_1122 = arith.shrui %bitcast_convert_type3A_905, %shift_right_logical3A_1121 : vector<16xi32>
        %and3A_1123 = arith.constant 127 : i32
        %and3A_1124 = vector.broadcast %and3A_1123 : i32 to vector<16xi32>
        %and3A_1125 = arith.andi %shift_right_logical3A_1122, %and3A_1124 : vector<16xi32>
        %mul3A_1126 = arith.constant 48 : i32
        %mul3A_1127 = vector.broadcast %mul3A_1126 : i32 to vector<16xi32>
        %mul3A_1128 = arith.muli %and3A_1125, %mul3A_1127 : vector<16xi32>
        %add3A_1129 = arith.addi %mul3A_1128, %gather3A_993 : vector<16xi32>
        %shift_right_logical3A_1130 = arith.constant 14 : i32
        %shift_right_logical3A_1131 = vector.broadcast %shift_right_logical3A_1130 : i32 to vector<16xi32>
        %shift_right_logical3A_1132 = arith.shrui %bitcast_convert_type3A_915, %shift_right_logical3A_1131 : vector<16xi32>
        %and3A_1133 = arith.constant 127 : i32
        %and3A_1134 = vector.broadcast %and3A_1133 : i32 to vector<16xi32>
        %and3A_1135 = arith.andi %shift_right_logical3A_1132, %and3A_1134 : vector<16xi32>
        %mul3A_1136 = arith.constant 48 : i32
        %mul3A_1137 = vector.broadcast %mul3A_1136 : i32 to vector<16xi32>
        %mul3A_1138 = arith.muli %and3A_1135, %mul3A_1137 : vector<16xi32>
        %add3A_1139 = arith.addi %mul3A_1138, %gather3A_997 : vector<16xi32>
        %shift_right_logical3A_1140 = arith.constant 14 : i32
        %shift_right_logical3A_1141 = vector.broadcast %shift_right_logical3A_1140 : i32 to vector<16xi32>
        %shift_right_logical3A_1142 = arith.shrui %bitcast_convert_type3A_925, %shift_right_logical3A_1141 : vector<16xi32>
        %and3A_1143 = arith.constant 127 : i32
        %and3A_1144 = vector.broadcast %and3A_1143 : i32 to vector<16xi32>
        %and3A_1145 = arith.andi %shift_right_logical3A_1142, %and3A_1144 : vector<16xi32>
        %mul3A_1146 = arith.constant 48 : i32
        %mul3A_1147 = vector.broadcast %mul3A_1146 : i32 to vector<16xi32>
        %mul3A_1148 = arith.muli %and3A_1145, %mul3A_1147 : vector<16xi32>
        %add3A_1149 = arith.addi %mul3A_1148, %gather3A_1001 : vector<16xi32>
        %shift_right_logical3A_1150 = arith.constant 14 : i32
        %shift_right_logical3A_1151 = vector.broadcast %shift_right_logical3A_1150 : i32 to vector<16xi32>
        %shift_right_logical3A_1152 = arith.shrui %bitcast_convert_type3A_935, %shift_right_logical3A_1151 : vector<16xi32>
        %and3A_1153 = arith.constant 127 : i32
        %and3A_1154 = vector.broadcast %and3A_1153 : i32 to vector<16xi32>
        %and3A_1155 = arith.andi %shift_right_logical3A_1152, %and3A_1154 : vector<16xi32>
        %mul3A_1156 = arith.constant 48 : i32
        %mul3A_1157 = vector.broadcast %mul3A_1156 : i32 to vector<16xi32>
        %mul3A_1158 = arith.muli %and3A_1155, %mul3A_1157 : vector<16xi32>
        %add3A_1159 = arith.addi %mul3A_1158, %gather3A_1005 : vector<16xi32>
        %shift_right_logical3A_1160 = arith.constant 14 : i32
        %shift_right_logical3A_1161 = vector.broadcast %shift_right_logical3A_1160 : i32 to vector<16xi32>
        %shift_right_logical3A_1162 = arith.shrui %bitcast_convert_type3A_945, %shift_right_logical3A_1161 : vector<16xi32>
        %and3A_1163 = arith.constant 127 : i32
        %and3A_1164 = vector.broadcast %and3A_1163 : i32 to vector<16xi32>
        %and3A_1165 = arith.andi %shift_right_logical3A_1162, %and3A_1164 : vector<16xi32>
        %mul3A_1166 = arith.constant 48 : i32
        %mul3A_1167 = vector.broadcast %mul3A_1166 : i32 to vector<16xi32>
        %mul3A_1168 = arith.muli %and3A_1165, %mul3A_1167 : vector<16xi32>
        %add3A_1169 = arith.addi %mul3A_1168, %gather3A_1009 : vector<16xi32>
        %shift_left3A_1170 = arith.constant 21 : i32
        %shift_left3A_1171 = vector.broadcast %shift_left3A_1170 : i32 to vector<16xi32>
        %shift_left3A_1172 = arith.shli %gather3A_949, %shift_left3A_1171 : vector<16xi32>
        %and3A_1173 = arith.constant 2097151 : i32
        %and3A_1174 = vector.broadcast %and3A_1173 : i32 to vector<16xi32>
        %and3A_1175 = arith.andi %bitcast_convert_type3A_795, %and3A_1174 : vector<16xi32>
        %or3A_1176 = arith.ori %shift_left3A_1172, %and3A_1175 : vector<16xi32>
        %shift_left3A_1177 = arith.constant 21 : i32
        %shift_left3A_1178 = vector.broadcast %shift_left3A_1177 : i32 to vector<16xi32>
        %shift_left3A_1179 = arith.shli %gather3A_953, %shift_left3A_1178 : vector<16xi32>
        %and3A_1180 = arith.constant 2097151 : i32
        %and3A_1181 = vector.broadcast %and3A_1180 : i32 to vector<16xi32>
        %and3A_1182 = arith.andi %bitcast_convert_type3A_805, %and3A_1181 : vector<16xi32>
        %or3A_1183 = arith.ori %shift_left3A_1179, %and3A_1182 : vector<16xi32>
        %shift_left3A_1184 = arith.constant 21 : i32
        %shift_left3A_1185 = vector.broadcast %shift_left3A_1184 : i32 to vector<16xi32>
        %shift_left3A_1186 = arith.shli %gather3A_957, %shift_left3A_1185 : vector<16xi32>
        %and3A_1187 = arith.constant 2097151 : i32
        %and3A_1188 = vector.broadcast %and3A_1187 : i32 to vector<16xi32>
        %and3A_1189 = arith.andi %bitcast_convert_type3A_815, %and3A_1188 : vector<16xi32>
        %or3A_1190 = arith.ori %shift_left3A_1186, %and3A_1189 : vector<16xi32>
        %shift_left3A_1191 = arith.constant 21 : i32
        %shift_left3A_1192 = vector.broadcast %shift_left3A_1191 : i32 to vector<16xi32>
        %shift_left3A_1193 = arith.shli %gather3A_961, %shift_left3A_1192 : vector<16xi32>
        %and3A_1194 = arith.constant 2097151 : i32
        %and3A_1195 = vector.broadcast %and3A_1194 : i32 to vector<16xi32>
        %and3A_1196 = arith.andi %bitcast_convert_type3A_825, %and3A_1195 : vector<16xi32>
        %or3A_1197 = arith.ori %shift_left3A_1193, %and3A_1196 : vector<16xi32>
        %shift_left3A_1198 = arith.constant 21 : i32
        %shift_left3A_1199 = vector.broadcast %shift_left3A_1198 : i32 to vector<16xi32>
        %shift_left3A_1200 = arith.shli %gather3A_965, %shift_left3A_1199 : vector<16xi32>
        %and3A_1201 = arith.constant 2097151 : i32
        %and3A_1202 = vector.broadcast %and3A_1201 : i32 to vector<16xi32>
        %and3A_1203 = arith.andi %bitcast_convert_type3A_835, %and3A_1202 : vector<16xi32>
        %or3A_1204 = arith.ori %shift_left3A_1200, %and3A_1203 : vector<16xi32>
        %shift_left3A_1205 = arith.constant 21 : i32
        %shift_left3A_1206 = vector.broadcast %shift_left3A_1205 : i32 to vector<16xi32>
        %shift_left3A_1207 = arith.shli %gather3A_969, %shift_left3A_1206 : vector<16xi32>
        %and3A_1208 = arith.constant 2097151 : i32
        %and3A_1209 = vector.broadcast %and3A_1208 : i32 to vector<16xi32>
        %and3A_1210 = arith.andi %bitcast_convert_type3A_845, %and3A_1209 : vector<16xi32>
        %or3A_1211 = arith.ori %shift_left3A_1207, %and3A_1210 : vector<16xi32>
        %shift_left3A_1212 = arith.constant 21 : i32
        %shift_left3A_1213 = vector.broadcast %shift_left3A_1212 : i32 to vector<16xi32>
        %shift_left3A_1214 = arith.shli %gather3A_973, %shift_left3A_1213 : vector<16xi32>
        %and3A_1215 = arith.constant 2097151 : i32
        %and3A_1216 = vector.broadcast %and3A_1215 : i32 to vector<16xi32>
        %and3A_1217 = arith.andi %bitcast_convert_type3A_855, %and3A_1216 : vector<16xi32>
        %or3A_1218 = arith.ori %shift_left3A_1214, %and3A_1217 : vector<16xi32>
        %shift_left3A_1219 = arith.constant 21 : i32
        %shift_left3A_1220 = vector.broadcast %shift_left3A_1219 : i32 to vector<16xi32>
        %shift_left3A_1221 = arith.shli %gather3A_977, %shift_left3A_1220 : vector<16xi32>
        %and3A_1222 = arith.constant 2097151 : i32
        %and3A_1223 = vector.broadcast %and3A_1222 : i32 to vector<16xi32>
        %and3A_1224 = arith.andi %bitcast_convert_type3A_865, %and3A_1223 : vector<16xi32>
        %or3A_1225 = arith.ori %shift_left3A_1221, %and3A_1224 : vector<16xi32>
        %shift_left3A_1226 = arith.constant 21 : i32
        %shift_left3A_1227 = vector.broadcast %shift_left3A_1226 : i32 to vector<16xi32>
        %shift_left3A_1228 = arith.shli %gather3A_981, %shift_left3A_1227 : vector<16xi32>
        %and3A_1229 = arith.constant 2097151 : i32
        %and3A_1230 = vector.broadcast %and3A_1229 : i32 to vector<16xi32>
        %and3A_1231 = arith.andi %bitcast_convert_type3A_875, %and3A_1230 : vector<16xi32>
        %or3A_1232 = arith.ori %shift_left3A_1228, %and3A_1231 : vector<16xi32>
        %shift_left3A_1233 = arith.constant 21 : i32
        %shift_left3A_1234 = vector.broadcast %shift_left3A_1233 : i32 to vector<16xi32>
        %shift_left3A_1235 = arith.shli %gather3A_985, %shift_left3A_1234 : vector<16xi32>
        %and3A_1236 = arith.constant 2097151 : i32
        %and3A_1237 = vector.broadcast %and3A_1236 : i32 to vector<16xi32>
        %and3A_1238 = arith.andi %bitcast_convert_type3A_885, %and3A_1237 : vector<16xi32>
        %or3A_1239 = arith.ori %shift_left3A_1235, %and3A_1238 : vector<16xi32>
        %shift_left3A_1240 = arith.constant 21 : i32
        %shift_left3A_1241 = vector.broadcast %shift_left3A_1240 : i32 to vector<16xi32>
        %shift_left3A_1242 = arith.shli %gather3A_989, %shift_left3A_1241 : vector<16xi32>
        %and3A_1243 = arith.constant 2097151 : i32
        %and3A_1244 = vector.broadcast %and3A_1243 : i32 to vector<16xi32>
        %and3A_1245 = arith.andi %bitcast_convert_type3A_895, %and3A_1244 : vector<16xi32>
        %or3A_1246 = arith.ori %shift_left3A_1242, %and3A_1245 : vector<16xi32>
        %shift_left3A_1247 = arith.constant 21 : i32
        %shift_left3A_1248 = vector.broadcast %shift_left3A_1247 : i32 to vector<16xi32>
        %shift_left3A_1249 = arith.shli %gather3A_993, %shift_left3A_1248 : vector<16xi32>
        %and3A_1250 = arith.constant 2097151 : i32
        %and3A_1251 = vector.broadcast %and3A_1250 : i32 to vector<16xi32>
        %and3A_1252 = arith.andi %bitcast_convert_type3A_905, %and3A_1251 : vector<16xi32>
        %or3A_1253 = arith.ori %shift_left3A_1249, %and3A_1252 : vector<16xi32>
        %shift_left3A_1254 = arith.constant 21 : i32
        %shift_left3A_1255 = vector.broadcast %shift_left3A_1254 : i32 to vector<16xi32>
        %shift_left3A_1256 = arith.shli %gather3A_997, %shift_left3A_1255 : vector<16xi32>
        %and3A_1257 = arith.constant 2097151 : i32
        %and3A_1258 = vector.broadcast %and3A_1257 : i32 to vector<16xi32>
        %and3A_1259 = arith.andi %bitcast_convert_type3A_915, %and3A_1258 : vector<16xi32>
        %or3A_1260 = arith.ori %shift_left3A_1256, %and3A_1259 : vector<16xi32>
        %shift_left3A_1261 = arith.constant 21 : i32
        %shift_left3A_1262 = vector.broadcast %shift_left3A_1261 : i32 to vector<16xi32>
        %shift_left3A_1263 = arith.shli %gather3A_1001, %shift_left3A_1262 : vector<16xi32>
        %and3A_1264 = arith.constant 2097151 : i32
        %and3A_1265 = vector.broadcast %and3A_1264 : i32 to vector<16xi32>
        %and3A_1266 = arith.andi %bitcast_convert_type3A_925, %and3A_1265 : vector<16xi32>
        %or3A_1267 = arith.ori %shift_left3A_1263, %and3A_1266 : vector<16xi32>
        %shift_left3A_1268 = arith.constant 21 : i32
        %shift_left3A_1269 = vector.broadcast %shift_left3A_1268 : i32 to vector<16xi32>
        %shift_left3A_1270 = arith.shli %gather3A_1005, %shift_left3A_1269 : vector<16xi32>
        %and3A_1271 = arith.constant 2097151 : i32
        %and3A_1272 = vector.broadcast %and3A_1271 : i32 to vector<16xi32>
        %and3A_1273 = arith.andi %bitcast_convert_type3A_935, %and3A_1272 : vector<16xi32>
        %or3A_1274 = arith.ori %shift_left3A_1270, %and3A_1273 : vector<16xi32>
        %shift_left3A_1275 = arith.constant 21 : i32
        %shift_left3A_1276 = vector.broadcast %shift_left3A_1275 : i32 to vector<16xi32>
        %shift_left3A_1277 = arith.shli %gather3A_1009, %shift_left3A_1276 : vector<16xi32>
        %and3A_1278 = arith.constant 2097151 : i32
        %and3A_1279 = vector.broadcast %and3A_1278 : i32 to vector<16xi32>
        %and3A_1280 = arith.andi %bitcast_convert_type3A_945, %and3A_1279 : vector<16xi32>
        %or3A_1281 = arith.ori %shift_left3A_1277, %and3A_1280 : vector<16xi32>
        tpu.vector_store_idx %arg11[%add3A_1019], %add3A_6 {add = true} : memref<6144xi32, #tpu.memory_space<vmem>>[vector<16xi32>], vector<16xi32>,
        tpu.vector_store_idx %arg11[%add3A_1029], %add3A_6 {add = true} : memref<6144xi32, #tpu.memory_space<vmem>>[vector<16xi32>], vector<16xi32>,
        tpu.vector_store_idx %arg11[%add3A_1039], %add3A_6 {add = true} : memref<6144xi32, #tpu.memory_space<vmem>>[vector<16xi32>], vector<16xi32>,
        tpu.vector_store_idx %arg11[%add3A_1049], %add3A_6 {add = true} : memref<6144xi32, #tpu.memory_space<vmem>>[vector<16xi32>], vector<16xi32>,
        tpu.vector_store_idx %arg11[%add3A_1059], %add3A_6 {add = true} : memref<6144xi32, #tpu.memory_space<vmem>>[vector<16xi32>], vector<16xi32>,
        tpu.vector_store_idx %arg11[%add3A_1069], %add3A_6 {add = true} : memref<6144xi32, #tpu.memory_space<vmem>>[vector<16xi32>], vector<16xi32>,
        tpu.vector_store_idx %arg11[%add3A_1079], %add3A_6 {add = true} : memref<6144xi32, #tpu.memory_space<vmem>>[vector<16xi32>], vector<16xi32>,
        tpu.vector_store_idx %arg11[%add3A_1089], %add3A_6 {add = true} : memref<6144xi32, #tpu.memory_space<vmem>>[vector<16xi32>], vector<16xi32>,
        tpu.vector_store_idx %arg11[%add3A_1099], %add3A_6 {add = true} : memref<6144xi32, #tpu.memory_space<vmem>>[vector<16xi32>], vector<16xi32>,
        tpu.vector_store_idx %arg11[%add3A_1109], %add3A_6 {add = true} : memref<6144xi32, #tpu.memory_space<vmem>>[vector<16xi32>], vector<16xi32>,
        tpu.vector_store_idx %arg11[%add3A_1119], %add3A_6 {add = true} : memref<6144xi32, #tpu.memory_space<vmem>>[vector<16xi32>], vector<16xi32>,
        tpu.vector_store_idx %arg11[%add3A_1129], %add3A_6 {add = true} : memref<6144xi32, #tpu.memory_space<vmem>>[vector<16xi32>], vector<16xi32>,
        tpu.vector_store_idx %arg11[%add3A_1139], %add3A_6 {add = true} : memref<6144xi32, #tpu.memory_space<vmem>>[vector<16xi32>], vector<16xi32>,
        tpu.vector_store_idx %arg11[%add3A_1149], %add3A_6 {add = true} : memref<6144xi32, #tpu.memory_space<vmem>>[vector<16xi32>], vector<16xi32>,
        tpu.vector_store_idx %arg11[%add3A_1159], %add3A_6 {add = true} : memref<6144xi32, #tpu.memory_space<vmem>>[vector<16xi32>], vector<16xi32>,
        tpu.vector_store_idx %arg11[%add3A_1169], %add3A_6 {add = true} : memref<6144xi32, #tpu.memory_space<vmem>>[vector<16xi32>], vector<16xi32>,
        %mul3A_1282 = arith.constant 16 : i32
        %mul3A_1283 = arith.muli %scan3A_784, %mul3A_1282 : i32
        %add3A_1284 = arith.constant 0 : i32
        %add3A_1285 = arith.addi %mul3A_1283, %add3A_1284 : i32
        %mul3A_1286 = arith.constant 16 : i32
        %mul3A_1287 = arith.muli %add3A_1285, %mul3A_1286 : i32
        %swap3A_1288 = arith.index_cast %mul3A_1287 : i32 to index
        %swap3A_1289 = tpu.vector_load %arg12[%swap3A_1288] {strides = array<i32>} : memref<16384xi32, #tpu.memory_space<vmem>>, vector<16xi32>,
        tpu.vector_store %arg12[%swap3A_1288], %or3A_1176 {strides = array<i32>} : memref<16384xi32, #tpu.memory_space<vmem>>, vector<16xi32>,
        %mul3A_1290 = arith.constant 16 : i32
        %mul3A_1291 = arith.muli %scan3A_784, %mul3A_1290 : i32
        %add3A_1292 = arith.constant 1 : i32
        %add3A_1293 = arith.addi %mul3A_1291, %add3A_1292 : i32
        %mul3A_1294 = arith.constant 16 : i32
        %mul3A_1295 = arith.muli %add3A_1293, %mul3A_1294 : i32
        %swap3A_1296 = arith.index_cast %mul3A_1295 : i32 to index
        %swap3A_1297 = tpu.vector_load %arg12[%swap3A_1296] {strides = array<i32>} : memref<16384xi32, #tpu.memory_space<vmem>>, vector<16xi32>,
        tpu.vector_store %arg12[%swap3A_1296], %or3A_1183 {strides = array<i32>} : memref<16384xi32, #tpu.memory_space<vmem>>, vector<16xi32>,
        %mul3A_1298 = arith.constant 16 : i32
        %mul3A_1299 = arith.muli %scan3A_784, %mul3A_1298 : i32
        %add3A_1300 = arith.constant 2 : i32
        %add3A_1301 = arith.addi %mul3A_1299, %add3A_1300 : i32
        %mul3A_1302 = arith.constant 16 : i32
        %mul3A_1303 = arith.muli %add3A_1301, %mul3A_1302 : i32
        %swap3A_1304 = arith.index_cast %mul3A_1303 : i32 to index
        %swap3A_1305 = tpu.vector_load %arg12[%swap3A_1304] {strides = array<i32>} : memref<16384xi32, #tpu.memory_space<vmem>>, vector<16xi32>,
        tpu.vector_store %arg12[%swap3A_1304], %or3A_1190 {strides = array<i32>} : memref<16384xi32, #tpu.memory_space<vmem>>, vector<16xi32>,
        %mul3A_1306 = arith.constant 16 : i32
        %mul3A_1307 = arith.muli %scan3A_784, %mul3A_1306 : i32
        %add3A_1308 = arith.constant 3 : i32
        %add3A_1309 = arith.addi %mul3A_1307, %add3A_1308 : i32
        %mul3A_1310 = arith.constant 16 : i32
        %mul3A_1311 = arith.muli %add3A_1309, %mul3A_1310 : i32
        %swap3A_1312 = arith.index_cast %mul3A_1311 : i32 to index
        %swap3A_1313 = tpu.vector_load %arg12[%swap3A_1312] {strides = array<i32>} : memref<16384xi32, #tpu.memory_space<vmem>>, vector<16xi32>,
        tpu.vector_store %arg12[%swap3A_1312], %or3A_1197 {strides = array<i32>} : memref<16384xi32, #tpu.memory_space<vmem>>, vector<16xi32>,
        %mul3A_1314 = arith.constant 16 : i32
        %mul3A_1315 = arith.muli %scan3A_784, %mul3A_1314 : i32
        %add3A_1316 = arith.constant 4 : i32
        %add3A_1317 = arith.addi %mul3A_1315, %add3A_1316 : i32
        %mul3A_1318 = arith.constant 16 : i32
        %mul3A_1319 = arith.muli %add3A_1317, %mul3A_1318 : i32
        %swap3A_1320 = arith.index_cast %mul3A_1319 : i32 to index
        %swap3A_1321 = tpu.vector_load %arg12[%swap3A_1320] {strides = array<i32>} : memref<16384xi32, #tpu.memory_space<vmem>>, vector<16xi32>,
        tpu.vector_store %arg12[%swap3A_1320], %or3A_1204 {strides = array<i32>} : memref<16384xi32, #tpu.memory_space<vmem>>, vector<16xi32>,
        %mul3A_1322 = arith.constant 16 : i32
        %mul3A_1323 = arith.muli %scan3A_784, %mul3A_1322 : i32
        %add3A_1324 = arith.constant 5 : i32
        %add3A_1325 = arith.addi %mul3A_1323, %add3A_1324 : i32
        %mul3A_1326 = arith.constant 16 : i32
        %mul3A_1327 = arith.muli %add3A_1325, %mul3A_1326 : i32
        %swap3A_1328 = arith.index_cast %mul3A_1327 : i32 to index
        %swap3A_1329 = tpu.vector_load %arg12[%swap3A_1328] {strides = array<i32>} : memref<16384xi32, #tpu.memory_space<vmem>>, vector<16xi32>,
        tpu.vector_store %arg12[%swap3A_1328], %or3A_1211 {strides = array<i32>} : memref<16384xi32, #tpu.memory_space<vmem>>, vector<16xi32>,
        %mul3A_1330 = arith.constant 16 : i32
        %mul3A_1331 = arith.muli %scan3A_784, %mul3A_1330 : i32
        %add3A_1332 = arith.constant 6 : i32
        %add3A_1333 = arith.addi %mul3A_1331, %add3A_1332 : i32
        %mul3A_1334 = arith.constant 16 : i32
        %mul3A_1335 = arith.muli %add3A_1333, %mul3A_1334 : i32
        %swap3A_1336 = arith.index_cast %mul3A_1335 : i32 to index
        %swap3A_1337 = tpu.vector_load %arg12[%swap3A_1336] {strides = array<i32>} : memref<16384xi32, #tpu.memory_space<vmem>>, vector<16xi32>,
        tpu.vector_store %arg12[%swap3A_1336], %or3A_1218 {strides = array<i32>} : memref<16384xi32, #tpu.memory_space<vmem>>, vector<16xi32>,
        %mul3A_1338 = arith.constant 16 : i32
        %mul3A_1339 = arith.muli %scan3A_784, %mul3A_1338 : i32
        %add3A_1340 = arith.constant 7 : i32
        %add3A_1341 = arith.addi %mul3A_1339, %add3A_1340 : i32
        %mul3A_1342 = arith.constant 16 : i32
        %mul3A_1343 = arith.muli %add3A_1341, %mul3A_1342 : i32
        %swap3A_1344 = arith.index_cast %mul3A_1343 : i32 to index
        %swap3A_1345 = tpu.vector_load %arg12[%swap3A_1344] {strides = array<i32>} : memref<16384xi32, #tpu.memory_space<vmem>>, vector<16xi32>,
        tpu.vector_store %arg12[%swap3A_1344], %or3A_1225 {strides = array<i32>} : memref<16384xi32, #tpu.memory_space<vmem>>, vector<16xi32>,
        %mul3A_1346 = arith.constant 16 : i32
        %mul3A_1347 = arith.muli %scan3A_784, %mul3A_1346 : i32
        %add3A_1348 = arith.constant 8 : i32
        %add3A_1349 = arith.addi %mul3A_1347, %add3A_1348 : i32
        %mul3A_1350 = arith.constant 16 : i32
        %mul3A_1351 = arith.muli %add3A_1349, %mul3A_1350 : i32
        %swap3A_1352 = arith.index_cast %mul3A_1351 : i32 to index
        %swap3A_1353 = tpu.vector_load %arg12[%swap3A_1352] {strides = array<i32>} : memref<16384xi32, #tpu.memory_space<vmem>>, vector<16xi32>,
        tpu.vector_store %arg12[%swap3A_1352], %or3A_1232 {strides = array<i32>} : memref<16384xi32, #tpu.memory_space<vmem>>, vector<16xi32>,
        %mul3A_1354 = arith.constant 16 : i32
        %mul3A_1355 = arith.muli %scan3A_784, %mul3A_1354 : i32
        %add3A_1356 = arith.constant 9 : i32
        %add3A_1357 = arith.addi %mul3A_1355, %add3A_1356 : i32
        %mul3A_1358 = arith.constant 16 : i32
        %mul3A_1359 = arith.muli %add3A_1357, %mul3A_1358 : i32
        %swap3A_1360 = arith.index_cast %mul3A_1359 : i32 to index
        %swap3A_1361 = tpu.vector_load %arg12[%swap3A_1360] {strides = array<i32>} : memref<16384xi32, #tpu.memory_space<vmem>>, vector<16xi32>,
        tpu.vector_store %arg12[%swap3A_1360], %or3A_1239 {strides = array<i32>} : memref<16384xi32, #tpu.memory_space<vmem>>, vector<16xi32>,
        %mul3A_1362 = arith.constant 16 : i32
        %mul3A_1363 = arith.muli %scan3A_784, %mul3A_1362 : i32
        %add3A_1364 = arith.constant 10 : i32
        %add3A_1365 = arith.addi %mul3A_1363, %add3A_1364 : i32
        %mul3A_1366 = arith.constant 16 : i32
        %mul3A_1367 = arith.muli %add3A_1365, %mul3A_1366 : i32
        %swap3A_1368 = arith.index_cast %mul3A_1367 : i32 to index
        %swap3A_1369 = tpu.vector_load %arg12[%swap3A_1368] {strides = array<i32>} : memref<16384xi32, #tpu.memory_space<vmem>>, vector<16xi32>,
        tpu.vector_store %arg12[%swap3A_1368], %or3A_1246 {strides = array<i32>} : memref<16384xi32, #tpu.memory_space<vmem>>, vector<16xi32>,
        %mul3A_1370 = arith.constant 16 : i32
        %mul3A_1371 = arith.muli %scan3A_784, %mul3A_1370 : i32
        %add3A_1372 = arith.constant 11 : i32
        %add3A_1373 = arith.addi %mul3A_1371, %add3A_1372 : i32
        %mul3A_1374 = arith.constant 16 : i32
        %mul3A_1375 = arith.muli %add3A_1373, %mul3A_1374 : i32
        %swap3A_1376 = arith.index_cast %mul3A_1375 : i32 to index
        %swap3A_1377 = tpu.vector_load %arg12[%swap3A_1376] {strides = array<i32>} : memref<16384xi32, #tpu.memory_space<vmem>>, vector<16xi32>,
        tpu.vector_store %arg12[%swap3A_1376], %or3A_1253 {strides = array<i32>} : memref<16384xi32, #tpu.memory_space<vmem>>, vector<16xi32>,
        %mul3A_1378 = arith.constant 16 : i32
        %mul3A_1379 = arith.muli %scan3A_784, %mul3A_1378 : i32
        %add3A_1380 = arith.constant 12 : i32
        %add3A_1381 = arith.addi %mul3A_1379, %add3A_1380 : i32
        %mul3A_1382 = arith.constant 16 : i32
        %mul3A_1383 = arith.muli %add3A_1381, %mul3A_1382 : i32
        %swap3A_1384 = arith.index_cast %mul3A_1383 : i32 to index
        %swap3A_1385 = tpu.vector_load %arg12[%swap3A_1384] {strides = array<i32>} : memref<16384xi32, #tpu.memory_space<vmem>>, vector<16xi32>,
        tpu.vector_store %arg12[%swap3A_1384], %or3A_1260 {strides = array<i32>} : memref<16384xi32, #tpu.memory_space<vmem>>, vector<16xi32>,
        %mul3A_1386 = arith.constant 16 : i32
        %mul3A_1387 = arith.muli %scan3A_784, %mul3A_1386 : i32
        %add3A_1388 = arith.constant 13 : i32
        %add3A_1389 = arith.addi %mul3A_1387, %add3A_1388 : i32
        %mul3A_1390 = arith.constant 16 : i32
        %mul3A_1391 = arith.muli %add3A_1389, %mul3A_1390 : i32
        %swap3A_1392 = arith.index_cast %mul3A_1391 : i32 to index
        %swap3A_1393 = tpu.vector_load %arg12[%swap3A_1392] {strides = array<i32>} : memref<16384xi32, #tpu.memory_space<vmem>>, vector<16xi32>,
        tpu.vector_store %arg12[%swap3A_1392], %or3A_1267 {strides = array<i32>} : memref<16384xi32, #tpu.memory_space<vmem>>, vector<16xi32>,
        %mul3A_1394 = arith.constant 16 : i32
        %mul3A_1395 = arith.muli %scan3A_784, %mul3A_1394 : i32
        %add3A_1396 = arith.constant 14 : i32
        %add3A_1397 = arith.addi %mul3A_1395, %add3A_1396 : i32
        %mul3A_1398 = arith.constant 16 : i32
        %mul3A_1399 = arith.muli %add3A_1397, %mul3A_1398 : i32
        %swap3A_1400 = arith.index_cast %mul3A_1399 : i32 to index
        %swap3A_1401 = tpu.vector_load %arg12[%swap3A_1400] {strides = array<i32>} : memref<16384xi32, #tpu.memory_space<vmem>>, vector<16xi32>,
        tpu.vector_store %arg12[%swap3A_1400], %or3A_1274 {strides = array<i32>} : memref<16384xi32, #tpu.memory_space<vmem>>, vector<16xi32>,
        %mul3A_1402 = arith.constant 16 : i32
        %mul3A_1403 = arith.muli %scan3A_784, %mul3A_1402 : i32
        %add3A_1404 = arith.constant 15 : i32
        %add3A_1405 = arith.addi %mul3A_1403, %add3A_1404 : i32
        %mul3A_1406 = arith.constant 16 : i32
        %mul3A_1407 = arith.muli %add3A_1405, %mul3A_1406 : i32
        %swap3A_1408 = arith.index_cast %mul3A_1407 : i32 to index
        %swap3A_1409 = tpu.vector_load %arg12[%swap3A_1408] {strides = array<i32>} : memref<16384xi32, #tpu.memory_space<vmem>>, vector<16xi32>,
        tpu.vector_store %arg12[%swap3A_1408], %or3A_1281 {strides = array<i32>} : memref<16384xi32, #tpu.memory_space<vmem>>, vector<16xi32>,
        %scan3A_1410 = arith.constant 0 : i32
        scf.yield %scan3A_1410 : i32
      }
      %scan3A_478 = arith.constant 64 : i32
      %scan3A_479 = arith.constant 0 : i32
      %scan3A_480 = arith.constant 16 : i32
      %scan3A_481 = arith.addi %scan3A_479, %scan3A_480 : i32
      %scan3A_482 = arith.constant 1 : i32
      %scan3A_483:9 = scf.for %scan3A_784 = %scan3A_479 to %scan3A_481 step %scan3A_482 iter_args(%scan3A_785 = %mul3A_3, %scan3A_786 = %mul3A_3, %scan3A_787 = %mul3A_3, %scan3A_788 = %mul3A_3, %scan3A_789 = %mul3A_3, %scan3A_790 = %mul3A_3, %scan3A_791 = %mul3A_3, %scan3A_792 = %mul3A_3, %scan3A_793 = %mul3A_3) -> (vector<16xi32>, vector<16xi32>, vector<16xi32>, vector<16xi32>, vector<16xi32>, vector<16xi32>, vector<16xi32>, vector<16xi32>, vector<16xi32>)  : i32 {
        %mul3A_794 = arith.constant 8 : i32
        %mul3A_795 = arith.muli %scan3A_784, %mul3A_794 : i32
        %add3A_796 = arith.constant 0 : i32
        %add3A_797 = arith.addi %mul3A_795, %add3A_796 : i32
        %mul3A_798 = arith.constant 48 : i32
        %mul3A_799 = arith.muli %add3A_797, %mul3A_798 : i32
        %add3A_800 = vector.broadcast %mul3A_799 : i32 to vector<16xi32>
        %add3A_801 = arith.addi %sub3A_456, %add3A_800 : vector<16xi32>
        %gather3A_802 = tpu.vector_load_idx %arg11[%add3A_801] : memref<6144xi32, #tpu.memory_space<vmem>>[vector<16xi32>], vector<16xi32>,
        %add3A_803 = vector.broadcast %mul3A_799 : i32 to vector<16xi32>
        %add3A_804 = arith.addi %add3A_463, %add3A_803 : vector<16xi32>
        %gather3A_805 = tpu.vector_load_idx %arg11[%add3A_804] : memref<6144xi32, #tpu.memory_space<vmem>>[vector<16xi32>], vector<16xi32>,
        %add3A_806 = vector.broadcast %mul3A_799 : i32 to vector<16xi32>
        %add3A_807 = arith.addi %add3A_471, %add3A_806 : vector<16xi32>
        %gather3A_808 = tpu.vector_load_idx %arg11[%add3A_807] : memref<6144xi32, #tpu.memory_space<vmem>>[vector<16xi32>], vector<16xi32>,
        %mul3A_809 = arith.constant 8 : i32
        %mul3A_810 = arith.muli %scan3A_784, %mul3A_809 : i32
        %add3A_811 = arith.constant 1 : i32
        %add3A_812 = arith.addi %mul3A_810, %add3A_811 : i32
        %mul3A_813 = arith.constant 48 : i32
        %mul3A_814 = arith.muli %add3A_812, %mul3A_813 : i32
        %add3A_815 = vector.broadcast %mul3A_814 : i32 to vector<16xi32>
        %add3A_816 = arith.addi %sub3A_456, %add3A_815 : vector<16xi32>
        %gather3A_817 = tpu.vector_load_idx %arg11[%add3A_816] : memref<6144xi32, #tpu.memory_space<vmem>>[vector<16xi32>], vector<16xi32>,
        %add3A_818 = vector.broadcast %mul3A_814 : i32 to vector<16xi32>
        %add3A_819 = arith.addi %add3A_463, %add3A_818 : vector<16xi32>
        %gather3A_820 = tpu.vector_load_idx %arg11[%add3A_819] : memref<6144xi32, #tpu.memory_space<vmem>>[vector<16xi32>], vector<16xi32>,
        %add3A_821 = vector.broadcast %mul3A_814 : i32 to vector<16xi32>
        %add3A_822 = arith.addi %add3A_471, %add3A_821 : vector<16xi32>
        %gather3A_823 = tpu.vector_load_idx %arg11[%add3A_822] : memref<6144xi32, #tpu.memory_space<vmem>>[vector<16xi32>], vector<16xi32>,
        %mul3A_824 = arith.constant 8 : i32
        %mul3A_825 = arith.muli %scan3A_784, %mul3A_824 : i32
        %add3A_826 = arith.constant 2 : i32
        %add3A_827 = arith.addi %mul3A_825, %add3A_826 : i32
        %mul3A_828 = arith.constant 48 : i32
        %mul3A_829 = arith.muli %add3A_827, %mul3A_828 : i32
        %add3A_830 = vector.broadcast %mul3A_829 : i32 to vector<16xi32>
        %add3A_831 = arith.addi %sub3A_456, %add3A_830 : vector<16xi32>
        %gather3A_832 = tpu.vector_load_idx %arg11[%add3A_831] : memref<6144xi32, #tpu.memory_space<vmem>>[vector<16xi32>], vector<16xi32>,
        %add3A_833 = vector.broadcast %mul3A_829 : i32 to vector<16xi32>
        %add3A_834 = arith.addi %add3A_463, %add3A_833 : vector<16xi32>
        %gather3A_835 = tpu.vector_load_idx %arg11[%add3A_834] : memref<6144xi32, #tpu.memory_space<vmem>>[vector<16xi32>], vector<16xi32>,
        %add3A_836 = vector.broadcast %mul3A_829 : i32 to vector<16xi32>
        %add3A_837 = arith.addi %add3A_471, %add3A_836 : vector<16xi32>
        %gather3A_838 = tpu.vector_load_idx %arg11[%add3A_837] : memref<6144xi32, #tpu.memory_space<vmem>>[vector<16xi32>], vector<16xi32>,
        %mul3A_839 = arith.constant 8 : i32
        %mul3A_840 = arith.muli %scan3A_784, %mul3A_839 : i32
        %add3A_841 = arith.constant 3 : i32
        %add3A_842 = arith.addi %mul3A_840, %add3A_841 : i32
        %mul3A_843 = arith.constant 48 : i32
        %mul3A_844 = arith.muli %add3A_842, %mul3A_843 : i32
        %add3A_845 = vector.broadcast %mul3A_844 : i32 to vector<16xi32>
        %add3A_846 = arith.addi %sub3A_456, %add3A_845 : vector<16xi32>
        %gather3A_847 = tpu.vector_load_idx %arg11[%add3A_846] : memref<6144xi32, #tpu.memory_space<vmem>>[vector<16xi32>], vector<16xi32>,
        %add3A_848 = vector.broadcast %mul3A_844 : i32 to vector<16xi32>
        %add3A_849 = arith.addi %add3A_463, %add3A_848 : vector<16xi32>
        %gather3A_850 = tpu.vector_load_idx %arg11[%add3A_849] : memref<6144xi32, #tpu.memory_space<vmem>>[vector<16xi32>], vector<16xi32>,
        %add3A_851 = vector.broadcast %mul3A_844 : i32 to vector<16xi32>
        %add3A_852 = arith.addi %add3A_471, %add3A_851 : vector<16xi32>
        %gather3A_853 = tpu.vector_load_idx %arg11[%add3A_852] : memref<6144xi32, #tpu.memory_space<vmem>>[vector<16xi32>], vector<16xi32>,
        %mul3A_854 = arith.constant 8 : i32
        %mul3A_855 = arith.muli %scan3A_784, %mul3A_854 : i32
        %add3A_856 = arith.constant 4 : i32
        %add3A_857 = arith.addi %mul3A_855, %add3A_856 : i32
        %mul3A_858 = arith.constant 48 : i32
        %mul3A_859 = arith.muli %add3A_857, %mul3A_858 : i32
        %add3A_860 = vector.broadcast %mul3A_859 : i32 to vector<16xi32>
        %add3A_861 = arith.addi %sub3A_456, %add3A_860 : vector<16xi32>
        %gather3A_862 = tpu.vector_load_idx %arg11[%add3A_861] : memref<6144xi32, #tpu.memory_space<vmem>>[vector<16xi32>], vector<16xi32>,
        %add3A_863 = vector.broadcast %mul3A_859 : i32 to vector<16xi32>
        %add3A_864 = arith.addi %add3A_463, %add3A_863 : vector<16xi32>
        %gather3A_865 = tpu.vector_load_idx %arg11[%add3A_864] : memref<6144xi32, #tpu.memory_space<vmem>>[vector<16xi32>], vector<16xi32>,
        %add3A_866 = vector.broadcast %mul3A_859 : i32 to vector<16xi32>
        %add3A_867 = arith.addi %add3A_471, %add3A_866 : vector<16xi32>
        %gather3A_868 = tpu.vector_load_idx %arg11[%add3A_867] : memref<6144xi32, #tpu.memory_space<vmem>>[vector<16xi32>], vector<16xi32>,
        %mul3A_869 = arith.constant 8 : i32
        %mul3A_870 = arith.muli %scan3A_784, %mul3A_869 : i32
        %add3A_871 = arith.constant 5 : i32
        %add3A_872 = arith.addi %mul3A_870, %add3A_871 : i32
        %mul3A_873 = arith.constant 48 : i32
        %mul3A_874 = arith.muli %add3A_872, %mul3A_873 : i32
        %add3A_875 = vector.broadcast %mul3A_874 : i32 to vector<16xi32>
        %add3A_876 = arith.addi %sub3A_456, %add3A_875 : vector<16xi32>
        %gather3A_877 = tpu.vector_load_idx %arg11[%add3A_876] : memref<6144xi32, #tpu.memory_space<vmem>>[vector<16xi32>], vector<16xi32>,
        %add3A_878 = vector.broadcast %mul3A_874 : i32 to vector<16xi32>
        %add3A_879 = arith.addi %add3A_463, %add3A_878 : vector<16xi32>
        %gather3A_880 = tpu.vector_load_idx %arg11[%add3A_879] : memref<6144xi32, #tpu.memory_space<vmem>>[vector<16xi32>], vector<16xi32>,
        %add3A_881 = vector.broadcast %mul3A_874 : i32 to vector<16xi32>
        %add3A_882 = arith.addi %add3A_471, %add3A_881 : vector<16xi32>
        %gather3A_883 = tpu.vector_load_idx %arg11[%add3A_882] : memref<6144xi32, #tpu.memory_space<vmem>>[vector<16xi32>], vector<16xi32>,
        %mul3A_884 = arith.constant 8 : i32
        %mul3A_885 = arith.muli %scan3A_784, %mul3A_884 : i32
        %add3A_886 = arith.constant 6 : i32
        %add3A_887 = arith.addi %mul3A_885, %add3A_886 : i32
        %mul3A_888 = arith.constant 48 : i32
        %mul3A_889 = arith.muli %add3A_887, %mul3A_888 : i32
        %add3A_890 = vector.broadcast %mul3A_889 : i32 to vector<16xi32>
        %add3A_891 = arith.addi %sub3A_456, %add3A_890 : vector<16xi32>
        %gather3A_892 = tpu.vector_load_idx %arg11[%add3A_891] : memref<6144xi32, #tpu.memory_space<vmem>>[vector<16xi32>], vector<16xi32>,
        %add3A_893 = vector.broadcast %mul3A_889 : i32 to vector<16xi32>
        %add3A_894 = arith.addi %add3A_463, %add3A_893 : vector<16xi32>
        %gather3A_895 = tpu.vector_load_idx %arg11[%add3A_894] : memref<6144xi32, #tpu.memory_space<vmem>>[vector<16xi32>], vector<16xi32>,
        %add3A_896 = vector.broadcast %mul3A_889 : i32 to vector<16xi32>
        %add3A_897 = arith.addi %add3A_471, %add3A_896 : vector<16xi32>
        %gather3A_898 = tpu.vector_load_idx %arg11[%add3A_897] : memref<6144xi32, #tpu.memory_space<vmem>>[vector<16xi32>], vector<16xi32>,
        %mul3A_899 = arith.constant 8 : i32
        %mul3A_900 = arith.muli %scan3A_784, %mul3A_899 : i32
        %add3A_901 = arith.constant 7 : i32
        %add3A_902 = arith.addi %mul3A_900, %add3A_901 : i32
        %mul3A_903 = arith.constant 48 : i32
        %mul3A_904 = arith.muli %add3A_902, %mul3A_903 : i32
        %add3A_905 = vector.broadcast %mul3A_904 : i32 to vector<16xi32>
        %add3A_906 = arith.addi %sub3A_456, %add3A_905 : vector<16xi32>
        %gather3A_907 = tpu.vector_load_idx %arg11[%add3A_906] : memref<6144xi32, #tpu.memory_space<vmem>>[vector<16xi32>], vector<16xi32>,
        %add3A_908 = vector.broadcast %mul3A_904 : i32 to vector<16xi32>
        %add3A_909 = arith.addi %add3A_463, %add3A_908 : vector<16xi32>
        %gather3A_910 = tpu.vector_load_idx %arg11[%add3A_909] : memref<6144xi32, #tpu.memory_space<vmem>>[vector<16xi32>], vector<16xi32>,
        %add3A_911 = vector.broadcast %mul3A_904 : i32 to vector<16xi32>
        %add3A_912 = arith.addi %add3A_471, %add3A_911 : vector<16xi32>
        %gather3A_913 = tpu.vector_load_idx %arg11[%add3A_912] : memref<6144xi32, #tpu.memory_space<vmem>>[vector<16xi32>], vector<16xi32>,
        %add3A_914 = arith.addi %scan3A_785, %gather3A_802 : vector<16xi32>
        %le3A_915 = arith.cmpi sle, %add3A_914, %sub3A_391 : vector<16xi32>
        %convert_element_type3A_916 = arith.extui %le3A_915 : vector<16xi1> to vector<16xi32>
        %add3A_917 = arith.addi %scan3A_788, %convert_element_type3A_916 : vector<16xi32>
        %select_n3A_918 = arith.select %le3A_915, %add3A_914, %scan3A_791 : vector<16xi1>, vector<16xi32>
        %add3A_919 = arith.addi %scan3A_786, %gather3A_805 : vector<16xi32>
        %le3A_920 = arith.cmpi sle, %add3A_919, %sub3A_405 : vector<16xi32>
        %convert_element_type3A_921 = arith.extui %le3A_920 : vector<16xi1> to vector<16xi32>
        %add3A_922 = arith.addi %scan3A_789, %convert_element_type3A_921 : vector<16xi32>
        %select_n3A_923 = arith.select %le3A_920, %add3A_919, %scan3A_792 : vector<16xi1>, vector<16xi32>
        %add3A_924 = arith.addi %scan3A_787, %gather3A_808 : vector<16xi32>
        %le3A_925 = arith.cmpi sle, %add3A_924, %sub3A_419 : vector<16xi32>
        %convert_element_type3A_926 = arith.extui %le3A_925 : vector<16xi1> to vector<16xi32>
        %add3A_927 = arith.addi %scan3A_790, %convert_element_type3A_926 : vector<16xi32>
        %select_n3A_928 = arith.select %le3A_925, %add3A_924, %scan3A_793 : vector<16xi1>, vector<16xi32>
        %add3A_929 = arith.addi %add3A_914, %gather3A_817 : vector<16xi32>
        %le3A_930 = arith.cmpi sle, %add3A_929, %sub3A_391 : vector<16xi32>
        %convert_element_type3A_931 = arith.extui %le3A_930 : vector<16xi1> to vector<16xi32>
        %add3A_932 = arith.addi %add3A_917, %convert_element_type3A_931 : vector<16xi32>
        %select_n3A_933 = arith.select %le3A_930, %add3A_929, %select_n3A_918 : vector<16xi1>, vector<16xi32>
        %add3A_934 = arith.addi %add3A_919, %gather3A_820 : vector<16xi32>
        %le3A_935 = arith.cmpi sle, %add3A_934, %sub3A_405 : vector<16xi32>
        %convert_element_type3A_936 = arith.extui %le3A_935 : vector<16xi1> to vector<16xi32>
        %add3A_937 = arith.addi %add3A_922, %convert_element_type3A_936 : vector<16xi32>
        %select_n3A_938 = arith.select %le3A_935, %add3A_934, %select_n3A_923 : vector<16xi1>, vector<16xi32>
        %add3A_939 = arith.addi %add3A_924, %gather3A_823 : vector<16xi32>
        %le3A_940 = arith.cmpi sle, %add3A_939, %sub3A_419 : vector<16xi32>
        %convert_element_type3A_941 = arith.extui %le3A_940 : vector<16xi1> to vector<16xi32>
        %add3A_942 = arith.addi %add3A_927, %convert_element_type3A_941 : vector<16xi32>
        %select_n3A_943 = arith.select %le3A_940, %add3A_939, %select_n3A_928 : vector<16xi1>, vector<16xi32>
        %add3A_944 = arith.addi %add3A_929, %gather3A_832 : vector<16xi32>
        %le3A_945 = arith.cmpi sle, %add3A_944, %sub3A_391 : vector<16xi32>
        %convert_element_type3A_946 = arith.extui %le3A_945 : vector<16xi1> to vector<16xi32>
        %add3A_947 = arith.addi %add3A_932, %convert_element_type3A_946 : vector<16xi32>
        %select_n3A_948 = arith.select %le3A_945, %add3A_944, %select_n3A_933 : vector<16xi1>, vector<16xi32>
        %add3A_949 = arith.addi %add3A_934, %gather3A_835 : vector<16xi32>
        %le3A_950 = arith.cmpi sle, %add3A_949, %sub3A_405 : vector<16xi32>
        %convert_element_type3A_951 = arith.extui %le3A_950 : vector<16xi1> to vector<16xi32>
        %add3A_952 = arith.addi %add3A_937, %convert_element_type3A_951 : vector<16xi32>
        %select_n3A_953 = arith.select %le3A_950, %add3A_949, %select_n3A_938 : vector<16xi1>, vector<16xi32>
        %add3A_954 = arith.addi %add3A_939, %gather3A_838 : vector<16xi32>
        %le3A_955 = arith.cmpi sle, %add3A_954, %sub3A_419 : vector<16xi32>
        %convert_element_type3A_956 = arith.extui %le3A_955 : vector<16xi1> to vector<16xi32>
        %add3A_957 = arith.addi %add3A_942, %convert_element_type3A_956 : vector<16xi32>
        %select_n3A_958 = arith.select %le3A_955, %add3A_954, %select_n3A_943 : vector<16xi1>, vector<16xi32>
        %add3A_959 = arith.addi %add3A_944, %gather3A_847 : vector<16xi32>
        %le3A_960 = arith.cmpi sle, %add3A_959, %sub3A_391 : vector<16xi32>
        %convert_element_type3A_961 = arith.extui %le3A_960 : vector<16xi1> to vector<16xi32>
        %add3A_962 = arith.addi %add3A_947, %convert_element_type3A_961 : vector<16xi32>
        %select_n3A_963 = arith.select %le3A_960, %add3A_959, %select_n3A_948 : vector<16xi1>, vector<16xi32>
        %add3A_964 = arith.addi %add3A_949, %gather3A_850 : vector<16xi32>
        %le3A_965 = arith.cmpi sle, %add3A_964, %sub3A_405 : vector<16xi32>
        %convert_element_type3A_966 = arith.extui %le3A_965 : vector<16xi1> to vector<16xi32>
        %add3A_967 = arith.addi %add3A_952, %convert_element_type3A_966 : vector<16xi32>
        %select_n3A_968 = arith.select %le3A_965, %add3A_964, %select_n3A_953 : vector<16xi1>, vector<16xi32>
        %add3A_969 = arith.addi %add3A_954, %gather3A_853 : vector<16xi32>
        %le3A_970 = arith.cmpi sle, %add3A_969, %sub3A_419 : vector<16xi32>
        %convert_element_type3A_971 = arith.extui %le3A_970 : vector<16xi1> to vector<16xi32>
        %add3A_972 = arith.addi %add3A_957, %convert_element_type3A_971 : vector<16xi32>
        %select_n3A_973 = arith.select %le3A_970, %add3A_969, %select_n3A_958 : vector<16xi1>, vector<16xi32>
        %add3A_974 = arith.addi %add3A_959, %gather3A_862 : vector<16xi32>
        %le3A_975 = arith.cmpi sle, %add3A_974, %sub3A_391 : vector<16xi32>
        %convert_element_type3A_976 = arith.extui %le3A_975 : vector<16xi1> to vector<16xi32>
        %add3A_977 = arith.addi %add3A_962, %convert_element_type3A_976 : vector<16xi32>
        %select_n3A_978 = arith.select %le3A_975, %add3A_974, %select_n3A_963 : vector<16xi1>, vector<16xi32>
        %add3A_979 = arith.addi %add3A_964, %gather3A_865 : vector<16xi32>
        %le3A_980 = arith.cmpi sle, %add3A_979, %sub3A_405 : vector<16xi32>
        %convert_element_type3A_981 = arith.extui %le3A_980 : vector<16xi1> to vector<16xi32>
        %add3A_982 = arith.addi %add3A_967, %convert_element_type3A_981 : vector<16xi32>
        %select_n3A_983 = arith.select %le3A_980, %add3A_979, %select_n3A_968 : vector<16xi1>, vector<16xi32>
        %add3A_984 = arith.addi %add3A_969, %gather3A_868 : vector<16xi32>
        %le3A_985 = arith.cmpi sle, %add3A_984, %sub3A_419 : vector<16xi32>
        %convert_element_type3A_986 = arith.extui %le3A_985 : vector<16xi1> to vector<16xi32>
        %add3A_987 = arith.addi %add3A_972, %convert_element_type3A_986 : vector<16xi32>
        %select_n3A_988 = arith.select %le3A_985, %add3A_984, %select_n3A_973 : vector<16xi1>, vector<16xi32>
        %add3A_989 = arith.addi %add3A_974, %gather3A_877 : vector<16xi32>
        %le3A_990 = arith.cmpi sle, %add3A_989, %sub3A_391 : vector<16xi32>
        %convert_element_type3A_991 = arith.extui %le3A_990 : vector<16xi1> to vector<16xi32>
        %add3A_992 = arith.addi %add3A_977, %convert_element_type3A_991 : vector<16xi32>
        %select_n3A_993 = arith.select %le3A_990, %add3A_989, %select_n3A_978 : vector<16xi1>, vector<16xi32>
        %add3A_994 = arith.addi %add3A_979, %gather3A_880 : vector<16xi32>
        %le3A_995 = arith.cmpi sle, %add3A_994, %sub3A_405 : vector<16xi32>
        %convert_element_type3A_996 = arith.extui %le3A_995 : vector<16xi1> to vector<16xi32>
        %add3A_997 = arith.addi %add3A_982, %convert_element_type3A_996 : vector<16xi32>
        %select_n3A_998 = arith.select %le3A_995, %add3A_994, %select_n3A_983 : vector<16xi1>, vector<16xi32>
        %add3A_999 = arith.addi %add3A_984, %gather3A_883 : vector<16xi32>
        %le3A_1000 = arith.cmpi sle, %add3A_999, %sub3A_419 : vector<16xi32>
        %convert_element_type3A_1001 = arith.extui %le3A_1000 : vector<16xi1> to vector<16xi32>
        %add3A_1002 = arith.addi %add3A_987, %convert_element_type3A_1001 : vector<16xi32>
        %select_n3A_1003 = arith.select %le3A_1000, %add3A_999, %select_n3A_988 : vector<16xi1>, vector<16xi32>
        %add3A_1004 = arith.addi %add3A_989, %gather3A_892 : vector<16xi32>
        %le3A_1005 = arith.cmpi sle, %add3A_1004, %sub3A_391 : vector<16xi32>
        %convert_element_type3A_1006 = arith.extui %le3A_1005 : vector<16xi1> to vector<16xi32>
        %add3A_1007 = arith.addi %add3A_992, %convert_element_type3A_1006 : vector<16xi32>
        %select_n3A_1008 = arith.select %le3A_1005, %add3A_1004, %select_n3A_993 : vector<16xi1>, vector<16xi32>
        %add3A_1009 = arith.addi %add3A_994, %gather3A_895 : vector<16xi32>
        %le3A_1010 = arith.cmpi sle, %add3A_1009, %sub3A_405 : vector<16xi32>
        %convert_element_type3A_1011 = arith.extui %le3A_1010 : vector<16xi1> to vector<16xi32>
        %add3A_1012 = arith.addi %add3A_997, %convert_element_type3A_1011 : vector<16xi32>
        %select_n3A_1013 = arith.select %le3A_1010, %add3A_1009, %select_n3A_998 : vector<16xi1>, vector<16xi32>
        %add3A_1014 = arith.addi %add3A_999, %gather3A_898 : vector<16xi32>
        %le3A_1015 = arith.cmpi sle, %add3A_1014, %sub3A_419 : vector<16xi32>
        %convert_element_type3A_1016 = arith.extui %le3A_1015 : vector<16xi1> to vector<16xi32>
        %add3A_1017 = arith.addi %add3A_1002, %convert_element_type3A_1016 : vector<16xi32>
        %select_n3A_1018 = arith.select %le3A_1015, %add3A_1014, %select_n3A_1003 : vector<16xi1>, vector<16xi32>
        %add3A_1019 = arith.addi %add3A_1004, %gather3A_907 : vector<16xi32>
        %le3A_1020 = arith.cmpi sle, %add3A_1019, %sub3A_391 : vector<16xi32>
        %convert_element_type3A_1021 = arith.extui %le3A_1020 : vector<16xi1> to vector<16xi32>
        %add3A_1022 = arith.addi %add3A_1007, %convert_element_type3A_1021 : vector<16xi32>
        %select_n3A_1023 = arith.select %le3A_1020, %add3A_1019, %select_n3A_1008 : vector<16xi1>, vector<16xi32>
        %add3A_1024 = arith.addi %add3A_1009, %gather3A_910 : vector<16xi32>
        %le3A_1025 = arith.cmpi sle, %add3A_1024, %sub3A_405 : vector<16xi32>
        %convert_element_type3A_1026 = arith.extui %le3A_1025 : vector<16xi1> to vector<16xi32>
        %add3A_1027 = arith.addi %add3A_1012, %convert_element_type3A_1026 : vector<16xi32>
        %select_n3A_1028 = arith.select %le3A_1025, %add3A_1024, %select_n3A_1013 : vector<16xi1>, vector<16xi32>
        %add3A_1029 = arith.addi %add3A_1014, %gather3A_913 : vector<16xi32>
        %le3A_1030 = arith.cmpi sle, %add3A_1029, %sub3A_419 : vector<16xi32>
        %convert_element_type3A_1031 = arith.extui %le3A_1030 : vector<16xi1> to vector<16xi32>
        %add3A_1032 = arith.addi %add3A_1017, %convert_element_type3A_1031 : vector<16xi32>
        %select_n3A_1033 = arith.select %le3A_1030, %add3A_1029, %select_n3A_1018 : vector<16xi1>, vector<16xi32>
        %mul3A_1034 = arith.constant 8 : i32
        %mul3A_1035 = arith.muli %scan3A_784, %mul3A_1034 : i32
        %add3A_1036 = arith.constant 0 : i32
        %add3A_1037 = arith.addi %mul3A_1035, %add3A_1036 : i32
        %mul3A_1038 = arith.constant 48 : i32
        %mul3A_1039 = arith.muli %add3A_1037, %mul3A_1038 : i32
        %swap3A_1040 = arith.index_cast %mul3A_1039 : i32 to index
        %swap3A_1041 = tpu.vector_load %arg11[%swap3A_1040] {strides = array<i32>} : memref<6144xi32, #tpu.memory_space<vmem>>, vector<16xi32>,
        tpu.vector_store %arg11[%swap3A_1040], %mul3A_3 {strides = array<i32>} : memref<6144xi32, #tpu.memory_space<vmem>>, vector<16xi32>,
        %add3A_1042 = arith.constant 16 : i32
        %add3A_1043 = arith.addi %mul3A_1039, %add3A_1042 : i32
        %swap3A_1044 = arith.index_cast %add3A_1043 : i32 to index
        %swap3A_1045 = tpu.vector_load %arg11[%swap3A_1044] {strides = array<i32>} : memref<6144xi32, #tpu.memory_space<vmem>>, vector<16xi32>,
        tpu.vector_store %arg11[%swap3A_1044], %mul3A_3 {strides = array<i32>} : memref<6144xi32, #tpu.memory_space<vmem>>, vector<16xi32>,
        %add3A_1046 = arith.constant 32 : i32
        %add3A_1047 = arith.addi %mul3A_1039, %add3A_1046 : i32
        %swap3A_1048 = arith.index_cast %add3A_1047 : i32 to index
        %swap3A_1049 = tpu.vector_load %arg11[%swap3A_1048] {strides = array<i32>} : memref<6144xi32, #tpu.memory_space<vmem>>, vector<16xi32>,
        tpu.vector_store %arg11[%swap3A_1048], %mul3A_3 {strides = array<i32>} : memref<6144xi32, #tpu.memory_space<vmem>>, vector<16xi32>,
        %mul3A_1050 = arith.constant 8 : i32
        %mul3A_1051 = arith.muli %scan3A_784, %mul3A_1050 : i32
        %add3A_1052 = arith.constant 1 : i32
        %add3A_1053 = arith.addi %mul3A_1051, %add3A_1052 : i32
        %mul3A_1054 = arith.constant 48 : i32
        %mul3A_1055 = arith.muli %add3A_1053, %mul3A_1054 : i32
        %swap3A_1056 = arith.index_cast %mul3A_1055 : i32 to index
        %swap3A_1057 = tpu.vector_load %arg11[%swap3A_1056] {strides = array<i32>} : memref<6144xi32, #tpu.memory_space<vmem>>, vector<16xi32>,
        tpu.vector_store %arg11[%swap3A_1056], %mul3A_3 {strides = array<i32>} : memref<6144xi32, #tpu.memory_space<vmem>>, vector<16xi32>,
        %add3A_1058 = arith.constant 16 : i32
        %add3A_1059 = arith.addi %mul3A_1055, %add3A_1058 : i32
        %swap3A_1060 = arith.index_cast %add3A_1059 : i32 to index
        %swap3A_1061 = tpu.vector_load %arg11[%swap3A_1060] {strides = array<i32>} : memref<6144xi32, #tpu.memory_space<vmem>>, vector<16xi32>,
        tpu.vector_store %arg11[%swap3A_1060], %mul3A_3 {strides = array<i32>} : memref<6144xi32, #tpu.memory_space<vmem>>, vector<16xi32>,
        %add3A_1062 = arith.constant 32 : i32
        %add3A_1063 = arith.addi %mul3A_1055, %add3A_1062 : i32
        %swap3A_1064 = arith.index_cast %add3A_1063 : i32 to index
        %swap3A_1065 = tpu.vector_load %arg11[%swap3A_1064] {strides = array<i32>} : memref<6144xi32, #tpu.memory_space<vmem>>, vector<16xi32>,
        tpu.vector_store %arg11[%swap3A_1064], %mul3A_3 {strides = array<i32>} : memref<6144xi32, #tpu.memory_space<vmem>>, vector<16xi32>,
        %mul3A_1066 = arith.constant 8 : i32
        %mul3A_1067 = arith.muli %scan3A_784, %mul3A_1066 : i32
        %add3A_1068 = arith.constant 2 : i32
        %add3A_1069 = arith.addi %mul3A_1067, %add3A_1068 : i32
        %mul3A_1070 = arith.constant 48 : i32
        %mul3A_1071 = arith.muli %add3A_1069, %mul3A_1070 : i32
        %swap3A_1072 = arith.index_cast %mul3A_1071 : i32 to index
        %swap3A_1073 = tpu.vector_load %arg11[%swap3A_1072] {strides = array<i32>} : memref<6144xi32, #tpu.memory_space<vmem>>, vector<16xi32>,
        tpu.vector_store %arg11[%swap3A_1072], %mul3A_3 {strides = array<i32>} : memref<6144xi32, #tpu.memory_space<vmem>>, vector<16xi32>,
        %add3A_1074 = arith.constant 16 : i32
        %add3A_1075 = arith.addi %mul3A_1071, %add3A_1074 : i32
        %swap3A_1076 = arith.index_cast %add3A_1075 : i32 to index
        %swap3A_1077 = tpu.vector_load %arg11[%swap3A_1076] {strides = array<i32>} : memref<6144xi32, #tpu.memory_space<vmem>>, vector<16xi32>,
        tpu.vector_store %arg11[%swap3A_1076], %mul3A_3 {strides = array<i32>} : memref<6144xi32, #tpu.memory_space<vmem>>, vector<16xi32>,
        %add3A_1078 = arith.constant 32 : i32
        %add3A_1079 = arith.addi %mul3A_1071, %add3A_1078 : i32
        %swap3A_1080 = arith.index_cast %add3A_1079 : i32 to index
        %swap3A_1081 = tpu.vector_load %arg11[%swap3A_1080] {strides = array<i32>} : memref<6144xi32, #tpu.memory_space<vmem>>, vector<16xi32>,
        tpu.vector_store %arg11[%swap3A_1080], %mul3A_3 {strides = array<i32>} : memref<6144xi32, #tpu.memory_space<vmem>>, vector<16xi32>,
        %mul3A_1082 = arith.constant 8 : i32
        %mul3A_1083 = arith.muli %scan3A_784, %mul3A_1082 : i32
        %add3A_1084 = arith.constant 3 : i32
        %add3A_1085 = arith.addi %mul3A_1083, %add3A_1084 : i32
        %mul3A_1086 = arith.constant 48 : i32
        %mul3A_1087 = arith.muli %add3A_1085, %mul3A_1086 : i32
        %swap3A_1088 = arith.index_cast %mul3A_1087 : i32 to index
        %swap3A_1089 = tpu.vector_load %arg11[%swap3A_1088] {strides = array<i32>} : memref<6144xi32, #tpu.memory_space<vmem>>, vector<16xi32>,
        tpu.vector_store %arg11[%swap3A_1088], %mul3A_3 {strides = array<i32>} : memref<6144xi32, #tpu.memory_space<vmem>>, vector<16xi32>,
        %add3A_1090 = arith.constant 16 : i32
        %add3A_1091 = arith.addi %mul3A_1087, %add3A_1090 : i32
        %swap3A_1092 = arith.index_cast %add3A_1091 : i32 to index
        %swap3A_1093 = tpu.vector_load %arg11[%swap3A_1092] {strides = array<i32>} : memref<6144xi32, #tpu.memory_space<vmem>>, vector<16xi32>,
        tpu.vector_store %arg11[%swap3A_1092], %mul3A_3 {strides = array<i32>} : memref<6144xi32, #tpu.memory_space<vmem>>, vector<16xi32>,
        %add3A_1094 = arith.constant 32 : i32
        %add3A_1095 = arith.addi %mul3A_1087, %add3A_1094 : i32
        %swap3A_1096 = arith.index_cast %add3A_1095 : i32 to index
        %swap3A_1097 = tpu.vector_load %arg11[%swap3A_1096] {strides = array<i32>} : memref<6144xi32, #tpu.memory_space<vmem>>, vector<16xi32>,
        tpu.vector_store %arg11[%swap3A_1096], %mul3A_3 {strides = array<i32>} : memref<6144xi32, #tpu.memory_space<vmem>>, vector<16xi32>,
        %mul3A_1098 = arith.constant 8 : i32
        %mul3A_1099 = arith.muli %scan3A_784, %mul3A_1098 : i32
        %add3A_1100 = arith.constant 4 : i32
        %add3A_1101 = arith.addi %mul3A_1099, %add3A_1100 : i32
        %mul3A_1102 = arith.constant 48 : i32
        %mul3A_1103 = arith.muli %add3A_1101, %mul3A_1102 : i32
        %swap3A_1104 = arith.index_cast %mul3A_1103 : i32 to index
        %swap3A_1105 = tpu.vector_load %arg11[%swap3A_1104] {strides = array<i32>} : memref<6144xi32, #tpu.memory_space<vmem>>, vector<16xi32>,
        tpu.vector_store %arg11[%swap3A_1104], %mul3A_3 {strides = array<i32>} : memref<6144xi32, #tpu.memory_space<vmem>>, vector<16xi32>,
        %add3A_1106 = arith.constant 16 : i32
        %add3A_1107 = arith.addi %mul3A_1103, %add3A_1106 : i32
        %swap3A_1108 = arith.index_cast %add3A_1107 : i32 to index
        %swap3A_1109 = tpu.vector_load %arg11[%swap3A_1108] {strides = array<i32>} : memref<6144xi32, #tpu.memory_space<vmem>>, vector<16xi32>,
        tpu.vector_store %arg11[%swap3A_1108], %mul3A_3 {strides = array<i32>} : memref<6144xi32, #tpu.memory_space<vmem>>, vector<16xi32>,
        %add3A_1110 = arith.constant 32 : i32
        %add3A_1111 = arith.addi %mul3A_1103, %add3A_1110 : i32
        %swap3A_1112 = arith.index_cast %add3A_1111 : i32 to index
        %swap3A_1113 = tpu.vector_load %arg11[%swap3A_1112] {strides = array<i32>} : memref<6144xi32, #tpu.memory_space<vmem>>, vector<16xi32>,
        tpu.vector_store %arg11[%swap3A_1112], %mul3A_3 {strides = array<i32>} : memref<6144xi32, #tpu.memory_space<vmem>>, vector<16xi32>,
        %mul3A_1114 = arith.constant 8 : i32
        %mul3A_1115 = arith.muli %scan3A_784, %mul3A_1114 : i32
        %add3A_1116 = arith.constant 5 : i32
        %add3A_1117 = arith.addi %mul3A_1115, %add3A_1116 : i32
        %mul3A_1118 = arith.constant 48 : i32
        %mul3A_1119 = arith.muli %add3A_1117, %mul3A_1118 : i32
        %swap3A_1120 = arith.index_cast %mul3A_1119 : i32 to index
        %swap3A_1121 = tpu.vector_load %arg11[%swap3A_1120] {strides = array<i32>} : memref<6144xi32, #tpu.memory_space<vmem>>, vector<16xi32>,
        tpu.vector_store %arg11[%swap3A_1120], %mul3A_3 {strides = array<i32>} : memref<6144xi32, #tpu.memory_space<vmem>>, vector<16xi32>,
        %add3A_1122 = arith.constant 16 : i32
        %add3A_1123 = arith.addi %mul3A_1119, %add3A_1122 : i32
        %swap3A_1124 = arith.index_cast %add3A_1123 : i32 to index
        %swap3A_1125 = tpu.vector_load %arg11[%swap3A_1124] {strides = array<i32>} : memref<6144xi32, #tpu.memory_space<vmem>>, vector<16xi32>,
        tpu.vector_store %arg11[%swap3A_1124], %mul3A_3 {strides = array<i32>} : memref<6144xi32, #tpu.memory_space<vmem>>, vector<16xi32>,
        %add3A_1126 = arith.constant 32 : i32
        %add3A_1127 = arith.addi %mul3A_1119, %add3A_1126 : i32
        %swap3A_1128 = arith.index_cast %add3A_1127 : i32 to index
        %swap3A_1129 = tpu.vector_load %arg11[%swap3A_1128] {strides = array<i32>} : memref<6144xi32, #tpu.memory_space<vmem>>, vector<16xi32>,
        tpu.vector_store %arg11[%swap3A_1128], %mul3A_3 {strides = array<i32>} : memref<6144xi32, #tpu.memory_space<vmem>>, vector<16xi32>,
        %mul3A_1130 = arith.constant 8 : i32
        %mul3A_1131 = arith.muli %scan3A_784, %mul3A_1130 : i32
        %add3A_1132 = arith.constant 6 : i32
        %add3A_1133 = arith.addi %mul3A_1131, %add3A_1132 : i32
        %mul3A_1134 = arith.constant 48 : i32
        %mul3A_1135 = arith.muli %add3A_1133, %mul3A_1134 : i32
        %swap3A_1136 = arith.index_cast %mul3A_1135 : i32 to index
        %swap3A_1137 = tpu.vector_load %arg11[%swap3A_1136] {strides = array<i32>} : memref<6144xi32, #tpu.memory_space<vmem>>, vector<16xi32>,
        tpu.vector_store %arg11[%swap3A_1136], %mul3A_3 {strides = array<i32>} : memref<6144xi32, #tpu.memory_space<vmem>>, vector<16xi32>,
        %add3A_1138 = arith.constant 16 : i32
        %add3A_1139 = arith.addi %mul3A_1135, %add3A_1138 : i32
        %swap3A_1140 = arith.index_cast %add3A_1139 : i32 to index
        %swap3A_1141 = tpu.vector_load %arg11[%swap3A_1140] {strides = array<i32>} : memref<6144xi32, #tpu.memory_space<vmem>>, vector<16xi32>,
        tpu.vector_store %arg11[%swap3A_1140], %mul3A_3 {strides = array<i32>} : memref<6144xi32, #tpu.memory_space<vmem>>, vector<16xi32>,
        %add3A_1142 = arith.constant 32 : i32
        %add3A_1143 = arith.addi %mul3A_1135, %add3A_1142 : i32
        %swap3A_1144 = arith.index_cast %add3A_1143 : i32 to index
        %swap3A_1145 = tpu.vector_load %arg11[%swap3A_1144] {strides = array<i32>} : memref<6144xi32, #tpu.memory_space<vmem>>, vector<16xi32>,
        tpu.vector_store %arg11[%swap3A_1144], %mul3A_3 {strides = array<i32>} : memref<6144xi32, #tpu.memory_space<vmem>>, vector<16xi32>,
        %mul3A_1146 = arith.constant 8 : i32
        %mul3A_1147 = arith.muli %scan3A_784, %mul3A_1146 : i32
        %add3A_1148 = arith.constant 7 : i32
        %add3A_1149 = arith.addi %mul3A_1147, %add3A_1148 : i32
        %mul3A_1150 = arith.constant 48 : i32
        %mul3A_1151 = arith.muli %add3A_1149, %mul3A_1150 : i32
        %swap3A_1152 = arith.index_cast %mul3A_1151 : i32 to index
        %swap3A_1153 = tpu.vector_load %arg11[%swap3A_1152] {strides = array<i32>} : memref<6144xi32, #tpu.memory_space<vmem>>, vector<16xi32>,
        tpu.vector_store %arg11[%swap3A_1152], %mul3A_3 {strides = array<i32>} : memref<6144xi32, #tpu.memory_space<vmem>>, vector<16xi32>,
        %add3A_1154 = arith.constant 16 : i32
        %add3A_1155 = arith.addi %mul3A_1151, %add3A_1154 : i32
        %swap3A_1156 = arith.index_cast %add3A_1155 : i32 to index
        %swap3A_1157 = tpu.vector_load %arg11[%swap3A_1156] {strides = array<i32>} : memref<6144xi32, #tpu.memory_space<vmem>>, vector<16xi32>,
        tpu.vector_store %arg11[%swap3A_1156], %mul3A_3 {strides = array<i32>} : memref<6144xi32, #tpu.memory_space<vmem>>, vector<16xi32>,
        %add3A_1158 = arith.constant 32 : i32
        %add3A_1159 = arith.addi %mul3A_1151, %add3A_1158 : i32
        %swap3A_1160 = arith.index_cast %add3A_1159 : i32 to index
        %swap3A_1161 = tpu.vector_load %arg11[%swap3A_1160] {strides = array<i32>} : memref<6144xi32, #tpu.memory_space<vmem>>, vector<16xi32>,
        tpu.vector_store %arg11[%swap3A_1160], %mul3A_3 {strides = array<i32>} : memref<6144xi32, #tpu.memory_space<vmem>>, vector<16xi32>,
        scf.yield %add3A_1019, %add3A_1024, %add3A_1029, %add3A_1022, %add3A_1027, %add3A_1032, %select_n3A_1023, %select_n3A_1028, %select_n3A_1033 : vector<16xi32>, vector<16xi32>, vector<16xi32>, vector<16xi32>, vector<16xi32>, vector<16xi32>, vector<16xi32>, vector<16xi32>, vector<16xi32>
      }
      %scan3A_484 = arith.constant 16 : i32
      %sub3A_485 = arith.subi %sub3A_391, %scan3A_483#6 : vector<16xi32>
      %sub3A_486 = arith.subi %sub3A_405, %scan3A_483#7 : vector<16xi32>
      %sub3A_487 = arith.subi %sub3A_419, %scan3A_483#8 : vector<16xi32>
      %mul3A_488 = arith.constant 128 : i32
      %mul3A_489 = vector.broadcast %mul3A_488 : i32 to vector<16xi32>
      %mul3A_490 = arith.muli %sub3A_456, %mul3A_489 : vector<16xi32>
      %add3A_491 = arith.addi %mul3A_490, %scan3A_483#3 : vector<16xi32>
      %mul3A_492 = arith.constant 128 : i32
      %mul3A_493 = vector.broadcast %mul3A_492 : i32 to vector<16xi32>
      %mul3A_494 = arith.muli %add3A_463, %mul3A_493 : vector<16xi32>
      %add3A_495 = arith.addi %mul3A_494, %scan3A_483#4 : vector<16xi32>
      %mul3A_496 = arith.constant 128 : i32
      %mul3A_497 = vector.broadcast %mul3A_496 : i32 to vector<16xi32>
      %mul3A_498 = arith.muli %add3A_471, %mul3A_497 : vector<16xi32>
      %add3A_499 = arith.addi %mul3A_498, %scan3A_483#5 : vector<16xi32>
      %swap3A_500 = arith.constant 1 : index
      %swap3A_501 = tpu.vector_load %arg14[%swap3A_500] {strides = array<i32>} : memref<64xi32, #tpu.memory_space<vmem>>, vector<16xi32>,
      tpu.vector_store %arg14[%swap3A_500], %add3A_491 {strides = array<i32>} : memref<64xi32, #tpu.memory_space<vmem>>, vector<16xi32>,
      %swap3A_502 = arith.constant 17 : index
      %swap3A_503 = tpu.vector_load %arg14[%swap3A_502] {strides = array<i32>} : memref<64xi32, #tpu.memory_space<vmem>>, vector<16xi32>,
      tpu.vector_store %arg14[%swap3A_502], %add3A_495 {strides = array<i32>} : memref<64xi32, #tpu.memory_space<vmem>>, vector<16xi32>,
      %swap3A_504 = arith.constant 33 : index
      %swap3A_505 = tpu.vector_load %arg14[%swap3A_504] {strides = array<i32>} : memref<64xi32, #tpu.memory_space<vmem>>, vector<16xi32>,
      tpu.vector_store %arg14[%swap3A_504], %add3A_499 {strides = array<i32>} : memref<64xi32, #tpu.memory_space<vmem>>, vector<16xi32>,
      %get3A_506 = arith.constant 0 : index
      %get3A_507 = tpu.vector_load %arg14[%get3A_506] {strides = array<i32>} : memref<64xi32, #tpu.memory_space<vmem>>, vector<16xi32>,
      %get3A_508 = arith.constant 16 : index
      %get3A_509 = tpu.vector_load %arg14[%get3A_508] {strides = array<i32>} : memref<64xi32, #tpu.memory_space<vmem>>, vector<16xi32>,
      %get3A_510 = arith.constant 32 : index
      %get3A_511 = tpu.vector_load %arg14[%get3A_510] {strides = array<i32>} : memref<64xi32, #tpu.memory_space<vmem>>, vector<16xi32>,
      %ne3A_512 = arith.cmpi ne, %add3A_491, %get3A_507 : vector<16xi32>
      %eq3A_513 = arith.constant 0 : i32
      %eq3A_514 = vector.broadcast %eq3A_513 : i32 to vector<16xi32>
      %eq3A_515 = arith.cmpi eq, %iota3A, %eq3A_514 : vector<16xi32>
      %or3A_516 = arith.ori %ne3A_512, %eq3A_515 : vector<16xi1>
      %ne3A_517 = arith.cmpi ne, %add3A_495, %get3A_509 : vector<16xi32>
      %ne3A_518 = arith.cmpi ne, %add3A_499, %get3A_511 : vector<16xi32>
      %convert_element_type3A_519 = arith.extui %or3A_516 : vector<16xi1> to vector<16xi32>
      %convert_element_type3A_520 = arith.extui %ne3A_517 : vector<16xi1> to vector<16xi32>
      %convert_element_type3A_521 = arith.extui %ne3A_518 : vector<16xi1> to vector<16xi32>
      %reduce_sum3A_522 = arith.constant true
      %reduce_sum3A_523 = vector.broadcast %reduce_sum3A_522 : i1 to vector<16xi1>
      %reduce_sum3A_524 = tpu.scan <sum>, %convert_element_type3A_519 masked %reduce_sum3A_523 : vector<16xi32>, vector<16xi1> -> vector<16xi32>
      %reduce_sum3A_525 = vector.extract %reduce_sum3A_524[15] : i32 from vector<16xi32>
      %reduce_sum3A_526 = arith.constant true
      %reduce_sum3A_527 = vector.broadcast %reduce_sum3A_526 : i1 to vector<16xi1>
      %reduce_sum3A_528 = tpu.scan <sum>, %convert_element_type3A_520 masked %reduce_sum3A_527 : vector<16xi32>, vector<16xi1> -> vector<16xi32>
      %reduce_sum3A_529 = vector.extract %reduce_sum3A_528[15] : i32 from vector<16xi32>
      %broadcast_in_dim3A_530 = arith.constant true
      %broadcast_in_dim3A_531 = vector.broadcast %broadcast_in_dim3A_530 : i1 to vector<16xi1>
      %masked_cumsum3A_532 = tpu.scan <sum>, %convert_element_type3A_519 masked %broadcast_in_dim3A_531 : vector<16xi32>, vector<16xi1> -> vector<16xi32>
      %sub3A_533 = arith.constant 1 : i32
      %sub3A_534 = vector.broadcast %sub3A_533 : i32 to vector<16xi32>
      %sub3A_535 = arith.subi %masked_cumsum3A_532, %sub3A_534 : vector<16xi32>
      %broadcast_in_dim3A_536 = arith.constant true
      %broadcast_in_dim3A_537 = vector.broadcast %broadcast_in_dim3A_536 : i1 to vector<16xi1>
      %masked_cumsum3A_538 = tpu.scan <sum>, %convert_element_type3A_520 masked %broadcast_in_dim3A_537 : vector<16xi32>, vector<16xi1> -> vector<16xi32>
      %sub3A_539 = arith.constant 1 : i32
      %sub3A_540 = arith.subi %reduce_sum3A_525, %sub3A_539 : i32
      %add3A_541 = vector.broadcast %sub3A_540 : i32 to vector<16xi32>
      %add3A_542 = arith.addi %masked_cumsum3A_538, %add3A_541 : vector<16xi32>
      %broadcast_in_dim3A_543 = arith.constant true
      %broadcast_in_dim3A_544 = vector.broadcast %broadcast_in_dim3A_543 : i1 to vector<16xi1>
      %masked_cumsum3A_545 = tpu.scan <sum>, %convert_element_type3A_521 masked %broadcast_in_dim3A_544 : vector<16xi32>, vector<16xi1> -> vector<16xi32>
      %add3A_546 = arith.addi %reduce_sum3A_525, %reduce_sum3A_529 : i32
      %sub3A_547 = arith.constant 1 : i32
      %sub3A_548 = arith.subi %add3A_546, %sub3A_547 : i32
      %add3A_549 = vector.broadcast %sub3A_548 : i32 to vector<16xi32>
      %add3A_550 = arith.addi %masked_cumsum3A_545, %add3A_549 : vector<16xi32>
      tpu.vector_store_idx %arg9[%add3A_491], %sub3A_535 masked %or3A_516 : memref<6144xi32, #tpu.memory_space<vmem>>[vector<16xi32>], vector<16xi32>, vector<16xi1>
      tpu.vector_store_idx %arg9[%add3A_495], %add3A_542 masked %ne3A_517 : memref<6144xi32, #tpu.memory_space<vmem>>[vector<16xi32>], vector<16xi32>, vector<16xi1>
      tpu.vector_store_idx %arg9[%add3A_499], %add3A_550 masked %ne3A_518 : memref<6144xi32, #tpu.memory_space<vmem>>[vector<16xi32>], vector<16xi32>, vector<16xi1>
      %scan3A_551 = arith.constant 0 : i32
      %scan3A_552 = arith.constant 0 : i32
      %scan3A_553 = arith.constant 64 : i32
      %scan3A_554 = arith.addi %scan3A_552, %scan3A_553 : i32
      %scan3A_555 = arith.constant 1 : i32
      %scan3A_556 = scf.for %scan3A_784 = %scan3A_552 to %scan3A_554 step %scan3A_555 iter_args(%scan3A_785 = %scan3A_551) -> (i32)  : i32 {
        %mul3A_786 = arith.constant 16 : i32
        %mul3A_787 = arith.muli %scan3A_784, %mul3A_786 : i32
        %add3A_788 = arith.constant 0 : i32
        %add3A_789 = arith.addi %mul3A_787, %add3A_788 : i32
        %mul3A_790 = arith.constant 16 : i32
        %mul3A_791 = arith.muli %add3A_789, %mul3A_790 : i32
        %get3A_792 = arith.index_cast %mul3A_791 : i32 to index
        %get3A_793 = tpu.vector_load %arg12[%get3A_792] {strides = array<i32>} : memref<16384xi32, #tpu.memory_space<vmem>>, vector<16xi32>,
        %mul3A_794 = arith.constant 16 : i32
        %mul3A_795 = arith.muli %scan3A_784, %mul3A_794 : i32
        %add3A_796 = arith.constant 1 : i32
        %add3A_797 = arith.addi %mul3A_795, %add3A_796 : i32
        %mul3A_798 = arith.constant 16 : i32
        %mul3A_799 = arith.muli %add3A_797, %mul3A_798 : i32
        %get3A_800 = arith.index_cast %mul3A_799 : i32 to index
        %get3A_801 = tpu.vector_load %arg12[%get3A_800] {strides = array<i32>} : memref<16384xi32, #tpu.memory_space<vmem>>, vector<16xi32>,
        %mul3A_802 = arith.constant 16 : i32
        %mul3A_803 = arith.muli %scan3A_784, %mul3A_802 : i32
        %add3A_804 = arith.constant 2 : i32
        %add3A_805 = arith.addi %mul3A_803, %add3A_804 : i32
        %mul3A_806 = arith.constant 16 : i32
        %mul3A_807 = arith.muli %add3A_805, %mul3A_806 : i32
        %get3A_808 = arith.index_cast %mul3A_807 : i32 to index
        %get3A_809 = tpu.vector_load %arg12[%get3A_808] {strides = array<i32>} : memref<16384xi32, #tpu.memory_space<vmem>>, vector<16xi32>,
        %mul3A_810 = arith.constant 16 : i32
        %mul3A_811 = arith.muli %scan3A_784, %mul3A_810 : i32
        %add3A_812 = arith.constant 3 : i32
        %add3A_813 = arith.addi %mul3A_811, %add3A_812 : i32
        %mul3A_814 = arith.constant 16 : i32
        %mul3A_815 = arith.muli %add3A_813, %mul3A_814 : i32
        %get3A_816 = arith.index_cast %mul3A_815 : i32 to index
        %get3A_817 = tpu.vector_load %arg12[%get3A_816] {strides = array<i32>} : memref<16384xi32, #tpu.memory_space<vmem>>, vector<16xi32>,
        %mul3A_818 = arith.constant 16 : i32
        %mul3A_819 = arith.muli %scan3A_784, %mul3A_818 : i32
        %add3A_820 = arith.constant 4 : i32
        %add3A_821 = arith.addi %mul3A_819, %add3A_820 : i32
        %mul3A_822 = arith.constant 16 : i32
        %mul3A_823 = arith.muli %add3A_821, %mul3A_822 : i32
        %get3A_824 = arith.index_cast %mul3A_823 : i32 to index
        %get3A_825 = tpu.vector_load %arg12[%get3A_824] {strides = array<i32>} : memref<16384xi32, #tpu.memory_space<vmem>>, vector<16xi32>,
        %mul3A_826 = arith.constant 16 : i32
        %mul3A_827 = arith.muli %scan3A_784, %mul3A_826 : i32
        %add3A_828 = arith.constant 5 : i32
        %add3A_829 = arith.addi %mul3A_827, %add3A_828 : i32
        %mul3A_830 = arith.constant 16 : i32
        %mul3A_831 = arith.muli %add3A_829, %mul3A_830 : i32
        %get3A_832 = arith.index_cast %mul3A_831 : i32 to index
        %get3A_833 = tpu.vector_load %arg12[%get3A_832] {strides = array<i32>} : memref<16384xi32, #tpu.memory_space<vmem>>, vector<16xi32>,
        %mul3A_834 = arith.constant 16 : i32
        %mul3A_835 = arith.muli %scan3A_784, %mul3A_834 : i32
        %add3A_836 = arith.constant 6 : i32
        %add3A_837 = arith.addi %mul3A_835, %add3A_836 : i32
        %mul3A_838 = arith.constant 16 : i32
        %mul3A_839 = arith.muli %add3A_837, %mul3A_838 : i32
        %get3A_840 = arith.index_cast %mul3A_839 : i32 to index
        %get3A_841 = tpu.vector_load %arg12[%get3A_840] {strides = array<i32>} : memref<16384xi32, #tpu.memory_space<vmem>>, vector<16xi32>,
        %mul3A_842 = arith.constant 16 : i32
        %mul3A_843 = arith.muli %scan3A_784, %mul3A_842 : i32
        %add3A_844 = arith.constant 7 : i32
        %add3A_845 = arith.addi %mul3A_843, %add3A_844 : i32
        %mul3A_846 = arith.constant 16 : i32
        %mul3A_847 = arith.muli %add3A_845, %mul3A_846 : i32
        %get3A_848 = arith.index_cast %mul3A_847 : i32 to index
        %get3A_849 = tpu.vector_load %arg12[%get3A_848] {strides = array<i32>} : memref<16384xi32, #tpu.memory_space<vmem>>, vector<16xi32>,
        %mul3A_850 = arith.constant 16 : i32
        %mul3A_851 = arith.muli %scan3A_784, %mul3A_850 : i32
        %add3A_852 = arith.constant 8 : i32
        %add3A_853 = arith.addi %mul3A_851, %add3A_852 : i32
        %mul3A_854 = arith.constant 16 : i32
        %mul3A_855 = arith.muli %add3A_853, %mul3A_854 : i32
        %get3A_856 = arith.index_cast %mul3A_855 : i32 to index
        %get3A_857 = tpu.vector_load %arg12[%get3A_856] {strides = array<i32>} : memref<16384xi32, #tpu.memory_space<vmem>>, vector<16xi32>,
        %mul3A_858 = arith.constant 16 : i32
        %mul3A_859 = arith.muli %scan3A_784, %mul3A_858 : i32
        %add3A_860 = arith.constant 9 : i32
        %add3A_861 = arith.addi %mul3A_859, %add3A_860 : i32
        %mul3A_862 = arith.constant 16 : i32
        %mul3A_863 = arith.muli %add3A_861, %mul3A_862 : i32
        %get3A_864 = arith.index_cast %mul3A_863 : i32 to index
        %get3A_865 = tpu.vector_load %arg12[%get3A_864] {strides = array<i32>} : memref<16384xi32, #tpu.memory_space<vmem>>, vector<16xi32>,
        %mul3A_866 = arith.constant 16 : i32
        %mul3A_867 = arith.muli %scan3A_784, %mul3A_866 : i32
        %add3A_868 = arith.constant 10 : i32
        %add3A_869 = arith.addi %mul3A_867, %add3A_868 : i32
        %mul3A_870 = arith.constant 16 : i32
        %mul3A_871 = arith.muli %add3A_869, %mul3A_870 : i32
        %get3A_872 = arith.index_cast %mul3A_871 : i32 to index
        %get3A_873 = tpu.vector_load %arg12[%get3A_872] {strides = array<i32>} : memref<16384xi32, #tpu.memory_space<vmem>>, vector<16xi32>,
        %mul3A_874 = arith.constant 16 : i32
        %mul3A_875 = arith.muli %scan3A_784, %mul3A_874 : i32
        %add3A_876 = arith.constant 11 : i32
        %add3A_877 = arith.addi %mul3A_875, %add3A_876 : i32
        %mul3A_878 = arith.constant 16 : i32
        %mul3A_879 = arith.muli %add3A_877, %mul3A_878 : i32
        %get3A_880 = arith.index_cast %mul3A_879 : i32 to index
        %get3A_881 = tpu.vector_load %arg12[%get3A_880] {strides = array<i32>} : memref<16384xi32, #tpu.memory_space<vmem>>, vector<16xi32>,
        %mul3A_882 = arith.constant 16 : i32
        %mul3A_883 = arith.muli %scan3A_784, %mul3A_882 : i32
        %add3A_884 = arith.constant 12 : i32
        %add3A_885 = arith.addi %mul3A_883, %add3A_884 : i32
        %mul3A_886 = arith.constant 16 : i32
        %mul3A_887 = arith.muli %add3A_885, %mul3A_886 : i32
        %get3A_888 = arith.index_cast %mul3A_887 : i32 to index
        %get3A_889 = tpu.vector_load %arg12[%get3A_888] {strides = array<i32>} : memref<16384xi32, #tpu.memory_space<vmem>>, vector<16xi32>,
        %mul3A_890 = arith.constant 16 : i32
        %mul3A_891 = arith.muli %scan3A_784, %mul3A_890 : i32
        %add3A_892 = arith.constant 13 : i32
        %add3A_893 = arith.addi %mul3A_891, %add3A_892 : i32
        %mul3A_894 = arith.constant 16 : i32
        %mul3A_895 = arith.muli %add3A_893, %mul3A_894 : i32
        %get3A_896 = arith.index_cast %mul3A_895 : i32 to index
        %get3A_897 = tpu.vector_load %arg12[%get3A_896] {strides = array<i32>} : memref<16384xi32, #tpu.memory_space<vmem>>, vector<16xi32>,
        %mul3A_898 = arith.constant 16 : i32
        %mul3A_899 = arith.muli %scan3A_784, %mul3A_898 : i32
        %add3A_900 = arith.constant 14 : i32
        %add3A_901 = arith.addi %mul3A_899, %add3A_900 : i32
        %mul3A_902 = arith.constant 16 : i32
        %mul3A_903 = arith.muli %add3A_901, %mul3A_902 : i32
        %get3A_904 = arith.index_cast %mul3A_903 : i32 to index
        %get3A_905 = tpu.vector_load %arg12[%get3A_904] {strides = array<i32>} : memref<16384xi32, #tpu.memory_space<vmem>>, vector<16xi32>,
        %mul3A_906 = arith.constant 16 : i32
        %mul3A_907 = arith.muli %scan3A_784, %mul3A_906 : i32
        %add3A_908 = arith.constant 15 : i32
        %add3A_909 = arith.addi %mul3A_907, %add3A_908 : i32
        %mul3A_910 = arith.constant 16 : i32
        %mul3A_911 = arith.muli %add3A_909, %mul3A_910 : i32
        %get3A_912 = arith.index_cast %mul3A_911 : i32 to index
        %get3A_913 = tpu.vector_load %arg12[%get3A_912] {strides = array<i32>} : memref<16384xi32, #tpu.memory_space<vmem>>, vector<16xi32>,
        %shift_right_logical3A_914 = arith.constant 21 : i32
        %shift_right_logical3A_915 = vector.broadcast %shift_right_logical3A_914 : i32 to vector<16xi32>
        %shift_right_logical3A_916 = arith.shrui %get3A_793, %shift_right_logical3A_915 : vector<16xi32>
        %mul3A_917 = arith.constant 128 : i32
        %mul3A_918 = vector.broadcast %mul3A_917 : i32 to vector<16xi32>
        %mul3A_919 = arith.muli %shift_right_logical3A_916, %mul3A_918 : vector<16xi32>
        %shift_right_logical3A_920 = arith.constant 14 : i32
        %shift_right_logical3A_921 = vector.broadcast %shift_right_logical3A_920 : i32 to vector<16xi32>
        %shift_right_logical3A_922 = arith.shrui %get3A_793, %shift_right_logical3A_921 : vector<16xi32>
        %and3A_923 = arith.constant 127 : i32
        %and3A_924 = vector.broadcast %and3A_923 : i32 to vector<16xi32>
        %and3A_925 = arith.andi %shift_right_logical3A_922, %and3A_924 : vector<16xi32>
        %add3A_926 = arith.addi %mul3A_919, %and3A_925 : vector<16xi32>
        %gather3A_927 = tpu.vector_load_idx %arg9[%add3A_926] : memref<6144xi32, #tpu.memory_space<vmem>>[vector<16xi32>], vector<16xi32>,
        %shift_right_logical3A_928 = arith.constant 21 : i32
        %shift_right_logical3A_929 = vector.broadcast %shift_right_logical3A_928 : i32 to vector<16xi32>
        %shift_right_logical3A_930 = arith.shrui %get3A_801, %shift_right_logical3A_929 : vector<16xi32>
        %mul3A_931 = arith.constant 128 : i32
        %mul3A_932 = vector.broadcast %mul3A_931 : i32 to vector<16xi32>
        %mul3A_933 = arith.muli %shift_right_logical3A_930, %mul3A_932 : vector<16xi32>
        %shift_right_logical3A_934 = arith.constant 14 : i32
        %shift_right_logical3A_935 = vector.broadcast %shift_right_logical3A_934 : i32 to vector<16xi32>
        %shift_right_logical3A_936 = arith.shrui %get3A_801, %shift_right_logical3A_935 : vector<16xi32>
        %and3A_937 = arith.constant 127 : i32
        %and3A_938 = vector.broadcast %and3A_937 : i32 to vector<16xi32>
        %and3A_939 = arith.andi %shift_right_logical3A_936, %and3A_938 : vector<16xi32>
        %add3A_940 = arith.addi %mul3A_933, %and3A_939 : vector<16xi32>
        %gather3A_941 = tpu.vector_load_idx %arg9[%add3A_940] : memref<6144xi32, #tpu.memory_space<vmem>>[vector<16xi32>], vector<16xi32>,
        %shift_right_logical3A_942 = arith.constant 21 : i32
        %shift_right_logical3A_943 = vector.broadcast %shift_right_logical3A_942 : i32 to vector<16xi32>
        %shift_right_logical3A_944 = arith.shrui %get3A_809, %shift_right_logical3A_943 : vector<16xi32>
        %mul3A_945 = arith.constant 128 : i32
        %mul3A_946 = vector.broadcast %mul3A_945 : i32 to vector<16xi32>
        %mul3A_947 = arith.muli %shift_right_logical3A_944, %mul3A_946 : vector<16xi32>
        %shift_right_logical3A_948 = arith.constant 14 : i32
        %shift_right_logical3A_949 = vector.broadcast %shift_right_logical3A_948 : i32 to vector<16xi32>
        %shift_right_logical3A_950 = arith.shrui %get3A_809, %shift_right_logical3A_949 : vector<16xi32>
        %and3A_951 = arith.constant 127 : i32
        %and3A_952 = vector.broadcast %and3A_951 : i32 to vector<16xi32>
        %and3A_953 = arith.andi %shift_right_logical3A_950, %and3A_952 : vector<16xi32>
        %add3A_954 = arith.addi %mul3A_947, %and3A_953 : vector<16xi32>
        %gather3A_955 = tpu.vector_load_idx %arg9[%add3A_954] : memref<6144xi32, #tpu.memory_space<vmem>>[vector<16xi32>], vector<16xi32>,
        %shift_right_logical3A_956 = arith.constant 21 : i32
        %shift_right_logical3A_957 = vector.broadcast %shift_right_logical3A_956 : i32 to vector<16xi32>
        %shift_right_logical3A_958 = arith.shrui %get3A_817, %shift_right_logical3A_957 : vector<16xi32>
        %mul3A_959 = arith.constant 128 : i32
        %mul3A_960 = vector.broadcast %mul3A_959 : i32 to vector<16xi32>
        %mul3A_961 = arith.muli %shift_right_logical3A_958, %mul3A_960 : vector<16xi32>
        %shift_right_logical3A_962 = arith.constant 14 : i32
        %shift_right_logical3A_963 = vector.broadcast %shift_right_logical3A_962 : i32 to vector<16xi32>
        %shift_right_logical3A_964 = arith.shrui %get3A_817, %shift_right_logical3A_963 : vector<16xi32>
        %and3A_965 = arith.constant 127 : i32
        %and3A_966 = vector.broadcast %and3A_965 : i32 to vector<16xi32>
        %and3A_967 = arith.andi %shift_right_logical3A_964, %and3A_966 : vector<16xi32>
        %add3A_968 = arith.addi %mul3A_961, %and3A_967 : vector<16xi32>
        %gather3A_969 = tpu.vector_load_idx %arg9[%add3A_968] : memref<6144xi32, #tpu.memory_space<vmem>>[vector<16xi32>], vector<16xi32>,
        %shift_right_logical3A_970 = arith.constant 21 : i32
        %shift_right_logical3A_971 = vector.broadcast %shift_right_logical3A_970 : i32 to vector<16xi32>
        %shift_right_logical3A_972 = arith.shrui %get3A_825, %shift_right_logical3A_971 : vector<16xi32>
        %mul3A_973 = arith.constant 128 : i32
        %mul3A_974 = vector.broadcast %mul3A_973 : i32 to vector<16xi32>
        %mul3A_975 = arith.muli %shift_right_logical3A_972, %mul3A_974 : vector<16xi32>
        %shift_right_logical3A_976 = arith.constant 14 : i32
        %shift_right_logical3A_977 = vector.broadcast %shift_right_logical3A_976 : i32 to vector<16xi32>
        %shift_right_logical3A_978 = arith.shrui %get3A_825, %shift_right_logical3A_977 : vector<16xi32>
        %and3A_979 = arith.constant 127 : i32
        %and3A_980 = vector.broadcast %and3A_979 : i32 to vector<16xi32>
        %and3A_981 = arith.andi %shift_right_logical3A_978, %and3A_980 : vector<16xi32>
        %add3A_982 = arith.addi %mul3A_975, %and3A_981 : vector<16xi32>
        %gather3A_983 = tpu.vector_load_idx %arg9[%add3A_982] : memref<6144xi32, #tpu.memory_space<vmem>>[vector<16xi32>], vector<16xi32>,
        %shift_right_logical3A_984 = arith.constant 21 : i32
        %shift_right_logical3A_985 = vector.broadcast %shift_right_logical3A_984 : i32 to vector<16xi32>
        %shift_right_logical3A_986 = arith.shrui %get3A_833, %shift_right_logical3A_985 : vector<16xi32>
        %mul3A_987 = arith.constant 128 : i32
        %mul3A_988 = vector.broadcast %mul3A_987 : i32 to vector<16xi32>
        %mul3A_989 = arith.muli %shift_right_logical3A_986, %mul3A_988 : vector<16xi32>
        %shift_right_logical3A_990 = arith.constant 14 : i32
        %shift_right_logical3A_991 = vector.broadcast %shift_right_logical3A_990 : i32 to vector<16xi32>
        %shift_right_logical3A_992 = arith.shrui %get3A_833, %shift_right_logical3A_991 : vector<16xi32>
        %and3A_993 = arith.constant 127 : i32
        %and3A_994 = vector.broadcast %and3A_993 : i32 to vector<16xi32>
        %and3A_995 = arith.andi %shift_right_logical3A_992, %and3A_994 : vector<16xi32>
        %add3A_996 = arith.addi %mul3A_989, %and3A_995 : vector<16xi32>
        %gather3A_997 = tpu.vector_load_idx %arg9[%add3A_996] : memref<6144xi32, #tpu.memory_space<vmem>>[vector<16xi32>], vector<16xi32>,
        %shift_right_logical3A_998 = arith.constant 21 : i32
        %shift_right_logical3A_999 = vector.broadcast %shift_right_logical3A_998 : i32 to vector<16xi32>
        %shift_right_logical3A_1000 = arith.shrui %get3A_841, %shift_right_logical3A_999 : vector<16xi32>
        %mul3A_1001 = arith.constant 128 : i32
        %mul3A_1002 = vector.broadcast %mul3A_1001 : i32 to vector<16xi32>
        %mul3A_1003 = arith.muli %shift_right_logical3A_1000, %mul3A_1002 : vector<16xi32>
        %shift_right_logical3A_1004 = arith.constant 14 : i32
        %shift_right_logical3A_1005 = vector.broadcast %shift_right_logical3A_1004 : i32 to vector<16xi32>
        %shift_right_logical3A_1006 = arith.shrui %get3A_841, %shift_right_logical3A_1005 : vector<16xi32>
        %and3A_1007 = arith.constant 127 : i32
        %and3A_1008 = vector.broadcast %and3A_1007 : i32 to vector<16xi32>
        %and3A_1009 = arith.andi %shift_right_logical3A_1006, %and3A_1008 : vector<16xi32>
        %add3A_1010 = arith.addi %mul3A_1003, %and3A_1009 : vector<16xi32>
        %gather3A_1011 = tpu.vector_load_idx %arg9[%add3A_1010] : memref<6144xi32, #tpu.memory_space<vmem>>[vector<16xi32>], vector<16xi32>,
        %shift_right_logical3A_1012 = arith.constant 21 : i32
        %shift_right_logical3A_1013 = vector.broadcast %shift_right_logical3A_1012 : i32 to vector<16xi32>
        %shift_right_logical3A_1014 = arith.shrui %get3A_849, %shift_right_logical3A_1013 : vector<16xi32>
        %mul3A_1015 = arith.constant 128 : i32
        %mul3A_1016 = vector.broadcast %mul3A_1015 : i32 to vector<16xi32>
        %mul3A_1017 = arith.muli %shift_right_logical3A_1014, %mul3A_1016 : vector<16xi32>
        %shift_right_logical3A_1018 = arith.constant 14 : i32
        %shift_right_logical3A_1019 = vector.broadcast %shift_right_logical3A_1018 : i32 to vector<16xi32>
        %shift_right_logical3A_1020 = arith.shrui %get3A_849, %shift_right_logical3A_1019 : vector<16xi32>
        %and3A_1021 = arith.constant 127 : i32
        %and3A_1022 = vector.broadcast %and3A_1021 : i32 to vector<16xi32>
        %and3A_1023 = arith.andi %shift_right_logical3A_1020, %and3A_1022 : vector<16xi32>
        %add3A_1024 = arith.addi %mul3A_1017, %and3A_1023 : vector<16xi32>
        %gather3A_1025 = tpu.vector_load_idx %arg9[%add3A_1024] : memref<6144xi32, #tpu.memory_space<vmem>>[vector<16xi32>], vector<16xi32>,
        %shift_right_logical3A_1026 = arith.constant 21 : i32
        %shift_right_logical3A_1027 = vector.broadcast %shift_right_logical3A_1026 : i32 to vector<16xi32>
        %shift_right_logical3A_1028 = arith.shrui %get3A_857, %shift_right_logical3A_1027 : vector<16xi32>
        %mul3A_1029 = arith.constant 128 : i32
        %mul3A_1030 = vector.broadcast %mul3A_1029 : i32 to vector<16xi32>
        %mul3A_1031 = arith.muli %shift_right_logical3A_1028, %mul3A_1030 : vector<16xi32>
        %shift_right_logical3A_1032 = arith.constant 14 : i32
        %shift_right_logical3A_1033 = vector.broadcast %shift_right_logical3A_1032 : i32 to vector<16xi32>
        %shift_right_logical3A_1034 = arith.shrui %get3A_857, %shift_right_logical3A_1033 : vector<16xi32>
        %and3A_1035 = arith.constant 127 : i32
        %and3A_1036 = vector.broadcast %and3A_1035 : i32 to vector<16xi32>
        %and3A_1037 = arith.andi %shift_right_logical3A_1034, %and3A_1036 : vector<16xi32>
        %add3A_1038 = arith.addi %mul3A_1031, %and3A_1037 : vector<16xi32>
        %gather3A_1039 = tpu.vector_load_idx %arg9[%add3A_1038] : memref<6144xi32, #tpu.memory_space<vmem>>[vector<16xi32>], vector<16xi32>,
        %shift_right_logical3A_1040 = arith.constant 21 : i32
        %shift_right_logical3A_1041 = vector.broadcast %shift_right_logical3A_1040 : i32 to vector<16xi32>
        %shift_right_logical3A_1042 = arith.shrui %get3A_865, %shift_right_logical3A_1041 : vector<16xi32>
        %mul3A_1043 = arith.constant 128 : i32
        %mul3A_1044 = vector.broadcast %mul3A_1043 : i32 to vector<16xi32>
        %mul3A_1045 = arith.muli %shift_right_logical3A_1042, %mul3A_1044 : vector<16xi32>
        %shift_right_logical3A_1046 = arith.constant 14 : i32
        %shift_right_logical3A_1047 = vector.broadcast %shift_right_logical3A_1046 : i32 to vector<16xi32>
        %shift_right_logical3A_1048 = arith.shrui %get3A_865, %shift_right_logical3A_1047 : vector<16xi32>
        %and3A_1049 = arith.constant 127 : i32
        %and3A_1050 = vector.broadcast %and3A_1049 : i32 to vector<16xi32>
        %and3A_1051 = arith.andi %shift_right_logical3A_1048, %and3A_1050 : vector<16xi32>
        %add3A_1052 = arith.addi %mul3A_1045, %and3A_1051 : vector<16xi32>
        %gather3A_1053 = tpu.vector_load_idx %arg9[%add3A_1052] : memref<6144xi32, #tpu.memory_space<vmem>>[vector<16xi32>], vector<16xi32>,
        %shift_right_logical3A_1054 = arith.constant 21 : i32
        %shift_right_logical3A_1055 = vector.broadcast %shift_right_logical3A_1054 : i32 to vector<16xi32>
        %shift_right_logical3A_1056 = arith.shrui %get3A_873, %shift_right_logical3A_1055 : vector<16xi32>
        %mul3A_1057 = arith.constant 128 : i32
        %mul3A_1058 = vector.broadcast %mul3A_1057 : i32 to vector<16xi32>
        %mul3A_1059 = arith.muli %shift_right_logical3A_1056, %mul3A_1058 : vector<16xi32>
        %shift_right_logical3A_1060 = arith.constant 14 : i32
        %shift_right_logical3A_1061 = vector.broadcast %shift_right_logical3A_1060 : i32 to vector<16xi32>
        %shift_right_logical3A_1062 = arith.shrui %get3A_873, %shift_right_logical3A_1061 : vector<16xi32>
        %and3A_1063 = arith.constant 127 : i32
        %and3A_1064 = vector.broadcast %and3A_1063 : i32 to vector<16xi32>
        %and3A_1065 = arith.andi %shift_right_logical3A_1062, %and3A_1064 : vector<16xi32>
        %add3A_1066 = arith.addi %mul3A_1059, %and3A_1065 : vector<16xi32>
        %gather3A_1067 = tpu.vector_load_idx %arg9[%add3A_1066] : memref<6144xi32, #tpu.memory_space<vmem>>[vector<16xi32>], vector<16xi32>,
        %shift_right_logical3A_1068 = arith.constant 21 : i32
        %shift_right_logical3A_1069 = vector.broadcast %shift_right_logical3A_1068 : i32 to vector<16xi32>
        %shift_right_logical3A_1070 = arith.shrui %get3A_881, %shift_right_logical3A_1069 : vector<16xi32>
        %mul3A_1071 = arith.constant 128 : i32
        %mul3A_1072 = vector.broadcast %mul3A_1071 : i32 to vector<16xi32>
        %mul3A_1073 = arith.muli %shift_right_logical3A_1070, %mul3A_1072 : vector<16xi32>
        %shift_right_logical3A_1074 = arith.constant 14 : i32
        %shift_right_logical3A_1075 = vector.broadcast %shift_right_logical3A_1074 : i32 to vector<16xi32>
        %shift_right_logical3A_1076 = arith.shrui %get3A_881, %shift_right_logical3A_1075 : vector<16xi32>
        %and3A_1077 = arith.constant 127 : i32
        %and3A_1078 = vector.broadcast %and3A_1077 : i32 to vector<16xi32>
        %and3A_1079 = arith.andi %shift_right_logical3A_1076, %and3A_1078 : vector<16xi32>
        %add3A_1080 = arith.addi %mul3A_1073, %and3A_1079 : vector<16xi32>
        %gather3A_1081 = tpu.vector_load_idx %arg9[%add3A_1080] : memref<6144xi32, #tpu.memory_space<vmem>>[vector<16xi32>], vector<16xi32>,
        %shift_right_logical3A_1082 = arith.constant 21 : i32
        %shift_right_logical3A_1083 = vector.broadcast %shift_right_logical3A_1082 : i32 to vector<16xi32>
        %shift_right_logical3A_1084 = arith.shrui %get3A_889, %shift_right_logical3A_1083 : vector<16xi32>
        %mul3A_1085 = arith.constant 128 : i32
        %mul3A_1086 = vector.broadcast %mul3A_1085 : i32 to vector<16xi32>
        %mul3A_1087 = arith.muli %shift_right_logical3A_1084, %mul3A_1086 : vector<16xi32>
        %shift_right_logical3A_1088 = arith.constant 14 : i32
        %shift_right_logical3A_1089 = vector.broadcast %shift_right_logical3A_1088 : i32 to vector<16xi32>
        %shift_right_logical3A_1090 = arith.shrui %get3A_889, %shift_right_logical3A_1089 : vector<16xi32>
        %and3A_1091 = arith.constant 127 : i32
        %and3A_1092 = vector.broadcast %and3A_1091 : i32 to vector<16xi32>
        %and3A_1093 = arith.andi %shift_right_logical3A_1090, %and3A_1092 : vector<16xi32>
        %add3A_1094 = arith.addi %mul3A_1087, %and3A_1093 : vector<16xi32>
        %gather3A_1095 = tpu.vector_load_idx %arg9[%add3A_1094] : memref<6144xi32, #tpu.memory_space<vmem>>[vector<16xi32>], vector<16xi32>,
        %shift_right_logical3A_1096 = arith.constant 21 : i32
        %shift_right_logical3A_1097 = vector.broadcast %shift_right_logical3A_1096 : i32 to vector<16xi32>
        %shift_right_logical3A_1098 = arith.shrui %get3A_897, %shift_right_logical3A_1097 : vector<16xi32>
        %mul3A_1099 = arith.constant 128 : i32
        %mul3A_1100 = vector.broadcast %mul3A_1099 : i32 to vector<16xi32>
        %mul3A_1101 = arith.muli %shift_right_logical3A_1098, %mul3A_1100 : vector<16xi32>
        %shift_right_logical3A_1102 = arith.constant 14 : i32
        %shift_right_logical3A_1103 = vector.broadcast %shift_right_logical3A_1102 : i32 to vector<16xi32>
        %shift_right_logical3A_1104 = arith.shrui %get3A_897, %shift_right_logical3A_1103 : vector<16xi32>
        %and3A_1105 = arith.constant 127 : i32
        %and3A_1106 = vector.broadcast %and3A_1105 : i32 to vector<16xi32>
        %and3A_1107 = arith.andi %shift_right_logical3A_1104, %and3A_1106 : vector<16xi32>
        %add3A_1108 = arith.addi %mul3A_1101, %and3A_1107 : vector<16xi32>
        %gather3A_1109 = tpu.vector_load_idx %arg9[%add3A_1108] : memref<6144xi32, #tpu.memory_space<vmem>>[vector<16xi32>], vector<16xi32>,
        %shift_right_logical3A_1110 = arith.constant 21 : i32
        %shift_right_logical3A_1111 = vector.broadcast %shift_right_logical3A_1110 : i32 to vector<16xi32>
        %shift_right_logical3A_1112 = arith.shrui %get3A_905, %shift_right_logical3A_1111 : vector<16xi32>
        %mul3A_1113 = arith.constant 128 : i32
        %mul3A_1114 = vector.broadcast %mul3A_1113 : i32 to vector<16xi32>
        %mul3A_1115 = arith.muli %shift_right_logical3A_1112, %mul3A_1114 : vector<16xi32>
        %shift_right_logical3A_1116 = arith.constant 14 : i32
        %shift_right_logical3A_1117 = vector.broadcast %shift_right_logical3A_1116 : i32 to vector<16xi32>
        %shift_right_logical3A_1118 = arith.shrui %get3A_905, %shift_right_logical3A_1117 : vector<16xi32>
        %and3A_1119 = arith.constant 127 : i32
        %and3A_1120 = vector.broadcast %and3A_1119 : i32 to vector<16xi32>
        %and3A_1121 = arith.andi %shift_right_logical3A_1118, %and3A_1120 : vector<16xi32>
        %add3A_1122 = arith.addi %mul3A_1115, %and3A_1121 : vector<16xi32>
        %gather3A_1123 = tpu.vector_load_idx %arg9[%add3A_1122] : memref<6144xi32, #tpu.memory_space<vmem>>[vector<16xi32>], vector<16xi32>,
        %shift_right_logical3A_1124 = arith.constant 21 : i32
        %shift_right_logical3A_1125 = vector.broadcast %shift_right_logical3A_1124 : i32 to vector<16xi32>
        %shift_right_logical3A_1126 = arith.shrui %get3A_913, %shift_right_logical3A_1125 : vector<16xi32>
        %mul3A_1127 = arith.constant 128 : i32
        %mul3A_1128 = vector.broadcast %mul3A_1127 : i32 to vector<16xi32>
        %mul3A_1129 = arith.muli %shift_right_logical3A_1126, %mul3A_1128 : vector<16xi32>
        %shift_right_logical3A_1130 = arith.constant 14 : i32
        %shift_right_logical3A_1131 = vector.broadcast %shift_right_logical3A_1130 : i32 to vector<16xi32>
        %shift_right_logical3A_1132 = arith.shrui %get3A_913, %shift_right_logical3A_1131 : vector<16xi32>
        %and3A_1133 = arith.constant 127 : i32
        %and3A_1134 = vector.broadcast %and3A_1133 : i32 to vector<16xi32>
        %and3A_1135 = arith.andi %shift_right_logical3A_1132, %and3A_1134 : vector<16xi32>
        %add3A_1136 = arith.addi %mul3A_1129, %and3A_1135 : vector<16xi32>
        %gather3A_1137 = tpu.vector_load_idx %arg9[%add3A_1136] : memref<6144xi32, #tpu.memory_space<vmem>>[vector<16xi32>], vector<16xi32>,
        %shift_right_logical3A_1138 = arith.constant 7 : i32
        %shift_right_logical3A_1139 = vector.broadcast %shift_right_logical3A_1138 : i32 to vector<16xi32>
        %shift_right_logical3A_1140 = arith.shrui %get3A_793, %shift_right_logical3A_1139 : vector<16xi32>
        %and3A_1141 = arith.constant 127 : i32
        %and3A_1142 = vector.broadcast %and3A_1141 : i32 to vector<16xi32>
        %and3A_1143 = arith.andi %shift_right_logical3A_1140, %and3A_1142 : vector<16xi32>
        %mul3A_1144 = arith.constant 48 : i32
        %mul3A_1145 = vector.broadcast %mul3A_1144 : i32 to vector<16xi32>
        %mul3A_1146 = arith.muli %and3A_1143, %mul3A_1145 : vector<16xi32>
        %add3A_1147 = arith.addi %mul3A_1146, %gather3A_927 : vector<16xi32>
        %shift_right_logical3A_1148 = arith.constant 7 : i32
        %shift_right_logical3A_1149 = vector.broadcast %shift_right_logical3A_1148 : i32 to vector<16xi32>
        %shift_right_logical3A_1150 = arith.shrui %get3A_801, %shift_right_logical3A_1149 : vector<16xi32>
        %and3A_1151 = arith.constant 127 : i32
        %and3A_1152 = vector.broadcast %and3A_1151 : i32 to vector<16xi32>
        %and3A_1153 = arith.andi %shift_right_logical3A_1150, %and3A_1152 : vector<16xi32>
        %mul3A_1154 = arith.constant 48 : i32
        %mul3A_1155 = vector.broadcast %mul3A_1154 : i32 to vector<16xi32>
        %mul3A_1156 = arith.muli %and3A_1153, %mul3A_1155 : vector<16xi32>
        %add3A_1157 = arith.addi %mul3A_1156, %gather3A_941 : vector<16xi32>
        %shift_right_logical3A_1158 = arith.constant 7 : i32
        %shift_right_logical3A_1159 = vector.broadcast %shift_right_logical3A_1158 : i32 to vector<16xi32>
        %shift_right_logical3A_1160 = arith.shrui %get3A_809, %shift_right_logical3A_1159 : vector<16xi32>
        %and3A_1161 = arith.constant 127 : i32
        %and3A_1162 = vector.broadcast %and3A_1161 : i32 to vector<16xi32>
        %and3A_1163 = arith.andi %shift_right_logical3A_1160, %and3A_1162 : vector<16xi32>
        %mul3A_1164 = arith.constant 48 : i32
        %mul3A_1165 = vector.broadcast %mul3A_1164 : i32 to vector<16xi32>
        %mul3A_1166 = arith.muli %and3A_1163, %mul3A_1165 : vector<16xi32>
        %add3A_1167 = arith.addi %mul3A_1166, %gather3A_955 : vector<16xi32>
        %shift_right_logical3A_1168 = arith.constant 7 : i32
        %shift_right_logical3A_1169 = vector.broadcast %shift_right_logical3A_1168 : i32 to vector<16xi32>
        %shift_right_logical3A_1170 = arith.shrui %get3A_817, %shift_right_logical3A_1169 : vector<16xi32>
        %and3A_1171 = arith.constant 127 : i32
        %and3A_1172 = vector.broadcast %and3A_1171 : i32 to vector<16xi32>
        %and3A_1173 = arith.andi %shift_right_logical3A_1170, %and3A_1172 : vector<16xi32>
        %mul3A_1174 = arith.constant 48 : i32
        %mul3A_1175 = vector.broadcast %mul3A_1174 : i32 to vector<16xi32>
        %mul3A_1176 = arith.muli %and3A_1173, %mul3A_1175 : vector<16xi32>
        %add3A_1177 = arith.addi %mul3A_1176, %gather3A_969 : vector<16xi32>
        %shift_right_logical3A_1178 = arith.constant 7 : i32
        %shift_right_logical3A_1179 = vector.broadcast %shift_right_logical3A_1178 : i32 to vector<16xi32>
        %shift_right_logical3A_1180 = arith.shrui %get3A_825, %shift_right_logical3A_1179 : vector<16xi32>
        %and3A_1181 = arith.constant 127 : i32
        %and3A_1182 = vector.broadcast %and3A_1181 : i32 to vector<16xi32>
        %and3A_1183 = arith.andi %shift_right_logical3A_1180, %and3A_1182 : vector<16xi32>
        %mul3A_1184 = arith.constant 48 : i32
        %mul3A_1185 = vector.broadcast %mul3A_1184 : i32 to vector<16xi32>
        %mul3A_1186 = arith.muli %and3A_1183, %mul3A_1185 : vector<16xi32>
        %add3A_1187 = arith.addi %mul3A_1186, %gather3A_983 : vector<16xi32>
        %shift_right_logical3A_1188 = arith.constant 7 : i32
        %shift_right_logical3A_1189 = vector.broadcast %shift_right_logical3A_1188 : i32 to vector<16xi32>
        %shift_right_logical3A_1190 = arith.shrui %get3A_833, %shift_right_logical3A_1189 : vector<16xi32>
        %and3A_1191 = arith.constant 127 : i32
        %and3A_1192 = vector.broadcast %and3A_1191 : i32 to vector<16xi32>
        %and3A_1193 = arith.andi %shift_right_logical3A_1190, %and3A_1192 : vector<16xi32>
        %mul3A_1194 = arith.constant 48 : i32
        %mul3A_1195 = vector.broadcast %mul3A_1194 : i32 to vector<16xi32>
        %mul3A_1196 = arith.muli %and3A_1193, %mul3A_1195 : vector<16xi32>
        %add3A_1197 = arith.addi %mul3A_1196, %gather3A_997 : vector<16xi32>
        %shift_right_logical3A_1198 = arith.constant 7 : i32
        %shift_right_logical3A_1199 = vector.broadcast %shift_right_logical3A_1198 : i32 to vector<16xi32>
        %shift_right_logical3A_1200 = arith.shrui %get3A_841, %shift_right_logical3A_1199 : vector<16xi32>
        %and3A_1201 = arith.constant 127 : i32
        %and3A_1202 = vector.broadcast %and3A_1201 : i32 to vector<16xi32>
        %and3A_1203 = arith.andi %shift_right_logical3A_1200, %and3A_1202 : vector<16xi32>
        %mul3A_1204 = arith.constant 48 : i32
        %mul3A_1205 = vector.broadcast %mul3A_1204 : i32 to vector<16xi32>
        %mul3A_1206 = arith.muli %and3A_1203, %mul3A_1205 : vector<16xi32>
        %add3A_1207 = arith.addi %mul3A_1206, %gather3A_1011 : vector<16xi32>
        %shift_right_logical3A_1208 = arith.constant 7 : i32
        %shift_right_logical3A_1209 = vector.broadcast %shift_right_logical3A_1208 : i32 to vector<16xi32>
        %shift_right_logical3A_1210 = arith.shrui %get3A_849, %shift_right_logical3A_1209 : vector<16xi32>
        %and3A_1211 = arith.constant 127 : i32
        %and3A_1212 = vector.broadcast %and3A_1211 : i32 to vector<16xi32>
        %and3A_1213 = arith.andi %shift_right_logical3A_1210, %and3A_1212 : vector<16xi32>
        %mul3A_1214 = arith.constant 48 : i32
        %mul3A_1215 = vector.broadcast %mul3A_1214 : i32 to vector<16xi32>
        %mul3A_1216 = arith.muli %and3A_1213, %mul3A_1215 : vector<16xi32>
        %add3A_1217 = arith.addi %mul3A_1216, %gather3A_1025 : vector<16xi32>
        %shift_right_logical3A_1218 = arith.constant 7 : i32
        %shift_right_logical3A_1219 = vector.broadcast %shift_right_logical3A_1218 : i32 to vector<16xi32>
        %shift_right_logical3A_1220 = arith.shrui %get3A_857, %shift_right_logical3A_1219 : vector<16xi32>
        %and3A_1221 = arith.constant 127 : i32
        %and3A_1222 = vector.broadcast %and3A_1221 : i32 to vector<16xi32>
        %and3A_1223 = arith.andi %shift_right_logical3A_1220, %and3A_1222 : vector<16xi32>
        %mul3A_1224 = arith.constant 48 : i32
        %mul3A_1225 = vector.broadcast %mul3A_1224 : i32 to vector<16xi32>
        %mul3A_1226 = arith.muli %and3A_1223, %mul3A_1225 : vector<16xi32>
        %add3A_1227 = arith.addi %mul3A_1226, %gather3A_1039 : vector<16xi32>
        %shift_right_logical3A_1228 = arith.constant 7 : i32
        %shift_right_logical3A_1229 = vector.broadcast %shift_right_logical3A_1228 : i32 to vector<16xi32>
        %shift_right_logical3A_1230 = arith.shrui %get3A_865, %shift_right_logical3A_1229 : vector<16xi32>
        %and3A_1231 = arith.constant 127 : i32
        %and3A_1232 = vector.broadcast %and3A_1231 : i32 to vector<16xi32>
        %and3A_1233 = arith.andi %shift_right_logical3A_1230, %and3A_1232 : vector<16xi32>
        %mul3A_1234 = arith.constant 48 : i32
        %mul3A_1235 = vector.broadcast %mul3A_1234 : i32 to vector<16xi32>
        %mul3A_1236 = arith.muli %and3A_1233, %mul3A_1235 : vector<16xi32>
        %add3A_1237 = arith.addi %mul3A_1236, %gather3A_1053 : vector<16xi32>
        %shift_right_logical3A_1238 = arith.constant 7 : i32
        %shift_right_logical3A_1239 = vector.broadcast %shift_right_logical3A_1238 : i32 to vector<16xi32>
        %shift_right_logical3A_1240 = arith.shrui %get3A_873, %shift_right_logical3A_1239 : vector<16xi32>
        %and3A_1241 = arith.constant 127 : i32
        %and3A_1242 = vector.broadcast %and3A_1241 : i32 to vector<16xi32>
        %and3A_1243 = arith.andi %shift_right_logical3A_1240, %and3A_1242 : vector<16xi32>
        %mul3A_1244 = arith.constant 48 : i32
        %mul3A_1245 = vector.broadcast %mul3A_1244 : i32 to vector<16xi32>
        %mul3A_1246 = arith.muli %and3A_1243, %mul3A_1245 : vector<16xi32>
        %add3A_1247 = arith.addi %mul3A_1246, %gather3A_1067 : vector<16xi32>
        %shift_right_logical3A_1248 = arith.constant 7 : i32
        %shift_right_logical3A_1249 = vector.broadcast %shift_right_logical3A_1248 : i32 to vector<16xi32>
        %shift_right_logical3A_1250 = arith.shrui %get3A_881, %shift_right_logical3A_1249 : vector<16xi32>
        %and3A_1251 = arith.constant 127 : i32
        %and3A_1252 = vector.broadcast %and3A_1251 : i32 to vector<16xi32>
        %and3A_1253 = arith.andi %shift_right_logical3A_1250, %and3A_1252 : vector<16xi32>
        %mul3A_1254 = arith.constant 48 : i32
        %mul3A_1255 = vector.broadcast %mul3A_1254 : i32 to vector<16xi32>
        %mul3A_1256 = arith.muli %and3A_1253, %mul3A_1255 : vector<16xi32>
        %add3A_1257 = arith.addi %mul3A_1256, %gather3A_1081 : vector<16xi32>
        %shift_right_logical3A_1258 = arith.constant 7 : i32
        %shift_right_logical3A_1259 = vector.broadcast %shift_right_logical3A_1258 : i32 to vector<16xi32>
        %shift_right_logical3A_1260 = arith.shrui %get3A_889, %shift_right_logical3A_1259 : vector<16xi32>
        %and3A_1261 = arith.constant 127 : i32
        %and3A_1262 = vector.broadcast %and3A_1261 : i32 to vector<16xi32>
        %and3A_1263 = arith.andi %shift_right_logical3A_1260, %and3A_1262 : vector<16xi32>
        %mul3A_1264 = arith.constant 48 : i32
        %mul3A_1265 = vector.broadcast %mul3A_1264 : i32 to vector<16xi32>
        %mul3A_1266 = arith.muli %and3A_1263, %mul3A_1265 : vector<16xi32>
        %add3A_1267 = arith.addi %mul3A_1266, %gather3A_1095 : vector<16xi32>
        %shift_right_logical3A_1268 = arith.constant 7 : i32
        %shift_right_logical3A_1269 = vector.broadcast %shift_right_logical3A_1268 : i32 to vector<16xi32>
        %shift_right_logical3A_1270 = arith.shrui %get3A_897, %shift_right_logical3A_1269 : vector<16xi32>
        %and3A_1271 = arith.constant 127 : i32
        %and3A_1272 = vector.broadcast %and3A_1271 : i32 to vector<16xi32>
        %and3A_1273 = arith.andi %shift_right_logical3A_1270, %and3A_1272 : vector<16xi32>
        %mul3A_1274 = arith.constant 48 : i32
        %mul3A_1275 = vector.broadcast %mul3A_1274 : i32 to vector<16xi32>
        %mul3A_1276 = arith.muli %and3A_1273, %mul3A_1275 : vector<16xi32>
        %add3A_1277 = arith.addi %mul3A_1276, %gather3A_1109 : vector<16xi32>
        %shift_right_logical3A_1278 = arith.constant 7 : i32
        %shift_right_logical3A_1279 = vector.broadcast %shift_right_logical3A_1278 : i32 to vector<16xi32>
        %shift_right_logical3A_1280 = arith.shrui %get3A_905, %shift_right_logical3A_1279 : vector<16xi32>
        %and3A_1281 = arith.constant 127 : i32
        %and3A_1282 = vector.broadcast %and3A_1281 : i32 to vector<16xi32>
        %and3A_1283 = arith.andi %shift_right_logical3A_1280, %and3A_1282 : vector<16xi32>
        %mul3A_1284 = arith.constant 48 : i32
        %mul3A_1285 = vector.broadcast %mul3A_1284 : i32 to vector<16xi32>
        %mul3A_1286 = arith.muli %and3A_1283, %mul3A_1285 : vector<16xi32>
        %add3A_1287 = arith.addi %mul3A_1286, %gather3A_1123 : vector<16xi32>
        %shift_right_logical3A_1288 = arith.constant 7 : i32
        %shift_right_logical3A_1289 = vector.broadcast %shift_right_logical3A_1288 : i32 to vector<16xi32>
        %shift_right_logical3A_1290 = arith.shrui %get3A_913, %shift_right_logical3A_1289 : vector<16xi32>
        %and3A_1291 = arith.constant 127 : i32
        %and3A_1292 = vector.broadcast %and3A_1291 : i32 to vector<16xi32>
        %and3A_1293 = arith.andi %shift_right_logical3A_1290, %and3A_1292 : vector<16xi32>
        %mul3A_1294 = arith.constant 48 : i32
        %mul3A_1295 = vector.broadcast %mul3A_1294 : i32 to vector<16xi32>
        %mul3A_1296 = arith.muli %and3A_1293, %mul3A_1295 : vector<16xi32>
        %add3A_1297 = arith.addi %mul3A_1296, %gather3A_1137 : vector<16xi32>
        %ne3A_1298 = arith.constant 47 : i32
        %ne3A_1299 = vector.broadcast %ne3A_1298 : i32 to vector<16xi32>
        %ne3A_1300 = arith.cmpi ne, %gather3A_927, %ne3A_1299 : vector<16xi32>
        %ne3A_1301 = arith.constant 47 : i32
        %ne3A_1302 = vector.broadcast %ne3A_1301 : i32 to vector<16xi32>
        %ne3A_1303 = arith.cmpi ne, %gather3A_941, %ne3A_1302 : vector<16xi32>
        %ne3A_1304 = arith.constant 47 : i32
        %ne3A_1305 = vector.broadcast %ne3A_1304 : i32 to vector<16xi32>
        %ne3A_1306 = arith.cmpi ne, %gather3A_955, %ne3A_1305 : vector<16xi32>
        %ne3A_1307 = arith.constant 47 : i32
        %ne3A_1308 = vector.broadcast %ne3A_1307 : i32 to vector<16xi32>
        %ne3A_1309 = arith.cmpi ne, %gather3A_969, %ne3A_1308 : vector<16xi32>
        %ne3A_1310 = arith.constant 47 : i32
        %ne3A_1311 = vector.broadcast %ne3A_1310 : i32 to vector<16xi32>
        %ne3A_1312 = arith.cmpi ne, %gather3A_983, %ne3A_1311 : vector<16xi32>
        %ne3A_1313 = arith.constant 47 : i32
        %ne3A_1314 = vector.broadcast %ne3A_1313 : i32 to vector<16xi32>
        %ne3A_1315 = arith.cmpi ne, %gather3A_997, %ne3A_1314 : vector<16xi32>
        %ne3A_1316 = arith.constant 47 : i32
        %ne3A_1317 = vector.broadcast %ne3A_1316 : i32 to vector<16xi32>
        %ne3A_1318 = arith.cmpi ne, %gather3A_1011, %ne3A_1317 : vector<16xi32>
        %ne3A_1319 = arith.constant 47 : i32
        %ne3A_1320 = vector.broadcast %ne3A_1319 : i32 to vector<16xi32>
        %ne3A_1321 = arith.cmpi ne, %gather3A_1025, %ne3A_1320 : vector<16xi32>
        %ne3A_1322 = arith.constant 47 : i32
        %ne3A_1323 = vector.broadcast %ne3A_1322 : i32 to vector<16xi32>
        %ne3A_1324 = arith.cmpi ne, %gather3A_1039, %ne3A_1323 : vector<16xi32>
        %ne3A_1325 = arith.constant 47 : i32
        %ne3A_1326 = vector.broadcast %ne3A_1325 : i32 to vector<16xi32>
        %ne3A_1327 = arith.cmpi ne, %gather3A_1053, %ne3A_1326 : vector<16xi32>
        %ne3A_1328 = arith.constant 47 : i32
        %ne3A_1329 = vector.broadcast %ne3A_1328 : i32 to vector<16xi32>
        %ne3A_1330 = arith.cmpi ne, %gather3A_1067, %ne3A_1329 : vector<16xi32>
        %ne3A_1331 = arith.constant 47 : i32
        %ne3A_1332 = vector.broadcast %ne3A_1331 : i32 to vector<16xi32>
        %ne3A_1333 = arith.cmpi ne, %gather3A_1081, %ne3A_1332 : vector<16xi32>
        %ne3A_1334 = arith.constant 47 : i32
        %ne3A_1335 = vector.broadcast %ne3A_1334 : i32 to vector<16xi32>
        %ne3A_1336 = arith.cmpi ne, %gather3A_1095, %ne3A_1335 : vector<16xi32>
        %ne3A_1337 = arith.constant 47 : i32
        %ne3A_1338 = vector.broadcast %ne3A_1337 : i32 to vector<16xi32>
        %ne3A_1339 = arith.cmpi ne, %gather3A_1109, %ne3A_1338 : vector<16xi32>
        %ne3A_1340 = arith.constant 47 : i32
        %ne3A_1341 = vector.broadcast %ne3A_1340 : i32 to vector<16xi32>
        %ne3A_1342 = arith.cmpi ne, %gather3A_1123, %ne3A_1341 : vector<16xi32>
        %ne3A_1343 = arith.constant 47 : i32
        %ne3A_1344 = vector.broadcast %ne3A_1343 : i32 to vector<16xi32>
        %ne3A_1345 = arith.cmpi ne, %gather3A_1137, %ne3A_1344 : vector<16xi32>
        %convert_element_type3A_1346 = arith.extui %ne3A_1300 : vector<16xi1> to vector<16xi32>
        %reduce_sum3A_1347 = arith.constant true
        %reduce_sum3A_1348 = vector.broadcast %reduce_sum3A_1347 : i1 to vector<16xi1>
        %reduce_sum3A_1349 = tpu.scan <sum>, %convert_element_type3A_1346 masked %reduce_sum3A_1348 : vector<16xi32>, vector<16xi1> -> vector<16xi32>
        %reduce_sum3A_1350 = vector.extract %reduce_sum3A_1349[15] : i32 from vector<16xi32>
        %convert_element_type3A_1351 = arith.extui %ne3A_1303 : vector<16xi1> to vector<16xi32>
        %reduce_sum3A_1352 = arith.constant true
        %reduce_sum3A_1353 = vector.broadcast %reduce_sum3A_1352 : i1 to vector<16xi1>
        %reduce_sum3A_1354 = tpu.scan <sum>, %convert_element_type3A_1351 masked %reduce_sum3A_1353 : vector<16xi32>, vector<16xi1> -> vector<16xi32>
        %reduce_sum3A_1355 = vector.extract %reduce_sum3A_1354[15] : i32 from vector<16xi32>
        %convert_element_type3A_1356 = arith.extui %ne3A_1306 : vector<16xi1> to vector<16xi32>
        %reduce_sum3A_1357 = arith.constant true
        %reduce_sum3A_1358 = vector.broadcast %reduce_sum3A_1357 : i1 to vector<16xi1>
        %reduce_sum3A_1359 = tpu.scan <sum>, %convert_element_type3A_1356 masked %reduce_sum3A_1358 : vector<16xi32>, vector<16xi1> -> vector<16xi32>
        %reduce_sum3A_1360 = vector.extract %reduce_sum3A_1359[15] : i32 from vector<16xi32>
        %convert_element_type3A_1361 = arith.extui %ne3A_1309 : vector<16xi1> to vector<16xi32>
        %reduce_sum3A_1362 = arith.constant true
        %reduce_sum3A_1363 = vector.broadcast %reduce_sum3A_1362 : i1 to vector<16xi1>
        %reduce_sum3A_1364 = tpu.scan <sum>, %convert_element_type3A_1361 masked %reduce_sum3A_1363 : vector<16xi32>, vector<16xi1> -> vector<16xi32>
        %reduce_sum3A_1365 = vector.extract %reduce_sum3A_1364[15] : i32 from vector<16xi32>
        %convert_element_type3A_1366 = arith.extui %ne3A_1312 : vector<16xi1> to vector<16xi32>
        %reduce_sum3A_1367 = arith.constant true
        %reduce_sum3A_1368 = vector.broadcast %reduce_sum3A_1367 : i1 to vector<16xi1>
        %reduce_sum3A_1369 = tpu.scan <sum>, %convert_element_type3A_1366 masked %reduce_sum3A_1368 : vector<16xi32>, vector<16xi1> -> vector<16xi32>
        %reduce_sum3A_1370 = vector.extract %reduce_sum3A_1369[15] : i32 from vector<16xi32>
        %convert_element_type3A_1371 = arith.extui %ne3A_1315 : vector<16xi1> to vector<16xi32>
        %reduce_sum3A_1372 = arith.constant true
        %reduce_sum3A_1373 = vector.broadcast %reduce_sum3A_1372 : i1 to vector<16xi1>
        %reduce_sum3A_1374 = tpu.scan <sum>, %convert_element_type3A_1371 masked %reduce_sum3A_1373 : vector<16xi32>, vector<16xi1> -> vector<16xi32>
        %reduce_sum3A_1375 = vector.extract %reduce_sum3A_1374[15] : i32 from vector<16xi32>
        %convert_element_type3A_1376 = arith.extui %ne3A_1318 : vector<16xi1> to vector<16xi32>
        %reduce_sum3A_1377 = arith.constant true
        %reduce_sum3A_1378 = vector.broadcast %reduce_sum3A_1377 : i1 to vector<16xi1>
        %reduce_sum3A_1379 = tpu.scan <sum>, %convert_element_type3A_1376 masked %reduce_sum3A_1378 : vector<16xi32>, vector<16xi1> -> vector<16xi32>
        %reduce_sum3A_1380 = vector.extract %reduce_sum3A_1379[15] : i32 from vector<16xi32>
        %convert_element_type3A_1381 = arith.extui %ne3A_1321 : vector<16xi1> to vector<16xi32>
        %reduce_sum3A_1382 = arith.constant true
        %reduce_sum3A_1383 = vector.broadcast %reduce_sum3A_1382 : i1 to vector<16xi1>
        %reduce_sum3A_1384 = tpu.scan <sum>, %convert_element_type3A_1381 masked %reduce_sum3A_1383 : vector<16xi32>, vector<16xi1> -> vector<16xi32>
        %reduce_sum3A_1385 = vector.extract %reduce_sum3A_1384[15] : i32 from vector<16xi32>
        %convert_element_type3A_1386 = arith.extui %ne3A_1324 : vector<16xi1> to vector<16xi32>
        %reduce_sum3A_1387 = arith.constant true
        %reduce_sum3A_1388 = vector.broadcast %reduce_sum3A_1387 : i1 to vector<16xi1>
        %reduce_sum3A_1389 = tpu.scan <sum>, %convert_element_type3A_1386 masked %reduce_sum3A_1388 : vector<16xi32>, vector<16xi1> -> vector<16xi32>
        %reduce_sum3A_1390 = vector.extract %reduce_sum3A_1389[15] : i32 from vector<16xi32>
        %convert_element_type3A_1391 = arith.extui %ne3A_1327 : vector<16xi1> to vector<16xi32>
        %reduce_sum3A_1392 = arith.constant true
        %reduce_sum3A_1393 = vector.broadcast %reduce_sum3A_1392 : i1 to vector<16xi1>
        %reduce_sum3A_1394 = tpu.scan <sum>, %convert_element_type3A_1391 masked %reduce_sum3A_1393 : vector<16xi32>, vector<16xi1> -> vector<16xi32>
        %reduce_sum3A_1395 = vector.extract %reduce_sum3A_1394[15] : i32 from vector<16xi32>
        %convert_element_type3A_1396 = arith.extui %ne3A_1330 : vector<16xi1> to vector<16xi32>
        %reduce_sum3A_1397 = arith.constant true
        %reduce_sum3A_1398 = vector.broadcast %reduce_sum3A_1397 : i1 to vector<16xi1>
        %reduce_sum3A_1399 = tpu.scan <sum>, %convert_element_type3A_1396 masked %reduce_sum3A_1398 : vector<16xi32>, vector<16xi1> -> vector<16xi32>
        %reduce_sum3A_1400 = vector.extract %reduce_sum3A_1399[15] : i32 from vector<16xi32>
        %convert_element_type3A_1401 = arith.extui %ne3A_1333 : vector<16xi1> to vector<16xi32>
        %reduce_sum3A_1402 = arith.constant true
        %reduce_sum3A_1403 = vector.broadcast %reduce_sum3A_1402 : i1 to vector<16xi1>
        %reduce_sum3A_1404 = tpu.scan <sum>, %convert_element_type3A_1401 masked %reduce_sum3A_1403 : vector<16xi32>, vector<16xi1> -> vector<16xi32>
        %reduce_sum3A_1405 = vector.extract %reduce_sum3A_1404[15] : i32 from vector<16xi32>
        %convert_element_type3A_1406 = arith.extui %ne3A_1336 : vector<16xi1> to vector<16xi32>
        %reduce_sum3A_1407 = arith.constant true
        %reduce_sum3A_1408 = vector.broadcast %reduce_sum3A_1407 : i1 to vector<16xi1>
        %reduce_sum3A_1409 = tpu.scan <sum>, %convert_element_type3A_1406 masked %reduce_sum3A_1408 : vector<16xi32>, vector<16xi1> -> vector<16xi32>
        %reduce_sum3A_1410 = vector.extract %reduce_sum3A_1409[15] : i32 from vector<16xi32>
        %convert_element_type3A_1411 = arith.extui %ne3A_1339 : vector<16xi1> to vector<16xi32>
        %reduce_sum3A_1412 = arith.constant true
        %reduce_sum3A_1413 = vector.broadcast %reduce_sum3A_1412 : i1 to vector<16xi1>
        %reduce_sum3A_1414 = tpu.scan <sum>, %convert_element_type3A_1411 masked %reduce_sum3A_1413 : vector<16xi32>, vector<16xi1> -> vector<16xi32>
        %reduce_sum3A_1415 = vector.extract %reduce_sum3A_1414[15] : i32 from vector<16xi32>
        %convert_element_type3A_1416 = arith.extui %ne3A_1342 : vector<16xi1> to vector<16xi32>
        %reduce_sum3A_1417 = arith.constant true
        %reduce_sum3A_1418 = vector.broadcast %reduce_sum3A_1417 : i1 to vector<16xi1>
        %reduce_sum3A_1419 = tpu.scan <sum>, %convert_element_type3A_1416 masked %reduce_sum3A_1418 : vector<16xi32>, vector<16xi1> -> vector<16xi32>
        %reduce_sum3A_1420 = vector.extract %reduce_sum3A_1419[15] : i32 from vector<16xi32>
        %convert_element_type3A_1421 = arith.extui %ne3A_1345 : vector<16xi1> to vector<16xi32>
        %reduce_sum3A_1422 = arith.constant true
        %reduce_sum3A_1423 = vector.broadcast %reduce_sum3A_1422 : i1 to vector<16xi1>
        %reduce_sum3A_1424 = tpu.scan <sum>, %convert_element_type3A_1421 masked %reduce_sum3A_1423 : vector<16xi32>, vector<16xi1> -> vector<16xi32>
        %reduce_sum3A_1425 = vector.extract %reduce_sum3A_1424[15] : i32 from vector<16xi32>
        tpu.vector_store_idx %arg11[%add3A_1147], %add3A_6 {add = true} : memref<6144xi32, #tpu.memory_space<vmem>>[vector<16xi32>], vector<16xi32>,
        tpu.vector_store_idx %arg11[%add3A_1157], %add3A_6 {add = true} : memref<6144xi32, #tpu.memory_space<vmem>>[vector<16xi32>], vector<16xi32>,
        tpu.vector_store_idx %arg11[%add3A_1167], %add3A_6 {add = true} : memref<6144xi32, #tpu.memory_space<vmem>>[vector<16xi32>], vector<16xi32>,
        tpu.vector_store_idx %arg11[%add3A_1177], %add3A_6 {add = true} : memref<6144xi32, #tpu.memory_space<vmem>>[vector<16xi32>], vector<16xi32>,
        tpu.vector_store_idx %arg11[%add3A_1187], %add3A_6 {add = true} : memref<6144xi32, #tpu.memory_space<vmem>>[vector<16xi32>], vector<16xi32>,
        tpu.vector_store_idx %arg11[%add3A_1197], %add3A_6 {add = true} : memref<6144xi32, #tpu.memory_space<vmem>>[vector<16xi32>], vector<16xi32>,
        tpu.vector_store_idx %arg11[%add3A_1207], %add3A_6 {add = true} : memref<6144xi32, #tpu.memory_space<vmem>>[vector<16xi32>], vector<16xi32>,
        tpu.vector_store_idx %arg11[%add3A_1217], %add3A_6 {add = true} : memref<6144xi32, #tpu.memory_space<vmem>>[vector<16xi32>], vector<16xi32>,
        tpu.vector_store_idx %arg11[%add3A_1227], %add3A_6 {add = true} : memref<6144xi32, #tpu.memory_space<vmem>>[vector<16xi32>], vector<16xi32>,
        tpu.vector_store_idx %arg11[%add3A_1237], %add3A_6 {add = true} : memref<6144xi32, #tpu.memory_space<vmem>>[vector<16xi32>], vector<16xi32>,
        tpu.vector_store_idx %arg11[%add3A_1247], %add3A_6 {add = true} : memref<6144xi32, #tpu.memory_space<vmem>>[vector<16xi32>], vector<16xi32>,
        tpu.vector_store_idx %arg11[%add3A_1257], %add3A_6 {add = true} : memref<6144xi32, #tpu.memory_space<vmem>>[vector<16xi32>], vector<16xi32>,
        tpu.vector_store_idx %arg11[%add3A_1267], %add3A_6 {add = true} : memref<6144xi32, #tpu.memory_space<vmem>>[vector<16xi32>], vector<16xi32>,
        tpu.vector_store_idx %arg11[%add3A_1277], %add3A_6 {add = true} : memref<6144xi32, #tpu.memory_space<vmem>>[vector<16xi32>], vector<16xi32>,
        tpu.vector_store_idx %arg11[%add3A_1287], %add3A_6 {add = true} : memref<6144xi32, #tpu.memory_space<vmem>>[vector<16xi32>], vector<16xi32>,
        tpu.vector_store_idx %arg11[%add3A_1297], %add3A_6 {add = true} : memref<6144xi32, #tpu.memory_space<vmem>>[vector<16xi32>], vector<16xi32>,
        %swap3A_1426 = arith.index_cast %scan3A_785 : i32 to index
        %swap3A_1427 = tpu.vector_load %arg13[%swap3A_1426] masked %ne3A_1300 {strides = array<i32>} : memref<16448xi32, #tpu.memory_space<vmem>>, vector<16xi32>, vector<16xi1>
        tpu.vector_store %arg13[%swap3A_1426], %get3A_793 masked %ne3A_1300 {strides = array<i32>} : memref<16448xi32, #tpu.memory_space<vmem>>, vector<16xi32>, vector<16xi1>
        %add3A_1428 = arith.addi %scan3A_785, %reduce_sum3A_1350 : i32
        %swap3A_1429 = arith.index_cast %add3A_1428 : i32 to index
        %swap3A_1430 = tpu.vector_load %arg13[%swap3A_1429] masked %ne3A_1303 {strides = array<i32>} : memref<16448xi32, #tpu.memory_space<vmem>>, vector<16xi32>, vector<16xi1>
        tpu.vector_store %arg13[%swap3A_1429], %get3A_801 masked %ne3A_1303 {strides = array<i32>} : memref<16448xi32, #tpu.memory_space<vmem>>, vector<16xi32>, vector<16xi1>
        %add3A_1431 = arith.addi %add3A_1428, %reduce_sum3A_1355 : i32
        %swap3A_1432 = arith.index_cast %add3A_1431 : i32 to index
        %swap3A_1433 = tpu.vector_load %arg13[%swap3A_1432] masked %ne3A_1306 {strides = array<i32>} : memref<16448xi32, #tpu.memory_space<vmem>>, vector<16xi32>, vector<16xi1>
        tpu.vector_store %arg13[%swap3A_1432], %get3A_809 masked %ne3A_1306 {strides = array<i32>} : memref<16448xi32, #tpu.memory_space<vmem>>, vector<16xi32>, vector<16xi1>
        %add3A_1434 = arith.addi %add3A_1431, %reduce_sum3A_1360 : i32
        %swap3A_1435 = arith.index_cast %add3A_1434 : i32 to index
        %swap3A_1436 = tpu.vector_load %arg13[%swap3A_1435] masked %ne3A_1309 {strides = array<i32>} : memref<16448xi32, #tpu.memory_space<vmem>>, vector<16xi32>, vector<16xi1>
        tpu.vector_store %arg13[%swap3A_1435], %get3A_817 masked %ne3A_1309 {strides = array<i32>} : memref<16448xi32, #tpu.memory_space<vmem>>, vector<16xi32>, vector<16xi1>
        %add3A_1437 = arith.addi %add3A_1434, %reduce_sum3A_1365 : i32
        %swap3A_1438 = arith.index_cast %add3A_1437 : i32 to index
        %swap3A_1439 = tpu.vector_load %arg13[%swap3A_1438] masked %ne3A_1312 {strides = array<i32>} : memref<16448xi32, #tpu.memory_space<vmem>>, vector<16xi32>, vector<16xi1>
        tpu.vector_store %arg13[%swap3A_1438], %get3A_825 masked %ne3A_1312 {strides = array<i32>} : memref<16448xi32, #tpu.memory_space<vmem>>, vector<16xi32>, vector<16xi1>
        %add3A_1440 = arith.addi %add3A_1437, %reduce_sum3A_1370 : i32
        %swap3A_1441 = arith.index_cast %add3A_1440 : i32 to index
        %swap3A_1442 = tpu.vector_load %arg13[%swap3A_1441] masked %ne3A_1315 {strides = array<i32>} : memref<16448xi32, #tpu.memory_space<vmem>>, vector<16xi32>, vector<16xi1>
        tpu.vector_store %arg13[%swap3A_1441], %get3A_833 masked %ne3A_1315 {strides = array<i32>} : memref<16448xi32, #tpu.memory_space<vmem>>, vector<16xi32>, vector<16xi1>
        %add3A_1443 = arith.addi %add3A_1440, %reduce_sum3A_1375 : i32
        %swap3A_1444 = arith.index_cast %add3A_1443 : i32 to index
        %swap3A_1445 = tpu.vector_load %arg13[%swap3A_1444] masked %ne3A_1318 {strides = array<i32>} : memref<16448xi32, #tpu.memory_space<vmem>>, vector<16xi32>, vector<16xi1>
        tpu.vector_store %arg13[%swap3A_1444], %get3A_841 masked %ne3A_1318 {strides = array<i32>} : memref<16448xi32, #tpu.memory_space<vmem>>, vector<16xi32>, vector<16xi1>
        %add3A_1446 = arith.addi %add3A_1443, %reduce_sum3A_1380 : i32
        %swap3A_1447 = arith.index_cast %add3A_1446 : i32 to index
        %swap3A_1448 = tpu.vector_load %arg13[%swap3A_1447] masked %ne3A_1321 {strides = array<i32>} : memref<16448xi32, #tpu.memory_space<vmem>>, vector<16xi32>, vector<16xi1>
        tpu.vector_store %arg13[%swap3A_1447], %get3A_849 masked %ne3A_1321 {strides = array<i32>} : memref<16448xi32, #tpu.memory_space<vmem>>, vector<16xi32>, vector<16xi1>
        %add3A_1449 = arith.addi %add3A_1446, %reduce_sum3A_1385 : i32
        %swap3A_1450 = arith.index_cast %add3A_1449 : i32 to index
        %swap3A_1451 = tpu.vector_load %arg13[%swap3A_1450] masked %ne3A_1324 {strides = array<i32>} : memref<16448xi32, #tpu.memory_space<vmem>>, vector<16xi32>, vector<16xi1>
        tpu.vector_store %arg13[%swap3A_1450], %get3A_857 masked %ne3A_1324 {strides = array<i32>} : memref<16448xi32, #tpu.memory_space<vmem>>, vector<16xi32>, vector<16xi1>
        %add3A_1452 = arith.addi %add3A_1449, %reduce_sum3A_1390 : i32
        %swap3A_1453 = arith.index_cast %add3A_1452 : i32 to index
        %swap3A_1454 = tpu.vector_load %arg13[%swap3A_1453] masked %ne3A_1327 {strides = array<i32>} : memref<16448xi32, #tpu.memory_space<vmem>>, vector<16xi32>, vector<16xi1>
        tpu.vector_store %arg13[%swap3A_1453], %get3A_865 masked %ne3A_1327 {strides = array<i32>} : memref<16448xi32, #tpu.memory_space<vmem>>, vector<16xi32>, vector<16xi1>
        %add3A_1455 = arith.addi %add3A_1452, %reduce_sum3A_1395 : i32
        %swap3A_1456 = arith.index_cast %add3A_1455 : i32 to index
        %swap3A_1457 = tpu.vector_load %arg13[%swap3A_1456] masked %ne3A_1330 {strides = array<i32>} : memref<16448xi32, #tpu.memory_space<vmem>>, vector<16xi32>, vector<16xi1>
        tpu.vector_store %arg13[%swap3A_1456], %get3A_873 masked %ne3A_1330 {strides = array<i32>} : memref<16448xi32, #tpu.memory_space<vmem>>, vector<16xi32>, vector<16xi1>
        %add3A_1458 = arith.addi %add3A_1455, %reduce_sum3A_1400 : i32
        %swap3A_1459 = arith.index_cast %add3A_1458 : i32 to index
        %swap3A_1460 = tpu.vector_load %arg13[%swap3A_1459] masked %ne3A_1333 {strides = array<i32>} : memref<16448xi32, #tpu.memory_space<vmem>>, vector<16xi32>, vector<16xi1>
        tpu.vector_store %arg13[%swap3A_1459], %get3A_881 masked %ne3A_1333 {strides = array<i32>} : memref<16448xi32, #tpu.memory_space<vmem>>, vector<16xi32>, vector<16xi1>
        %add3A_1461 = arith.addi %add3A_1458, %reduce_sum3A_1405 : i32
        %swap3A_1462 = arith.index_cast %add3A_1461 : i32 to index
        %swap3A_1463 = tpu.vector_load %arg13[%swap3A_1462] masked %ne3A_1336 {strides = array<i32>} : memref<16448xi32, #tpu.memory_space<vmem>>, vector<16xi32>, vector<16xi1>
        tpu.vector_store %arg13[%swap3A_1462], %get3A_889 masked %ne3A_1336 {strides = array<i32>} : memref<16448xi32, #tpu.memory_space<vmem>>, vector<16xi32>, vector<16xi1>
        %add3A_1464 = arith.addi %add3A_1461, %reduce_sum3A_1410 : i32
        %swap3A_1465 = arith.index_cast %add3A_1464 : i32 to index
        %swap3A_1466 = tpu.vector_load %arg13[%swap3A_1465] masked %ne3A_1339 {strides = array<i32>} : memref<16448xi32, #tpu.memory_space<vmem>>, vector<16xi32>, vector<16xi1>
        tpu.vector_store %arg13[%swap3A_1465], %get3A_897 masked %ne3A_1339 {strides = array<i32>} : memref<16448xi32, #tpu.memory_space<vmem>>, vector<16xi32>, vector<16xi1>
        %add3A_1467 = arith.addi %add3A_1464, %reduce_sum3A_1415 : i32
        %swap3A_1468 = arith.index_cast %add3A_1467 : i32 to index
        %swap3A_1469 = tpu.vector_load %arg13[%swap3A_1468] masked %ne3A_1342 {strides = array<i32>} : memref<16448xi32, #tpu.memory_space<vmem>>, vector<16xi32>, vector<16xi1>
        tpu.vector_store %arg13[%swap3A_1468], %get3A_905 masked %ne3A_1342 {strides = array<i32>} : memref<16448xi32, #tpu.memory_space<vmem>>, vector<16xi32>, vector<16xi1>
        %add3A_1470 = arith.addi %add3A_1467, %reduce_sum3A_1420 : i32
        %swap3A_1471 = arith.index_cast %add3A_1470 : i32 to index
        %swap3A_1472 = tpu.vector_load %arg13[%swap3A_1471] masked %ne3A_1345 {strides = array<i32>} : memref<16448xi32, #tpu.memory_space<vmem>>, vector<16xi32>, vector<16xi1>
        tpu.vector_store %arg13[%swap3A_1471], %get3A_913 masked %ne3A_1345 {strides = array<i32>} : memref<16448xi32, #tpu.memory_space<vmem>>, vector<16xi32>, vector<16xi1>
        %add3A_1473 = arith.addi %add3A_1470, %reduce_sum3A_1425 : i32
        scf.yield %add3A_1473 : i32
      }
      %scan3A_557 = arith.constant 64 : i32
      %scan3A_558 = arith.constant 0 : i32
      %scan3A_559 = arith.constant 16 : i32
      %scan3A_560 = arith.addi %scan3A_558, %scan3A_559 : i32
      %scan3A_561 = arith.constant 1 : i32
      %scan3A_562:9 = scf.for %scan3A_784 = %scan3A_558 to %scan3A_560 step %scan3A_561 iter_args(%scan3A_785 = %mul3A_3, %scan3A_786 = %mul3A_3, %scan3A_787 = %mul3A_3, %scan3A_788 = %mul3A_3, %scan3A_789 = %mul3A_3, %scan3A_790 = %mul3A_3, %scan3A_791 = %mul3A_3, %scan3A_792 = %mul3A_3, %scan3A_793 = %mul3A_3) -> (vector<16xi32>, vector<16xi32>, vector<16xi32>, vector<16xi32>, vector<16xi32>, vector<16xi32>, vector<16xi32>, vector<16xi32>, vector<16xi32>)  : i32 {
        %mul3A_794 = arith.constant 8 : i32
        %mul3A_795 = arith.muli %scan3A_784, %mul3A_794 : i32
        %add3A_796 = arith.constant 0 : i32
        %add3A_797 = arith.addi %mul3A_795, %add3A_796 : i32
        %mul3A_798 = arith.constant 48 : i32
        %mul3A_799 = arith.muli %add3A_797, %mul3A_798 : i32
        %add3A_800 = vector.broadcast %mul3A_799 : i32 to vector<16xi32>
        %add3A_801 = arith.addi %sub3A_535, %add3A_800 : vector<16xi32>
        %gather3A_802 = tpu.vector_load_idx %arg11[%add3A_801] : memref<6144xi32, #tpu.memory_space<vmem>>[vector<16xi32>], vector<16xi32>,
        %add3A_803 = vector.broadcast %mul3A_799 : i32 to vector<16xi32>
        %add3A_804 = arith.addi %add3A_542, %add3A_803 : vector<16xi32>
        %gather3A_805 = tpu.vector_load_idx %arg11[%add3A_804] : memref<6144xi32, #tpu.memory_space<vmem>>[vector<16xi32>], vector<16xi32>,
        %add3A_806 = vector.broadcast %mul3A_799 : i32 to vector<16xi32>
        %add3A_807 = arith.addi %add3A_550, %add3A_806 : vector<16xi32>
        %gather3A_808 = tpu.vector_load_idx %arg11[%add3A_807] : memref<6144xi32, #tpu.memory_space<vmem>>[vector<16xi32>], vector<16xi32>,
        %mul3A_809 = arith.constant 8 : i32
        %mul3A_810 = arith.muli %scan3A_784, %mul3A_809 : i32
        %add3A_811 = arith.constant 1 : i32
        %add3A_812 = arith.addi %mul3A_810, %add3A_811 : i32
        %mul3A_813 = arith.constant 48 : i32
        %mul3A_814 = arith.muli %add3A_812, %mul3A_813 : i32
        %add3A_815 = vector.broadcast %mul3A_814 : i32 to vector<16xi32>
        %add3A_816 = arith.addi %sub3A_535, %add3A_815 : vector<16xi32>
        %gather3A_817 = tpu.vector_load_idx %arg11[%add3A_816] : memref<6144xi32, #tpu.memory_space<vmem>>[vector<16xi32>], vector<16xi32>,
        %add3A_818 = vector.broadcast %mul3A_814 : i32 to vector<16xi32>
        %add3A_819 = arith.addi %add3A_542, %add3A_818 : vector<16xi32>
        %gather3A_820 = tpu.vector_load_idx %arg11[%add3A_819] : memref<6144xi32, #tpu.memory_space<vmem>>[vector<16xi32>], vector<16xi32>,
        %add3A_821 = vector.broadcast %mul3A_814 : i32 to vector<16xi32>
        %add3A_822 = arith.addi %add3A_550, %add3A_821 : vector<16xi32>
        %gather3A_823 = tpu.vector_load_idx %arg11[%add3A_822] : memref<6144xi32, #tpu.memory_space<vmem>>[vector<16xi32>], vector<16xi32>,
        %mul3A_824 = arith.constant 8 : i32
        %mul3A_825 = arith.muli %scan3A_784, %mul3A_824 : i32
        %add3A_826 = arith.constant 2 : i32
        %add3A_827 = arith.addi %mul3A_825, %add3A_826 : i32
        %mul3A_828 = arith.constant 48 : i32
        %mul3A_829 = arith.muli %add3A_827, %mul3A_828 : i32
        %add3A_830 = vector.broadcast %mul3A_829 : i32 to vector<16xi32>
        %add3A_831 = arith.addi %sub3A_535, %add3A_830 : vector<16xi32>
        %gather3A_832 = tpu.vector_load_idx %arg11[%add3A_831] : memref<6144xi32, #tpu.memory_space<vmem>>[vector<16xi32>], vector<16xi32>,
        %add3A_833 = vector.broadcast %mul3A_829 : i32 to vector<16xi32>
        %add3A_834 = arith.addi %add3A_542, %add3A_833 : vector<16xi32>
        %gather3A_835 = tpu.vector_load_idx %arg11[%add3A_834] : memref<6144xi32, #tpu.memory_space<vmem>>[vector<16xi32>], vector<16xi32>,
        %add3A_836 = vector.broadcast %mul3A_829 : i32 to vector<16xi32>
        %add3A_837 = arith.addi %add3A_550, %add3A_836 : vector<16xi32>
        %gather3A_838 = tpu.vector_load_idx %arg11[%add3A_837] : memref<6144xi32, #tpu.memory_space<vmem>>[vector<16xi32>], vector<16xi32>,
        %mul3A_839 = arith.constant 8 : i32
        %mul3A_840 = arith.muli %scan3A_784, %mul3A_839 : i32
        %add3A_841 = arith.constant 3 : i32
        %add3A_842 = arith.addi %mul3A_840, %add3A_841 : i32
        %mul3A_843 = arith.constant 48 : i32
        %mul3A_844 = arith.muli %add3A_842, %mul3A_843 : i32
        %add3A_845 = vector.broadcast %mul3A_844 : i32 to vector<16xi32>
        %add3A_846 = arith.addi %sub3A_535, %add3A_845 : vector<16xi32>
        %gather3A_847 = tpu.vector_load_idx %arg11[%add3A_846] : memref<6144xi32, #tpu.memory_space<vmem>>[vector<16xi32>], vector<16xi32>,
        %add3A_848 = vector.broadcast %mul3A_844 : i32 to vector<16xi32>
        %add3A_849 = arith.addi %add3A_542, %add3A_848 : vector<16xi32>
        %gather3A_850 = tpu.vector_load_idx %arg11[%add3A_849] : memref<6144xi32, #tpu.memory_space<vmem>>[vector<16xi32>], vector<16xi32>,
        %add3A_851 = vector.broadcast %mul3A_844 : i32 to vector<16xi32>
        %add3A_852 = arith.addi %add3A_550, %add3A_851 : vector<16xi32>
        %gather3A_853 = tpu.vector_load_idx %arg11[%add3A_852] : memref<6144xi32, #tpu.memory_space<vmem>>[vector<16xi32>], vector<16xi32>,
        %mul3A_854 = arith.constant 8 : i32
        %mul3A_855 = arith.muli %scan3A_784, %mul3A_854 : i32
        %add3A_856 = arith.constant 4 : i32
        %add3A_857 = arith.addi %mul3A_855, %add3A_856 : i32
        %mul3A_858 = arith.constant 48 : i32
        %mul3A_859 = arith.muli %add3A_857, %mul3A_858 : i32
        %add3A_860 = vector.broadcast %mul3A_859 : i32 to vector<16xi32>
        %add3A_861 = arith.addi %sub3A_535, %add3A_860 : vector<16xi32>
        %gather3A_862 = tpu.vector_load_idx %arg11[%add3A_861] : memref<6144xi32, #tpu.memory_space<vmem>>[vector<16xi32>], vector<16xi32>,
        %add3A_863 = vector.broadcast %mul3A_859 : i32 to vector<16xi32>
        %add3A_864 = arith.addi %add3A_542, %add3A_863 : vector<16xi32>
        %gather3A_865 = tpu.vector_load_idx %arg11[%add3A_864] : memref<6144xi32, #tpu.memory_space<vmem>>[vector<16xi32>], vector<16xi32>,
        %add3A_866 = vector.broadcast %mul3A_859 : i32 to vector<16xi32>
        %add3A_867 = arith.addi %add3A_550, %add3A_866 : vector<16xi32>
        %gather3A_868 = tpu.vector_load_idx %arg11[%add3A_867] : memref<6144xi32, #tpu.memory_space<vmem>>[vector<16xi32>], vector<16xi32>,
        %mul3A_869 = arith.constant 8 : i32
        %mul3A_870 = arith.muli %scan3A_784, %mul3A_869 : i32
        %add3A_871 = arith.constant 5 : i32
        %add3A_872 = arith.addi %mul3A_870, %add3A_871 : i32
        %mul3A_873 = arith.constant 48 : i32
        %mul3A_874 = arith.muli %add3A_872, %mul3A_873 : i32
        %add3A_875 = vector.broadcast %mul3A_874 : i32 to vector<16xi32>
        %add3A_876 = arith.addi %sub3A_535, %add3A_875 : vector<16xi32>
        %gather3A_877 = tpu.vector_load_idx %arg11[%add3A_876] : memref<6144xi32, #tpu.memory_space<vmem>>[vector<16xi32>], vector<16xi32>,
        %add3A_878 = vector.broadcast %mul3A_874 : i32 to vector<16xi32>
        %add3A_879 = arith.addi %add3A_542, %add3A_878 : vector<16xi32>
        %gather3A_880 = tpu.vector_load_idx %arg11[%add3A_879] : memref<6144xi32, #tpu.memory_space<vmem>>[vector<16xi32>], vector<16xi32>,
        %add3A_881 = vector.broadcast %mul3A_874 : i32 to vector<16xi32>
        %add3A_882 = arith.addi %add3A_550, %add3A_881 : vector<16xi32>
        %gather3A_883 = tpu.vector_load_idx %arg11[%add3A_882] : memref<6144xi32, #tpu.memory_space<vmem>>[vector<16xi32>], vector<16xi32>,
        %mul3A_884 = arith.constant 8 : i32
        %mul3A_885 = arith.muli %scan3A_784, %mul3A_884 : i32
        %add3A_886 = arith.constant 6 : i32
        %add3A_887 = arith.addi %mul3A_885, %add3A_886 : i32
        %mul3A_888 = arith.constant 48 : i32
        %mul3A_889 = arith.muli %add3A_887, %mul3A_888 : i32
        %add3A_890 = vector.broadcast %mul3A_889 : i32 to vector<16xi32>
        %add3A_891 = arith.addi %sub3A_535, %add3A_890 : vector<16xi32>
        %gather3A_892 = tpu.vector_load_idx %arg11[%add3A_891] : memref<6144xi32, #tpu.memory_space<vmem>>[vector<16xi32>], vector<16xi32>,
        %add3A_893 = vector.broadcast %mul3A_889 : i32 to vector<16xi32>
        %add3A_894 = arith.addi %add3A_542, %add3A_893 : vector<16xi32>
        %gather3A_895 = tpu.vector_load_idx %arg11[%add3A_894] : memref<6144xi32, #tpu.memory_space<vmem>>[vector<16xi32>], vector<16xi32>,
        %add3A_896 = vector.broadcast %mul3A_889 : i32 to vector<16xi32>
        %add3A_897 = arith.addi %add3A_550, %add3A_896 : vector<16xi32>
        %gather3A_898 = tpu.vector_load_idx %arg11[%add3A_897] : memref<6144xi32, #tpu.memory_space<vmem>>[vector<16xi32>], vector<16xi32>,
        %mul3A_899 = arith.constant 8 : i32
        %mul3A_900 = arith.muli %scan3A_784, %mul3A_899 : i32
        %add3A_901 = arith.constant 7 : i32
        %add3A_902 = arith.addi %mul3A_900, %add3A_901 : i32
        %mul3A_903 = arith.constant 48 : i32
        %mul3A_904 = arith.muli %add3A_902, %mul3A_903 : i32
        %add3A_905 = vector.broadcast %mul3A_904 : i32 to vector<16xi32>
        %add3A_906 = arith.addi %sub3A_535, %add3A_905 : vector<16xi32>
        %gather3A_907 = tpu.vector_load_idx %arg11[%add3A_906] : memref<6144xi32, #tpu.memory_space<vmem>>[vector<16xi32>], vector<16xi32>,
        %add3A_908 = vector.broadcast %mul3A_904 : i32 to vector<16xi32>
        %add3A_909 = arith.addi %add3A_542, %add3A_908 : vector<16xi32>
        %gather3A_910 = tpu.vector_load_idx %arg11[%add3A_909] : memref<6144xi32, #tpu.memory_space<vmem>>[vector<16xi32>], vector<16xi32>,
        %add3A_911 = vector.broadcast %mul3A_904 : i32 to vector<16xi32>
        %add3A_912 = arith.addi %add3A_550, %add3A_911 : vector<16xi32>
        %gather3A_913 = tpu.vector_load_idx %arg11[%add3A_912] : memref<6144xi32, #tpu.memory_space<vmem>>[vector<16xi32>], vector<16xi32>,
        %add3A_914 = arith.addi %scan3A_785, %gather3A_802 : vector<16xi32>
        %le3A_915 = arith.cmpi sle, %add3A_914, %sub3A_485 : vector<16xi32>
        %convert_element_type3A_916 = arith.extui %le3A_915 : vector<16xi1> to vector<16xi32>
        %add3A_917 = arith.addi %scan3A_788, %convert_element_type3A_916 : vector<16xi32>
        %select_n3A_918 = arith.select %le3A_915, %add3A_914, %scan3A_791 : vector<16xi1>, vector<16xi32>
        %add3A_919 = arith.addi %scan3A_786, %gather3A_805 : vector<16xi32>
        %le3A_920 = arith.cmpi sle, %add3A_919, %sub3A_486 : vector<16xi32>
        %convert_element_type3A_921 = arith.extui %le3A_920 : vector<16xi1> to vector<16xi32>
        %add3A_922 = arith.addi %scan3A_789, %convert_element_type3A_921 : vector<16xi32>
        %select_n3A_923 = arith.select %le3A_920, %add3A_919, %scan3A_792 : vector<16xi1>, vector<16xi32>
        %add3A_924 = arith.addi %scan3A_787, %gather3A_808 : vector<16xi32>
        %le3A_925 = arith.cmpi sle, %add3A_924, %sub3A_487 : vector<16xi32>
        %convert_element_type3A_926 = arith.extui %le3A_925 : vector<16xi1> to vector<16xi32>
        %add3A_927 = arith.addi %scan3A_790, %convert_element_type3A_926 : vector<16xi32>
        %select_n3A_928 = arith.select %le3A_925, %add3A_924, %scan3A_793 : vector<16xi1>, vector<16xi32>
        %add3A_929 = arith.addi %add3A_914, %gather3A_817 : vector<16xi32>
        %le3A_930 = arith.cmpi sle, %add3A_929, %sub3A_485 : vector<16xi32>
        %convert_element_type3A_931 = arith.extui %le3A_930 : vector<16xi1> to vector<16xi32>
        %add3A_932 = arith.addi %add3A_917, %convert_element_type3A_931 : vector<16xi32>
        %select_n3A_933 = arith.select %le3A_930, %add3A_929, %select_n3A_918 : vector<16xi1>, vector<16xi32>
        %add3A_934 = arith.addi %add3A_919, %gather3A_820 : vector<16xi32>
        %le3A_935 = arith.cmpi sle, %add3A_934, %sub3A_486 : vector<16xi32>
        %convert_element_type3A_936 = arith.extui %le3A_935 : vector<16xi1> to vector<16xi32>
        %add3A_937 = arith.addi %add3A_922, %convert_element_type3A_936 : vector<16xi32>
        %select_n3A_938 = arith.select %le3A_935, %add3A_934, %select_n3A_923 : vector<16xi1>, vector<16xi32>
        %add3A_939 = arith.addi %add3A_924, %gather3A_823 : vector<16xi32>
        %le3A_940 = arith.cmpi sle, %add3A_939, %sub3A_487 : vector<16xi32>
        %convert_element_type3A_941 = arith.extui %le3A_940 : vector<16xi1> to vector<16xi32>
        %add3A_942 = arith.addi %add3A_927, %convert_element_type3A_941 : vector<16xi32>
        %select_n3A_943 = arith.select %le3A_940, %add3A_939, %select_n3A_928 : vector<16xi1>, vector<16xi32>
        %add3A_944 = arith.addi %add3A_929, %gather3A_832 : vector<16xi32>
        %le3A_945 = arith.cmpi sle, %add3A_944, %sub3A_485 : vector<16xi32>
        %convert_element_type3A_946 = arith.extui %le3A_945 : vector<16xi1> to vector<16xi32>
        %add3A_947 = arith.addi %add3A_932, %convert_element_type3A_946 : vector<16xi32>
        %select_n3A_948 = arith.select %le3A_945, %add3A_944, %select_n3A_933 : vector<16xi1>, vector<16xi32>
        %add3A_949 = arith.addi %add3A_934, %gather3A_835 : vector<16xi32>
        %le3A_950 = arith.cmpi sle, %add3A_949, %sub3A_486 : vector<16xi32>
        %convert_element_type3A_951 = arith.extui %le3A_950 : vector<16xi1> to vector<16xi32>
        %add3A_952 = arith.addi %add3A_937, %convert_element_type3A_951 : vector<16xi32>
        %select_n3A_953 = arith.select %le3A_950, %add3A_949, %select_n3A_938 : vector<16xi1>, vector<16xi32>
        %add3A_954 = arith.addi %add3A_939, %gather3A_838 : vector<16xi32>
        %le3A_955 = arith.cmpi sle, %add3A_954, %sub3A_487 : vector<16xi32>
        %convert_element_type3A_956 = arith.extui %le3A_955 : vector<16xi1> to vector<16xi32>
        %add3A_957 = arith.addi %add3A_942, %convert_element_type3A_956 : vector<16xi32>
        %select_n3A_958 = arith.select %le3A_955, %add3A_954, %select_n3A_943 : vector<16xi1>, vector<16xi32>
        %add3A_959 = arith.addi %add3A_944, %gather3A_847 : vector<16xi32>
        %le3A_960 = arith.cmpi sle, %add3A_959, %sub3A_485 : vector<16xi32>
        %convert_element_type3A_961 = arith.extui %le3A_960 : vector<16xi1> to vector<16xi32>
        %add3A_962 = arith.addi %add3A_947, %convert_element_type3A_961 : vector<16xi32>
        %select_n3A_963 = arith.select %le3A_960, %add3A_959, %select_n3A_948 : vector<16xi1>, vector<16xi32>
        %add3A_964 = arith.addi %add3A_949, %gather3A_850 : vector<16xi32>
        %le3A_965 = arith.cmpi sle, %add3A_964, %sub3A_486 : vector<16xi32>
        %convert_element_type3A_966 = arith.extui %le3A_965 : vector<16xi1> to vector<16xi32>
        %add3A_967 = arith.addi %add3A_952, %convert_element_type3A_966 : vector<16xi32>
        %select_n3A_968 = arith.select %le3A_965, %add3A_964, %select_n3A_953 : vector<16xi1>, vector<16xi32>
        %add3A_969 = arith.addi %add3A_954, %gather3A_853 : vector<16xi32>
        %le3A_970 = arith.cmpi sle, %add3A_969, %sub3A_487 : vector<16xi32>
        %convert_element_type3A_971 = arith.extui %le3A_970 : vector<16xi1> to vector<16xi32>
        %add3A_972 = arith.addi %add3A_957, %convert_element_type3A_971 : vector<16xi32>
        %select_n3A_973 = arith.select %le3A_970, %add3A_969, %select_n3A_958 : vector<16xi1>, vector<16xi32>
        %add3A_974 = arith.addi %add3A_959, %gather3A_862 : vector<16xi32>
        %le3A_975 = arith.cmpi sle, %add3A_974, %sub3A_485 : vector<16xi32>
        %convert_element_type3A_976 = arith.extui %le3A_975 : vector<16xi1> to vector<16xi32>
        %add3A_977 = arith.addi %add3A_962, %convert_element_type3A_976 : vector<16xi32>
        %select_n3A_978 = arith.select %le3A_975, %add3A_974, %select_n3A_963 : vector<16xi1>, vector<16xi32>
        %add3A_979 = arith.addi %add3A_964, %gather3A_865 : vector<16xi32>
        %le3A_980 = arith.cmpi sle, %add3A_979, %sub3A_486 : vector<16xi32>
        %convert_element_type3A_981 = arith.extui %le3A_980 : vector<16xi1> to vector<16xi32>
        %add3A_982 = arith.addi %add3A_967, %convert_element_type3A_981 : vector<16xi32>
        %select_n3A_983 = arith.select %le3A_980, %add3A_979, %select_n3A_968 : vector<16xi1>, vector<16xi32>
        %add3A_984 = arith.addi %add3A_969, %gather3A_868 : vector<16xi32>
        %le3A_985 = arith.cmpi sle, %add3A_984, %sub3A_487 : vector<16xi32>
        %convert_element_type3A_986 = arith.extui %le3A_985 : vector<16xi1> to vector<16xi32>
        %add3A_987 = arith.addi %add3A_972, %convert_element_type3A_986 : vector<16xi32>
        %select_n3A_988 = arith.select %le3A_985, %add3A_984, %select_n3A_973 : vector<16xi1>, vector<16xi32>
        %add3A_989 = arith.addi %add3A_974, %gather3A_877 : vector<16xi32>
        %le3A_990 = arith.cmpi sle, %add3A_989, %sub3A_485 : vector<16xi32>
        %convert_element_type3A_991 = arith.extui %le3A_990 : vector<16xi1> to vector<16xi32>
        %add3A_992 = arith.addi %add3A_977, %convert_element_type3A_991 : vector<16xi32>
        %select_n3A_993 = arith.select %le3A_990, %add3A_989, %select_n3A_978 : vector<16xi1>, vector<16xi32>
        %add3A_994 = arith.addi %add3A_979, %gather3A_880 : vector<16xi32>
        %le3A_995 = arith.cmpi sle, %add3A_994, %sub3A_486 : vector<16xi32>
        %convert_element_type3A_996 = arith.extui %le3A_995 : vector<16xi1> to vector<16xi32>
        %add3A_997 = arith.addi %add3A_982, %convert_element_type3A_996 : vector<16xi32>
        %select_n3A_998 = arith.select %le3A_995, %add3A_994, %select_n3A_983 : vector<16xi1>, vector<16xi32>
        %add3A_999 = arith.addi %add3A_984, %gather3A_883 : vector<16xi32>
        %le3A_1000 = arith.cmpi sle, %add3A_999, %sub3A_487 : vector<16xi32>
        %convert_element_type3A_1001 = arith.extui %le3A_1000 : vector<16xi1> to vector<16xi32>
        %add3A_1002 = arith.addi %add3A_987, %convert_element_type3A_1001 : vector<16xi32>
        %select_n3A_1003 = arith.select %le3A_1000, %add3A_999, %select_n3A_988 : vector<16xi1>, vector<16xi32>
        %add3A_1004 = arith.addi %add3A_989, %gather3A_892 : vector<16xi32>
        %le3A_1005 = arith.cmpi sle, %add3A_1004, %sub3A_485 : vector<16xi32>
        %convert_element_type3A_1006 = arith.extui %le3A_1005 : vector<16xi1> to vector<16xi32>
        %add3A_1007 = arith.addi %add3A_992, %convert_element_type3A_1006 : vector<16xi32>
        %select_n3A_1008 = arith.select %le3A_1005, %add3A_1004, %select_n3A_993 : vector<16xi1>, vector<16xi32>
        %add3A_1009 = arith.addi %add3A_994, %gather3A_895 : vector<16xi32>
        %le3A_1010 = arith.cmpi sle, %add3A_1009, %sub3A_486 : vector<16xi32>
        %convert_element_type3A_1011 = arith.extui %le3A_1010 : vector<16xi1> to vector<16xi32>
        %add3A_1012 = arith.addi %add3A_997, %convert_element_type3A_1011 : vector<16xi32>
        %select_n3A_1013 = arith.select %le3A_1010, %add3A_1009, %select_n3A_998 : vector<16xi1>, vector<16xi32>
        %add3A_1014 = arith.addi %add3A_999, %gather3A_898 : vector<16xi32>
        %le3A_1015 = arith.cmpi sle, %add3A_1014, %sub3A_487 : vector<16xi32>
        %convert_element_type3A_1016 = arith.extui %le3A_1015 : vector<16xi1> to vector<16xi32>
        %add3A_1017 = arith.addi %add3A_1002, %convert_element_type3A_1016 : vector<16xi32>
        %select_n3A_1018 = arith.select %le3A_1015, %add3A_1014, %select_n3A_1003 : vector<16xi1>, vector<16xi32>
        %add3A_1019 = arith.addi %add3A_1004, %gather3A_907 : vector<16xi32>
        %le3A_1020 = arith.cmpi sle, %add3A_1019, %sub3A_485 : vector<16xi32>
        %convert_element_type3A_1021 = arith.extui %le3A_1020 : vector<16xi1> to vector<16xi32>
        %add3A_1022 = arith.addi %add3A_1007, %convert_element_type3A_1021 : vector<16xi32>
        %select_n3A_1023 = arith.select %le3A_1020, %add3A_1019, %select_n3A_1008 : vector<16xi1>, vector<16xi32>
        %add3A_1024 = arith.addi %add3A_1009, %gather3A_910 : vector<16xi32>
        %le3A_1025 = arith.cmpi sle, %add3A_1024, %sub3A_486 : vector<16xi32>
        %convert_element_type3A_1026 = arith.extui %le3A_1025 : vector<16xi1> to vector<16xi32>
        %add3A_1027 = arith.addi %add3A_1012, %convert_element_type3A_1026 : vector<16xi32>
        %select_n3A_1028 = arith.select %le3A_1025, %add3A_1024, %select_n3A_1013 : vector<16xi1>, vector<16xi32>
        %add3A_1029 = arith.addi %add3A_1014, %gather3A_913 : vector<16xi32>
        %le3A_1030 = arith.cmpi sle, %add3A_1029, %sub3A_487 : vector<16xi32>
        %convert_element_type3A_1031 = arith.extui %le3A_1030 : vector<16xi1> to vector<16xi32>
        %add3A_1032 = arith.addi %add3A_1017, %convert_element_type3A_1031 : vector<16xi32>
        %select_n3A_1033 = arith.select %le3A_1030, %add3A_1029, %select_n3A_1018 : vector<16xi1>, vector<16xi32>
        %mul3A_1034 = arith.constant 8 : i32
        %mul3A_1035 = arith.muli %scan3A_784, %mul3A_1034 : i32
        %add3A_1036 = arith.constant 0 : i32
        %add3A_1037 = arith.addi %mul3A_1035, %add3A_1036 : i32
        %mul3A_1038 = arith.constant 48 : i32
        %mul3A_1039 = arith.muli %add3A_1037, %mul3A_1038 : i32
        %swap3A_1040 = arith.index_cast %mul3A_1039 : i32 to index
        %swap3A_1041 = tpu.vector_load %arg11[%swap3A_1040] {strides = array<i32>} : memref<6144xi32, #tpu.memory_space<vmem>>, vector<16xi32>,
        tpu.vector_store %arg11[%swap3A_1040], %mul3A_3 {strides = array<i32>} : memref<6144xi32, #tpu.memory_space<vmem>>, vector<16xi32>,
        %add3A_1042 = arith.constant 16 : i32
        %add3A_1043 = arith.addi %mul3A_1039, %add3A_1042 : i32
        %swap3A_1044 = arith.index_cast %add3A_1043 : i32 to index
        %swap3A_1045 = tpu.vector_load %arg11[%swap3A_1044] {strides = array<i32>} : memref<6144xi32, #tpu.memory_space<vmem>>, vector<16xi32>,
        tpu.vector_store %arg11[%swap3A_1044], %mul3A_3 {strides = array<i32>} : memref<6144xi32, #tpu.memory_space<vmem>>, vector<16xi32>,
        %add3A_1046 = arith.constant 32 : i32
        %add3A_1047 = arith.addi %mul3A_1039, %add3A_1046 : i32
        %swap3A_1048 = arith.index_cast %add3A_1047 : i32 to index
        %swap3A_1049 = tpu.vector_load %arg11[%swap3A_1048] {strides = array<i32>} : memref<6144xi32, #tpu.memory_space<vmem>>, vector<16xi32>,
        tpu.vector_store %arg11[%swap3A_1048], %mul3A_3 {strides = array<i32>} : memref<6144xi32, #tpu.memory_space<vmem>>, vector<16xi32>,
        %mul3A_1050 = arith.constant 8 : i32
        %mul3A_1051 = arith.muli %scan3A_784, %mul3A_1050 : i32
        %add3A_1052 = arith.constant 1 : i32
        %add3A_1053 = arith.addi %mul3A_1051, %add3A_1052 : i32
        %mul3A_1054 = arith.constant 48 : i32
        %mul3A_1055 = arith.muli %add3A_1053, %mul3A_1054 : i32
        %swap3A_1056 = arith.index_cast %mul3A_1055 : i32 to index
        %swap3A_1057 = tpu.vector_load %arg11[%swap3A_1056] {strides = array<i32>} : memref<6144xi32, #tpu.memory_space<vmem>>, vector<16xi32>,
        tpu.vector_store %arg11[%swap3A_1056], %mul3A_3 {strides = array<i32>} : memref<6144xi32, #tpu.memory_space<vmem>>, vector<16xi32>,
        %add3A_1058 = arith.constant 16 : i32
        %add3A_1059 = arith.addi %mul3A_1055, %add3A_1058 : i32
        %swap3A_1060 = arith.index_cast %add3A_1059 : i32 to index
        %swap3A_1061 = tpu.vector_load %arg11[%swap3A_1060] {strides = array<i32>} : memref<6144xi32, #tpu.memory_space<vmem>>, vector<16xi32>,
        tpu.vector_store %arg11[%swap3A_1060], %mul3A_3 {strides = array<i32>} : memref<6144xi32, #tpu.memory_space<vmem>>, vector<16xi32>,
        %add3A_1062 = arith.constant 32 : i32
        %add3A_1063 = arith.addi %mul3A_1055, %add3A_1062 : i32
        %swap3A_1064 = arith.index_cast %add3A_1063 : i32 to index
        %swap3A_1065 = tpu.vector_load %arg11[%swap3A_1064] {strides = array<i32>} : memref<6144xi32, #tpu.memory_space<vmem>>, vector<16xi32>,
        tpu.vector_store %arg11[%swap3A_1064], %mul3A_3 {strides = array<i32>} : memref<6144xi32, #tpu.memory_space<vmem>>, vector<16xi32>,
        %mul3A_1066 = arith.constant 8 : i32
        %mul3A_1067 = arith.muli %scan3A_784, %mul3A_1066 : i32
        %add3A_1068 = arith.constant 2 : i32
        %add3A_1069 = arith.addi %mul3A_1067, %add3A_1068 : i32
        %mul3A_1070 = arith.constant 48 : i32
        %mul3A_1071 = arith.muli %add3A_1069, %mul3A_1070 : i32
        %swap3A_1072 = arith.index_cast %mul3A_1071 : i32 to index
        %swap3A_1073 = tpu.vector_load %arg11[%swap3A_1072] {strides = array<i32>} : memref<6144xi32, #tpu.memory_space<vmem>>, vector<16xi32>,
        tpu.vector_store %arg11[%swap3A_1072], %mul3A_3 {strides = array<i32>} : memref<6144xi32, #tpu.memory_space<vmem>>, vector<16xi32>,
        %add3A_1074 = arith.constant 16 : i32
        %add3A_1075 = arith.addi %mul3A_1071, %add3A_1074 : i32
        %swap3A_1076 = arith.index_cast %add3A_1075 : i32 to index
        %swap3A_1077 = tpu.vector_load %arg11[%swap3A_1076] {strides = array<i32>} : memref<6144xi32, #tpu.memory_space<vmem>>, vector<16xi32>,
        tpu.vector_store %arg11[%swap3A_1076], %mul3A_3 {strides = array<i32>} : memref<6144xi32, #tpu.memory_space<vmem>>, vector<16xi32>,
        %add3A_1078 = arith.constant 32 : i32
        %add3A_1079 = arith.addi %mul3A_1071, %add3A_1078 : i32
        %swap3A_1080 = arith.index_cast %add3A_1079 : i32 to index
        %swap3A_1081 = tpu.vector_load %arg11[%swap3A_1080] {strides = array<i32>} : memref<6144xi32, #tpu.memory_space<vmem>>, vector<16xi32>,
        tpu.vector_store %arg11[%swap3A_1080], %mul3A_3 {strides = array<i32>} : memref<6144xi32, #tpu.memory_space<vmem>>, vector<16xi32>,
        %mul3A_1082 = arith.constant 8 : i32
        %mul3A_1083 = arith.muli %scan3A_784, %mul3A_1082 : i32
        %add3A_1084 = arith.constant 3 : i32
        %add3A_1085 = arith.addi %mul3A_1083, %add3A_1084 : i32
        %mul3A_1086 = arith.constant 48 : i32
        %mul3A_1087 = arith.muli %add3A_1085, %mul3A_1086 : i32
        %swap3A_1088 = arith.index_cast %mul3A_1087 : i32 to index
        %swap3A_1089 = tpu.vector_load %arg11[%swap3A_1088] {strides = array<i32>} : memref<6144xi32, #tpu.memory_space<vmem>>, vector<16xi32>,
        tpu.vector_store %arg11[%swap3A_1088], %mul3A_3 {strides = array<i32>} : memref<6144xi32, #tpu.memory_space<vmem>>, vector<16xi32>,
        %add3A_1090 = arith.constant 16 : i32
        %add3A_1091 = arith.addi %mul3A_1087, %add3A_1090 : i32
        %swap3A_1092 = arith.index_cast %add3A_1091 : i32 to index
        %swap3A_1093 = tpu.vector_load %arg11[%swap3A_1092] {strides = array<i32>} : memref<6144xi32, #tpu.memory_space<vmem>>, vector<16xi32>,
        tpu.vector_store %arg11[%swap3A_1092], %mul3A_3 {strides = array<i32>} : memref<6144xi32, #tpu.memory_space<vmem>>, vector<16xi32>,
        %add3A_1094 = arith.constant 32 : i32
        %add3A_1095 = arith.addi %mul3A_1087, %add3A_1094 : i32
        %swap3A_1096 = arith.index_cast %add3A_1095 : i32 to index
        %swap3A_1097 = tpu.vector_load %arg11[%swap3A_1096] {strides = array<i32>} : memref<6144xi32, #tpu.memory_space<vmem>>, vector<16xi32>,
        tpu.vector_store %arg11[%swap3A_1096], %mul3A_3 {strides = array<i32>} : memref<6144xi32, #tpu.memory_space<vmem>>, vector<16xi32>,
        %mul3A_1098 = arith.constant 8 : i32
        %mul3A_1099 = arith.muli %scan3A_784, %mul3A_1098 : i32
        %add3A_1100 = arith.constant 4 : i32
        %add3A_1101 = arith.addi %mul3A_1099, %add3A_1100 : i32
        %mul3A_1102 = arith.constant 48 : i32
        %mul3A_1103 = arith.muli %add3A_1101, %mul3A_1102 : i32
        %swap3A_1104 = arith.index_cast %mul3A_1103 : i32 to index
        %swap3A_1105 = tpu.vector_load %arg11[%swap3A_1104] {strides = array<i32>} : memref<6144xi32, #tpu.memory_space<vmem>>, vector<16xi32>,
        tpu.vector_store %arg11[%swap3A_1104], %mul3A_3 {strides = array<i32>} : memref<6144xi32, #tpu.memory_space<vmem>>, vector<16xi32>,
        %add3A_1106 = arith.constant 16 : i32
        %add3A_1107 = arith.addi %mul3A_1103, %add3A_1106 : i32
        %swap3A_1108 = arith.index_cast %add3A_1107 : i32 to index
        %swap3A_1109 = tpu.vector_load %arg11[%swap3A_1108] {strides = array<i32>} : memref<6144xi32, #tpu.memory_space<vmem>>, vector<16xi32>,
        tpu.vector_store %arg11[%swap3A_1108], %mul3A_3 {strides = array<i32>} : memref<6144xi32, #tpu.memory_space<vmem>>, vector<16xi32>,
        %add3A_1110 = arith.constant 32 : i32
        %add3A_1111 = arith.addi %mul3A_1103, %add3A_1110 : i32
        %swap3A_1112 = arith.index_cast %add3A_1111 : i32 to index
        %swap3A_1113 = tpu.vector_load %arg11[%swap3A_1112] {strides = array<i32>} : memref<6144xi32, #tpu.memory_space<vmem>>, vector<16xi32>,
        tpu.vector_store %arg11[%swap3A_1112], %mul3A_3 {strides = array<i32>} : memref<6144xi32, #tpu.memory_space<vmem>>, vector<16xi32>,
        %mul3A_1114 = arith.constant 8 : i32
        %mul3A_1115 = arith.muli %scan3A_784, %mul3A_1114 : i32
        %add3A_1116 = arith.constant 5 : i32
        %add3A_1117 = arith.addi %mul3A_1115, %add3A_1116 : i32
        %mul3A_1118 = arith.constant 48 : i32
        %mul3A_1119 = arith.muli %add3A_1117, %mul3A_1118 : i32
        %swap3A_1120 = arith.index_cast %mul3A_1119 : i32 to index
        %swap3A_1121 = tpu.vector_load %arg11[%swap3A_1120] {strides = array<i32>} : memref<6144xi32, #tpu.memory_space<vmem>>, vector<16xi32>,
        tpu.vector_store %arg11[%swap3A_1120], %mul3A_3 {strides = array<i32>} : memref<6144xi32, #tpu.memory_space<vmem>>, vector<16xi32>,
        %add3A_1122 = arith.constant 16 : i32
        %add3A_1123 = arith.addi %mul3A_1119, %add3A_1122 : i32
        %swap3A_1124 = arith.index_cast %add3A_1123 : i32 to index
        %swap3A_1125 = tpu.vector_load %arg11[%swap3A_1124] {strides = array<i32>} : memref<6144xi32, #tpu.memory_space<vmem>>, vector<16xi32>,
        tpu.vector_store %arg11[%swap3A_1124], %mul3A_3 {strides = array<i32>} : memref<6144xi32, #tpu.memory_space<vmem>>, vector<16xi32>,
        %add3A_1126 = arith.constant 32 : i32
        %add3A_1127 = arith.addi %mul3A_1119, %add3A_1126 : i32
        %swap3A_1128 = arith.index_cast %add3A_1127 : i32 to index
        %swap3A_1129 = tpu.vector_load %arg11[%swap3A_1128] {strides = array<i32>} : memref<6144xi32, #tpu.memory_space<vmem>>, vector<16xi32>,
        tpu.vector_store %arg11[%swap3A_1128], %mul3A_3 {strides = array<i32>} : memref<6144xi32, #tpu.memory_space<vmem>>, vector<16xi32>,
        %mul3A_1130 = arith.constant 8 : i32
        %mul3A_1131 = arith.muli %scan3A_784, %mul3A_1130 : i32
        %add3A_1132 = arith.constant 6 : i32
        %add3A_1133 = arith.addi %mul3A_1131, %add3A_1132 : i32
        %mul3A_1134 = arith.constant 48 : i32
        %mul3A_1135 = arith.muli %add3A_1133, %mul3A_1134 : i32
        %swap3A_1136 = arith.index_cast %mul3A_1135 : i32 to index
        %swap3A_1137 = tpu.vector_load %arg11[%swap3A_1136] {strides = array<i32>} : memref<6144xi32, #tpu.memory_space<vmem>>, vector<16xi32>,
        tpu.vector_store %arg11[%swap3A_1136], %mul3A_3 {strides = array<i32>} : memref<6144xi32, #tpu.memory_space<vmem>>, vector<16xi32>,
        %add3A_1138 = arith.constant 16 : i32
        %add3A_1139 = arith.addi %mul3A_1135, %add3A_1138 : i32
        %swap3A_1140 = arith.index_cast %add3A_1139 : i32 to index
        %swap3A_1141 = tpu.vector_load %arg11[%swap3A_1140] {strides = array<i32>} : memref<6144xi32, #tpu.memory_space<vmem>>, vector<16xi32>,
        tpu.vector_store %arg11[%swap3A_1140], %mul3A_3 {strides = array<i32>} : memref<6144xi32, #tpu.memory_space<vmem>>, vector<16xi32>,
        %add3A_1142 = arith.constant 32 : i32
        %add3A_1143 = arith.addi %mul3A_1135, %add3A_1142 : i32
        %swap3A_1144 = arith.index_cast %add3A_1143 : i32 to index
        %swap3A_1145 = tpu.vector_load %arg11[%swap3A_1144] {strides = array<i32>} : memref<6144xi32, #tpu.memory_space<vmem>>, vector<16xi32>,
        tpu.vector_store %arg11[%swap3A_1144], %mul3A_3 {strides = array<i32>} : memref<6144xi32, #tpu.memory_space<vmem>>, vector<16xi32>,
        %mul3A_1146 = arith.constant 8 : i32
        %mul3A_1147 = arith.muli %scan3A_784, %mul3A_1146 : i32
        %add3A_1148 = arith.constant 7 : i32
        %add3A_1149 = arith.addi %mul3A_1147, %add3A_1148 : i32
        %mul3A_1150 = arith.constant 48 : i32
        %mul3A_1151 = arith.muli %add3A_1149, %mul3A_1150 : i32
        %swap3A_1152 = arith.index_cast %mul3A_1151 : i32 to index
        %swap3A_1153 = tpu.vector_load %arg11[%swap3A_1152] {strides = array<i32>} : memref<6144xi32, #tpu.memory_space<vmem>>, vector<16xi32>,
        tpu.vector_store %arg11[%swap3A_1152], %mul3A_3 {strides = array<i32>} : memref<6144xi32, #tpu.memory_space<vmem>>, vector<16xi32>,
        %add3A_1154 = arith.constant 16 : i32
        %add3A_1155 = arith.addi %mul3A_1151, %add3A_1154 : i32
        %swap3A_1156 = arith.index_cast %add3A_1155 : i32 to index
        %swap3A_1157 = tpu.vector_load %arg11[%swap3A_1156] {strides = array<i32>} : memref<6144xi32, #tpu.memory_space<vmem>>, vector<16xi32>,
        tpu.vector_store %arg11[%swap3A_1156], %mul3A_3 {strides = array<i32>} : memref<6144xi32, #tpu.memory_space<vmem>>, vector<16xi32>,
        %add3A_1158 = arith.constant 32 : i32
        %add3A_1159 = arith.addi %mul3A_1151, %add3A_1158 : i32
        %swap3A_1160 = arith.index_cast %add3A_1159 : i32 to index
        %swap3A_1161 = tpu.vector_load %arg11[%swap3A_1160] {strides = array<i32>} : memref<6144xi32, #tpu.memory_space<vmem>>, vector<16xi32>,
        tpu.vector_store %arg11[%swap3A_1160], %mul3A_3 {strides = array<i32>} : memref<6144xi32, #tpu.memory_space<vmem>>, vector<16xi32>,
        scf.yield %add3A_1019, %add3A_1024, %add3A_1029, %add3A_1022, %add3A_1027, %add3A_1032, %select_n3A_1023, %select_n3A_1028, %select_n3A_1033 : vector<16xi32>, vector<16xi32>, vector<16xi32>, vector<16xi32>, vector<16xi32>, vector<16xi32>, vector<16xi32>, vector<16xi32>, vector<16xi32>
      }
      %scan3A_563 = arith.constant 16 : i32
      %sub3A_564 = arith.subi %sub3A_485, %scan3A_562#6 : vector<16xi32>
      %sub3A_565 = arith.subi %sub3A_486, %scan3A_562#7 : vector<16xi32>
      %sub3A_566 = arith.subi %sub3A_487, %scan3A_562#8 : vector<16xi32>
      %mul3A_567 = arith.constant 128 : i32
      %mul3A_568 = vector.broadcast %mul3A_567 : i32 to vector<16xi32>
      %mul3A_569 = arith.muli %sub3A_535, %mul3A_568 : vector<16xi32>
      %add3A_570 = arith.addi %mul3A_569, %scan3A_562#3 : vector<16xi32>
      %mul3A_571 = arith.constant 128 : i32
      %mul3A_572 = vector.broadcast %mul3A_571 : i32 to vector<16xi32>
      %mul3A_573 = arith.muli %add3A_542, %mul3A_572 : vector<16xi32>
      %add3A_574 = arith.addi %mul3A_573, %scan3A_562#4 : vector<16xi32>
      %mul3A_575 = arith.constant 128 : i32
      %mul3A_576 = vector.broadcast %mul3A_575 : i32 to vector<16xi32>
      %mul3A_577 = arith.muli %add3A_550, %mul3A_576 : vector<16xi32>
      %add3A_578 = arith.addi %mul3A_577, %scan3A_562#5 : vector<16xi32>
      %swap3A_579 = arith.constant 1 : index
      %swap3A_580 = tpu.vector_load %arg14[%swap3A_579] {strides = array<i32>} : memref<64xi32, #tpu.memory_space<vmem>>, vector<16xi32>,
      tpu.vector_store %arg14[%swap3A_579], %add3A_570 {strides = array<i32>} : memref<64xi32, #tpu.memory_space<vmem>>, vector<16xi32>,
      %swap3A_581 = arith.constant 17 : index
      %swap3A_582 = tpu.vector_load %arg14[%swap3A_581] {strides = array<i32>} : memref<64xi32, #tpu.memory_space<vmem>>, vector<16xi32>,
      tpu.vector_store %arg14[%swap3A_581], %add3A_574 {strides = array<i32>} : memref<64xi32, #tpu.memory_space<vmem>>, vector<16xi32>,
      %swap3A_583 = arith.constant 33 : index
      %swap3A_584 = tpu.vector_load %arg14[%swap3A_583] {strides = array<i32>} : memref<64xi32, #tpu.memory_space<vmem>>, vector<16xi32>,
      tpu.vector_store %arg14[%swap3A_583], %add3A_578 {strides = array<i32>} : memref<64xi32, #tpu.memory_space<vmem>>, vector<16xi32>,
      %get3A_585 = arith.constant 0 : index
      %get3A_586 = tpu.vector_load %arg14[%get3A_585] {strides = array<i32>} : memref<64xi32, #tpu.memory_space<vmem>>, vector<16xi32>,
      %get3A_587 = arith.constant 16 : index
      %get3A_588 = tpu.vector_load %arg14[%get3A_587] {strides = array<i32>} : memref<64xi32, #tpu.memory_space<vmem>>, vector<16xi32>,
      %get3A_589 = arith.constant 32 : index
      %get3A_590 = tpu.vector_load %arg14[%get3A_589] {strides = array<i32>} : memref<64xi32, #tpu.memory_space<vmem>>, vector<16xi32>,
      %ne3A_591 = arith.cmpi ne, %add3A_570, %get3A_586 : vector<16xi32>
      %eq3A_592 = arith.constant 0 : i32
      %eq3A_593 = vector.broadcast %eq3A_592 : i32 to vector<16xi32>
      %eq3A_594 = arith.cmpi eq, %iota3A, %eq3A_593 : vector<16xi32>
      %or3A_595 = arith.ori %ne3A_591, %eq3A_594 : vector<16xi1>
      %ne3A_596 = arith.cmpi ne, %add3A_574, %get3A_588 : vector<16xi32>
      %ne3A_597 = arith.cmpi ne, %add3A_578, %get3A_590 : vector<16xi32>
      %convert_element_type3A_598 = arith.extui %or3A_595 : vector<16xi1> to vector<16xi32>
      %convert_element_type3A_599 = arith.extui %ne3A_596 : vector<16xi1> to vector<16xi32>
      %convert_element_type3A_600 = arith.extui %ne3A_597 : vector<16xi1> to vector<16xi32>
      %reduce_sum3A_601 = arith.constant true
      %reduce_sum3A_602 = vector.broadcast %reduce_sum3A_601 : i1 to vector<16xi1>
      %reduce_sum3A_603 = tpu.scan <sum>, %convert_element_type3A_598 masked %reduce_sum3A_602 : vector<16xi32>, vector<16xi1> -> vector<16xi32>
      %reduce_sum3A_604 = vector.extract %reduce_sum3A_603[15] : i32 from vector<16xi32>
      %reduce_sum3A_605 = arith.constant true
      %reduce_sum3A_606 = vector.broadcast %reduce_sum3A_605 : i1 to vector<16xi1>
      %reduce_sum3A_607 = tpu.scan <sum>, %convert_element_type3A_599 masked %reduce_sum3A_606 : vector<16xi32>, vector<16xi1> -> vector<16xi32>
      %reduce_sum3A_608 = vector.extract %reduce_sum3A_607[15] : i32 from vector<16xi32>
      %broadcast_in_dim3A_609 = arith.constant true
      %broadcast_in_dim3A_610 = vector.broadcast %broadcast_in_dim3A_609 : i1 to vector<16xi1>
      %masked_cumsum3A_611 = tpu.scan <sum>, %convert_element_type3A_598 masked %broadcast_in_dim3A_610 : vector<16xi32>, vector<16xi1> -> vector<16xi32>
      %sub3A_612 = arith.constant 1 : i32
      %sub3A_613 = vector.broadcast %sub3A_612 : i32 to vector<16xi32>
      %sub3A_614 = arith.subi %masked_cumsum3A_611, %sub3A_613 : vector<16xi32>
      %broadcast_in_dim3A_615 = arith.constant true
      %broadcast_in_dim3A_616 = vector.broadcast %broadcast_in_dim3A_615 : i1 to vector<16xi1>
      %masked_cumsum3A_617 = tpu.scan <sum>, %convert_element_type3A_599 masked %broadcast_in_dim3A_616 : vector<16xi32>, vector<16xi1> -> vector<16xi32>
      %sub3A_618 = arith.constant 1 : i32
      %sub3A_619 = arith.subi %reduce_sum3A_604, %sub3A_618 : i32
      %add3A_620 = vector.broadcast %sub3A_619 : i32 to vector<16xi32>
      %add3A_621 = arith.addi %masked_cumsum3A_617, %add3A_620 : vector<16xi32>
      %broadcast_in_dim3A_622 = arith.constant true
      %broadcast_in_dim3A_623 = vector.broadcast %broadcast_in_dim3A_622 : i1 to vector<16xi1>
      %masked_cumsum3A_624 = tpu.scan <sum>, %convert_element_type3A_600 masked %broadcast_in_dim3A_623 : vector<16xi32>, vector<16xi1> -> vector<16xi32>
      %add3A_625 = arith.addi %reduce_sum3A_604, %reduce_sum3A_608 : i32
      %sub3A_626 = arith.constant 1 : i32
      %sub3A_627 = arith.subi %add3A_625, %sub3A_626 : i32
      %add3A_628 = vector.broadcast %sub3A_627 : i32 to vector<16xi32>
      %add3A_629 = arith.addi %masked_cumsum3A_624, %add3A_628 : vector<16xi32>
      tpu.vector_store_idx %arg10[%add3A_570], %sub3A_614 masked %or3A_595 : memref<6144xi32, #tpu.memory_space<vmem>>[vector<16xi32>], vector<16xi32>, vector<16xi1>
      tpu.vector_store_idx %arg10[%add3A_574], %add3A_621 masked %ne3A_596 : memref<6144xi32, #tpu.memory_space<vmem>>[vector<16xi32>], vector<16xi32>, vector<16xi1>
      tpu.vector_store_idx %arg10[%add3A_578], %add3A_629 masked %ne3A_597 : memref<6144xi32, #tpu.memory_space<vmem>>[vector<16xi32>], vector<16xi32>, vector<16xi1>
      %add3A_630 = arith.constant 63 : i32
      %add3A_631 = arith.addi %scan3A_556, %add3A_630 : i32
      %shift_right_logical3A = arith.constant 6 : i32
      %shift_right_logical3A_632 = arith.shrui %add3A_631, %shift_right_logical3A : i32
      %while3A = arith.constant 0 : i32
      %while3A_633 = arith.constant 0 : i32
      %while3A_634 = arith.subi %shift_right_logical3A_632, %while3A : i32
      %while3A_635 = arith.addi %while3A, %while3A_634 : i32
      %while3A_636 = arith.constant 1 : i32
      %while3A_637 = arith.divsi %while3A_634, %while3A_636 : i32
      %while3A_638 = arith.muli %while3A_637, %while3A_636 : i32
      %while3A_639 = arith.addi %while3A, %while3A_638 : i32
      %while3A_640 = arith.constant 1 : i32
      %while3A_641 = scf.for %while3A_784 = %while3A to %while3A_639 step %while3A_640 iter_args(%while3A_785 = %while3A_633) -> (i32)  : i32 {
        %mul3A_786 = arith.constant 4 : i32
        %mul3A_787 = arith.muli %while3A_784, %mul3A_786 : i32
        %add3A_788 = arith.constant 0 : i32
        %add3A_789 = arith.addi %mul3A_787, %add3A_788 : i32
        %mul3A_790 = arith.constant 16 : i32
        %mul3A_791 = arith.muli %add3A_789, %mul3A_790 : i32
        %get3A_792 = arith.index_cast %mul3A_791 : i32 to index
        %get3A_793 = tpu.vector_load %arg13[%get3A_792] {strides = array<i32>} : memref<16448xi32, #tpu.memory_space<vmem>>, vector<16xi32>,
        %shift_right_logical3A_794 = arith.constant 14 : i32
        %shift_right_logical3A_795 = vector.broadcast %shift_right_logical3A_794 : i32 to vector<16xi32>
        %shift_right_logical3A_796 = arith.shrui %get3A_793, %shift_right_logical3A_795 : vector<16xi32>
        %and3A_797 = arith.constant 127 : i32
        %and3A_798 = vector.broadcast %and3A_797 : i32 to vector<16xi32>
        %and3A_799 = arith.andi %shift_right_logical3A_796, %and3A_798 : vector<16xi32>
        %shift_right_logical3A_800 = arith.constant 21 : i32
        %shift_right_logical3A_801 = vector.broadcast %shift_right_logical3A_800 : i32 to vector<16xi32>
        %shift_right_logical3A_802 = arith.shrui %get3A_793, %shift_right_logical3A_801 : vector<16xi32>
        %min3A = arith.constant 47 : i32
        %min3A_803 = vector.broadcast %min3A : i32 to vector<16xi32>
        %min3A_804 = arith.minsi %shift_right_logical3A_802, %min3A_803 : vector<16xi32>
        %mul3A_805 = arith.constant 128 : i32
        %mul3A_806 = vector.broadcast %mul3A_805 : i32 to vector<16xi32>
        %mul3A_807 = arith.muli %min3A_804, %mul3A_806 : vector<16xi32>
        %add3A_808 = arith.addi %mul3A_807, %and3A_799 : vector<16xi32>
        %gather3A_809 = tpu.vector_load_idx %arg9[%add3A_808] : memref<6144xi32, #tpu.memory_space<vmem>>[vector<16xi32>], vector<16xi32>,
        %shift_right_logical3A_810 = arith.constant 7 : i32
        %shift_right_logical3A_811 = vector.broadcast %shift_right_logical3A_810 : i32 to vector<16xi32>
        %shift_right_logical3A_812 = arith.shrui %get3A_793, %shift_right_logical3A_811 : vector<16xi32>
        %and3A_813 = arith.constant 127 : i32
        %and3A_814 = vector.broadcast %and3A_813 : i32 to vector<16xi32>
        %and3A_815 = arith.andi %shift_right_logical3A_812, %and3A_814 : vector<16xi32>
        %mul3A_816 = arith.constant 128 : i32
        %mul3A_817 = vector.broadcast %mul3A_816 : i32 to vector<16xi32>
        %mul3A_818 = arith.muli %gather3A_809, %mul3A_817 : vector<16xi32>
        %add3A_819 = arith.addi %mul3A_818, %and3A_815 : vector<16xi32>
        %gather3A_820 = tpu.vector_load_idx %arg10[%add3A_819] : memref<6144xi32, #tpu.memory_space<vmem>>[vector<16xi32>], vector<16xi32>,
        %add3A_821 = vector.broadcast %mul3A_791 : i32 to vector<16xi32>
        %add3A_822 = arith.addi %iota3A, %add3A_821 : vector<16xi32>
        %lt3A_823 = vector.broadcast %scan3A_556 : i32 to vector<16xi32>
        %lt3A_824 = arith.cmpi slt, %add3A_822, %lt3A_823 : vector<16xi32>
        %and3A_825 = arith.constant 127 : i32
        %and3A_826 = vector.broadcast %and3A_825 : i32 to vector<16xi32>
        %and3A_827 = arith.andi %get3A_793, %and3A_826 : vector<16xi32>
        %mul3A_828 = arith.constant 48 : i32
        %mul3A_829 = vector.broadcast %mul3A_828 : i32 to vector<16xi32>
        %mul3A_830 = arith.muli %and3A_827, %mul3A_829 : vector<16xi32>
        %add3A_831 = arith.addi %mul3A_830, %gather3A_820 : vector<16xi32>
        tpu.vector_store_idx %arg11[%add3A_831], %add3A_6 masked %lt3A_824 {add = true} : memref<6144xi32, #tpu.memory_space<vmem>>[vector<16xi32>], vector<16xi32>, vector<16xi1>
        %mul3A_832 = arith.constant 4 : i32
        %mul3A_833 = arith.muli %while3A_784, %mul3A_832 : i32
        %add3A_834 = arith.constant 1 : i32
        %add3A_835 = arith.addi %mul3A_833, %add3A_834 : i32
        %mul3A_836 = arith.constant 16 : i32
        %mul3A_837 = arith.muli %add3A_835, %mul3A_836 : i32
        %get3A_838 = arith.index_cast %mul3A_837 : i32 to index
        %get3A_839 = tpu.vector_load %arg13[%get3A_838] {strides = array<i32>} : memref<16448xi32, #tpu.memory_space<vmem>>, vector<16xi32>,
        %shift_right_logical3A_840 = arith.constant 14 : i32
        %shift_right_logical3A_841 = vector.broadcast %shift_right_logical3A_840 : i32 to vector<16xi32>
        %shift_right_logical3A_842 = arith.shrui %get3A_839, %shift_right_logical3A_841 : vector<16xi32>
        %and3A_843 = arith.constant 127 : i32
        %and3A_844 = vector.broadcast %and3A_843 : i32 to vector<16xi32>
        %and3A_845 = arith.andi %shift_right_logical3A_842, %and3A_844 : vector<16xi32>
        %shift_right_logical3A_846 = arith.constant 21 : i32
        %shift_right_logical3A_847 = vector.broadcast %shift_right_logical3A_846 : i32 to vector<16xi32>
        %shift_right_logical3A_848 = arith.shrui %get3A_839, %shift_right_logical3A_847 : vector<16xi32>
        %min3A_849 = arith.constant 47 : i32
        %min3A_850 = vector.broadcast %min3A_849 : i32 to vector<16xi32>
        %min3A_851 = arith.minsi %shift_right_logical3A_848, %min3A_850 : vector<16xi32>
        %mul3A_852 = arith.constant 128 : i32
        %mul3A_853 = vector.broadcast %mul3A_852 : i32 to vector<16xi32>
        %mul3A_854 = arith.muli %min3A_851, %mul3A_853 : vector<16xi32>
        %add3A_855 = arith.addi %mul3A_854, %and3A_845 : vector<16xi32>
        %gather3A_856 = tpu.vector_load_idx %arg9[%add3A_855] : memref<6144xi32, #tpu.memory_space<vmem>>[vector<16xi32>], vector<16xi32>,
        %shift_right_logical3A_857 = arith.constant 7 : i32
        %shift_right_logical3A_858 = vector.broadcast %shift_right_logical3A_857 : i32 to vector<16xi32>
        %shift_right_logical3A_859 = arith.shrui %get3A_839, %shift_right_logical3A_858 : vector<16xi32>
        %and3A_860 = arith.constant 127 : i32
        %and3A_861 = vector.broadcast %and3A_860 : i32 to vector<16xi32>
        %and3A_862 = arith.andi %shift_right_logical3A_859, %and3A_861 : vector<16xi32>
        %mul3A_863 = arith.constant 128 : i32
        %mul3A_864 = vector.broadcast %mul3A_863 : i32 to vector<16xi32>
        %mul3A_865 = arith.muli %gather3A_856, %mul3A_864 : vector<16xi32>
        %add3A_866 = arith.addi %mul3A_865, %and3A_862 : vector<16xi32>
        %gather3A_867 = tpu.vector_load_idx %arg10[%add3A_866] : memref<6144xi32, #tpu.memory_space<vmem>>[vector<16xi32>], vector<16xi32>,
        %add3A_868 = vector.broadcast %mul3A_837 : i32 to vector<16xi32>
        %add3A_869 = arith.addi %iota3A, %add3A_868 : vector<16xi32>
        %lt3A_870 = vector.broadcast %scan3A_556 : i32 to vector<16xi32>
        %lt3A_871 = arith.cmpi slt, %add3A_869, %lt3A_870 : vector<16xi32>
        %and3A_872 = arith.constant 127 : i32
        %and3A_873 = vector.broadcast %and3A_872 : i32 to vector<16xi32>
        %and3A_874 = arith.andi %get3A_839, %and3A_873 : vector<16xi32>
        %mul3A_875 = arith.constant 48 : i32
        %mul3A_876 = vector.broadcast %mul3A_875 : i32 to vector<16xi32>
        %mul3A_877 = arith.muli %and3A_874, %mul3A_876 : vector<16xi32>
        %add3A_878 = arith.addi %mul3A_877, %gather3A_867 : vector<16xi32>
        tpu.vector_store_idx %arg11[%add3A_878], %add3A_6 masked %lt3A_871 {add = true} : memref<6144xi32, #tpu.memory_space<vmem>>[vector<16xi32>], vector<16xi32>, vector<16xi1>
        %mul3A_879 = arith.constant 4 : i32
        %mul3A_880 = arith.muli %while3A_784, %mul3A_879 : i32
        %add3A_881 = arith.constant 2 : i32
        %add3A_882 = arith.addi %mul3A_880, %add3A_881 : i32
        %mul3A_883 = arith.constant 16 : i32
        %mul3A_884 = arith.muli %add3A_882, %mul3A_883 : i32
        %get3A_885 = arith.index_cast %mul3A_884 : i32 to index
        %get3A_886 = tpu.vector_load %arg13[%get3A_885] {strides = array<i32>} : memref<16448xi32, #tpu.memory_space<vmem>>, vector<16xi32>,
        %shift_right_logical3A_887 = arith.constant 14 : i32
        %shift_right_logical3A_888 = vector.broadcast %shift_right_logical3A_887 : i32 to vector<16xi32>
        %shift_right_logical3A_889 = arith.shrui %get3A_886, %shift_right_logical3A_888 : vector<16xi32>
        %and3A_890 = arith.constant 127 : i32
        %and3A_891 = vector.broadcast %and3A_890 : i32 to vector<16xi32>
        %and3A_892 = arith.andi %shift_right_logical3A_889, %and3A_891 : vector<16xi32>
        %shift_right_logical3A_893 = arith.constant 21 : i32
        %shift_right_logical3A_894 = vector.broadcast %shift_right_logical3A_893 : i32 to vector<16xi32>
        %shift_right_logical3A_895 = arith.shrui %get3A_886, %shift_right_logical3A_894 : vector<16xi32>
        %min3A_896 = arith.constant 47 : i32
        %min3A_897 = vector.broadcast %min3A_896 : i32 to vector<16xi32>
        %min3A_898 = arith.minsi %shift_right_logical3A_895, %min3A_897 : vector<16xi32>
        %mul3A_899 = arith.constant 128 : i32
        %mul3A_900 = vector.broadcast %mul3A_899 : i32 to vector<16xi32>
        %mul3A_901 = arith.muli %min3A_898, %mul3A_900 : vector<16xi32>
        %add3A_902 = arith.addi %mul3A_901, %and3A_892 : vector<16xi32>
        %gather3A_903 = tpu.vector_load_idx %arg9[%add3A_902] : memref<6144xi32, #tpu.memory_space<vmem>>[vector<16xi32>], vector<16xi32>,
        %shift_right_logical3A_904 = arith.constant 7 : i32
        %shift_right_logical3A_905 = vector.broadcast %shift_right_logical3A_904 : i32 to vector<16xi32>
        %shift_right_logical3A_906 = arith.shrui %get3A_886, %shift_right_logical3A_905 : vector<16xi32>
        %and3A_907 = arith.constant 127 : i32
        %and3A_908 = vector.broadcast %and3A_907 : i32 to vector<16xi32>
        %and3A_909 = arith.andi %shift_right_logical3A_906, %and3A_908 : vector<16xi32>
        %mul3A_910 = arith.constant 128 : i32
        %mul3A_911 = vector.broadcast %mul3A_910 : i32 to vector<16xi32>
        %mul3A_912 = arith.muli %gather3A_903, %mul3A_911 : vector<16xi32>
        %add3A_913 = arith.addi %mul3A_912, %and3A_909 : vector<16xi32>
        %gather3A_914 = tpu.vector_load_idx %arg10[%add3A_913] : memref<6144xi32, #tpu.memory_space<vmem>>[vector<16xi32>], vector<16xi32>,
        %add3A_915 = vector.broadcast %mul3A_884 : i32 to vector<16xi32>
        %add3A_916 = arith.addi %iota3A, %add3A_915 : vector<16xi32>
        %lt3A_917 = vector.broadcast %scan3A_556 : i32 to vector<16xi32>
        %lt3A_918 = arith.cmpi slt, %add3A_916, %lt3A_917 : vector<16xi32>
        %and3A_919 = arith.constant 127 : i32
        %and3A_920 = vector.broadcast %and3A_919 : i32 to vector<16xi32>
        %and3A_921 = arith.andi %get3A_886, %and3A_920 : vector<16xi32>
        %mul3A_922 = arith.constant 48 : i32
        %mul3A_923 = vector.broadcast %mul3A_922 : i32 to vector<16xi32>
        %mul3A_924 = arith.muli %and3A_921, %mul3A_923 : vector<16xi32>
        %add3A_925 = arith.addi %mul3A_924, %gather3A_914 : vector<16xi32>
        tpu.vector_store_idx %arg11[%add3A_925], %add3A_6 masked %lt3A_918 {add = true} : memref<6144xi32, #tpu.memory_space<vmem>>[vector<16xi32>], vector<16xi32>, vector<16xi1>
        %mul3A_926 = arith.constant 4 : i32
        %mul3A_927 = arith.muli %while3A_784, %mul3A_926 : i32
        %add3A_928 = arith.constant 3 : i32
        %add3A_929 = arith.addi %mul3A_927, %add3A_928 : i32
        %mul3A_930 = arith.constant 16 : i32
        %mul3A_931 = arith.muli %add3A_929, %mul3A_930 : i32
        %get3A_932 = arith.index_cast %mul3A_931 : i32 to index
        %get3A_933 = tpu.vector_load %arg13[%get3A_932] {strides = array<i32>} : memref<16448xi32, #tpu.memory_space<vmem>>, vector<16xi32>,
        %shift_right_logical3A_934 = arith.constant 14 : i32
        %shift_right_logical3A_935 = vector.broadcast %shift_right_logical3A_934 : i32 to vector<16xi32>
        %shift_right_logical3A_936 = arith.shrui %get3A_933, %shift_right_logical3A_935 : vector<16xi32>
        %and3A_937 = arith.constant 127 : i32
        %and3A_938 = vector.broadcast %and3A_937 : i32 to vector<16xi32>
        %and3A_939 = arith.andi %shift_right_logical3A_936, %and3A_938 : vector<16xi32>
        %shift_right_logical3A_940 = arith.constant 21 : i32
        %shift_right_logical3A_941 = vector.broadcast %shift_right_logical3A_940 : i32 to vector<16xi32>
        %shift_right_logical3A_942 = arith.shrui %get3A_933, %shift_right_logical3A_941 : vector<16xi32>
        %min3A_943 = arith.constant 47 : i32
        %min3A_944 = vector.broadcast %min3A_943 : i32 to vector<16xi32>
        %min3A_945 = arith.minsi %shift_right_logical3A_942, %min3A_944 : vector<16xi32>
        %mul3A_946 = arith.constant 128 : i32
        %mul3A_947 = vector.broadcast %mul3A_946 : i32 to vector<16xi32>
        %mul3A_948 = arith.muli %min3A_945, %mul3A_947 : vector<16xi32>
        %add3A_949 = arith.addi %mul3A_948, %and3A_939 : vector<16xi32>
        %gather3A_950 = tpu.vector_load_idx %arg9[%add3A_949] : memref<6144xi32, #tpu.memory_space<vmem>>[vector<16xi32>], vector<16xi32>,
        %shift_right_logical3A_951 = arith.constant 7 : i32
        %shift_right_logical3A_952 = vector.broadcast %shift_right_logical3A_951 : i32 to vector<16xi32>
        %shift_right_logical3A_953 = arith.shrui %get3A_933, %shift_right_logical3A_952 : vector<16xi32>
        %and3A_954 = arith.constant 127 : i32
        %and3A_955 = vector.broadcast %and3A_954 : i32 to vector<16xi32>
        %and3A_956 = arith.andi %shift_right_logical3A_953, %and3A_955 : vector<16xi32>
        %mul3A_957 = arith.constant 128 : i32
        %mul3A_958 = vector.broadcast %mul3A_957 : i32 to vector<16xi32>
        %mul3A_959 = arith.muli %gather3A_950, %mul3A_958 : vector<16xi32>
        %add3A_960 = arith.addi %mul3A_959, %and3A_956 : vector<16xi32>
        %gather3A_961 = tpu.vector_load_idx %arg10[%add3A_960] : memref<6144xi32, #tpu.memory_space<vmem>>[vector<16xi32>], vector<16xi32>,
        %add3A_962 = vector.broadcast %mul3A_931 : i32 to vector<16xi32>
        %add3A_963 = arith.addi %iota3A, %add3A_962 : vector<16xi32>
        %lt3A_964 = vector.broadcast %scan3A_556 : i32 to vector<16xi32>
        %lt3A_965 = arith.cmpi slt, %add3A_963, %lt3A_964 : vector<16xi32>
        %and3A_966 = arith.constant 127 : i32
        %and3A_967 = vector.broadcast %and3A_966 : i32 to vector<16xi32>
        %and3A_968 = arith.andi %get3A_933, %and3A_967 : vector<16xi32>
        %mul3A_969 = arith.constant 48 : i32
        %mul3A_970 = vector.broadcast %mul3A_969 : i32 to vector<16xi32>
        %mul3A_971 = arith.muli %and3A_968, %mul3A_970 : vector<16xi32>
        %add3A_972 = arith.addi %mul3A_971, %gather3A_961 : vector<16xi32>
        tpu.vector_store_idx %arg11[%add3A_972], %add3A_6 masked %lt3A_965 {add = true} : memref<6144xi32, #tpu.memory_space<vmem>>[vector<16xi32>], vector<16xi32>, vector<16xi1>
        %while3A_973 = arith.constant 0 : i32
        scf.yield %while3A_973 : i32
      }
      %while3A_642 = arith.constant 1 : i32
      %while3A_643 = scf.for %while3A_784 = %while3A_639 to %while3A_635 step %while3A_642 iter_args(%while3A_785 = %while3A_641) -> (i32)  : i32 {
        %mul3A_786 = arith.constant 4 : i32
        %mul3A_787 = arith.muli %while3A_784, %mul3A_786 : i32
        %add3A_788 = arith.constant 0 : i32
        %add3A_789 = arith.addi %mul3A_787, %add3A_788 : i32
        %mul3A_790 = arith.constant 16 : i32
        %mul3A_791 = arith.muli %add3A_789, %mul3A_790 : i32
        %get3A_792 = arith.index_cast %mul3A_791 : i32 to index
        %get3A_793 = tpu.vector_load %arg13[%get3A_792] {strides = array<i32>} : memref<16448xi32, #tpu.memory_space<vmem>>, vector<16xi32>,
        %shift_right_logical3A_794 = arith.constant 14 : i32
        %shift_right_logical3A_795 = vector.broadcast %shift_right_logical3A_794 : i32 to vector<16xi32>
        %shift_right_logical3A_796 = arith.shrui %get3A_793, %shift_right_logical3A_795 : vector<16xi32>
        %and3A_797 = arith.constant 127 : i32
        %and3A_798 = vector.broadcast %and3A_797 : i32 to vector<16xi32>
        %and3A_799 = arith.andi %shift_right_logical3A_796, %and3A_798 : vector<16xi32>
        %shift_right_logical3A_800 = arith.constant 21 : i32
        %shift_right_logical3A_801 = vector.broadcast %shift_right_logical3A_800 : i32 to vector<16xi32>
        %shift_right_logical3A_802 = arith.shrui %get3A_793, %shift_right_logical3A_801 : vector<16xi32>
        %min3A = arith.constant 47 : i32
        %min3A_803 = vector.broadcast %min3A : i32 to vector<16xi32>
        %min3A_804 = arith.minsi %shift_right_logical3A_802, %min3A_803 : vector<16xi32>
        %mul3A_805 = arith.constant 128 : i32
        %mul3A_806 = vector.broadcast %mul3A_805 : i32 to vector<16xi32>
        %mul3A_807 = arith.muli %min3A_804, %mul3A_806 : vector<16xi32>
        %add3A_808 = arith.addi %mul3A_807, %and3A_799 : vector<16xi32>
        %gather3A_809 = tpu.vector_load_idx %arg9[%add3A_808] : memref<6144xi32, #tpu.memory_space<vmem>>[vector<16xi32>], vector<16xi32>,
        %shift_right_logical3A_810 = arith.constant 7 : i32
        %shift_right_logical3A_811 = vector.broadcast %shift_right_logical3A_810 : i32 to vector<16xi32>
        %shift_right_logical3A_812 = arith.shrui %get3A_793, %shift_right_logical3A_811 : vector<16xi32>
        %and3A_813 = arith.constant 127 : i32
        %and3A_814 = vector.broadcast %and3A_813 : i32 to vector<16xi32>
        %and3A_815 = arith.andi %shift_right_logical3A_812, %and3A_814 : vector<16xi32>
        %mul3A_816 = arith.constant 128 : i32
        %mul3A_817 = vector.broadcast %mul3A_816 : i32 to vector<16xi32>
        %mul3A_818 = arith.muli %gather3A_809, %mul3A_817 : vector<16xi32>
        %add3A_819 = arith.addi %mul3A_818, %and3A_815 : vector<16xi32>
        %gather3A_820 = tpu.vector_load_idx %arg10[%add3A_819] : memref<6144xi32, #tpu.memory_space<vmem>>[vector<16xi32>], vector<16xi32>,
        %add3A_821 = vector.broadcast %mul3A_791 : i32 to vector<16xi32>
        %add3A_822 = arith.addi %iota3A, %add3A_821 : vector<16xi32>
        %lt3A_823 = vector.broadcast %scan3A_556 : i32 to vector<16xi32>
        %lt3A_824 = arith.cmpi slt, %add3A_822, %lt3A_823 : vector<16xi32>
        %and3A_825 = arith.constant 127 : i32
        %and3A_826 = vector.broadcast %and3A_825 : i32 to vector<16xi32>
        %and3A_827 = arith.andi %get3A_793, %and3A_826 : vector<16xi32>
        %mul3A_828 = arith.constant 48 : i32
        %mul3A_829 = vector.broadcast %mul3A_828 : i32 to vector<16xi32>
        %mul3A_830 = arith.muli %and3A_827, %mul3A_829 : vector<16xi32>
        %add3A_831 = arith.addi %mul3A_830, %gather3A_820 : vector<16xi32>
        tpu.vector_store_idx %arg11[%add3A_831], %add3A_6 masked %lt3A_824 {add = true} : memref<6144xi32, #tpu.memory_space<vmem>>[vector<16xi32>], vector<16xi32>, vector<16xi1>
        %mul3A_832 = arith.constant 4 : i32
        %mul3A_833 = arith.muli %while3A_784, %mul3A_832 : i32
        %add3A_834 = arith.constant 1 : i32
        %add3A_835 = arith.addi %mul3A_833, %add3A_834 : i32
        %mul3A_836 = arith.constant 16 : i32
        %mul3A_837 = arith.muli %add3A_835, %mul3A_836 : i32
        %get3A_838 = arith.index_cast %mul3A_837 : i32 to index
        %get3A_839 = tpu.vector_load %arg13[%get3A_838] {strides = array<i32>} : memref<16448xi32, #tpu.memory_space<vmem>>, vector<16xi32>,
        %shift_right_logical3A_840 = arith.constant 14 : i32
        %shift_right_logical3A_841 = vector.broadcast %shift_right_logical3A_840 : i32 to vector<16xi32>
        %shift_right_logical3A_842 = arith.shrui %get3A_839, %shift_right_logical3A_841 : vector<16xi32>
        %and3A_843 = arith.constant 127 : i32
        %and3A_844 = vector.broadcast %and3A_843 : i32 to vector<16xi32>
        %and3A_845 = arith.andi %shift_right_logical3A_842, %and3A_844 : vector<16xi32>
        %shift_right_logical3A_846 = arith.constant 21 : i32
        %shift_right_logical3A_847 = vector.broadcast %shift_right_logical3A_846 : i32 to vector<16xi32>
        %shift_right_logical3A_848 = arith.shrui %get3A_839, %shift_right_logical3A_847 : vector<16xi32>
        %min3A_849 = arith.constant 47 : i32
        %min3A_850 = vector.broadcast %min3A_849 : i32 to vector<16xi32>
        %min3A_851 = arith.minsi %shift_right_logical3A_848, %min3A_850 : vector<16xi32>
        %mul3A_852 = arith.constant 128 : i32
        %mul3A_853 = vector.broadcast %mul3A_852 : i32 to vector<16xi32>
        %mul3A_854 = arith.muli %min3A_851, %mul3A_853 : vector<16xi32>
        %add3A_855 = arith.addi %mul3A_854, %and3A_845 : vector<16xi32>
        %gather3A_856 = tpu.vector_load_idx %arg9[%add3A_855] : memref<6144xi32, #tpu.memory_space<vmem>>[vector<16xi32>], vector<16xi32>,
        %shift_right_logical3A_857 = arith.constant 7 : i32
        %shift_right_logical3A_858 = vector.broadcast %shift_right_logical3A_857 : i32 to vector<16xi32>
        %shift_right_logical3A_859 = arith.shrui %get3A_839, %shift_right_logical3A_858 : vector<16xi32>
        %and3A_860 = arith.constant 127 : i32
        %and3A_861 = vector.broadcast %and3A_860 : i32 to vector<16xi32>
        %and3A_862 = arith.andi %shift_right_logical3A_859, %and3A_861 : vector<16xi32>
        %mul3A_863 = arith.constant 128 : i32
        %mul3A_864 = vector.broadcast %mul3A_863 : i32 to vector<16xi32>
        %mul3A_865 = arith.muli %gather3A_856, %mul3A_864 : vector<16xi32>
        %add3A_866 = arith.addi %mul3A_865, %and3A_862 : vector<16xi32>
        %gather3A_867 = tpu.vector_load_idx %arg10[%add3A_866] : memref<6144xi32, #tpu.memory_space<vmem>>[vector<16xi32>], vector<16xi32>,
        %add3A_868 = vector.broadcast %mul3A_837 : i32 to vector<16xi32>
        %add3A_869 = arith.addi %iota3A, %add3A_868 : vector<16xi32>
        %lt3A_870 = vector.broadcast %scan3A_556 : i32 to vector<16xi32>
        %lt3A_871 = arith.cmpi slt, %add3A_869, %lt3A_870 : vector<16xi32>
        %and3A_872 = arith.constant 127 : i32
        %and3A_873 = vector.broadcast %and3A_872 : i32 to vector<16xi32>
        %and3A_874 = arith.andi %get3A_839, %and3A_873 : vector<16xi32>
        %mul3A_875 = arith.constant 48 : i32
        %mul3A_876 = vector.broadcast %mul3A_875 : i32 to vector<16xi32>
        %mul3A_877 = arith.muli %and3A_874, %mul3A_876 : vector<16xi32>
        %add3A_878 = arith.addi %mul3A_877, %gather3A_867 : vector<16xi32>
        tpu.vector_store_idx %arg11[%add3A_878], %add3A_6 masked %lt3A_871 {add = true} : memref<6144xi32, #tpu.memory_space<vmem>>[vector<16xi32>], vector<16xi32>, vector<16xi1>
        %mul3A_879 = arith.constant 4 : i32
        %mul3A_880 = arith.muli %while3A_784, %mul3A_879 : i32
        %add3A_881 = arith.constant 2 : i32
        %add3A_882 = arith.addi %mul3A_880, %add3A_881 : i32
        %mul3A_883 = arith.constant 16 : i32
        %mul3A_884 = arith.muli %add3A_882, %mul3A_883 : i32
        %get3A_885 = arith.index_cast %mul3A_884 : i32 to index
        %get3A_886 = tpu.vector_load %arg13[%get3A_885] {strides = array<i32>} : memref<16448xi32, #tpu.memory_space<vmem>>, vector<16xi32>,
        %shift_right_logical3A_887 = arith.constant 14 : i32
        %shift_right_logical3A_888 = vector.broadcast %shift_right_logical3A_887 : i32 to vector<16xi32>
        %shift_right_logical3A_889 = arith.shrui %get3A_886, %shift_right_logical3A_888 : vector<16xi32>
        %and3A_890 = arith.constant 127 : i32
        %and3A_891 = vector.broadcast %and3A_890 : i32 to vector<16xi32>
        %and3A_892 = arith.andi %shift_right_logical3A_889, %and3A_891 : vector<16xi32>
        %shift_right_logical3A_893 = arith.constant 21 : i32
        %shift_right_logical3A_894 = vector.broadcast %shift_right_logical3A_893 : i32 to vector<16xi32>
        %shift_right_logical3A_895 = arith.shrui %get3A_886, %shift_right_logical3A_894 : vector<16xi32>
        %min3A_896 = arith.constant 47 : i32
        %min3A_897 = vector.broadcast %min3A_896 : i32 to vector<16xi32>
        %min3A_898 = arith.minsi %shift_right_logical3A_895, %min3A_897 : vector<16xi32>
        %mul3A_899 = arith.constant 128 : i32
        %mul3A_900 = vector.broadcast %mul3A_899 : i32 to vector<16xi32>
        %mul3A_901 = arith.muli %min3A_898, %mul3A_900 : vector<16xi32>
        %add3A_902 = arith.addi %mul3A_901, %and3A_892 : vector<16xi32>
        %gather3A_903 = tpu.vector_load_idx %arg9[%add3A_902] : memref<6144xi32, #tpu.memory_space<vmem>>[vector<16xi32>], vector<16xi32>,
        %shift_right_logical3A_904 = arith.constant 7 : i32
        %shift_right_logical3A_905 = vector.broadcast %shift_right_logical3A_904 : i32 to vector<16xi32>
        %shift_right_logical3A_906 = arith.shrui %get3A_886, %shift_right_logical3A_905 : vector<16xi32>
        %and3A_907 = arith.constant 127 : i32
        %and3A_908 = vector.broadcast %and3A_907 : i32 to vector<16xi32>
        %and3A_909 = arith.andi %shift_right_logical3A_906, %and3A_908 : vector<16xi32>
        %mul3A_910 = arith.constant 128 : i32
        %mul3A_911 = vector.broadcast %mul3A_910 : i32 to vector<16xi32>
        %mul3A_912 = arith.muli %gather3A_903, %mul3A_911 : vector<16xi32>
        %add3A_913 = arith.addi %mul3A_912, %and3A_909 : vector<16xi32>
        %gather3A_914 = tpu.vector_load_idx %arg10[%add3A_913] : memref<6144xi32, #tpu.memory_space<vmem>>[vector<16xi32>], vector<16xi32>,
        %add3A_915 = vector.broadcast %mul3A_884 : i32 to vector<16xi32>
        %add3A_916 = arith.addi %iota3A, %add3A_915 : vector<16xi32>
        %lt3A_917 = vector.broadcast %scan3A_556 : i32 to vector<16xi32>
        %lt3A_918 = arith.cmpi slt, %add3A_916, %lt3A_917 : vector<16xi32>
        %and3A_919 = arith.constant 127 : i32
        %and3A_920 = vector.broadcast %and3A_919 : i32 to vector<16xi32>
        %and3A_921 = arith.andi %get3A_886, %and3A_920 : vector<16xi32>
        %mul3A_922 = arith.constant 48 : i32
        %mul3A_923 = vector.broadcast %mul3A_922 : i32 to vector<16xi32>
        %mul3A_924 = arith.muli %and3A_921, %mul3A_923 : vector<16xi32>
        %add3A_925 = arith.addi %mul3A_924, %gather3A_914 : vector<16xi32>
        tpu.vector_store_idx %arg11[%add3A_925], %add3A_6 masked %lt3A_918 {add = true} : memref<6144xi32, #tpu.memory_space<vmem>>[vector<16xi32>], vector<16xi32>, vector<16xi1>
        %mul3A_926 = arith.constant 4 : i32
        %mul3A_927 = arith.muli %while3A_784, %mul3A_926 : i32
        %add3A_928 = arith.constant 3 : i32
        %add3A_929 = arith.addi %mul3A_927, %add3A_928 : i32
        %mul3A_930 = arith.constant 16 : i32
        %mul3A_931 = arith.muli %add3A_929, %mul3A_930 : i32
        %get3A_932 = arith.index_cast %mul3A_931 : i32 to index
        %get3A_933 = tpu.vector_load %arg13[%get3A_932] {strides = array<i32>} : memref<16448xi32, #tpu.memory_space<vmem>>, vector<16xi32>,
        %shift_right_logical3A_934 = arith.constant 14 : i32
        %shift_right_logical3A_935 = vector.broadcast %shift_right_logical3A_934 : i32 to vector<16xi32>
        %shift_right_logical3A_936 = arith.shrui %get3A_933, %shift_right_logical3A_935 : vector<16xi32>
        %and3A_937 = arith.constant 127 : i32
        %and3A_938 = vector.broadcast %and3A_937 : i32 to vector<16xi32>
        %and3A_939 = arith.andi %shift_right_logical3A_936, %and3A_938 : vector<16xi32>
        %shift_right_logical3A_940 = arith.constant 21 : i32
        %shift_right_logical3A_941 = vector.broadcast %shift_right_logical3A_940 : i32 to vector<16xi32>
        %shift_right_logical3A_942 = arith.shrui %get3A_933, %shift_right_logical3A_941 : vector<16xi32>
        %min3A_943 = arith.constant 47 : i32
        %min3A_944 = vector.broadcast %min3A_943 : i32 to vector<16xi32>
        %min3A_945 = arith.minsi %shift_right_logical3A_942, %min3A_944 : vector<16xi32>
        %mul3A_946 = arith.constant 128 : i32
        %mul3A_947 = vector.broadcast %mul3A_946 : i32 to vector<16xi32>
        %mul3A_948 = arith.muli %min3A_945, %mul3A_947 : vector<16xi32>
        %add3A_949 = arith.addi %mul3A_948, %and3A_939 : vector<16xi32>
        %gather3A_950 = tpu.vector_load_idx %arg9[%add3A_949] : memref<6144xi32, #tpu.memory_space<vmem>>[vector<16xi32>], vector<16xi32>,
        %shift_right_logical3A_951 = arith.constant 7 : i32
        %shift_right_logical3A_952 = vector.broadcast %shift_right_logical3A_951 : i32 to vector<16xi32>
        %shift_right_logical3A_953 = arith.shrui %get3A_933, %shift_right_logical3A_952 : vector<16xi32>
        %and3A_954 = arith.constant 127 : i32
        %and3A_955 = vector.broadcast %and3A_954 : i32 to vector<16xi32>
        %and3A_956 = arith.andi %shift_right_logical3A_953, %and3A_955 : vector<16xi32>
        %mul3A_957 = arith.constant 128 : i32
        %mul3A_958 = vector.broadcast %mul3A_957 : i32 to vector<16xi32>
        %mul3A_959 = arith.muli %gather3A_950, %mul3A_958 : vector<16xi32>
        %add3A_960 = arith.addi %mul3A_959, %and3A_956 : vector<16xi32>
        %gather3A_961 = tpu.vector_load_idx %arg10[%add3A_960] : memref<6144xi32, #tpu.memory_space<vmem>>[vector<16xi32>], vector<16xi32>,
        %add3A_962 = vector.broadcast %mul3A_931 : i32 to vector<16xi32>
        %add3A_963 = arith.addi %iota3A, %add3A_962 : vector<16xi32>
        %lt3A_964 = vector.broadcast %scan3A_556 : i32 to vector<16xi32>
        %lt3A_965 = arith.cmpi slt, %add3A_963, %lt3A_964 : vector<16xi32>
        %and3A_966 = arith.constant 127 : i32
        %and3A_967 = vector.broadcast %and3A_966 : i32 to vector<16xi32>
        %and3A_968 = arith.andi %get3A_933, %and3A_967 : vector<16xi32>
        %mul3A_969 = arith.constant 48 : i32
        %mul3A_970 = vector.broadcast %mul3A_969 : i32 to vector<16xi32>
        %mul3A_971 = arith.muli %and3A_968, %mul3A_970 : vector<16xi32>
        %add3A_972 = arith.addi %mul3A_971, %gather3A_961 : vector<16xi32>
        tpu.vector_store_idx %arg11[%add3A_972], %add3A_6 masked %lt3A_965 {add = true} : memref<6144xi32, #tpu.memory_space<vmem>>[vector<16xi32>], vector<16xi32>, vector<16xi1>
        %while3A_973 = arith.constant 0 : i32
        scf.yield %while3A_973 : i32
      }
      %scan3A_644 = arith.constant 0 : i32
      %scan3A_645 = arith.constant 16 : i32
      %scan3A_646 = arith.addi %scan3A_644, %scan3A_645 : i32
      %scan3A_647 = arith.constant 1 : i32
      %scan3A_648:9 = scf.for %scan3A_784 = %scan3A_644 to %scan3A_646 step %scan3A_647 iter_args(%scan3A_785 = %mul3A_3, %scan3A_786 = %mul3A_3, %scan3A_787 = %mul3A_3, %scan3A_788 = %mul3A_3, %scan3A_789 = %mul3A_3, %scan3A_790 = %mul3A_3, %scan3A_791 = %mul3A_3, %scan3A_792 = %mul3A_3, %scan3A_793 = %mul3A_3) -> (vector<16xi32>, vector<16xi32>, vector<16xi32>, vector<16xi32>, vector<16xi32>, vector<16xi32>, vector<16xi32>, vector<16xi32>, vector<16xi32>)  : i32 {
        %mul3A_794 = arith.constant 8 : i32
        %mul3A_795 = arith.muli %scan3A_784, %mul3A_794 : i32
        %add3A_796 = arith.constant 0 : i32
        %add3A_797 = arith.addi %mul3A_795, %add3A_796 : i32
        %mul3A_798 = arith.constant 48 : i32
        %mul3A_799 = arith.muli %add3A_797, %mul3A_798 : i32
        %add3A_800 = vector.broadcast %mul3A_799 : i32 to vector<16xi32>
        %add3A_801 = arith.addi %sub3A_614, %add3A_800 : vector<16xi32>
        %gather3A_802 = tpu.vector_load_idx %arg11[%add3A_801] : memref<6144xi32, #tpu.memory_space<vmem>>[vector<16xi32>], vector<16xi32>,
        %add3A_803 = vector.broadcast %mul3A_799 : i32 to vector<16xi32>
        %add3A_804 = arith.addi %add3A_621, %add3A_803 : vector<16xi32>
        %gather3A_805 = tpu.vector_load_idx %arg11[%add3A_804] : memref<6144xi32, #tpu.memory_space<vmem>>[vector<16xi32>], vector<16xi32>,
        %add3A_806 = vector.broadcast %mul3A_799 : i32 to vector<16xi32>
        %add3A_807 = arith.addi %add3A_629, %add3A_806 : vector<16xi32>
        %gather3A_808 = tpu.vector_load_idx %arg11[%add3A_807] : memref<6144xi32, #tpu.memory_space<vmem>>[vector<16xi32>], vector<16xi32>,
        %mul3A_809 = arith.constant 8 : i32
        %mul3A_810 = arith.muli %scan3A_784, %mul3A_809 : i32
        %add3A_811 = arith.constant 1 : i32
        %add3A_812 = arith.addi %mul3A_810, %add3A_811 : i32
        %mul3A_813 = arith.constant 48 : i32
        %mul3A_814 = arith.muli %add3A_812, %mul3A_813 : i32
        %add3A_815 = vector.broadcast %mul3A_814 : i32 to vector<16xi32>
        %add3A_816 = arith.addi %sub3A_614, %add3A_815 : vector<16xi32>
        %gather3A_817 = tpu.vector_load_idx %arg11[%add3A_816] : memref<6144xi32, #tpu.memory_space<vmem>>[vector<16xi32>], vector<16xi32>,
        %add3A_818 = vector.broadcast %mul3A_814 : i32 to vector<16xi32>
        %add3A_819 = arith.addi %add3A_621, %add3A_818 : vector<16xi32>
        %gather3A_820 = tpu.vector_load_idx %arg11[%add3A_819] : memref<6144xi32, #tpu.memory_space<vmem>>[vector<16xi32>], vector<16xi32>,
        %add3A_821 = vector.broadcast %mul3A_814 : i32 to vector<16xi32>
        %add3A_822 = arith.addi %add3A_629, %add3A_821 : vector<16xi32>
        %gather3A_823 = tpu.vector_load_idx %arg11[%add3A_822] : memref<6144xi32, #tpu.memory_space<vmem>>[vector<16xi32>], vector<16xi32>,
        %mul3A_824 = arith.constant 8 : i32
        %mul3A_825 = arith.muli %scan3A_784, %mul3A_824 : i32
        %add3A_826 = arith.constant 2 : i32
        %add3A_827 = arith.addi %mul3A_825, %add3A_826 : i32
        %mul3A_828 = arith.constant 48 : i32
        %mul3A_829 = arith.muli %add3A_827, %mul3A_828 : i32
        %add3A_830 = vector.broadcast %mul3A_829 : i32 to vector<16xi32>
        %add3A_831 = arith.addi %sub3A_614, %add3A_830 : vector<16xi32>
        %gather3A_832 = tpu.vector_load_idx %arg11[%add3A_831] : memref<6144xi32, #tpu.memory_space<vmem>>[vector<16xi32>], vector<16xi32>,
        %add3A_833 = vector.broadcast %mul3A_829 : i32 to vector<16xi32>
        %add3A_834 = arith.addi %add3A_621, %add3A_833 : vector<16xi32>
        %gather3A_835 = tpu.vector_load_idx %arg11[%add3A_834] : memref<6144xi32, #tpu.memory_space<vmem>>[vector<16xi32>], vector<16xi32>,
        %add3A_836 = vector.broadcast %mul3A_829 : i32 to vector<16xi32>
        %add3A_837 = arith.addi %add3A_629, %add3A_836 : vector<16xi32>
        %gather3A_838 = tpu.vector_load_idx %arg11[%add3A_837] : memref<6144xi32, #tpu.memory_space<vmem>>[vector<16xi32>], vector<16xi32>,
        %mul3A_839 = arith.constant 8 : i32
        %mul3A_840 = arith.muli %scan3A_784, %mul3A_839 : i32
        %add3A_841 = arith.constant 3 : i32
        %add3A_842 = arith.addi %mul3A_840, %add3A_841 : i32
        %mul3A_843 = arith.constant 48 : i32
        %mul3A_844 = arith.muli %add3A_842, %mul3A_843 : i32
        %add3A_845 = vector.broadcast %mul3A_844 : i32 to vector<16xi32>
        %add3A_846 = arith.addi %sub3A_614, %add3A_845 : vector<16xi32>
        %gather3A_847 = tpu.vector_load_idx %arg11[%add3A_846] : memref<6144xi32, #tpu.memory_space<vmem>>[vector<16xi32>], vector<16xi32>,
        %add3A_848 = vector.broadcast %mul3A_844 : i32 to vector<16xi32>
        %add3A_849 = arith.addi %add3A_621, %add3A_848 : vector<16xi32>
        %gather3A_850 = tpu.vector_load_idx %arg11[%add3A_849] : memref<6144xi32, #tpu.memory_space<vmem>>[vector<16xi32>], vector<16xi32>,
        %add3A_851 = vector.broadcast %mul3A_844 : i32 to vector<16xi32>
        %add3A_852 = arith.addi %add3A_629, %add3A_851 : vector<16xi32>
        %gather3A_853 = tpu.vector_load_idx %arg11[%add3A_852] : memref<6144xi32, #tpu.memory_space<vmem>>[vector<16xi32>], vector<16xi32>,
        %mul3A_854 = arith.constant 8 : i32
        %mul3A_855 = arith.muli %scan3A_784, %mul3A_854 : i32
        %add3A_856 = arith.constant 4 : i32
        %add3A_857 = arith.addi %mul3A_855, %add3A_856 : i32
        %mul3A_858 = arith.constant 48 : i32
        %mul3A_859 = arith.muli %add3A_857, %mul3A_858 : i32
        %add3A_860 = vector.broadcast %mul3A_859 : i32 to vector<16xi32>
        %add3A_861 = arith.addi %sub3A_614, %add3A_860 : vector<16xi32>
        %gather3A_862 = tpu.vector_load_idx %arg11[%add3A_861] : memref<6144xi32, #tpu.memory_space<vmem>>[vector<16xi32>], vector<16xi32>,
        %add3A_863 = vector.broadcast %mul3A_859 : i32 to vector<16xi32>
        %add3A_864 = arith.addi %add3A_621, %add3A_863 : vector<16xi32>
        %gather3A_865 = tpu.vector_load_idx %arg11[%add3A_864] : memref<6144xi32, #tpu.memory_space<vmem>>[vector<16xi32>], vector<16xi32>,
        %add3A_866 = vector.broadcast %mul3A_859 : i32 to vector<16xi32>
        %add3A_867 = arith.addi %add3A_629, %add3A_866 : vector<16xi32>
        %gather3A_868 = tpu.vector_load_idx %arg11[%add3A_867] : memref<6144xi32, #tpu.memory_space<vmem>>[vector<16xi32>], vector<16xi32>,
        %mul3A_869 = arith.constant 8 : i32
        %mul3A_870 = arith.muli %scan3A_784, %mul3A_869 : i32
        %add3A_871 = arith.constant 5 : i32
        %add3A_872 = arith.addi %mul3A_870, %add3A_871 : i32
        %mul3A_873 = arith.constant 48 : i32
        %mul3A_874 = arith.muli %add3A_872, %mul3A_873 : i32
        %add3A_875 = vector.broadcast %mul3A_874 : i32 to vector<16xi32>
        %add3A_876 = arith.addi %sub3A_614, %add3A_875 : vector<16xi32>
        %gather3A_877 = tpu.vector_load_idx %arg11[%add3A_876] : memref<6144xi32, #tpu.memory_space<vmem>>[vector<16xi32>], vector<16xi32>,
        %add3A_878 = vector.broadcast %mul3A_874 : i32 to vector<16xi32>
        %add3A_879 = arith.addi %add3A_621, %add3A_878 : vector<16xi32>
        %gather3A_880 = tpu.vector_load_idx %arg11[%add3A_879] : memref<6144xi32, #tpu.memory_space<vmem>>[vector<16xi32>], vector<16xi32>,
        %add3A_881 = vector.broadcast %mul3A_874 : i32 to vector<16xi32>
        %add3A_882 = arith.addi %add3A_629, %add3A_881 : vector<16xi32>
        %gather3A_883 = tpu.vector_load_idx %arg11[%add3A_882] : memref<6144xi32, #tpu.memory_space<vmem>>[vector<16xi32>], vector<16xi32>,
        %mul3A_884 = arith.constant 8 : i32
        %mul3A_885 = arith.muli %scan3A_784, %mul3A_884 : i32
        %add3A_886 = arith.constant 6 : i32
        %add3A_887 = arith.addi %mul3A_885, %add3A_886 : i32
        %mul3A_888 = arith.constant 48 : i32
        %mul3A_889 = arith.muli %add3A_887, %mul3A_888 : i32
        %add3A_890 = vector.broadcast %mul3A_889 : i32 to vector<16xi32>
        %add3A_891 = arith.addi %sub3A_614, %add3A_890 : vector<16xi32>
        %gather3A_892 = tpu.vector_load_idx %arg11[%add3A_891] : memref<6144xi32, #tpu.memory_space<vmem>>[vector<16xi32>], vector<16xi32>,
        %add3A_893 = vector.broadcast %mul3A_889 : i32 to vector<16xi32>
        %add3A_894 = arith.addi %add3A_621, %add3A_893 : vector<16xi32>
        %gather3A_895 = tpu.vector_load_idx %arg11[%add3A_894] : memref<6144xi32, #tpu.memory_space<vmem>>[vector<16xi32>], vector<16xi32>,
        %add3A_896 = vector.broadcast %mul3A_889 : i32 to vector<16xi32>
        %add3A_897 = arith.addi %add3A_629, %add3A_896 : vector<16xi32>
        %gather3A_898 = tpu.vector_load_idx %arg11[%add3A_897] : memref<6144xi32, #tpu.memory_space<vmem>>[vector<16xi32>], vector<16xi32>,
        %mul3A_899 = arith.constant 8 : i32
        %mul3A_900 = arith.muli %scan3A_784, %mul3A_899 : i32
        %add3A_901 = arith.constant 7 : i32
        %add3A_902 = arith.addi %mul3A_900, %add3A_901 : i32
        %mul3A_903 = arith.constant 48 : i32
        %mul3A_904 = arith.muli %add3A_902, %mul3A_903 : i32
        %add3A_905 = vector.broadcast %mul3A_904 : i32 to vector<16xi32>
        %add3A_906 = arith.addi %sub3A_614, %add3A_905 : vector<16xi32>
        %gather3A_907 = tpu.vector_load_idx %arg11[%add3A_906] : memref<6144xi32, #tpu.memory_space<vmem>>[vector<16xi32>], vector<16xi32>,
        %add3A_908 = vector.broadcast %mul3A_904 : i32 to vector<16xi32>
        %add3A_909 = arith.addi %add3A_621, %add3A_908 : vector<16xi32>
        %gather3A_910 = tpu.vector_load_idx %arg11[%add3A_909] : memref<6144xi32, #tpu.memory_space<vmem>>[vector<16xi32>], vector<16xi32>,
        %add3A_911 = vector.broadcast %mul3A_904 : i32 to vector<16xi32>
        %add3A_912 = arith.addi %add3A_629, %add3A_911 : vector<16xi32>
        %gather3A_913 = tpu.vector_load_idx %arg11[%add3A_912] : memref<6144xi32, #tpu.memory_space<vmem>>[vector<16xi32>], vector<16xi32>,
        %add3A_914 = arith.addi %scan3A_785, %gather3A_802 : vector<16xi32>
        %le3A_915 = arith.cmpi sle, %add3A_914, %sub3A_564 : vector<16xi32>
        %convert_element_type3A_916 = arith.extui %le3A_915 : vector<16xi1> to vector<16xi32>
        %add3A_917 = arith.addi %scan3A_788, %convert_element_type3A_916 : vector<16xi32>
        %select_n3A_918 = arith.select %le3A_915, %add3A_914, %scan3A_791 : vector<16xi1>, vector<16xi32>
        %add3A_919 = arith.addi %scan3A_786, %gather3A_805 : vector<16xi32>
        %le3A_920 = arith.cmpi sle, %add3A_919, %sub3A_565 : vector<16xi32>
        %convert_element_type3A_921 = arith.extui %le3A_920 : vector<16xi1> to vector<16xi32>
        %add3A_922 = arith.addi %scan3A_789, %convert_element_type3A_921 : vector<16xi32>
        %select_n3A_923 = arith.select %le3A_920, %add3A_919, %scan3A_792 : vector<16xi1>, vector<16xi32>
        %add3A_924 = arith.addi %scan3A_787, %gather3A_808 : vector<16xi32>
        %le3A_925 = arith.cmpi sle, %add3A_924, %sub3A_566 : vector<16xi32>
        %convert_element_type3A_926 = arith.extui %le3A_925 : vector<16xi1> to vector<16xi32>
        %add3A_927 = arith.addi %scan3A_790, %convert_element_type3A_926 : vector<16xi32>
        %select_n3A_928 = arith.select %le3A_925, %add3A_924, %scan3A_793 : vector<16xi1>, vector<16xi32>
        %add3A_929 = arith.addi %add3A_914, %gather3A_817 : vector<16xi32>
        %le3A_930 = arith.cmpi sle, %add3A_929, %sub3A_564 : vector<16xi32>
        %convert_element_type3A_931 = arith.extui %le3A_930 : vector<16xi1> to vector<16xi32>
        %add3A_932 = arith.addi %add3A_917, %convert_element_type3A_931 : vector<16xi32>
        %select_n3A_933 = arith.select %le3A_930, %add3A_929, %select_n3A_918 : vector<16xi1>, vector<16xi32>
        %add3A_934 = arith.addi %add3A_919, %gather3A_820 : vector<16xi32>
        %le3A_935 = arith.cmpi sle, %add3A_934, %sub3A_565 : vector<16xi32>
        %convert_element_type3A_936 = arith.extui %le3A_935 : vector<16xi1> to vector<16xi32>
        %add3A_937 = arith.addi %add3A_922, %convert_element_type3A_936 : vector<16xi32>
        %select_n3A_938 = arith.select %le3A_935, %add3A_934, %select_n3A_923 : vector<16xi1>, vector<16xi32>
        %add3A_939 = arith.addi %add3A_924, %gather3A_823 : vector<16xi32>
        %le3A_940 = arith.cmpi sle, %add3A_939, %sub3A_566 : vector<16xi32>
        %convert_element_type3A_941 = arith.extui %le3A_940 : vector<16xi1> to vector<16xi32>
        %add3A_942 = arith.addi %add3A_927, %convert_element_type3A_941 : vector<16xi32>
        %select_n3A_943 = arith.select %le3A_940, %add3A_939, %select_n3A_928 : vector<16xi1>, vector<16xi32>
        %add3A_944 = arith.addi %add3A_929, %gather3A_832 : vector<16xi32>
        %le3A_945 = arith.cmpi sle, %add3A_944, %sub3A_564 : vector<16xi32>
        %convert_element_type3A_946 = arith.extui %le3A_945 : vector<16xi1> to vector<16xi32>
        %add3A_947 = arith.addi %add3A_932, %convert_element_type3A_946 : vector<16xi32>
        %select_n3A_948 = arith.select %le3A_945, %add3A_944, %select_n3A_933 : vector<16xi1>, vector<16xi32>
        %add3A_949 = arith.addi %add3A_934, %gather3A_835 : vector<16xi32>
        %le3A_950 = arith.cmpi sle, %add3A_949, %sub3A_565 : vector<16xi32>
        %convert_element_type3A_951 = arith.extui %le3A_950 : vector<16xi1> to vector<16xi32>
        %add3A_952 = arith.addi %add3A_937, %convert_element_type3A_951 : vector<16xi32>
        %select_n3A_953 = arith.select %le3A_950, %add3A_949, %select_n3A_938 : vector<16xi1>, vector<16xi32>
        %add3A_954 = arith.addi %add3A_939, %gather3A_838 : vector<16xi32>
        %le3A_955 = arith.cmpi sle, %add3A_954, %sub3A_566 : vector<16xi32>
        %convert_element_type3A_956 = arith.extui %le3A_955 : vector<16xi1> to vector<16xi32>
        %add3A_957 = arith.addi %add3A_942, %convert_element_type3A_956 : vector<16xi32>
        %select_n3A_958 = arith.select %le3A_955, %add3A_954, %select_n3A_943 : vector<16xi1>, vector<16xi32>
        %add3A_959 = arith.addi %add3A_944, %gather3A_847 : vector<16xi32>
        %le3A_960 = arith.cmpi sle, %add3A_959, %sub3A_564 : vector<16xi32>
        %convert_element_type3A_961 = arith.extui %le3A_960 : vector<16xi1> to vector<16xi32>
        %add3A_962 = arith.addi %add3A_947, %convert_element_type3A_961 : vector<16xi32>
        %select_n3A_963 = arith.select %le3A_960, %add3A_959, %select_n3A_948 : vector<16xi1>, vector<16xi32>
        %add3A_964 = arith.addi %add3A_949, %gather3A_850 : vector<16xi32>
        %le3A_965 = arith.cmpi sle, %add3A_964, %sub3A_565 : vector<16xi32>
        %convert_element_type3A_966 = arith.extui %le3A_965 : vector<16xi1> to vector<16xi32>
        %add3A_967 = arith.addi %add3A_952, %convert_element_type3A_966 : vector<16xi32>
        %select_n3A_968 = arith.select %le3A_965, %add3A_964, %select_n3A_953 : vector<16xi1>, vector<16xi32>
        %add3A_969 = arith.addi %add3A_954, %gather3A_853 : vector<16xi32>
        %le3A_970 = arith.cmpi sle, %add3A_969, %sub3A_566 : vector<16xi32>
        %convert_element_type3A_971 = arith.extui %le3A_970 : vector<16xi1> to vector<16xi32>
        %add3A_972 = arith.addi %add3A_957, %convert_element_type3A_971 : vector<16xi32>
        %select_n3A_973 = arith.select %le3A_970, %add3A_969, %select_n3A_958 : vector<16xi1>, vector<16xi32>
        %add3A_974 = arith.addi %add3A_959, %gather3A_862 : vector<16xi32>
        %le3A_975 = arith.cmpi sle, %add3A_974, %sub3A_564 : vector<16xi32>
        %convert_element_type3A_976 = arith.extui %le3A_975 : vector<16xi1> to vector<16xi32>
        %add3A_977 = arith.addi %add3A_962, %convert_element_type3A_976 : vector<16xi32>
        %select_n3A_978 = arith.select %le3A_975, %add3A_974, %select_n3A_963 : vector<16xi1>, vector<16xi32>
        %add3A_979 = arith.addi %add3A_964, %gather3A_865 : vector<16xi32>
        %le3A_980 = arith.cmpi sle, %add3A_979, %sub3A_565 : vector<16xi32>
        %convert_element_type3A_981 = arith.extui %le3A_980 : vector<16xi1> to vector<16xi32>
        %add3A_982 = arith.addi %add3A_967, %convert_element_type3A_981 : vector<16xi32>
        %select_n3A_983 = arith.select %le3A_980, %add3A_979, %select_n3A_968 : vector<16xi1>, vector<16xi32>
        %add3A_984 = arith.addi %add3A_969, %gather3A_868 : vector<16xi32>
        %le3A_985 = arith.cmpi sle, %add3A_984, %sub3A_566 : vector<16xi32>
        %convert_element_type3A_986 = arith.extui %le3A_985 : vector<16xi1> to vector<16xi32>
        %add3A_987 = arith.addi %add3A_972, %convert_element_type3A_986 : vector<16xi32>
        %select_n3A_988 = arith.select %le3A_985, %add3A_984, %select_n3A_973 : vector<16xi1>, vector<16xi32>
        %add3A_989 = arith.addi %add3A_974, %gather3A_877 : vector<16xi32>
        %le3A_990 = arith.cmpi sle, %add3A_989, %sub3A_564 : vector<16xi32>
        %convert_element_type3A_991 = arith.extui %le3A_990 : vector<16xi1> to vector<16xi32>
        %add3A_992 = arith.addi %add3A_977, %convert_element_type3A_991 : vector<16xi32>
        %select_n3A_993 = arith.select %le3A_990, %add3A_989, %select_n3A_978 : vector<16xi1>, vector<16xi32>
        %add3A_994 = arith.addi %add3A_979, %gather3A_880 : vector<16xi32>
        %le3A_995 = arith.cmpi sle, %add3A_994, %sub3A_565 : vector<16xi32>
        %convert_element_type3A_996 = arith.extui %le3A_995 : vector<16xi1> to vector<16xi32>
        %add3A_997 = arith.addi %add3A_982, %convert_element_type3A_996 : vector<16xi32>
        %select_n3A_998 = arith.select %le3A_995, %add3A_994, %select_n3A_983 : vector<16xi1>, vector<16xi32>
        %add3A_999 = arith.addi %add3A_984, %gather3A_883 : vector<16xi32>
        %le3A_1000 = arith.cmpi sle, %add3A_999, %sub3A_566 : vector<16xi32>
        %convert_element_type3A_1001 = arith.extui %le3A_1000 : vector<16xi1> to vector<16xi32>
        %add3A_1002 = arith.addi %add3A_987, %convert_element_type3A_1001 : vector<16xi32>
        %select_n3A_1003 = arith.select %le3A_1000, %add3A_999, %select_n3A_988 : vector<16xi1>, vector<16xi32>
        %add3A_1004 = arith.addi %add3A_989, %gather3A_892 : vector<16xi32>
        %le3A_1005 = arith.cmpi sle, %add3A_1004, %sub3A_564 : vector<16xi32>
        %convert_element_type3A_1006 = arith.extui %le3A_1005 : vector<16xi1> to vector<16xi32>
        %add3A_1007 = arith.addi %add3A_992, %convert_element_type3A_1006 : vector<16xi32>
        %select_n3A_1008 = arith.select %le3A_1005, %add3A_1004, %select_n3A_993 : vector<16xi1>, vector<16xi32>
        %add3A_1009 = arith.addi %add3A_994, %gather3A_895 : vector<16xi32>
        %le3A_1010 = arith.cmpi sle, %add3A_1009, %sub3A_565 : vector<16xi32>
        %convert_element_type3A_1011 = arith.extui %le3A_1010 : vector<16xi1> to vector<16xi32>
        %add3A_1012 = arith.addi %add3A_997, %convert_element_type3A_1011 : vector<16xi32>
        %select_n3A_1013 = arith.select %le3A_1010, %add3A_1009, %select_n3A_998 : vector<16xi1>, vector<16xi32>
        %add3A_1014 = arith.addi %add3A_999, %gather3A_898 : vector<16xi32>
        %le3A_1015 = arith.cmpi sle, %add3A_1014, %sub3A_566 : vector<16xi32>
        %convert_element_type3A_1016 = arith.extui %le3A_1015 : vector<16xi1> to vector<16xi32>
        %add3A_1017 = arith.addi %add3A_1002, %convert_element_type3A_1016 : vector<16xi32>
        %select_n3A_1018 = arith.select %le3A_1015, %add3A_1014, %select_n3A_1003 : vector<16xi1>, vector<16xi32>
        %add3A_1019 = arith.addi %add3A_1004, %gather3A_907 : vector<16xi32>
        %le3A_1020 = arith.cmpi sle, %add3A_1019, %sub3A_564 : vector<16xi32>
        %convert_element_type3A_1021 = arith.extui %le3A_1020 : vector<16xi1> to vector<16xi32>
        %add3A_1022 = arith.addi %add3A_1007, %convert_element_type3A_1021 : vector<16xi32>
        %select_n3A_1023 = arith.select %le3A_1020, %add3A_1019, %select_n3A_1008 : vector<16xi1>, vector<16xi32>
        %add3A_1024 = arith.addi %add3A_1009, %gather3A_910 : vector<16xi32>
        %le3A_1025 = arith.cmpi sle, %add3A_1024, %sub3A_565 : vector<16xi32>
        %convert_element_type3A_1026 = arith.extui %le3A_1025 : vector<16xi1> to vector<16xi32>
        %add3A_1027 = arith.addi %add3A_1012, %convert_element_type3A_1026 : vector<16xi32>
        %select_n3A_1028 = arith.select %le3A_1025, %add3A_1024, %select_n3A_1013 : vector<16xi1>, vector<16xi32>
        %add3A_1029 = arith.addi %add3A_1014, %gather3A_913 : vector<16xi32>
        %le3A_1030 = arith.cmpi sle, %add3A_1029, %sub3A_566 : vector<16xi32>
        %convert_element_type3A_1031 = arith.extui %le3A_1030 : vector<16xi1> to vector<16xi32>
        %add3A_1032 = arith.addi %add3A_1017, %convert_element_type3A_1031 : vector<16xi32>
        %select_n3A_1033 = arith.select %le3A_1030, %add3A_1029, %select_n3A_1018 : vector<16xi1>, vector<16xi32>
        %mul3A_1034 = arith.constant 8 : i32
        %mul3A_1035 = arith.muli %scan3A_784, %mul3A_1034 : i32
        %add3A_1036 = arith.constant 0 : i32
        %add3A_1037 = arith.addi %mul3A_1035, %add3A_1036 : i32
        %mul3A_1038 = arith.constant 48 : i32
        %mul3A_1039 = arith.muli %add3A_1037, %mul3A_1038 : i32
        %swap3A_1040 = arith.index_cast %mul3A_1039 : i32 to index
        %swap3A_1041 = tpu.vector_load %arg11[%swap3A_1040] {strides = array<i32>} : memref<6144xi32, #tpu.memory_space<vmem>>, vector<16xi32>,
        tpu.vector_store %arg11[%swap3A_1040], %mul3A_3 {strides = array<i32>} : memref<6144xi32, #tpu.memory_space<vmem>>, vector<16xi32>,
        %add3A_1042 = arith.constant 16 : i32
        %add3A_1043 = arith.addi %mul3A_1039, %add3A_1042 : i32
        %swap3A_1044 = arith.index_cast %add3A_1043 : i32 to index
        %swap3A_1045 = tpu.vector_load %arg11[%swap3A_1044] {strides = array<i32>} : memref<6144xi32, #tpu.memory_space<vmem>>, vector<16xi32>,
        tpu.vector_store %arg11[%swap3A_1044], %mul3A_3 {strides = array<i32>} : memref<6144xi32, #tpu.memory_space<vmem>>, vector<16xi32>,
        %add3A_1046 = arith.constant 32 : i32
        %add3A_1047 = arith.addi %mul3A_1039, %add3A_1046 : i32
        %swap3A_1048 = arith.index_cast %add3A_1047 : i32 to index
        %swap3A_1049 = tpu.vector_load %arg11[%swap3A_1048] {strides = array<i32>} : memref<6144xi32, #tpu.memory_space<vmem>>, vector<16xi32>,
        tpu.vector_store %arg11[%swap3A_1048], %mul3A_3 {strides = array<i32>} : memref<6144xi32, #tpu.memory_space<vmem>>, vector<16xi32>,
        %mul3A_1050 = arith.constant 8 : i32
        %mul3A_1051 = arith.muli %scan3A_784, %mul3A_1050 : i32
        %add3A_1052 = arith.constant 1 : i32
        %add3A_1053 = arith.addi %mul3A_1051, %add3A_1052 : i32
        %mul3A_1054 = arith.constant 48 : i32
        %mul3A_1055 = arith.muli %add3A_1053, %mul3A_1054 : i32
        %swap3A_1056 = arith.index_cast %mul3A_1055 : i32 to index
        %swap3A_1057 = tpu.vector_load %arg11[%swap3A_1056] {strides = array<i32>} : memref<6144xi32, #tpu.memory_space<vmem>>, vector<16xi32>,
        tpu.vector_store %arg11[%swap3A_1056], %mul3A_3 {strides = array<i32>} : memref<6144xi32, #tpu.memory_space<vmem>>, vector<16xi32>,
        %add3A_1058 = arith.constant 16 : i32
        %add3A_1059 = arith.addi %mul3A_1055, %add3A_1058 : i32
        %swap3A_1060 = arith.index_cast %add3A_1059 : i32 to index
        %swap3A_1061 = tpu.vector_load %arg11[%swap3A_1060] {strides = array<i32>} : memref<6144xi32, #tpu.memory_space<vmem>>, vector<16xi32>,
        tpu.vector_store %arg11[%swap3A_1060], %mul3A_3 {strides = array<i32>} : memref<6144xi32, #tpu.memory_space<vmem>>, vector<16xi32>,
        %add3A_1062 = arith.constant 32 : i32
        %add3A_1063 = arith.addi %mul3A_1055, %add3A_1062 : i32
        %swap3A_1064 = arith.index_cast %add3A_1063 : i32 to index
        %swap3A_1065 = tpu.vector_load %arg11[%swap3A_1064] {strides = array<i32>} : memref<6144xi32, #tpu.memory_space<vmem>>, vector<16xi32>,
        tpu.vector_store %arg11[%swap3A_1064], %mul3A_3 {strides = array<i32>} : memref<6144xi32, #tpu.memory_space<vmem>>, vector<16xi32>,
        %mul3A_1066 = arith.constant 8 : i32
        %mul3A_1067 = arith.muli %scan3A_784, %mul3A_1066 : i32
        %add3A_1068 = arith.constant 2 : i32
        %add3A_1069 = arith.addi %mul3A_1067, %add3A_1068 : i32
        %mul3A_1070 = arith.constant 48 : i32
        %mul3A_1071 = arith.muli %add3A_1069, %mul3A_1070 : i32
        %swap3A_1072 = arith.index_cast %mul3A_1071 : i32 to index
        %swap3A_1073 = tpu.vector_load %arg11[%swap3A_1072] {strides = array<i32>} : memref<6144xi32, #tpu.memory_space<vmem>>, vector<16xi32>,
        tpu.vector_store %arg11[%swap3A_1072], %mul3A_3 {strides = array<i32>} : memref<6144xi32, #tpu.memory_space<vmem>>, vector<16xi32>,
        %add3A_1074 = arith.constant 16 : i32
        %add3A_1075 = arith.addi %mul3A_1071, %add3A_1074 : i32
        %swap3A_1076 = arith.index_cast %add3A_1075 : i32 to index
        %swap3A_1077 = tpu.vector_load %arg11[%swap3A_1076] {strides = array<i32>} : memref<6144xi32, #tpu.memory_space<vmem>>, vector<16xi32>,
        tpu.vector_store %arg11[%swap3A_1076], %mul3A_3 {strides = array<i32>} : memref<6144xi32, #tpu.memory_space<vmem>>, vector<16xi32>,
        %add3A_1078 = arith.constant 32 : i32
        %add3A_1079 = arith.addi %mul3A_1071, %add3A_1078 : i32
        %swap3A_1080 = arith.index_cast %add3A_1079 : i32 to index
        %swap3A_1081 = tpu.vector_load %arg11[%swap3A_1080] {strides = array<i32>} : memref<6144xi32, #tpu.memory_space<vmem>>, vector<16xi32>,
        tpu.vector_store %arg11[%swap3A_1080], %mul3A_3 {strides = array<i32>} : memref<6144xi32, #tpu.memory_space<vmem>>, vector<16xi32>,
        %mul3A_1082 = arith.constant 8 : i32
        %mul3A_1083 = arith.muli %scan3A_784, %mul3A_1082 : i32
        %add3A_1084 = arith.constant 3 : i32
        %add3A_1085 = arith.addi %mul3A_1083, %add3A_1084 : i32
        %mul3A_1086 = arith.constant 48 : i32
        %mul3A_1087 = arith.muli %add3A_1085, %mul3A_1086 : i32
        %swap3A_1088 = arith.index_cast %mul3A_1087 : i32 to index
        %swap3A_1089 = tpu.vector_load %arg11[%swap3A_1088] {strides = array<i32>} : memref<6144xi32, #tpu.memory_space<vmem>>, vector<16xi32>,
        tpu.vector_store %arg11[%swap3A_1088], %mul3A_3 {strides = array<i32>} : memref<6144xi32, #tpu.memory_space<vmem>>, vector<16xi32>,
        %add3A_1090 = arith.constant 16 : i32
        %add3A_1091 = arith.addi %mul3A_1087, %add3A_1090 : i32
        %swap3A_1092 = arith.index_cast %add3A_1091 : i32 to index
        %swap3A_1093 = tpu.vector_load %arg11[%swap3A_1092] {strides = array<i32>} : memref<6144xi32, #tpu.memory_space<vmem>>, vector<16xi32>,
        tpu.vector_store %arg11[%swap3A_1092], %mul3A_3 {strides = array<i32>} : memref<6144xi32, #tpu.memory_space<vmem>>, vector<16xi32>,
        %add3A_1094 = arith.constant 32 : i32
        %add3A_1095 = arith.addi %mul3A_1087, %add3A_1094 : i32
        %swap3A_1096 = arith.index_cast %add3A_1095 : i32 to index
        %swap3A_1097 = tpu.vector_load %arg11[%swap3A_1096] {strides = array<i32>} : memref<6144xi32, #tpu.memory_space<vmem>>, vector<16xi32>,
        tpu.vector_store %arg11[%swap3A_1096], %mul3A_3 {strides = array<i32>} : memref<6144xi32, #tpu.memory_space<vmem>>, vector<16xi32>,
        %mul3A_1098 = arith.constant 8 : i32
        %mul3A_1099 = arith.muli %scan3A_784, %mul3A_1098 : i32
        %add3A_1100 = arith.constant 4 : i32
        %add3A_1101 = arith.addi %mul3A_1099, %add3A_1100 : i32
        %mul3A_1102 = arith.constant 48 : i32
        %mul3A_1103 = arith.muli %add3A_1101, %mul3A_1102 : i32
        %swap3A_1104 = arith.index_cast %mul3A_1103 : i32 to index
        %swap3A_1105 = tpu.vector_load %arg11[%swap3A_1104] {strides = array<i32>} : memref<6144xi32, #tpu.memory_space<vmem>>, vector<16xi32>,
        tpu.vector_store %arg11[%swap3A_1104], %mul3A_3 {strides = array<i32>} : memref<6144xi32, #tpu.memory_space<vmem>>, vector<16xi32>,
        %add3A_1106 = arith.constant 16 : i32
        %add3A_1107 = arith.addi %mul3A_1103, %add3A_1106 : i32
        %swap3A_1108 = arith.index_cast %add3A_1107 : i32 to index
        %swap3A_1109 = tpu.vector_load %arg11[%swap3A_1108] {strides = array<i32>} : memref<6144xi32, #tpu.memory_space<vmem>>, vector<16xi32>,
        tpu.vector_store %arg11[%swap3A_1108], %mul3A_3 {strides = array<i32>} : memref<6144xi32, #tpu.memory_space<vmem>>, vector<16xi32>,
        %add3A_1110 = arith.constant 32 : i32
        %add3A_1111 = arith.addi %mul3A_1103, %add3A_1110 : i32
        %swap3A_1112 = arith.index_cast %add3A_1111 : i32 to index
        %swap3A_1113 = tpu.vector_load %arg11[%swap3A_1112] {strides = array<i32>} : memref<6144xi32, #tpu.memory_space<vmem>>, vector<16xi32>,
        tpu.vector_store %arg11[%swap3A_1112], %mul3A_3 {strides = array<i32>} : memref<6144xi32, #tpu.memory_space<vmem>>, vector<16xi32>,
        %mul3A_1114 = arith.constant 8 : i32
        %mul3A_1115 = arith.muli %scan3A_784, %mul3A_1114 : i32
        %add3A_1116 = arith.constant 5 : i32
        %add3A_1117 = arith.addi %mul3A_1115, %add3A_1116 : i32
        %mul3A_1118 = arith.constant 48 : i32
        %mul3A_1119 = arith.muli %add3A_1117, %mul3A_1118 : i32
        %swap3A_1120 = arith.index_cast %mul3A_1119 : i32 to index
        %swap3A_1121 = tpu.vector_load %arg11[%swap3A_1120] {strides = array<i32>} : memref<6144xi32, #tpu.memory_space<vmem>>, vector<16xi32>,
        tpu.vector_store %arg11[%swap3A_1120], %mul3A_3 {strides = array<i32>} : memref<6144xi32, #tpu.memory_space<vmem>>, vector<16xi32>,
        %add3A_1122 = arith.constant 16 : i32
        %add3A_1123 = arith.addi %mul3A_1119, %add3A_1122 : i32
        %swap3A_1124 = arith.index_cast %add3A_1123 : i32 to index
        %swap3A_1125 = tpu.vector_load %arg11[%swap3A_1124] {strides = array<i32>} : memref<6144xi32, #tpu.memory_space<vmem>>, vector<16xi32>,
        tpu.vector_store %arg11[%swap3A_1124], %mul3A_3 {strides = array<i32>} : memref<6144xi32, #tpu.memory_space<vmem>>, vector<16xi32>,
        %add3A_1126 = arith.constant 32 : i32
        %add3A_1127 = arith.addi %mul3A_1119, %add3A_1126 : i32
        %swap3A_1128 = arith.index_cast %add3A_1127 : i32 to index
        %swap3A_1129 = tpu.vector_load %arg11[%swap3A_1128] {strides = array<i32>} : memref<6144xi32, #tpu.memory_space<vmem>>, vector<16xi32>,
        tpu.vector_store %arg11[%swap3A_1128], %mul3A_3 {strides = array<i32>} : memref<6144xi32, #tpu.memory_space<vmem>>, vector<16xi32>,
        %mul3A_1130 = arith.constant 8 : i32
        %mul3A_1131 = arith.muli %scan3A_784, %mul3A_1130 : i32
        %add3A_1132 = arith.constant 6 : i32
        %add3A_1133 = arith.addi %mul3A_1131, %add3A_1132 : i32
        %mul3A_1134 = arith.constant 48 : i32
        %mul3A_1135 = arith.muli %add3A_1133, %mul3A_1134 : i32
        %swap3A_1136 = arith.index_cast %mul3A_1135 : i32 to index
        %swap3A_1137 = tpu.vector_load %arg11[%swap3A_1136] {strides = array<i32>} : memref<6144xi32, #tpu.memory_space<vmem>>, vector<16xi32>,
        tpu.vector_store %arg11[%swap3A_1136], %mul3A_3 {strides = array<i32>} : memref<6144xi32, #tpu.memory_space<vmem>>, vector<16xi32>,
        %add3A_1138 = arith.constant 16 : i32
        %add3A_1139 = arith.addi %mul3A_1135, %add3A_1138 : i32
        %swap3A_1140 = arith.index_cast %add3A_1139 : i32 to index
        %swap3A_1141 = tpu.vector_load %arg11[%swap3A_1140] {strides = array<i32>} : memref<6144xi32, #tpu.memory_space<vmem>>, vector<16xi32>,
        tpu.vector_store %arg11[%swap3A_1140], %mul3A_3 {strides = array<i32>} : memref<6144xi32, #tpu.memory_space<vmem>>, vector<16xi32>,
        %add3A_1142 = arith.constant 32 : i32
        %add3A_1143 = arith.addi %mul3A_1135, %add3A_1142 : i32
        %swap3A_1144 = arith.index_cast %add3A_1143 : i32 to index
        %swap3A_1145 = tpu.vector_load %arg11[%swap3A_1144] {strides = array<i32>} : memref<6144xi32, #tpu.memory_space<vmem>>, vector<16xi32>,
        tpu.vector_store %arg11[%swap3A_1144], %mul3A_3 {strides = array<i32>} : memref<6144xi32, #tpu.memory_space<vmem>>, vector<16xi32>,
        %mul3A_1146 = arith.constant 8 : i32
        %mul3A_1147 = arith.muli %scan3A_784, %mul3A_1146 : i32
        %add3A_1148 = arith.constant 7 : i32
        %add3A_1149 = arith.addi %mul3A_1147, %add3A_1148 : i32
        %mul3A_1150 = arith.constant 48 : i32
        %mul3A_1151 = arith.muli %add3A_1149, %mul3A_1150 : i32
        %swap3A_1152 = arith.index_cast %mul3A_1151 : i32 to index
        %swap3A_1153 = tpu.vector_load %arg11[%swap3A_1152] {strides = array<i32>} : memref<6144xi32, #tpu.memory_space<vmem>>, vector<16xi32>,
        tpu.vector_store %arg11[%swap3A_1152], %mul3A_3 {strides = array<i32>} : memref<6144xi32, #tpu.memory_space<vmem>>, vector<16xi32>,
        %add3A_1154 = arith.constant 16 : i32
        %add3A_1155 = arith.addi %mul3A_1151, %add3A_1154 : i32
        %swap3A_1156 = arith.index_cast %add3A_1155 : i32 to index
        %swap3A_1157 = tpu.vector_load %arg11[%swap3A_1156] {strides = array<i32>} : memref<6144xi32, #tpu.memory_space<vmem>>, vector<16xi32>,
        tpu.vector_store %arg11[%swap3A_1156], %mul3A_3 {strides = array<i32>} : memref<6144xi32, #tpu.memory_space<vmem>>, vector<16xi32>,
        %add3A_1158 = arith.constant 32 : i32
        %add3A_1159 = arith.addi %mul3A_1151, %add3A_1158 : i32
        %swap3A_1160 = arith.index_cast %add3A_1159 : i32 to index
        %swap3A_1161 = tpu.vector_load %arg11[%swap3A_1160] {strides = array<i32>} : memref<6144xi32, #tpu.memory_space<vmem>>, vector<16xi32>,
        tpu.vector_store %arg11[%swap3A_1160], %mul3A_3 {strides = array<i32>} : memref<6144xi32, #tpu.memory_space<vmem>>, vector<16xi32>,
        scf.yield %add3A_1019, %add3A_1024, %add3A_1029, %add3A_1022, %add3A_1027, %add3A_1032, %select_n3A_1023, %select_n3A_1028, %select_n3A_1033 : vector<16xi32>, vector<16xi32>, vector<16xi32>, vector<16xi32>, vector<16xi32>, vector<16xi32>, vector<16xi32>, vector<16xi32>, vector<16xi32>
      }
      %scan3A_649 = arith.constant 16 : i32
      tpu.vector_store_idx %arg8[%select_n3A_184], %add3A_9 : memref<2048xi32, #tpu.memory_space<vmem>>[vector<16xi32>], vector<16xi32>,
      tpu.vector_store_idx %arg9[%add3A_491], %add3A_9 : memref<6144xi32, #tpu.memory_space<vmem>>[vector<16xi32>], vector<16xi32>,
      tpu.vector_store_idx %arg10[%add3A_570], %add3A_9 : memref<6144xi32, #tpu.memory_space<vmem>>[vector<16xi32>], vector<16xi32>,
      tpu.vector_store_idx %arg8[%select_n3A_283], %add3A_9 : memref<2048xi32, #tpu.memory_space<vmem>>[vector<16xi32>], vector<16xi32>,
      tpu.vector_store_idx %arg9[%add3A_495], %add3A_9 : memref<6144xi32, #tpu.memory_space<vmem>>[vector<16xi32>], vector<16xi32>,
      tpu.vector_store_idx %arg10[%add3A_574], %add3A_9 : memref<6144xi32, #tpu.memory_space<vmem>>[vector<16xi32>], vector<16xi32>,
      tpu.vector_store_idx %arg8[%select_n3A_382], %add3A_9 : memref<2048xi32, #tpu.memory_space<vmem>>[vector<16xi32>], vector<16xi32>,
      tpu.vector_store_idx %arg9[%add3A_499], %add3A_9 : memref<6144xi32, #tpu.memory_space<vmem>>[vector<16xi32>], vector<16xi32>,
      tpu.vector_store_idx %arg10[%add3A_578], %add3A_9 : memref<6144xi32, #tpu.memory_space<vmem>>[vector<16xi32>], vector<16xi32>,
      %shift_left3A = arith.constant 21 : i32
      %shift_left3A_650 = vector.broadcast %shift_left3A : i32 to vector<16xi32>
      %shift_left3A_651 = arith.shli %select_n3A_184, %shift_left3A_650 : vector<16xi32>
      %shift_left3A_652 = arith.constant 14 : i32
      %shift_left3A_653 = vector.broadcast %shift_left3A_652 : i32 to vector<16xi32>
      %shift_left3A_654 = arith.shli %scan3A_483#3, %shift_left3A_653 : vector<16xi32>
      %or3A_655 = arith.ori %shift_left3A_651, %shift_left3A_654 : vector<16xi32>
      %shift_left3A_656 = arith.constant 7 : i32
      %shift_left3A_657 = vector.broadcast %shift_left3A_656 : i32 to vector<16xi32>
      %shift_left3A_658 = arith.shli %scan3A_562#3, %shift_left3A_657 : vector<16xi32>
      %or3A_659 = arith.ori %shift_left3A_658, %scan3A_648#3 : vector<16xi32>
      %or3A_660 = arith.ori %or3A_655, %or3A_659 : vector<16xi32>
      %shift_right_arithmetic3A = arith.constant 31 : i32
      %shift_right_arithmetic3A_661 = vector.broadcast %shift_right_arithmetic3A : i32 to vector<16xi32>
      %shift_right_arithmetic3A_662 = arith.shrsi %or3A_660, %shift_right_arithmetic3A_661 : vector<16xi32>
      %xor3A = arith.constant -1 : i32
      %xor3A_663 = vector.broadcast %xor3A : i32 to vector<16xi32>
      %xor3A_664 = arith.xori %shift_right_arithmetic3A_662, %xor3A_663 : vector<16xi32>
      %and3A = arith.constant 2147483647 : i32
      %and3A_665 = vector.broadcast %and3A : i32 to vector<16xi32>
      %and3A_666 = arith.andi %and3A_665, %xor3A_664 : vector<16xi32>
      %or3A_667 = arith.constant -2147483648 : i32
      %or3A_668 = vector.broadcast %or3A_667 : i32 to vector<16xi32>
      %or3A_669 = arith.ori %or3A_668, %and3A_666 : vector<16xi32>
      %xor3A_670 = arith.xori %or3A_660, %or3A_669 : vector<16xi32>
      %bitcast_convert_type3A = tpu.bitcast %xor3A_670 : vector<16xi32> -> vector<16xf32>
      %swap3A_671 = arith.constant 0 : index
      %swap3A_672 = tpu.vector_load %arg15[%swap3A_671] {strides = array<i32>} : memref<64xf32, #tpu.memory_space<vmem>>, vector<16xf32>,
      tpu.vector_store %arg15[%swap3A_671], %bitcast_convert_type3A {strides = array<i32>} : memref<64xf32, #tpu.memory_space<vmem>>, vector<16xf32>,
      %shift_left3A_673 = arith.constant 21 : i32
      %shift_left3A_674 = vector.broadcast %shift_left3A_673 : i32 to vector<16xi32>
      %shift_left3A_675 = arith.shli %select_n3A_283, %shift_left3A_674 : vector<16xi32>
      %shift_left3A_676 = arith.constant 14 : i32
      %shift_left3A_677 = vector.broadcast %shift_left3A_676 : i32 to vector<16xi32>
      %shift_left3A_678 = arith.shli %scan3A_483#4, %shift_left3A_677 : vector<16xi32>
      %or3A_679 = arith.ori %shift_left3A_675, %shift_left3A_678 : vector<16xi32>
      %shift_left3A_680 = arith.constant 7 : i32
      %shift_left3A_681 = vector.broadcast %shift_left3A_680 : i32 to vector<16xi32>
      %shift_left3A_682 = arith.shli %scan3A_562#4, %shift_left3A_681 : vector<16xi32>
      %or3A_683 = arith.ori %shift_left3A_682, %scan3A_648#4 : vector<16xi32>
      %or3A_684 = arith.ori %or3A_679, %or3A_683 : vector<16xi32>
      %shift_right_arithmetic3A_685 = arith.constant 31 : i32
      %shift_right_arithmetic3A_686 = vector.broadcast %shift_right_arithmetic3A_685 : i32 to vector<16xi32>
      %shift_right_arithmetic3A_687 = arith.shrsi %or3A_684, %shift_right_arithmetic3A_686 : vector<16xi32>
      %xor3A_688 = arith.constant -1 : i32
      %xor3A_689 = vector.broadcast %xor3A_688 : i32 to vector<16xi32>
      %xor3A_690 = arith.xori %shift_right_arithmetic3A_687, %xor3A_689 : vector<16xi32>
      %and3A_691 = arith.constant 2147483647 : i32
      %and3A_692 = vector.broadcast %and3A_691 : i32 to vector<16xi32>
      %and3A_693 = arith.andi %and3A_692, %xor3A_690 : vector<16xi32>
      %or3A_694 = arith.constant -2147483648 : i32
      %or3A_695 = vector.broadcast %or3A_694 : i32 to vector<16xi32>
      %or3A_696 = arith.ori %or3A_695, %and3A_693 : vector<16xi32>
      %xor3A_697 = arith.xori %or3A_684, %or3A_696 : vector<16xi32>
      %bitcast_convert_type3A_698 = tpu.bitcast %xor3A_697 : vector<16xi32> -> vector<16xf32>
      %swap3A_699 = arith.constant 16 : index
      %swap3A_700 = tpu.vector_load %arg15[%swap3A_699] {strides = array<i32>} : memref<64xf32, #tpu.memory_space<vmem>>, vector<16xf32>,
      tpu.vector_store %arg15[%swap3A_699], %bitcast_convert_type3A_698 {strides = array<i32>} : memref<64xf32, #tpu.memory_space<vmem>>, vector<16xf32>,
      %shift_left3A_701 = arith.constant 21 : i32
      %shift_left3A_702 = vector.broadcast %shift_left3A_701 : i32 to vector<16xi32>
      %shift_left3A_703 = arith.shli %select_n3A_382, %shift_left3A_702 : vector<16xi32>
      %shift_left3A_704 = arith.constant 14 : i32
      %shift_left3A_705 = vector.broadcast %shift_left3A_704 : i32 to vector<16xi32>
      %shift_left3A_706 = arith.shli %scan3A_483#5, %shift_left3A_705 : vector<16xi32>
      %or3A_707 = arith.ori %shift_left3A_703, %shift_left3A_706 : vector<16xi32>
      %shift_left3A_708 = arith.constant 7 : i32
      %shift_left3A_709 = vector.broadcast %shift_left3A_708 : i32 to vector<16xi32>
      %shift_left3A_710 = arith.shli %scan3A_562#5, %shift_left3A_709 : vector<16xi32>
      %or3A_711 = arith.ori %shift_left3A_710, %scan3A_648#5 : vector<16xi32>
      %or3A_712 = arith.ori %or3A_707, %or3A_711 : vector<16xi32>
      %shift_right_arithmetic3A_713 = arith.constant 31 : i32
      %shift_right_arithmetic3A_714 = vector.broadcast %shift_right_arithmetic3A_713 : i32 to vector<16xi32>
      %shift_right_arithmetic3A_715 = arith.shrsi %or3A_712, %shift_right_arithmetic3A_714 : vector<16xi32>
      %xor3A_716 = arith.constant -1 : i32
      %xor3A_717 = vector.broadcast %xor3A_716 : i32 to vector<16xi32>
      %xor3A_718 = arith.xori %shift_right_arithmetic3A_715, %xor3A_717 : vector<16xi32>
      %and3A_719 = arith.constant 2147483647 : i32
      %and3A_720 = vector.broadcast %and3A_719 : i32 to vector<16xi32>
      %and3A_721 = arith.andi %and3A_720, %xor3A_718 : vector<16xi32>
      %or3A_722 = arith.constant -2147483648 : i32
      %or3A_723 = vector.broadcast %or3A_722 : i32 to vector<16xi32>
      %or3A_724 = arith.ori %or3A_723, %and3A_721 : vector<16xi32>
      %xor3A_725 = arith.xori %or3A_712, %or3A_724 : vector<16xi32>
      %bitcast_convert_type3A_726 = tpu.bitcast %xor3A_725 : vector<16xi32> -> vector<16xf32>
      %swap3A_727 = arith.constant 32 : index
      %swap3A_728 = tpu.vector_load %arg15[%swap3A_727] {strides = array<i32>} : memref<64xf32, #tpu.memory_space<vmem>>, vector<16xf32>,
      tpu.vector_store %arg15[%swap3A_727], %bitcast_convert_type3A_726 {strides = array<i32>} : memref<64xf32, #tpu.memory_space<vmem>>, vector<16xf32>,
      %swap3A_729 = arith.constant 48 : index
      %swap3A_730 = tpu.vector_load %arg15[%swap3A_729] {strides = array<i32>} : memref<64xf32, #tpu.memory_space<vmem>>, vector<16xf32>,
      tpu.vector_store %arg15[%swap3A_729], %convert_element_type3A {strides = array<i32>} : memref<64xf32, #tpu.memory_space<vmem>>, vector<16xf32>,
      %mul3A_731 = arith.constant 2 : i32
      %mul3A_732 = vector.broadcast %mul3A_731 : i32 to vector<16xi32>
      %mul3A_733 = arith.muli %iota3A, %mul3A_732 : vector<16xi32>
      %gather3A_734 = tpu.vector_load_idx %arg15[%mul3A_733] : memref<64xf32, #tpu.memory_space<vmem>>[vector<16xi32>], vector<16xf32>,
      %mul3A_735 = arith.constant 2 : i32
      %mul3A_736 = vector.broadcast %mul3A_735 : i32 to vector<16xi32>
      %mul3A_737 = arith.muli %iota3A, %mul3A_736 : vector<16xi32>
      %add3A_738 = arith.constant 1 : i32
      %add3A_739 = vector.broadcast %add3A_738 : i32 to vector<16xi32>
      %add3A_740 = arith.addi %mul3A_737, %add3A_739 : vector<16xi32>
      %gather3A_741 = tpu.vector_load_idx %arg15[%add3A_740] : memref<64xf32, #tpu.memory_space<vmem>>[vector<16xi32>], vector<16xf32>,
      %sub3A_742 = arith.constant 1.000000e+00 : f32
      %sub3A_743 = vector.broadcast %sub3A_742 : f32 to vector<16xf32>
      %sub3A_744 = arith.subf %sub3A_743, %get3A_16 : vector<16xf32>
      %mul3A_745 = arith.mulf %gather3A_734, %sub3A_744 : vector<16xf32>
      %mul3A_746 = arith.mulf %gather3A_741, %get3A_16 : vector<16xf32>
      %add3A_747 = arith.addf %mul3A_745, %mul3A_746 : vector<16xf32>
      %mul3A_748 = arith.constant 2 : i32
      %mul3A_749 = vector.broadcast %mul3A_748 : i32 to vector<16xi32>
      %mul3A_750 = arith.muli %iota3A, %mul3A_749 : vector<16xi32>
      %add3A_751 = arith.constant 32 : i32
      %add3A_752 = vector.broadcast %add3A_751 : i32 to vector<16xi32>
      %add3A_753 = arith.addi %mul3A_750, %add3A_752 : vector<16xi32>
      %gather3A_754 = tpu.vector_load_idx %arg15[%add3A_753] : memref<64xf32, #tpu.memory_space<vmem>>[vector<16xi32>], vector<16xf32>,
      %mul3A_755 = arith.constant 2 : i32
      %mul3A_756 = vector.broadcast %mul3A_755 : i32 to vector<16xi32>
      %mul3A_757 = arith.muli %iota3A, %mul3A_756 : vector<16xi32>
      %add3A_758 = arith.constant 32 : i32
      %add3A_759 = vector.broadcast %add3A_758 : i32 to vector<16xi32>
      %add3A_760 = arith.addi %mul3A_757, %add3A_759 : vector<16xi32>
      %add3A_761 = arith.constant 1 : i32
      %add3A_762 = vector.broadcast %add3A_761 : i32 to vector<16xi32>
      %add3A_763 = arith.addi %add3A_760, %add3A_762 : vector<16xi32>
      %gather3A_764 = tpu.vector_load_idx %arg15[%add3A_763] : memref<64xf32, #tpu.memory_space<vmem>>[vector<16xi32>], vector<16xf32>,
      %sub3A_765 = arith.constant 1.000000e+00 : f32
      %sub3A_766 = vector.broadcast %sub3A_765 : f32 to vector<16xf32>
      %sub3A_767 = arith.subf %sub3A_766, %get3A_18 : vector<16xf32>
      %mul3A_768 = arith.mulf %gather3A_754, %sub3A_767 : vector<16xf32>
      %mul3A_769 = arith.mulf %gather3A_764, %get3A_18 : vector<16xf32>
      %add3A_770 = arith.addf %mul3A_768, %mul3A_769 : vector<16xf32>
      %lt3A_771 = arith.constant 4 : i32
      %lt3A_772 = vector.broadcast %lt3A_771 : i32 to vector<16xi32>
      %lt3A_773 = arith.cmpi slt, %iota3A, %lt3A_772 : vector<16xi32>
      %jit3A_774 = arith.constant 0.000000e+00 : f32
      %broadcast_in_dim3A_775 = vector.broadcast %jit3A_774 : f32 to vector<16xf32>
      %select_n3A_776 = arith.select %lt3A_773, %add3A_770, %broadcast_in_dim3A_775 : vector<16xi1>, vector<16xf32>
      %swap3A_777 = arith.index_cast %scan3A_55 : i32 to index
      %swap3A_778 = arith.constant 0 : index
      %swap3A_779 = tpu.vector_load %arg16[%swap3A_777, %swap3A_778] {strides = array<i32>} : memref<32x32xf32, #tpu.memory_space<vmem>>, vector<16xf32>,
      tpu.vector_store %arg16[%swap3A_777, %swap3A_778], %add3A_747 {strides = array<i32>} : memref<32x32xf32, #tpu.memory_space<vmem>>, vector<16xf32>,
      %swap3A_780 = arith.index_cast %scan3A_55 : i32 to index
      %swap3A_781 = arith.constant 16 : index
      %swap3A_782 = tpu.vector_load %arg16[%swap3A_780, %swap3A_781] {strides = array<i32>} : memref<32x32xf32, #tpu.memory_space<vmem>>, vector<16xf32>,
      tpu.vector_store %arg16[%swap3A_780, %swap3A_781], %select_n3A_776 {strides = array<i32>} : memref<32x32xf32, #tpu.memory_space<vmem>>, vector<16xf32>,
      %scan3A_783 = arith.constant 0 : i32
      scf.yield %scan3A_783 : i32
    }
    %scan3A_52 = arith.constant 32 : i32
    %mul3A_53 = arith.constant 32 : i32
    %mul3A_54 = arith.muli %add3A, %mul3A_53 : i32
    "tpu.region"() ({
      %run_scoped3A = tpu.sem_alloc : memref<!tpu.dma_semaphore, #tpu.memory_space<semaphore_mem>>
      %dma_start3A_55 = arith.constant 0 : i32
      %dma_start3A_56 = tpu.memref_slice %arg5[%mul3A_54, %dma_start3A_55] : memref<1024x32xf32, #tpu.memory_space<hbm>> -> memref<32x32xf32, #tpu.memory_space<hbm>>
      %dma_start3A_57 = arith.constant 0 : i32
      %dma_start3A_58 = tpu.memref_slice %arg5[%mul3A_54, %dma_start3A_57] : memref<1024x32xf32, #tpu.memory_space<hbm>> -> memref<32x32xf32, #tpu.memory_space<hbm>>
      tpu.enqueue_dma source(%arg16 : memref<32x32xf32, #tpu.memory_space<vmem>>) target(%dma_start3A_58 : memref<32x32xf32, #tpu.memory_space<hbm>>) target_semaphore(%run_scoped3A : memref<!tpu.dma_semaphore, #tpu.memory_space<semaphore_mem>>)
      %dma_wait3A = arith.constant 0 : i32
      %dma_wait3A_59 = tpu.memref_slice %arg5[%mul3A_54, %dma_wait3A] : memref<1024x32xf32, #tpu.memory_space<hbm>> -> memref<32x32xf32, #tpu.memory_space<hbm>>
      %dma_wait3A_60 = arith.constant 0 : i32
      %dma_wait3A_61 = tpu.memref_slice %arg5[%mul3A_54, %dma_wait3A_60] : memref<1024x32xf32, #tpu.memory_space<hbm>> -> memref<32x32xf32, #tpu.memory_space<hbm>>
      tpu.wait_dma2 semaphore(%run_scoped3A : memref<!tpu.dma_semaphore, #tpu.memory_space<semaphore_mem>>) src(%arg16 : memref<32x32xf32, #tpu.memory_space<vmem>>) dst(%dma_wait3A_61 : memref<32x32xf32, #tpu.memory_space<hbm>>)
      tpu.yield
    }) : () -> ()
    return
  }
}

module attributes {stable_mosaic.version = 14 : i64} {
  func.func @_mlp_body(%arg0: memref<1024x32xf32, #tpu.memory_space<vmem>>, %arg1: memref<32x32xf32, #tpu.memory_space<vmem>>, %arg2: memref<1x32xf32, #tpu.memory_space<vmem>>, %arg3: memref<32x16xf32, #tpu.memory_space<vmem>>, %arg4: memref<1x16xf32, #tpu.memory_space<vmem>>, %arg5: memref<1024x16xf32, #tpu.memory_space<vmem>>) attributes {dimension_semantics = [], scalar_prefetch = 0 : i64, scratch_operands = 0 : i64, tpu.core_type = #tpu.core_type<tc>} {
    %get3A = arith.constant 0 : index
    %get3A_0 = arith.constant 0 : index
    %get3A_1 = vector.load %arg0[%get3A, %get3A_0] : memref<1024x32xf32, #tpu.memory_space<vmem>>, vector<1024x32xf32>
    %get3A_2 = arith.constant 0 : index
    %get3A_3 = arith.constant 0 : index
    %get3A_4 = vector.load %arg1[%get3A_2, %get3A_3] : memref<32x32xf32, #tpu.memory_space<vmem>>, vector<32x32xf32>
    %dot_general3A = arith.constant dense<0.000000e+00> : vector<1024x32xf32>
    %dot_general3A_5 = tpu.matmul %get3A_1, %get3A_4, %dot_general3A {dimension_numbers = #tpu.dot_dimension_numbers<[1], [0], [0], [1], [0, 0, 1, 1], [], []>, transpose_lhs_hint = false} : vector<1024x32xf32>, vector<32x32xf32>, vector<1024x32xf32> -> vector<1024x32xf32>
    %get3A_6 = arith.constant 0 : index
    %get3A_7 = arith.constant 0 : index
    %get3A_8 = vector.load %arg2[%get3A_6, %get3A_7] : memref<1x32xf32, #tpu.memory_space<vmem>>, vector<1x32xf32>
    %add3A = vector.broadcast %get3A_8 : vector<1x32xf32> to vector<1024x32xf32>
    %add3A_9 = arith.addf %dot_general3A_5, %add3A : vector<1024x32xf32>
    %max3A = arith.constant 0.000000e+00 : f32
    %max3A_10 = vector.broadcast %max3A : f32 to vector<1024x32xf32>
    %max3A_11 = arith.maximumf %add3A_9, %max3A_10 : vector<1024x32xf32>
    %get3A_12 = arith.constant 0 : index
    %get3A_13 = arith.constant 0 : index
    %get3A_14 = vector.load %arg3[%get3A_12, %get3A_13] : memref<32x16xf32, #tpu.memory_space<vmem>>, vector<32x16xf32>
    %dot_general3A_15 = arith.constant dense<0.000000e+00> : vector<1024x16xf32>
    %dot_general3A_16 = tpu.matmul %max3A_11, %get3A_14, %dot_general3A_15 {dimension_numbers = #tpu.dot_dimension_numbers<[1], [0], [0], [1], [0, 0, 1, 1], [], []>, transpose_lhs_hint = false} : vector<1024x32xf32>, vector<32x16xf32>, vector<1024x16xf32> -> vector<1024x16xf32>
    %get3A_17 = arith.constant 0 : index
    %get3A_18 = arith.constant 0 : index
    %get3A_19 = vector.load %arg4[%get3A_17, %get3A_18] : memref<1x16xf32, #tpu.memory_space<vmem>>, vector<1x16xf32>
    %add3A_20 = vector.broadcast %get3A_19 : vector<1x16xf32> to vector<1024x16xf32>
    %add3A_21 = arith.addf %dot_general3A_16, %add3A_20 : vector<1024x16xf32>
    %swap3A = arith.constant 0 : index
    %swap3A_22 = arith.constant 0 : index
    %swap3A_23 = vector.load %arg5[%swap3A, %swap3A_22] : memref<1024x16xf32, #tpu.memory_space<vmem>>, vector<1024x16xf32>
    tpu.vector_store %arg5[%swap3A, %swap3A_22], %add3A_21 {strides = array<i32>} : memref<1024x16xf32, #tpu.memory_space<vmem>>, vector<1024x16xf32>,
    return
  }
}

</mosaic_0001>

<sc_bundles>
// kernel: kernel.4.cloned.1.call-start
scs
__scs_entry_jumppad:
0x0: {  	(pc) =	sbr.rel $0x88, $3  }
0x1: {  	(tag) =	ssettag $0x0;
	lr =	simm.s32 $0x1  }
0x2: {  	[smem:$0x3F9C] =	sst lr;
	_ =	strace $0xD0000000  }
0x3: {  	_ = 	snop  }
0x4: {  	_ = 	snop  }
0x5: {  	_ = 	snop  }
0x6: {  	_ = 	snop  }
0x7: {  	_ = 	snop  }
__scs_overlays_trampoline_lowered:
0x8: {  	[smem:$0x3FAB] =	sst s0  }
0x9: {  	[smem:$0x3FAC] =	sst s1  }
0xa: {  	[smem:$0x3FAD] =	sst s2  }
0xb: {  	[smem:$0x3FAE] =	sst s3  }
0xc: {  	[smem:$0x3FAF] =	sst s4  }
0xd: {  	[smem:$0x3FB0] =	sst s5  }
0xe: {  	[smem:$0x3FB1] =	sst s6  }
0xf: {  	[smem:$0x3FB2] =	sst s7  }
0x10: {  	[smem:$0x3FB3] =	sst s8  }
0x11: {  	[smem:$0x3FB4] =	sst s9;
	s0 =	simm.s32 @!p0 $0x0  }
0x12: {  	s1 =	sld [smem:$0x3F9A];
	s0 =	simm.s32 @p0 $0x1  }
0x13: {  	[smem:$0x3FB5] =	sst s0;
	s0 =	simm.s32 @!p1 $0x0  }
0x14: {  	s2 =	sld [smem:$0x3F99];
	s0 =	simm.s32 @p1 $0x1  }
0x15: {  	[smem:$0x3FB6] =	sst s0;
	s0 =	simm.s32 @!p2 $0x0  }
0x16: {  	s3 =	sld [smem:$0x3FDB];
	s0 =	simm.s32 @p2 $0x1  }
0x17: {  	s4 =	simm.s32 $0x1BF5;
	[smem:$0x3FB8] =	sst s0  }
0x18: {  	s0 =	sld [smem:$0x3F9B];
	_ =	swait.ge [sflag:s4], $0x0  }
0x19: {  	s7 =	sld [smem:$0x3F9C]  }
0x1a: {  	s8 =	sadd.s32 $0xFFFFE003, lr  }
0x1b: {  	s9 =	sadd.s32 $0xFFFFFEF7, lr;
	s5 =	simm.s32 $0xFFFFFFFF;
	p2 =	slt.u32 s8, $0xFFFFF086  }
0x1c: {  	p1 =	slt.u32 s9, $0xF7A;
	s5 =	simm.s32 @!p2 $0x0  }
0x1d: {  	s5 =	simm.s32 @p1 $0x1;
	p0 =	seq.s32 s7, s2  }
0x1e: {  	s7 =	smul.u32 @!p0 $0xF7A, s2;
	p2 =	seq.s32 @!p0 s5, $0x0  }
0x1f: {  	s9 =	smul.u32 $0xF7A, s1;
	s8 =	simm.s32 @!p0 $0x1BF5;
	p2 =	por !p2, p0  }
0x20: {  	[sflag:s8] =	ssyncset.s32 @!p0 $0xFFFFF086;
	s6 =	sadd.s32 @!p0 s3, s7;
	s7 =	simm.s32 @!p0 $0x108  }
0x21: {  	s3 =	sadd.s32 s3, s9;
	s6 =	sadd.s32 @!p0 $0x88, s6;
	s7 =	simm.s32 @p2 $0x1082  }
0x22: {  	[simem:s7], [sflag:s8] =	dma.local @!p0 [hbm:s6], $0xF7A  }
0x23: {  	s9 =	sor.u32 $0xD0000000, s2;
	s6 =	simm.s32 $0x108;
	_ =	swait.ge @!p0 [sflag:s8], $0x0  }
0x24: {  	s3 =	sadd.s32 $0x88, s3;
	s6 =	simm.s32 @!p1 $0x1082;
	[sflag:s4] =	ssyncset.s32 $0xFFFFF086  }
0x25: {  	[simem:s6], [sflag:s4] =	dma.local [hbm:s3], $0xF7A  }
0x26: {  	[smem:$0x3F9C] =	sst s1;
	(tag) =	ssettag s2;
	_ =	strace s9  }
0x27: {  	s1 =	sld [smem:$0x3FAC]  }
0x28: {  	s2 =	sld [smem:$0x3FAD]  }
0x29: {  	s4 =	sld [smem:$0x3FAF]  }
0x2a: {  	p0 =	seq.s32 s5, $0x0;
	s5 =	sld [smem:$0x3FB0]  }
0x2b: {  	s6 =	sld [smem:$0x3FB1]  }
0x2c: {  	s7 =	sld [smem:$0x3FB2]  }
0x2d: {  	s3 =	simm.s32 $0x108;
	s8 =	sld [smem:$0x3FB3]  }
0x2e: {  	s3 =	simm.s32 @!p0 $0x1082;
	s9 =	sld [smem:$0x3FB4]  }
0x2f: {  	lr =	sadd.s32 s0, s3;
	s0 =	sld [smem:$0x3FAB]  }
0x30: {  	s3 =	sld [smem:$0x3FAE]  }
0x31: {  	[smem:$0x3FB7] =	sst s10  }
0x32: {  	s10 =	sld [smem:$0x3FB5];
	_ =	sdelay $0x3  }
0x33: {  	p0 =	seq.s32 s10, $0x1;
	s10 =	sld [smem:$0x3FB7];
	_ =	sdelay $0x3  }
0x34: {  	[smem:$0x3FB7] =	sst s10  }
0x35: {  	s10 =	sld [smem:$0x3FB6];
	_ =	sdelay $0x3  }
0x36: {  	p1 =	seq.s32 s10, $0x1;
	s10 =	sld [smem:$0x3FB7];
	_ =	sdelay $0x3  }
0x37: {  	[smem:$0x3FB7] =	sst s10  }
0x38: {  	s10 =	sld [smem:$0x3FB8]  }
0x39: {  	_ = 	snop;
	(pc) =	sbr.ind lr, $3  }
0x3a: {  	_ = 	snop  }
0x3b: {  	_ = 	snop  }
0x3c: {  	p2 =	seq.s32 s10, $0x1;
	s10 =	sld [smem:$0x3FB7]  }
0x3d: {  	_ =	shalt  }
0x3e: {  	_ =	shalt  }
0x3f: {  	_ =	shalt  }
0x40: {  	_ =	shalt  }
0x41: {  	_ =	shalt  }
0x42: {  	_ =	shalt  }
0x43: {  	_ =	shalt  }
0x44: {  	_ =	shalt  }
0x45: {  	_ =	shalt  }
0x46: {  	_ =	shalt  }
0x47: {  	_ =	shalt  }
0x48: {  	_ =	shalt  }
0x49: {  	_ =	shalt  }
0x4a: {  	_ =	shalt  }
0x4b: {  	_ =	shalt  }
0x4c: {  	_ =	shalt  }
0x4d: {  	_ =	shalt  }
0x4e: {  	_ =	shalt  }
0x4f: {  	_ =	shalt  }
0x50: {  	_ =	shalt  }
0x51: {  	_ =	shalt  }
0x52: {  	_ =	shalt  }
0x53: {  	_ =	shalt  }
0x54: {  	_ =	shalt  }
0x55: {  	_ =	shalt  }
0x56: {  	_ =	shalt  }
0x57: {  	_ =	shalt  }
0x58: {  	_ =	shalt  }
0x59: {  	_ =	shalt  }
0x5a: {  	_ =	shalt  }
0x5b: {  	_ =	shalt  }
0x5c: {  	_ =	shalt  }
0x5d: {  	_ =	shalt  }
0x5e: {  	_ =	shalt  }
0x5f: {  	_ =	shalt  }
0x60: {  	_ =	shalt  }
0x61: {  	_ =	shalt  }
0x62: {  	_ =	shalt  }
0x63: {  	_ =	shalt  }
0x64: {  	_ =	shalt  }
0x65: {  	_ =	shalt  }
0x66: {  	_ =	shalt  }
0x67: {  	_ =	shalt  }
0x68: {  	_ =	shalt  }
0x69: {  	_ =	shalt  }
0x6a: {  	_ =	shalt  }
0x6b: {  	_ =	shalt  }
0x6c: {  	_ =	shalt  }
0x6d: {  	_ =	shalt  }
0x6e: {  	_ =	shalt  }
0x6f: {  	_ =	shalt  }
0x70: {  	_ =	shalt  }
0x71: {  	_ =	shalt  }
0x72: {  	_ =	shalt  }
0x73: {  	_ =	shalt  }
0x74: {  	_ =	shalt  }
0x75: {  	_ =	shalt  }
0x76: {  	_ =	shalt  }
0x77: {  	_ =	shalt  }
0x78: {  	_ =	shalt  }
0x79: {  	_ =	shalt  }
0x7a: {  	_ =	shalt  }
0x7b: {  	_ =	shalt  }
0x7c: {  	_ =	shalt  }
0x7d: {  	_ =	shalt  }
0x7e: {  	_ =	shalt  }
0x7f: {  	_ =	shalt  }
0x80: {  	_ =	shalt  }
0x81: {  	_ =	shalt  }
0x82: {  	_ =	shalt  }
0x83: {  	_ =	shalt  }
0x84: {  	_ =	shalt  }
0x85: {  	_ =	shalt  }
0x86: {  	_ =	shalt  }
0x87: {  	_ =	shalt  }
.Lfunc_end0:
.L_simem_size_0:
called_computation_lowered:
.L_overlay_start_0:
0x88: {  	s2 =	sld [smem:$0x3FD9]  }
0x89: {  	s3 =	sld [smem:$0x3FFE];
	_ =	sdelay $0x1  }
0x8a: {  	s1 =	srdreg.scid  }
0x8b: {  	s0 =	sand.u32 $0x1, s1  }
0x8c: {  	s17 =	sshll.u32 s0, $0xA;
	s2 =	sadd.s32 s3, s2  }
0x8d: {  	s2 =	sadd.s32 s2, s17  }
0x8e: {  	[smem:$0x3FC3] =	sst s2  }
0x8f: {  	_ = 	snop  }
0x90: {  	s2 =	sld [smem:$0x3FC9]  }
0x91: {  	s18 =	sld [smem:$0x3FD0];
	(tm) =	ssettm $0x1  }
0x92: {  	s4 =	sld [smem:$0x3FFB];
	_ =	sdelay $0x3  }
0x93: {  	_ =	strace s4  }
0x94: {  	s4 =	sld [smem:$0x3FFC];
	_ =	sdelay $0x3  }
0x95: {  	_ =	strace s4  }
0x96: {  	s4 =	sld [smem:$0x3FFD];
	_ =	sdelay $0x3  }
0x97: {  	_ =	strace s4  }
0x98: {  	_ =	strace $0x8FFFFFFF  }
0x99: {  	s19 =	sld [smem:$0x3FDB];
	_ =	sdelay $0x1  }
0x9a: {  	s5 =	simm.s32 $_scs_section_size  }
0x9b: {  	s6 =	simm.s32 $_size__tile_overlayer_lowered;
	s7 =	simm.s32 $_tile_overlayer_lowered  }
0x9c: {  	s22 =	simm.s32 $0x1BFF;
	s21 =	sshll.u32 s7, $0x1;
	s4 =	sadd.s32 s5, s19  }
0x9d: {  	s8 =	simm.s32 $0x0;
	s20 =	sshll.u32 s6, $0x1;
	s6 =	sadd.s32 s21, s4  }
0x9e: {  	[timem:s8], [sflag:s22] =	dma.local [hbm:s6], s20  }
0x9f: {  	_ =	swait.ge [sflag:s22], s20  }
0xa0: {  	s5 =	ssub.s32 $0x0, s20;
	[sflag:s22] =	ssyncset.done $0x0  }
0xa1: {  	[sflag:s22] =	ssyncadd.s32 s5;
	_ =	sdelay $0x1  }
0xa2: {  	s23 =	simm.s32 $0x1B8B  }
0xa3: {  	_ =	swait.ge [sflag:s23], $0x1  }
0xa4: {  	[sflag:s23] =	ssyncset.done $0x0  }
0xa5: {  	s25 =	simm.s32 $0x1B8E;
	s24 =	sld [smem:$0x3FFE];
	[sflag:s23] =	ssyncadd.s32 $0xFFFFFFFF  }
0xa6: {  	s26 =	simm.s32 $execute0_lowered;
	[smem:$0x3FD2] =	sst s25  }
0xa7: {  	s6 =	sshll.u32 s26, $0x1;
	_ =	strace $0x80000046;
	[dreg:$0x1] =	wrdreg $0xFFFFFFFF  }
0xa8: {  	s28 =	simm.s32 $_size_execute0_lowered;
	s4 =	sadd.s32 s4, s6;
	[dreg:$0x0] =	wrdreg $0x0  }
0xa9: {  	s6 =	sshll.u32 s28, $0x1;
	[dreg:$0x2] =	wrdreg s4  }
0xaa: {  	[dreg:$0x3] =	wrdreg s6  }
0xab: {  	[dreg:$0x4] =	wrdreg $0xC0  }
0xac: {  	_ =	task [dreg:s8], $0x5FFFF  }
0xad: {  	[dreg:$0x1] =	wrdreg $0xFFFFFFFF  }
0xae: {  	[dreg:$0x0] =	wrdreg $0x60  }
0xaf: {  	[dreg:$0x2] =	wrdreg s2  }
0xb0: {  	[dreg:$0x3] =	wrdreg s18  }
0xb1: {  	[dreg:$0x4] =	wrdreg s24  }
0xb2: {  	[dreg:$0x5] =	wrdreg $0x9  }
0xb3: {  	_ =	task.clear_ibuf [dreg:s8], $0x6FFFF;
	_ =	strace $0x90000046  }
0xb4: {  	s29 =	simm.s32 $0x9;
	_ =	strace $0x80000048  }
0xb5: {  	_ =	swait.ge [sflag:s29], $0x1  }
0xb6: {  	[sflag:s29] =	ssyncadd.s32 $0xFFFFFFFF  }
0xb7: {  	_ =	strace $0x90000048  }
0xb8: {  	_ =	sfence  }
0xb9: {  	s30 =	sld [smem:$0x0];
	_ =	sdelay $0x2  }
0xba: {  	s31 =	sshll.u32 s1, $0xD;
	s1 =	sshrl.u32 s1, $0x2  }
0xbb: {  	s3 =	sand.u32 $0x4000, s31;
	s1 =	sadd.s32 s1, s30  }
0xbc: {  	s0 =	sor.u32 s3, s0;
	s1 =	sshll.u32 s1, $0x11  }
0xbd: {  	s0 =	sor.u32 s1, s0  }
0xbe: {  	s0 =	sadd.s32 $0x8F2B, s0  }
0xbf: {  	[sflag:s0] =	ssyncadd.remote.s32 $0x1  }
0xc0: {  	_ =	sfence.sel $0xFFFF  }
0xc1: {  	[dreg:$0x0] =	wrdreg $0xFFFFFFFF;
	(pc) =	sbr.abs _section_cstart, $3  }
0xc2: {  	[dreg:$0x1] =	wrdreg $0xFFFFFFFF  }
0xc3: {  	_ =	task.clear_ibuf [dreg:s8], $0x2FFFF;
	_ =	strace $0x9FFFFFFF  }
0xc4: {  	(tm) =	ssettm $0x7FFFFFFF  }
0xc5: {  	_ =	shalt  }
tec
execute0_lowered:
.L_overlay_start_1:
0x0: {  	(tag) =	ssettag $0x1  }
0x1: {  	s1 =	rddreg [dreg:$0x0]  }
0x2: {  	s7 =	rddreg [dreg:$0x2]  }
0x3: {  	s5 =	srdreg.scid;
	s4 =	simm.s32 $0x0;
	s0 =	stileid.u32  }
0x4: {  	s11 =	simm.s32 $0x2;
	s12 =	simm.s32 $0x16A00;
	s13 =	simm.s32 $0x1  }
0x5: {  	s14 =	simm.s32 $0x8000;
	s15 =	simm.s32 $0x8800;
	s16 =	simm.s32 $0xC000  }
0x6: {  	s17 =	simm.s32 $0x9000;
	s18 =	simm.s32 $0xA800;
	s19 =	simm.s32 $0x15900  }
0x7: {  	v3 =	vlaneseq.u32;
	s20 =	simm.s32 $0x15980;
	s21 =	simm.s32 $0x0;
	s6 =	sand.u32 $0x1, s5  }
0x8: {  	[smem:$0x7FF] =	sst s4;
	s29 =	sshll.u32 s0, $0x6;
	v3 =	vmul.u32 $0x2, v3;
	s8 =	sshll.u32 s6, $0x5  }
0x9: {  	_ =	strace $0x80000047;
	s30 =	ssub.s32 $0x2, s6;
	s5 =	sor.u32 s8, s29  }
0xa: {  	vm8 =	vmmov $0x1;
	s6 =	sadd.s32 $0xE00, s7;
	s10 =	sshrl.u32 s30, $0x1;
	[tilespmem:$0x1FFE0] =	vst v3;
	v3 =	vimm.s32 $0x0;
	s9 =	sshll.u32 s5, $0x4  }
0xb: {  	s10 =	ssub.s32 s30, s10;
	s31 =	sshll.u32 s5, $0xB;
	v3 =	vsel vm8, $0xFFFFFFFF, v3;
	s9 =	sadd.s32 s9, s7  }
0xc: {  	v0 =	vimm.s32 $0x0;
	v1 =	vimm.s32 $0x2F;
	v2 =	vimm.s32 $0x1;
	s7 =	sadd.s32 s1, s31;
	[tilespmem:$0x1FFF0] =	vst v3;
	s8 =	sadd.s32 $0x1000, s9;
	s9 =	smax.u32 s10, $0x1  }
.LBB2_1:
0xd: {  	s0 =	rddreg [dreg:$0x1];
	s2 =	simm.s32 $0x16980  }
0xe: {  	[tilespmem:s2], [sflag:$0x2] =	stream.linear.gather [hbm4b:s0+s4], $0x80, $0x38;
	[tilespmem:$0x16A80] =	vst v63  }
0xf: {  	_ =	swait.ge [sflag:s11], $0x80  }
0x10: {  	[sflag:s11] =	ssyncset.done $0x0  }
0x11: {  	[sflag:s11] =	ssyncadd.s32 $0xFFFFFF80  }
0x12: {  	[tilespmem:s12], [sflag:$0x2] =	stream.linear.gather [hbm4b:s6+s4], $0x80, $0x38;
	[tilespmem:$0x16A80] =	vst v63  }
0x13: {  	_ =	swait.ge [sflag:s11], $0x80  }
0x14: {  	[sflag:s11] =	ssyncset.done $0x0  }
0x15: {  	[sflag:s11] =	ssyncadd.s32 $0xFFFFFF80  }
0x16: {  	v3 =	vld [tilespmem:$0x16990];
	_ =	sdelay $0x4  }
0x17: {  	[tilespmem:$0x1FFA0] =	vst v3;
	v3 =	vld [tilespmem:$0x169A0];
	_ =	sdelay $0x4  }
0x18: {  	[tilespmem:$0x1FFB0] =	vst v3;
	v3 =	vld [tilespmem:$0x16A00];
	_ =	sdelay $0x4  }
0x19: {  	[tilespmem:$0x1FFC0] =	vst v3;
	v3 =	vld [tilespmem:$0x16A10];
	_ =	sdelay $0x4  }
0x1a: {  	s22 =	simm.s32 $0x0;
	s23 =	simm.s32 $0x100;
	v11 =	vld [tilespmem:$0x16980];
	[tilespmem:$0x1FFD0] =	vst v3  }
.LBB2_2:
0x1b: {  	p0 =	sne.s32 s23, $0x1F00;
	[tilespmem:s22+$0x8830] =	vst v1  }
0x1c: {  	[tilespmem:s22+$0x8000] =	vst v0  }
0x1d: {  	[tilespmem:s22+$0x8800] =	vst v1  }
.Ltmp0:
0x1e: {  	[tilespmem:s22+$0x8010] =	vst v0;
	(pc) =	sbr.rel @p0 .LBB2_2-.Ltmp0, $4  }
0x1f: {  	[tilespmem:s22+$0x8810] =	vst v1  }
0x20: {  	[tilespmem:s22+$0x8020] =	vst v0  }
0x21: {  	[tilespmem:s22+$0x8820] =	vst v1  }
0x22: {  	[tilespmem:s22+$0x8030] =	vst v0;
	s22 =	sshra.s32 s23, $0x2;
	s23 =	sadd.s32 $0x100, s23  }
0x23: {  	[tilespmem:s22+$0x8830] =	vst v1  }
0x24: {  	[tilespmem:s22+$0x8000] =	vst v0  }
0x25: {  	[tilespmem:s22+$0x8800] =	vst v1  }
0x26: {  	[tilespmem:s22+$0x8010] =	vst v0  }
0x27: {  	[tilespmem:s22+$0x8810] =	vst v1  }
0x28: {  	[tilespmem:s22+$0x8020] =	vst v0  }
0x29: {  	[tilespmem:s22+$0x8820] =	vst v1  }
0x2a: {  	[tilespmem:s22+$0x8030] =	vst v0;
	s22 =	simm.s32 $0x0;
	s23 =	simm.s32 $0x100  }
.LBB2_4:
0x2b: {  	p0 =	sne.s32 s23, $0x5F00;
	[tilespmem:s22+$0xA830] =	vst v1  }
0x2c: {  	[tilespmem:s22+$0xC000] =	vst v0  }
0x2d: {  	[tilespmem:s22+$0x9000] =	vst v1  }
0x2e: {  	[tilespmem:s22+$0xA800] =	vst v1  }
0x2f: {  	[tilespmem:s22+$0xC010] =	vst v0  }
0x30: {  	[tilespmem:s22+$0x9010] =	vst v1  }
0x31: {  	[tilespmem:s22+$0xA810] =	vst v1  }
.Ltmp1:
0x32: {  	[tilespmem:s22+$0xC020] =	vst v0;
	(pc) =	sbr.rel @p0 .LBB2_4-.Ltmp1, $4  }
0x33: {  	[tilespmem:s22+$0x9020] =	vst v1  }
0x34: {  	[tilespmem:s22+$0xA820] =	vst v1  }
0x35: {  	[tilespmem:s22+$0xC030] =	vst v0  }
0x36: {  	[tilespmem:s22+$0x9030] =	vst v1;
	s22 =	sshra.s32 s23, $0x2;
	s23 =	sadd.s32 $0x100, s23  }
0x37: {  	[tilespmem:s22+$0xA830] =	vst v1  }
0x38: {  	[tilespmem:s22+$0xC000] =	vst v0  }
0x39: {  	[tilespmem:s22+$0x9000] =	vst v1  }
0x3a: {  	[tilespmem:s22+$0xA800] =	vst v1  }
0x3b: {  	[tilespmem:s22+$0xC010] =	vst v0  }
0x3c: {  	[tilespmem:s22+$0x9010] =	vst v1  }
0x3d: {  	[tilespmem:s22+$0xA810] =	vst v1  }
0x3e: {  	[tilespmem:s22+$0xC020] =	vst v0  }
0x3f: {  	[tilespmem:s22+$0x9020] =	vst v1  }
0x40: {  	[tilespmem:s22+$0xA820] =	vst v1  }
0x41: {  	[tilespmem:s22+$0xC030] =	vst v0  }
0x42: {  	[tilespmem:s22+$0x9030] =	vst v1;
	s22 =	simm.s32 $0x0  }
0x43: {  	s23 =	simm.s32 $0x80;
	s25 =	sadd.s32 $0x0, s7;
	s24 =	simm.s32 $0x100  }
.LBB2_6:
0x44: {  	[tilespmem:s22], [sflag:$0x1] =	stream.linear.gather [hbm4b:s25+s4], $0x80, $0x38;
	[tilespmem:$0x16A80] =	vst v63  }
0x45: {  	s25 =	smov.u32 s23;
	s22 =	smov.u32 s24;
	p0 =	seq.s32 s23, $0x3F80  }
.Ltmp2:
0x46: {  	s23 =	sadd.s32 $0x80, s23;
	(pc) =	sbr.rel @!p0 .LBB2_6-.Ltmp2, $2  }
0x47: {  	_ =	sdelay $0x2  }
0x48: {  	s24 =	sadd.s32 $0x100, s24;
	s25 =	sadd.s32 s25, s7  }
0x49: {  	v3 =	vld [tilespmem:$0x1FFC0];
	_ =	sdelay $0x4  }
0x4a: {  	v3 =	vsub.f32 $1.000000000e+00, v3;
	_ =	sdelay $0x1  }
0x4b: {  	[tilespmem:$0x1FF70] =	vst v3;
	v3 =	vld [tilespmem:$0x1FFD0];
	_ =	sdelay $0x4  }
0x4c: {  	[tilespmem:s22], [sflag:$0x1] =	stream.linear.gather [hbm4b:s25+s4], $0x80, $0x38;
	v3 =	vsub.f32 $1.000000000e+00, v3;
	[tilespmem:$0x16A80] =	vst v63  }
0x4d: {  	[tilespmem:$0x1FF90] =	vst v11  }
0x4e: {  	s22 =	simm.s32 $0x0;
	[tilespmem:$0x1FF80] =	vst v3  }
.LBB2_8:
0x4f: {  	p0 =	seq.s32 s22, $0x1F  }
.Ltmp3:
0x50: {  	_ = 	snop;
	(pc) =	sbr.rel @p0 .LBB2_12-.Ltmp3, $4  }
0x51: {  	_ = 	snop  }
0x52: {  	_ =	swait.ge [sflag:s13], $0x4000  }
0x53: {  	[sflag:s13] =	ssyncset.done $0x0  }
0x54: {  	s24 =	simm.s32 $0x80;
	[sflag:s13] =	ssyncadd.s32 $0xFFFFC000  }
0x55: {  	s23 =	sor.u32 s5, s22  }
0x56: {  	s23 =	sadd.s32 $0x1, s23  }
0x57: {  	s24 =	sshll.u32 s23, $0x4  }
0x58: {  	s25 =	sshll.u32 s22, $0x7;
	s23 =	sshll.u32 s23, $0xB;
	s26 =	sand.u32 $0x70, s24  }
0x59: {  	s24 =	sand.u32 $0x80, s25;
	s31 =	sand.u32 $0xFFFC000, s23;
	s26 =	sadd.s32 s1, s26  }
0x5a: {  	s23 =	sxor.u32 $0x80, s24;
	s25 =	sadd.s32 s31, s26  }
0x5b: {  	s26 =	simm.s32 $0x80;
	s28 =	sadd.s32 $0x100, s23;
	s29 =	sadd.s32 $0x0, s25  }
.LBB2_10:
0x5c: {  	[tilespmem:s23], [sflag:$0x1] =	stream.linear.gather [hbm4b:s29+s4], $0x80, $0x38;
	[tilespmem:$0x16A80] =	vst v63  }
0x5d: {  	s29 =	smov.u32 s26;
	s23 =	smov.u32 s28;
	p0 =	sne.s32 s26, $0x3F80  }
.Ltmp4:
0x5e: {  	s26 =	sadd.s32 $0x80, s26;
	(pc) =	sbr.rel @p0 .LBB2_10-.Ltmp4, $2  }
0x5f: {  	_ =	sdelay $0x2  }
0x60: {  	s28 =	sadd.s32 $0x100, s28;
	s29 =	sadd.s32 s29, s25  }
0x61: {  	[tilespmem:s23], [sflag:$0x1] =	stream.linear.gather [hbm4b:s29+s4], $0x80, $0x38;
	[tilespmem:$0x16A80] =	vst v63  }
.LBB2_12:
0x62: {  	s23 =	sadd.s32 $0x170, s24  }
0x63: {  	v16 =	vmov s23;
	_ =	sdelay $0x3  }
0x64: {  	s25 =	simm.s32 $0x0  }
0x65: {  	v3 =	vld.idx.msk [tilespmem:v16+s25+$0xFFFFFE90 ss:$0x1], $0xffff  }
0x66: {  	v4 =	vld.idx.msk [tilespmem:v16+s25+$0xFFFFFEA0 ss:$0x1], $0xffff  }
0x67: {  	v6 =	vld.idx.msk [tilespmem:v16+s25+$0xFFFFFEB0 ss:$0x1], $0xffff  }
0x68: {  	v12 =	vld.idx.msk [tilespmem:v16+s25+$0xFFFFFED0 ss:$0x1], $0xffff  }
0x69: {  	v32 =	vld.idx.msk [tilespmem:v16+s25+$0xFFFFFFE0 ss:$0x1], $0xffff;
	_ =	sdelay $0x1  }
0x6a: {  	v7 =	vld.idx.msk [tilespmem:v16+s25+$0xFFFFFEC0 ss:$0x1], $0xffff  }
0x6b: {  	v25 =	vld.idx.msk [tilespmem:v16+s25+$0xFFFFFF00 ss:$0x1], $0xffff  }
0x6c: {  	v8 =	vld.idx.msk [tilespmem:v16+s25+$0xFFFFFEE0 ss:$0x1], $0xffff;
	v13 =	vshra.s32 v3, $0x1F;
	v14 =	vshra.s32 v4, $0x1F  }
0x6d: {  	v19 =	vshra.s32 v6, $0x1F;
	v20 =	vshra.s32 v12, $0x1F;
	v35 =	vshra.s32 v32, $0x1F  }
0x6e: {  	v15 =	vld.idx.msk [tilespmem:v16+s25+$0xFFFFFEF0 ss:$0x1], $0xffff;
	v13 =	vor.u32 $0x80000000, v13;
	v14 =	vor.u32 $0x80000000, v14;
	v20 =	vor.u32 $0x80000000, v20  }
0x6f: {  	v26 =	vld.idx.msk [tilespmem:v16+s25+$0xFFFFFFB0 ss:$0x1], $0xffff;
	v17 =	vxor.u32 v3, v13;
	v18 =	vxor.u32 v4, v14;
	v3 =	vor.u32 $0x80000000, v19  }
0x70: {  	v4 =	vld.idx.msk [tilespmem:v16+s25+$0xFFFFFF90 ss:$0x1], $0xffff;
	v14 =	vshra.s32 v7, $0x1F;
	v20 =	vxor.u32 v12, v20;
	v12 =	vshra.s32 v25, $0x1F  }
0x71: {  	v13 =	vshrl.u32 v17, $0x15;
	v19 =	vxor.u32 v6, v3;
	v3 =	vshra.s32 v8, $0x1F;
	v6 =	vld.idx.msk [tilespmem:v16+s25+$0xFFFFFFA0 ss:$0x1], $0xffff  }
0x72: {  	v28 =	vshrl.u32 v18, $0x15;
	v14 =	vor.u32 $0x80000000, v14;
	v31 =	vshrl.u32 v20, $0x15  }
0x73: {  	v29 =	vshrl.u32 v19, $0x15;
	v21 =	vxor.u32 v7, v14;
	v7 =	vshra.s32 v15, $0x1F  }
0x74: {  	v30 =	vld.idx.msk [tilespmem:v16+s25+$0xFFFFFFC0 ss:$0x1], $0xffff;
	v3 =	vor.u32 $0x80000000, v3;
	v7 =	vor.u32 $0x80000000, v7;
	v14 =	vshrl.u32 v21, $0x15  }
0x75: {  	v33 =	vld.idx.msk [tilespmem:v16+s25+$0xFFFFFFD0 ss:$0x1], $0xffff;
	v23 =	vxor.u32 v8, v3;
	v24 =	vxor.u32 v15, v7;
	v22 =	vshra.s32 v4, $0x1F  }
0x76: {  	v7 =	vld.idx.msk [tilespmem:v16+s25+$0x0 ss:$0x1], $0xffff;
	v15 =	vshra.s32 v26, $0x1F;
	v3 =	vor.u32 $0x80000000, v22;
	v8 =	vshra.s32 v6, $0x1F  }
0x77: {  	v22 =	vxor.u32 v4, v3;
	v3 =	vor.u32 $0x80000000, v8;
	v8 =	vor.u32 $0x80000000, v12  }
0x78: {  	v34 =	vshrl.u32 v24, $0x15;
	v12 =	vld.idx.msk [tilespmem:v16+s25+$0xFFFFFFF0 ss:$0x1], $0xffff;
	v4 =	vshrl.u32 v22, $0x15;
	v27 =	vxor.u32 v25, v8  }
0x79: {  	[tilespmem:v13+s14+$0x0] =	vst.idx.add.s32.msk $0xffff, v2;
	v25 =	vxor.u32 v6, v3;
	v3 =	vor.u32 $0x80000000, v15;
	v15 =	vshrl.u32 v23, $0x15  }
0x7a: {  	[tilespmem:v28+s14+$0x0] =	vst.idx.add.s32.msk $0xffff, v2;
	v8 =	vshra.s32 v33, $0x1F;
	v26 =	vxor.u32 v26, v3;
	v3 =	vshra.s32 v30, $0x1F  }
0x7b: {  	v6 =	vshrl.u32 v27, $0x15;
	[tilespmem:v29+s14+$0x0] =	vst.idx.add.s32.msk $0xffff, v2;
	v63 =	vshra.s32 v7, $0x1F;
	v3 =	vor.u32 $0x80000000, v3  }
0x7c: {  	v13 =	vshrl.u32 v26, $0x15;
	[tilespmem:v14+s14+$0x0] =	vst.idx.add.s32.msk $0xffff, v2;
	v28 =	vxor.u32 v30, v3;
	v3 =	vor.u32 $0x80000000, v8  }
0x7d: {  	v14 =	vshrl.u32 v25, $0x15;
	v8 =	vor.u32 $0x80000000, v35;
	[tilespmem:v31+s14+$0x0] =	vst.idx.add.s32.msk $0xffff, v2;
	v29 =	vxor.u32 v33, v3  }
0x7e: {  	v3 =	vxor.u32 v32, v8;
	v30 =	vshra.s32 v12, $0x1F;
	v8 =	vshrl.u32 v29, $0x15;
	[tilespmem:v15+s14+$0x0] =	vst.idx.add.s32.msk $0xffff, v2  }
0x7f: {  	s26 =	simm.s32 $0x0;
	s28 =	simm.s32 $0x800;
	s23 =	sadd.s32 $0x1, s22;
	v31 =	vor.u32 $0x80000000, v30;
	v30 =	vor.u32 $0x80000000, v63;
	v15 =	vshrl.u32 v28, $0x15;
	[tilespmem:v34+s14+$0x0] =	vst.idx.add.s32.msk $0xffff, v2  }
.LBB2_13:
0x80: {  	p0 =	sne.s32 s28, $0x1F800;
	[tilespmem:v6+s14+$0x0] =	vst.idx.add.s32.msk $0xffff, v2;
	s29 =	smov.u32 s28;
	s28 =	sadd.s32 $0x800, s28  }
0x81: {  	v6 =	vxor.u32 v12, v31;
	v12 =	vshrl.u32 v3, $0x15;
	[tilespmem:v4+s14+$0x0] =	vst.idx.add.s32.msk $0xffff, v2  }
0x82: {  	s29 =	sshra.s32 s29, $0x2;
	v4 =	vxor.u32 v7, v30;
	v7 =	vshrl.u32 v6, $0x15;
	[tilespmem:v14+s14+$0x0] =	vst.idx.add.s32.msk $0xffff, v2  }
0x83: {  	v14 =	vshrl.u32 v4, $0x15;
	[tilespmem:v13+s14+$0x0] =	vst.idx.add.s32.msk $0xffff, v2  }
0x84: {  	[tilespmem:v15+s14+$0x0] =	vst.idx.add.s32.msk $0xffff, v2  }
0x85: {  	[tilespmem:v8+s14+$0x0] =	vst.idx.add.s32.msk $0xffff, v2  }
0x86: {  	[tilespmem:v12+s14+$0x0] =	vst.idx.add.s32.msk $0xffff, v2  }
0x87: {  	[tilespmem:v7+s14+$0x0] =	vst.idx.add.s32.msk $0xffff, v2  }
0x88: {  	[tilespmem:v14+s14+$0x0] =	vst.idx.add.s32.msk $0xffff, v2  }
0x89: {  	[tilespmem:v16+s25+$0xFFFFFE90 ss:$0x1] =	vst.idx.msk $0xffff, v17  }
0x8a: {  	[tilespmem:v16+s25+$0xFFFFFEA0 ss:$0x1] =	vst.idx.msk $0xffff, v18  }
0x8b: {  	[tilespmem:v16+s25+$0xFFFFFEB0 ss:$0x1] =	vst.idx.msk $0xffff, v19  }
0x8c: {  	[tilespmem:v16+s25+$0xFFFFFEC0 ss:$0x1] =	vst.idx.msk $0xffff, v21  }
0x8d: {  	v7 =	vld.idx.msk [tilespmem:v16+s29+$0xFFFFFE90 ss:$0x1], $0xffff;
	[tilespmem:v16+s25+$0xFFFFFED0 ss:$0x1] =	vst.idx.msk $0xffff, v20  }
0x8e: {  	v8 =	vld.idx.msk [tilespmem:v16+s29+$0xFFFFFEA0 ss:$0x1], $0xffff;
	[tilespmem:v16+s25+$0xFFFFFEE0 ss:$0x1] =	vst.idx.msk $0xffff, v23  }
0x8f: {  	v12 =	vld.idx.msk [tilespmem:v16+s29+$0xFFFFFEB0 ss:$0x1], $0xffff;
	[tilespmem:v16+s25+$0xFFFFFEF0 ss:$0x1] =	vst.idx.msk $0xffff, v24  }
0x90: {  	v13 =	vld.idx.msk [tilespmem:v16+s29+$0xFFFFFEC0 ss:$0x1], $0xffff;
	[tilespmem:v16+s25+$0xFFFFFF00 ss:$0x1] =	vst.idx.msk $0xffff, v27  }
0x91: {  	v14 =	vld.idx.msk [tilespmem:v16+s29+$0xFFFFFEE0 ss:$0x1], $0xffff;
	[tilespmem:v16+s25+$0xFFFFFF90 ss:$0x1] =	vst.idx.msk $0xffff, v22  }
0x92: {  	v15 =	vld.idx.msk [tilespmem:v16+s29+$0xFFFFFED0 ss:$0x1], $0xffff;
	[tilespmem:v16+s25+$0xFFFFFFA0 ss:$0x1] =	vst.idx.msk $0xffff, v25  }
0x93: {  	v17 =	vshra.s32 v7, $0x1F;
	v25 =	vld.idx.msk [tilespmem:v16+s29+$0xFFFFFF00 ss:$0x1], $0xffff;
	[tilespmem:v16+s25+$0xFFFFFFB0 ss:$0x1] =	vst.idx.msk $0xffff, v26  }
0x94: {  	v17 =	vor.u32 $0x80000000, v17;
	v18 =	vshra.s32 v8, $0x1F;
	v22 =	vld.idx.msk [tilespmem:v16+s29+$0xFFFFFEF0 ss:$0x1], $0xffff;
	[tilespmem:v16+s25+$0xFFFFFFC0 ss:$0x1] =	vst.idx.msk $0xffff, v28  }
0x95: {  	v17 =	vxor.u32 v7, v17;
	v7 =	vor.u32 $0x80000000, v18;
	v19 =	vshra.s32 v12, $0x1F;
	v26 =	vld.idx.msk [tilespmem:v16+s29+$0xFFFFFF90 ss:$0x1], $0xffff;
	[tilespmem:v16+s25+$0xFFFFFFD0 ss:$0x1] =	vst.idx.msk $0xffff, v29  }
0x96: {  	v18 =	vxor.u32 v8, v7;
	v7 =	vor.u32 $0x80000000, v19;
	v28 =	vshrl.u32 v17, $0x15;
	v8 =	vld.idx.msk [tilespmem:v16+s29+$0xFFFFFFA0 ss:$0x1], $0xffff;
	[tilespmem:v16+s25+$0xFFFFFFE0 ss:$0x1] =	vst.idx.msk $0xffff, v3  }
0x97: {  	v19 =	vxor.u32 v12, v7;
	v3 =	vshra.s32 v14, $0x1F;
	v29 =	vld.idx.msk [tilespmem:v16+s29+$0xFFFFFFB0 ss:$0x1], $0xffff;
	[tilespmem:v16+s25+$0xFFFFFFF0 ss:$0x1] =	vst.idx.msk $0xffff, v6  }
0x98: {  	v31 =	vshrl.u32 v18, $0x15;
	v6 =	vshra.s32 v13, $0x1F;
	v7 =	vshra.s32 v15, $0x1F;
	v30 =	vld.idx.msk [tilespmem:v16+s29+$0xFFFFFFC0 ss:$0x1], $0xffff;
	[tilespmem:v16+s25+$0x0 ss:$0x1] =	vst.idx.msk $0xffff, v4;
	s25 =	smov.u32 s29  }
0x99: {  	v33 =	vshrl.u32 v19, $0x15;
	v4 =	vor.u32 $0x80000000, v6;
	v6 =	vor.u32 $0x80000000, v7;
	v32 =	vld.idx.msk [tilespmem:v16+s25+$0xFFFFFFE0 ss:$0x1], $0xffff  }
0x9a: {  	v21 =	vxor.u32 v13, v4;
	v20 =	vxor.u32 v15, v6;
	v4 =	vshra.s32 v22, $0x1F;
	v15 =	vld.idx.msk [tilespmem:v16+s25+$0xFFFFFFD0 ss:$0x1], $0xffff  }
0x9b: {  	v6 =	vshra.s32 v25, $0x1F;
	v4 =	vor.u32 $0x80000000, v4;
	v34 =	vshrl.u32 v21, $0x15;
	v7 =	vld.idx.msk [tilespmem:v16+s25+$0x0 ss:$0x1], $0xffff  }
0x9c: {  	v3 =	vor.u32 $0x80000000, v3;
	v13 =	vshra.s32 v26, $0x1F;
	v35 =	vshrl.u32 v20, $0x15;
	v12 =	vld.idx.msk [tilespmem:v16+s25+$0xFFFFFFF0 ss:$0x1], $0xffff  }
0x9d: {  	v23 =	vxor.u32 v14, v3;
	v3 =	vor.u32 $0x80000000, v13;
	v13 =	vshra.s32 v8, $0x1F  }
0x9e: {  	v24 =	vxor.u32 v22, v4;
	v22 =	vxor.u32 v26, v3;
	v3 =	vor.u32 $0x80000000, v13  }
0x9f: {  	v6 =	vor.u32 $0x80000000, v6;
	v13 =	vshra.s32 v29, $0x1F;
	v4 =	vshrl.u32 v22, $0x15  }
0xa0: {  	v27 =	vxor.u32 v25, v6;
	v25 =	vxor.u32 v8, v3;
	v3 =	vor.u32 $0x80000000, v13  }
0xa1: {  	v36 =	vshrl.u32 v23, $0x15;
	v26 =	vxor.u32 v29, v3;
	v3 =	vshra.s32 v30, $0x1F;
	[tilespmem:v28+s14+$0x0] =	vst.idx.add.s32.msk $0xffff, v2  }
0xa2: {  	v37 =	vshrl.u32 v24, $0x15;
	v6 =	vshrl.u32 v27, $0x15;
	v13 =	vshrl.u32 v26, $0x15;
	[tilespmem:v31+s14+$0x0] =	vst.idx.add.s32.msk $0xffff, v2  }
.Ltmp5:
0xa3: {  	v14 =	vshra.s32 v32, $0x1F;
	v3 =	vor.u32 $0x80000000, v3;
	v8 =	vshra.s32 v15, $0x1F;
	[tilespmem:v33+s14+$0x0] =	vst.idx.add.s32.msk $0xffff, v2;
	(pc) =	sbr.rel @p0 .LBB2_13-.Ltmp5, $4  }
0xa4: {  	v28 =	vxor.u32 v30, v3;
	v3 =	vor.u32 $0x80000000, v8;
	v8 =	vor.u32 $0x80000000, v14;
	[tilespmem:v34+s14+$0x0] =	vst.idx.add.s32.msk $0xffff, v2  }
0xa5: {  	v14 =	vshrl.u32 v25, $0x15;
	v29 =	vxor.u32 v15, v3;
	v3 =	vxor.u32 v32, v8;
	[tilespmem:v35+s14+$0x0] =	vst.idx.add.s32.msk $0xffff, v2  }
0xa6: {  	v30 =	vshra.s32 v7, $0x1F;
	v15 =	vshra.s32 v12, $0x1F;
	v8 =	vshrl.u32 v29, $0x15;
	[tilespmem:v36+s14+$0x0] =	vst.idx.add.s32.msk $0xffff, v2  }
0xa7: {  	v30 =	vor.u32 $0x80000000, v30;
	v31 =	vor.u32 $0x80000000, v15;
	v15 =	vshrl.u32 v28, $0x15;
	[tilespmem:v37+s14+$0x0] =	vst.idx.add.s32.msk $0xffff, v2  }
0xa8: {  	_ =	sdelay $0x3  }
0xa9: {  	[tilespmem:v6+s14+$0x0] =	vst.idx.add.s32.msk $0xffff, v2  }
0xaa: {  	v59 =	vxor.u32 v12, v31;
	v60 =	vshrl.u32 v3, $0x15;
	[tilespmem:v4+s14+$0x0] =	vst.idx.add.s32.msk $0xffff, v2  }
0xab: {  	v61 =	vxor.u32 v7, v30;
	v62 =	vshrl.u32 v59, $0x15;
	[tilespmem:v14+s14+$0x0] =	vst.idx.add.s32.msk $0xffff, v2  }
0xac: {  	v63 =	vshrl.u32 v61, $0x15;
	[tilespmem:v13+s14+$0x0] =	vst.idx.add.s32.msk $0xffff, v2  }
0xad: {  	[tilespmem:v15+s14+$0x0] =	vst.idx.add.s32.msk $0xffff, v2  }
0xae: {  	[tilespmem:v8+s14+$0x0] =	vst.idx.add.s32.msk $0xffff, v2  }
0xaf: {  	[tilespmem:v60+s14+$0x0] =	vst.idx.add.s32.msk $0xffff, v2  }
0xb0: {  	[tilespmem:v62+s14+$0x0] =	vst.idx.add.s32.msk $0xffff, v2  }
0xb1: {  	[tilespmem:v63+s14+$0x0] =	vst.idx.add.s32.msk $0xffff, v2  }
0xb2: {  	[tilespmem:v16+s25+$0xFFFFFE90 ss:$0x1] =	vst.idx.msk $0xffff, v17  }
0xb3: {  	[tilespmem:v16+s25+$0xFFFFFF90 ss:$0x1] =	vst.idx.msk $0xffff, v22  }
0xb4: {  	[tilespmem:v16+s25+$0xFFFFFEA0 ss:$0x1] =	vst.idx.msk $0xffff, v18  }
0xb5: {  	[tilespmem:v16+s25+$0xFFFFFFA0 ss:$0x1] =	vst.idx.msk $0xffff, v25  }
0xb6: {  	[tilespmem:v16+s25+$0xFFFFFEB0 ss:$0x1] =	vst.idx.msk $0xffff, v19  }
0xb7: {  	[tilespmem:v16+s25+$0xFFFFFFB0 ss:$0x1] =	vst.idx.msk $0xffff, v26  }
0xb8: {  	[tilespmem:v16+s25+$0xFFFFFEC0 ss:$0x1] =	vst.idx.msk $0xffff, v21  }
0xb9: {  	[tilespmem:v16+s25+$0xFFFFFFC0 ss:$0x1] =	vst.idx.msk $0xffff, v28  }
0xba: {  	[tilespmem:v16+s25+$0xFFFFFED0 ss:$0x1] =	vst.idx.msk $0xffff, v20  }
0xbb: {  	[tilespmem:v16+s25+$0xFFFFFFD0 ss:$0x1] =	vst.idx.msk $0xffff, v29  }
0xbc: {  	[tilespmem:v16+s25+$0xFFFFFEE0 ss:$0x1] =	vst.idx.msk $0xffff, v23  }
0xbd: {  	[tilespmem:v16+s25+$0xFFFFFFE0 ss:$0x1] =	vst.idx.msk $0xffff, v3  }
0xbe: {  	[tilespmem:v16+s25+$0xFFFFFEF0 ss:$0x1] =	vst.idx.msk $0xffff, v24  }
0xbf: {  	[tilespmem:v16+s25+$0xFFFFFFF0 ss:$0x1] =	vst.idx.msk $0xffff, v59  }
0xc0: {  	[tilespmem:v16+s25+$0xFFFFFF00 ss:$0x1] =	vst.idx.msk $0xffff, v27  }
0xc1: {  	s31 =	simm.s32 $0x0;
	[tilespmem:v16+s25+$0x0 ss:$0x1] =	vst.idx.msk $0xffff, v61  }
0xc2: {  	v3 =	vld [tilespmem:s31+$0x8000];
	_ =	sdelay $0x4  }
0xc3: {  	(xrf0) =	vadd.scan.msk.s32 $0xffff, v3;
	_ =	sdelay $0x5  }
0xc4: {  	v3, _, _ =	vpop (xrf0)  }
0xc5: {  	v3 =	vadd.s32 s26, v3  }
0xc6: {  	(v2sf) =	vpush v3, $0xF;
	_ =	sdelay $0x2  }
0xc7: {  	s25 =	simm.s32 $0x10;
	s26 =	simm.s32 $0x80;
	[tilespmem:s31+$0x8000] =	vst v3  }
.LBB2_15:
0xc8: {  	p0 =	sne.s32 s26, $0x1FC0;
	v3 =	vld [tilespmem:s25+$0x8000];
	_ =	sdelay $0x4  }
0xc9: {  	(xrf0) =	vadd.scan.msk.s32 $0xffff, v3;
	_ =	sdelay $0x5  }
0xca: {  	v3, _, _ =	vpop (xrf0);
	s28 =	spop (v2sf)  }
.Ltmp6:
0xcb: {  	v3 =	vadd.s32 s28, v3;
	(pc) =	sbr.rel @p0 .LBB2_15-.Ltmp6, $2  }
0xcc: {  	[tilespmem:s25+$0x8000] =	vst v3;
	(v2sf) =	vpush v3, $0xF;
	_ =	sdelay $0x2  }
0xcd: {  	s25 =	sshra.s32 s26, $0x2;
	s26 =	sadd.s32 $0x40, s26  }
0xce: {  	v3 =	vld [tilespmem:s25+$0x8000];
	_ =	sdelay $0x4  }
0xcf: {  	(xrf0) =	vadd.scan.msk.s32 $0xffff, v3;
	_ =	sdelay $0x5  }
0xd0: {  	v3, _, _ =	vpop (xrf0);
	s26 =	spop (v2sf)  }
0xd1: {  	v16 =	vadd.s32 s26, v3;
	v3 =	vimm.s32 $0x3FF;
	_ =	sdelay $0x3  }
0xd2: {  	[tilespmem:s25+$0x8000] =	vst v16  }
0xd3: {  	v3 =	vld.idx.msk [tilespmem:v3+s14+$0x0], $0xffff  }
0xd4: {  	v9 =	vld [tilespmem:$0x1FFA0];
	_ =	sdelay $0x1  }
0xd5: {  	v10 =	vld [tilespmem:$0x1FFB0];
	_ =	sdelay $0x1  }
0xd6: {  	v5 =	vimm.s32 $0x400;
	vm0 =	vgt.s32 v3, v11  }
0xd7: {  	vm14 =	vgt.s32 v3, v9;
	v4 =	vsel vm0, $0x0, v5  }
0xd8: {  	v7 =	vsel vm14, $0x0, v5;
	v6 =	vor.u32 $0x1FF, v4  }
0xd9: {  	vm15 =	vgt.s32 v3, v10;
	v3 =	vor.u32 $0x1FF, v7  }
0xda: {  	v8 =	vsel vm15, $0x0, v5  }
0xdb: {  	v12 =	vor.u32 $0x1FF, v8;
	_ =	sdelay $0x1  }
0xdc: {  	v6 =	vld.idx.msk [tilespmem:v6+s14+$0x0], $0xffff  }
0xdd: {  	v3 =	vld.idx.msk [tilespmem:v3+s14+$0x0], $0xffff;
	_ =	sdelay $0x1  }
0xde: {  	v12 =	vld.idx.msk [tilespmem:v12+s14+$0x0], $0xffff;
	_ =	sdelay $0x1  }
0xdf: {  	vm4 =	vgt.s32 v6, v11;
	v6 =	vor.u32 $0x200, v4  }
0xe0: {  	vm5 =	vgt.s32 v3, v9;
	v3 =	vor.u32 $0x200, v7;
	v4 =	vsel vm4, v4, v6  }
0xe1: {  	v3 =	vsel vm5, v7, v3;
	v6 =	vor.u32 $0xFF, v4  }
0xe2: {  	vm12 =	vgt.s32 v12, v10;
	v7 =	vor.u32 $0x200, v8;
	v55 =	vor.u32 $0xFF, v3  }
0xe3: {  	v7 =	vsel vm12, v8, v7  }
0xe4: {  	v8 =	vor.u32 $0xFF, v7;
	_ =	sdelay $0x1  }
0xe5: {  	v6 =	vld.idx.msk [tilespmem:v6+s14+$0x0], $0xffff  }
0xe6: {  	v12 =	vld.idx.msk [tilespmem:v55+s14+$0x0], $0xffff;
	_ =	sdelay $0x1  }
0xe7: {  	v8 =	vld.idx.msk [tilespmem:v8+s14+$0x0], $0xffff;
	_ =	sdelay $0x1  }
0xe8: {  	vm13 =	vgt.s32 v6, v11;
	v6 =	vor.u32 $0x100, v4  }
0xe9: {  	v56 =	vor.u32 $0x100, v3;
	vm14 =	vgt.s32 v12, v9;
	v4 =	vsel vm13, v4, v6  }
0xea: {  	v3 =	vsel vm14, v3, v56;
	v6 =	vor.u32 $0x7F, v4  }
0xeb: {  	vm15 =	vgt.s32 v8, v10;
	v8 =	vor.u32 $0x100, v7;
	v12 =	vor.u32 $0x7F, v3  }
0xec: {  	v7 =	vsel vm15, v7, v8  }
0xed: {  	v8 =	vor.u32 $0x7F, v7;
	_ =	sdelay $0x1  }
0xee: {  	v6 =	vld.idx.msk [tilespmem:v6+s14+$0x0], $0xffff  }
0xef: {  	v12 =	vld.idx.msk [tilespmem:v12+s14+$0x0], $0xffff;
	_ =	sdelay $0x1  }
0xf0: {  	v8 =	vld.idx.msk [tilespmem:v8+s14+$0x0], $0xffff;
	_ =	sdelay $0x1  }
0xf1: {  	vm4 =	vgt.s32 v6, v11;
	v6 =	vor.u32 $0x80, v4  }
0xf2: {  	v57 =	vor.u32 $0x80, v3;
	vm5 =	vgt.s32 v12, v9;
	v4 =	vsel vm4, v4, v6  }
0xf3: {  	v3 =	vsel vm5, v3, v57;
	v6 =	vadd.s32 $0x3F, v4  }
0xf4: {  	vm12 =	vgt.s32 v8, v10;
	v8 =	vor.u32 $0x80, v7;
	v12 =	vadd.s32 $0x3F, v3  }
0xf5: {  	v7 =	vsel vm12, v7, v8  }
0xf6: {  	v8 =	vadd.s32 $0x3F, v7;
	_ =	sdelay $0x1  }
0xf7: {  	v6 =	vld.idx.msk [tilespmem:v6+s14+$0x0], $0xffff  }
0xf8: {  	v12 =	vld.idx.msk [tilespmem:v12+s14+$0x0], $0xffff;
	_ =	sdelay $0x1  }
0xf9: {  	v8 =	vld.idx.msk [tilespmem:v8+s14+$0x0], $0xffff;
	_ =	sdelay $0x1  }
0xfa: {  	vm13 =	vgt.s32 v6, v11;
	v6 =	vadd.s32 $0x40, v4  }
0xfb: {  	v58 =	vadd.s32 $0x40, v3;
	vm14 =	vgt.s32 v12, v9;
	v4 =	vsel vm13, v4, v6  }
0xfc: {  	v3 =	vsel vm14, v3, v58;
	v6 =	vadd.s32 $0x1F, v4  }
0xfd: {  	vm15 =	vgt.s32 v8, v10;
	v8 =	vadd.s32 $0x40, v7;
	v12 =	vadd.s32 $0x1F, v3  }
0xfe: {  	v7 =	vsel vm15, v7, v8  }
0xff: {  	v8 =	vadd.s32 $0x1F, v7;
	_ =	sdelay $0x1  }
0x100: {  	v6 =	vld.idx.msk [tilespmem:v6+s14+$0x0], $0xffff  }
0x101: {  	v12 =	vld.idx.msk [tilespmem:v12+s14+$0x0], $0xffff;
	_ =	sdelay $0x1  }
0x102: {  	v8 =	vld.idx.msk [tilespmem:v8+s14+$0x0], $0xffff;
	_ =	sdelay $0x1  }
0x103: {  	vm4 =	vgt.s32 v6, v11;
	v6 =	vadd.s32 $0x20, v4  }
0x104: {  	v59 =	vadd.s32 $0x20, v3;
	vm5 =	vgt.s32 v12, v9;
	v4 =	vsel vm4, v4, v6  }
0x105: {  	v3 =	vsel vm5, v3, v59;
	v6 =	vadd.s32 $0xF, v4  }
0x106: {  	vm12 =	vgt.s32 v8, v10;
	v8 =	vadd.s32 $0x20, v7;
	v12 =	vadd.s32 $0xF, v3  }
0x107: {  	v7 =	vsel vm12, v7, v8  }
0x108: {  	v8 =	vadd.s32 $0xF, v7;
	_ =	sdelay $0x1  }
0x109: {  	v6 =	vld.idx.msk [tilespmem:v6+s14+$0x0], $0xffff  }
0x10a: {  	v12 =	vld.idx.msk [tilespmem:v12+s14+$0x0], $0xffff;
	_ =	sdelay $0x1  }
0x10b: {  	v8 =	vld.idx.msk [tilespmem:v8+s14+$0x0], $0xffff;
	_ =	sdelay $0x1  }
0x10c: {  	vm13 =	vgt.s32 v6, v11;
	v6 =	vadd.s32 $0x10, v4  }
0x10d: {  	v60 =	vadd.s32 $0x10, v3;
	vm14 =	vgt.s32 v12, v9;
	v4 =	vsel vm13, v4, v6  }
0x10e: {  	v3 =	vsel vm14, v3, v60;
	v6 =	vadd.s32 $0x7, v4  }
0x10f: {  	vm15 =	vgt.s32 v8, v10;
	v8 =	vadd.s32 $0x10, v7;
	v12 =	vadd.s32 $0x7, v3  }
0x110: {  	v7 =	vsel vm15, v7, v8  }
0x111: {  	v8 =	vadd.s32 $0x7, v7;
	_ =	sdelay $0x1  }
0x112: {  	v6 =	vld.idx.msk [tilespmem:v6+s14+$0x0], $0xffff  }
0x113: {  	v12 =	vld.idx.msk [tilespmem:v12+s14+$0x0], $0xffff;
	_ =	sdelay $0x1  }
0x114: {  	v8 =	vld.idx.msk [tilespmem:v8+s14+$0x0], $0xffff;
	_ =	sdelay $0x1  }
0x115: {  	vm4 =	vgt.s32 v6, v11;
	v6 =	vadd.s32 $0x8, v4  }
0x116: {  	v61 =	vadd.s32 $0x8, v3;
	vm5 =	vgt.s32 v12, v9;
	v4 =	vsel vm4, v4, v6  }
0x117: {  	v3 =	vsel vm5, v3, v61;
	v6 =	vadd.s32 $0x3, v4  }
0x118: {  	vm12 =	vgt.s32 v8, v10;
	v8 =	vadd.s32 $0x8, v7;
	v12 =	vadd.s32 $0x3, v3  }
0x119: {  	v7 =	vsel vm12, v7, v8  }
0x11a: {  	v8 =	vadd.s32 $0x3, v7;
	_ =	sdelay $0x1  }
0x11b: {  	v6 =	vld.idx.msk [tilespmem:v6+s14+$0x0], $0xffff  }
0x11c: {  	v12 =	vld.idx.msk [tilespmem:v12+s14+$0x0], $0xffff;
	_ =	sdelay $0x1  }
0x11d: {  	v8 =	vld.idx.msk [tilespmem:v8+s14+$0x0], $0xffff;
	_ =	sdelay $0x1  }
0x11e: {  	v62 =	vadd.s32 $0x4, v3  }
0x11f: {  	vm13 =	vgt.s32 v6, v11;
	v6 =	vadd.s32 $0x4, v4;
	vm14 =	vgt.s32 v12, v9  }
0x120: {  	v4 =	vsel vm13, v4, v6;
	v3 =	vsel vm14, v3, v62  }
0x121: {  	vm15 =	vgt.s32 v8, v10;
	v8 =	vadd.s32 $0x4, v7;
	v6 =	vadd.s32 $0x1, v4  }
0x122: {  	v12 =	vadd.s32 $0x1, v3;
	v7 =	vsel vm15, v7, v8  }
0x123: {  	v8 =	vadd.s32 $0x1, v7;
	_ =	sdelay $0x2  }
0x124: {  	v6 =	vld.idx.msk [tilespmem:v6+s14+$0x0], $0xffff  }
0x125: {  	v12 =	vld.idx.msk [tilespmem:v12+s14+$0x0], $0xffff  }
0x126: {  	v8 =	vld.idx.msk [tilespmem:v8+s14+$0x0], $0xffff;
	_ =	sdelay $0x2  }
0x127: {  	vm4 =	vgt.s32 v6, v11;
	v6 =	vadd.s32 $0x2, v4  }
0x128: {  	vm5 =	vgt.s32 v12, v9;
	v4 =	vsel vm4, v4, v6;
	v6 =	vadd.s32 $0x2, v3  }
0x129: {  	vm12 =	vgt.s32 v8, v10;
	v3 =	vsel vm5, v3, v6;
	v6 =	vadd.s32 $0x2, v7  }
0x12a: {  	v6 =	vsel vm12, v7, v6;
	_ =	sdelay $0x2  }
0x12b: {  	v7 =	vld.idx.msk [tilespmem:v4+s14+$0x0], $0xffff  }
0x12c: {  	(v2sf) =	vpush v16, $0xF;
	v8 =	vld.idx.msk [tilespmem:v3+s14+$0x0], $0xffff  }
0x12d: {  	v63 =	vld.idx.msk [tilespmem:v6+s14+$0x0], $0xffff;
	_ =	sdelay $0x2  }
0x12e: {  	vm13 =	vle.s32 v7, v11  }
0x12f: {  	v7 =	vsel vm13, $0x1, v0;
	vm14 =	vle.s32 v8, v9  }
0x130: {  	v5 =	vadd.s32 v7, v4;
	v4 =	vsel vm14, $0x1, v0;
	vm15 =	vle.s32 v63, v10  }
0x131: {  	v7 =	vadd.s32 v4, v3;
	v3 =	vsel vm15, $0x1, v0;
	v4 =	vmax.u32 v5, $0x1  }
0x132: {  	[tilespmem:$0x1FF50] =	vst v5;
	v5 =	vadd.s32 v3, v6;
	v3 =	vsub.s32 v4, v2;
	v4 =	vmax.u32 v7, $0x1  }
0x133: {  	v4 =	vsub.s32 v4, v2;
	v6 =	vmax.u32 v5, $0x1  }
0x134: {  	v6 =	vsub.s32 v6, v2;
	_ =	sdelay $0x2  }
0x135: {  	v24 =	vld.idx.msk [tilespmem:v3+s14+$0x0], $0xffff  }
0x136: {  	v19 =	vld.idx.msk [tilespmem:v4+s14+$0x0], $0xffff  }
0x137: {  	s26 =	simm.s32 $0x100;
	s25 =	simm.s32 $0x0;
	s31 =	spop (v2sf);
	[tilespmem:$0x1FF60] =	vst v7;
	v20 =	vld.idx.msk [tilespmem:v6+s14+$0x0], $0xffff  }
.LBB2_17:
0x138: {  	p0 =	sne.s32 s26, $0x1F00;
	[tilespmem:s25+$0x8030] =	vst v0;
	s28 =	smov.u32 s26;
	s26 =	sadd.s32 $0x100, s26  }
.Ltmp7:
0x139: {  	[tilespmem:s25+$0x8020] =	vst v0;
	(pc) =	sbr.rel @p0 .LBB2_17-.Ltmp7, $3  }
0x13a: {  	[tilespmem:s25+$0x8000] =	vst v0  }
0x13b: {  	[tilespmem:s25+$0x8010] =	vst v0;
	_ =	sdelay $0x1  }
0x13c: {  	s25 =	sshra.s32 s28, $0x2  }
0x13d: {  	v8 =	vld [tilespmem:$0x1FF50]  }
0x13e: {  	[tilespmem:s25+$0x8030] =	vst v0  }
0x13f: {  	[tilespmem:s25+$0x8020] =	vst v0;
	v7 =	vld [tilespmem:$0x1FF60]  }
0x140: {  	[tilespmem:s25+$0x8000] =	vst v0  }
0x141: {  	[tilespmem:s25+$0x8010] =	vst v0  }
0x142: {  	[tilespmem:$0x15881] =	vst v8  }
0x143: {  	v3 =	vld [tilespmem:$0x15880]  }
0x144: {  	[tilespmem:$0x15891] =	vst v7  }
0x145: {  	v4 =	vld [tilespmem:$0x15890];
	_ =	sdelay $0x2  }
0x146: {  	vm0 =	vne.s32 v8, v3  }
0x147: {  	vm0 =	vmor vm0, vm8  }
0x148: {  	vm1 =	vne.s32 v7, v4;
	v3 =	vsel vm0, $0x1, v0  }
0x149: {  	v4 =	vsel vm1, $0x1, v0;
	(xrf0) =	vadd.scan.msk.s32 $0xffff, v3  }
0x14a: {  	(xrf0) =	vadd.scan.msk.s32 $0xffff, v4;
	_ =	sdelay $0x4  }
0x14b: {  	v3, _, _ =	vpop (xrf0)  }
0x14c: {  	(v2sf) =	vpush v3, $0xF;
	v4, _, _ =	vpop (xrf0)  }
0x14d: {  	(v2sf) =	vpush v4, $0xF;
	_ =	sdelay $0x1  }
0x14e: {  	[tilespmem:$0x158A1] =	vst v5  }
0x14f: {  	v6 =	vld [tilespmem:$0x158A0];
	_ =	sdelay $0x4  }
0x150: {  	vm2 =	vne.s32 v5, v6  }
0x151: {  	v6 =	vsel vm2, $0x1, v0  }
0x152: {  	(xrf0) =	vadd.scan.msk.s32 $0xffff, v6;
	_ =	sdelay $0x2  }
0x153: {  	s24 =	sor.u32 $0x100, s24  }
0x154: {  	v28 =	vmov s24;
	s29 =	spop (v2sf)  }
0x155: {  	v23 =	vadd.s32 $0xFFFFFFFF, v3;
	s30 =	spop (v2sf);
	s25 =	sadd.s32 $0xFFFFFFFF, s29  }
0x156: {  	[tilespmem:v8+s15+$0x0] =	vst.idx.msk vm0, v23;
	v3, _, _ =	vpop (xrf0);
	v21 =	vadd.s32 s25, v4;
	s24 =	sadd.s32 s30, s25  }
0x157: {  	v22 =	vadd.s32 s24, v3;
	[tilespmem:v7+s15+$0x0] =	vst.idx.msk vm1, v21  }
0x158: {  	s31 =	simm.s32 $0x0;
	[tilespmem:v5+s15+$0x0] =	vst.idx.msk vm2, v22  }
0x159: {  	v35 =	vld.idx.msk [tilespmem:v28+s31+$0xFFFFFF30 ss:$0x1], $0xffff  }
0x15a: {  	v30 =	vld.idx.msk [tilespmem:v28+s31+$0xFFFFFF70 ss:$0x1], $0xffff  }
0x15b: {  	v25 =	vld.idx.msk [tilespmem:v28+s31+$0xFFFFFF60 ss:$0x1], $0xffff  }
0x15c: {  	v37 =	vld.idx.msk [tilespmem:v28+s31+$0xFFFFFF20 ss:$0x1], $0xffff  }
0x15d: {  	v26 =	vld.idx.msk [tilespmem:v28+s31+$0x70 ss:$0x1], $0xffff  }
0x15e: {  	v40 =	vld.idx.msk [tilespmem:v28+s31+$0xFFFFFF00 ss:$0x1], $0xffff  }
0x15f: {  	v39 =	vld.idx.msk [tilespmem:v28+s31+$0xFFFFFF10 ss:$0x1], $0xffff  }
0x160: {  	v34 =	vld.idx.msk [tilespmem:v28+s31+$0x0 ss:$0x1], $0xffff  }
0x161: {  	v32 =	vld.idx.msk [tilespmem:v28+s31+$0x10 ss:$0x1], $0xffff  }
0x162: {  	v31 =	vld.idx.msk [tilespmem:v28+s31+$0x20 ss:$0x1], $0xffff  }
0x163: {  	v27 =	vld.idx.msk [tilespmem:v28+s31+$0xFFFFFF50 ss:$0x1], $0xffff  }
0x164: {  	v29 =	vld.idx.msk [tilespmem:v28+s31+$0x60 ss:$0x1], $0xffff;
	v3 =	vshrl.u32 v37, $0x15;
	v12 =	vshrl.u32 v25, $0x15  }
0x165: {  	v36 =	vld.idx.msk [tilespmem:v28+s31+$0x40 ss:$0x1], $0xffff;
	v4 =	vshrl.u32 v30, $0xE;
	v6 =	vshrl.u32 v26, $0x15;
	v15 =	vshrl.u32 v30, $0x15  }
0x166: {  	v41 =	vld.idx.msk [tilespmem:v28+s31+$0xFFFFFF40 ss:$0x1], $0xffff;
	v7 =	vshrl.u32 v37, $0xE;
	v8 =	vshrl.u32 v35, $0xE;
	v43 =	vshrl.u32 v34, $0x15  }
0x167: {  	v33 =	vld.idx.msk [tilespmem:v28+s31+$0x50 ss:$0x1], $0xffff;
	v13 =	vshrl.u32 v25, $0xE;
	v38 =	vshrl.u32 v34, $0xE;
	v44 =	vshrl.u32 v32, $0x15  }
0x168: {  	v14 =	vshrl.u32 v39, $0x15;
	v47 =	vshrl.u32 v31, $0x15;
	v46 =	vand.u32 $0x7F, v38;
	v38 =	vld.idx.msk [tilespmem:v28+s31+$0x30 ss:$0x1], $0xffff  }
0x169: {  	v45 =	vshrl.u32 v40, $0x15;
	v48 =	vshrl.u32 v40, $0xE;
	v49 =	vshrl.u32 v32, $0xE;
	v42 =	vld.idx.msk [tilespmem:v12+s15+$0x0], $0xffff  }
0x16a: {  	v62 =	vshrl.u32 v31, $0xE;
	v51 =	vshrl.u32 v35, $0x15;
	v63 =	vshrl.u32 v27, $0xE;
	v53 =	vld.idx.msk [tilespmem:v15+s15+$0x0], $0xffff  }
0x16b: {  	v56 =	vshrl.u32 v36, $0x15;
	v50 =	vshrl.u32 v39, $0xE;
	v52 =	vshrl.u32 v41, $0x15;
	v16 =	vld.idx.msk [tilespmem:v43+s15+$0x0], $0xffff  }
0x16c: {  	v54 =	vshrl.u32 v27, $0x15;
	v7 =	vand.u32 $0x7F, v7;
	v13 =	vand.u32 $0x7F, v13;
	v43 =	vld.idx.msk [tilespmem:v44+s15+$0x0], $0xffff  }
0x16d: {  	v4 =	vand.u32 $0x7F, v4;
	v8 =	vand.u32 $0x7F, v8;
	v57 =	vand.u32 $0x7F, v63;
	v44 =	vld.idx.msk [tilespmem:v47+s15+$0x0], $0xffff  }
0x16e: {  	v7 =	vmul.u32 $0x30, v7;
	v8 =	vmul.u32 $0x30, v8;
	v13 =	vmul.u32 $0x30, v13;
	v45 =	vld.idx.msk [tilespmem:v45+s15+$0x0], $0xffff  }
0x16f: {  	v4 =	vmul.u32 $0x30, v4;
	v12 =	vand.u32 $0x7F, v49;
	v15 =	vand.u32 $0x7F, v48;
	v58 =	vld.idx.msk [tilespmem:v14+s15+$0x0], $0xffff  }
0x170: {  	v48 =	vand.u32 $0x7F, v62;
	v47 =	vand.u32 $0x7F, v50;
	v14 =	vshrl.u32 v33, $0x15;
	v59 =	vld.idx.msk [tilespmem:v3+s15+$0x0], $0xffff  }
0x171: {  	v63 =	vld.idx.msk [tilespmem:v51+s15+$0x0], $0xffff;
	v55 =	vshrl.u32 v38, $0xE;
	v3 =	vmul.u32 $0x30, v12;
	v15 =	vmul.u32 $0x30, v15  }
0x172: {  	v61 =	vshrl.u32 v38, $0x15;
	v47 =	vmul.u32 $0x30, v47;
	v12 =	vand.u32 $0x7F, v55  }
0x173: {  	v49 =	vadd.s32 v13, v42;
	v13 =	vmul.u32 $0x30, v46;
	v50 =	vadd.s32 v4, v53  }
0x174: {  	v55 =	vld.idx.msk [tilespmem:v54+s15+$0x0], $0xffff;
	v4 =	vshrl.u32 v29, $0x15;
	v46 =	vshrl.u32 v41, $0xE;
	v15 =	vadd.s32 v15, v45  }
0x175: {  	v47 =	vadd.s32 v47, v58;
	v51 =	vadd.s32 v13, v16;
	v13 =	vmul.u32 $0x30, v48;
	v48 =	vld.idx.msk [tilespmem:v52+s15+$0x0], $0xffff  }
0x176: {  	v60 =	vld.idx.msk [tilespmem:v14+s15+$0x0], $0xffff;
	v14 =	vshrl.u32 v33, $0xE;
	v17 =	vadd.s32 v7, v59;
	v18 =	vadd.s32 v8, v63  }
0x177: {  	v54 =	vld.idx.msk [tilespmem:v6+s15+$0x0], $0xffff;
	v7 =	vmul.u32 $0x30, v57;
	v6 =	vand.u32 $0x7F, v46;
	v52 =	vadd.s32 v3, v43  }
0x178: {  	v46 =	vld.idx.msk [tilespmem:v61+s15+$0x0], $0xffff;
	v6 =	vmul.u32 $0x30, v6;
	v3 =	vadd.s32 v13, v44;
	v13 =	vshrl.u32 v36, $0xE  }
0x179: {  	v58 =	vshll.u32 v58, $0x15;
	v57 =	vshll.u32 v63, $0x15;
	v13 =	vand.u32 $0x7F, v13;
	v62 =	vld.idx.msk [tilespmem:v4+s15+$0x0], $0xffff  }
0x17a: {  	v8 =	vshrl.u32 v29, $0xE;
	v4 =	vmul.u32 $0x30, v13;
	v13 =	vld.idx.msk [tilespmem:v56+s15+$0x0], $0xffff;
	v9 =	vadd.s32 v6, v48  }
0x17b: {  	v63 =	vmul.u32 $0x30, v12;
	v12 =	vshll.u32 v16, $0x15;
	v14 =	vand.u32 $0x7F, v14;
	[tilespmem:v15+s16+$0x0] =	vst.idx.add.s32.msk $0xffff, v2  }
0x17c: {  	v61 =	vshll.u32 v45, $0x15;
	v8 =	vand.u32 $0x7F, v8;
	v6 =	vadd.s32 v7, v55;
	[tilespmem:v47+s16+$0x0] =	vst.idx.add.s32.msk $0xffff, v2  }
0x17d: {  	v45 =	vshll.u32 v54, $0x15;
	v15 =	vshrl.u32 v26, $0xE;
	v7 =	vshll.u32 v59, $0x15;
	[tilespmem:v17+s16+$0x0] =	vst.idx.add.s32.msk $0xffff, v2  }
0x17e: {  	v56 =	vshll.u32 v48, $0x15;
	v48 =	vshll.u32 v60, $0x15;
	v15 =	vand.u32 $0x7F, v15;
	[tilespmem:v18+s16+$0x0] =	vst.idx.add.s32.msk $0xffff, v2  }
0x17f: {  	s26 =	simm.s32 $0x800;
	s25 =	simm.s32 $0xD880;
	s24 =	simm.s32 $0xD880;
	v59 =	vshll.u32 v53, $0x15;
	v47 =	vshll.u32 v62, $0x15;
	v53 =	vshll.u32 v13, $0x15;
	[tilespmem:v9+s16+$0x0] =	vst.idx.add.s32.msk $0xffff, v2  }
.LBB2_19:
0x180: {  	p0 =	sne.s32 s26, $0x1F800  }
0x181: {  	v9 =	vshll.u32 v55, $0x15;
	v16 =	vshll.u32 v43, $0x15;
	v17 =	vshll.u32 v44, $0x15;
	[tilespmem:v6+s16+$0x0] =	vst.idx.add.s32.msk $0xffff, v2;
	s25 =	sadd.s32 $0x100, s25;
	s28 =	smov.u32 s26;
	s26 =	sadd.s32 $0x800, s26  }
0x182: {  	v14 =	vmul.u32 $0x30, v14;
	v18 =	vshll.u32 v42, $0x15;
	v6 =	vadd.s32 v63, v46;
	[tilespmem:v49+s16+$0x0] =	vst.idx.add.s32.msk $0xffff, v2  }
0x183: {  	v4 =	vadd.s32 v4, v13;
	v8 =	vmul.u32 $0x30, v8;
	[tilespmem:v50+s16+$0x0] =	vst.idx.add.s32.msk $0xffff, v2  }
0x184: {  	v13 =	vadd.s32 v14, v60;
	v14 =	vmul.u32 $0x30, v15;
	[tilespmem:v51+s16+$0x0] =	vst.idx.add.s32.msk $0xffff, v2  }
0x185: {  	v8 =	vadd.s32 v8, v62;
	[tilespmem:v52+s16+$0x0] =	vst.idx.add.s32.msk $0xffff, v2  }
0x186: {  	v14 =	vadd.s32 v14, v54;
	[tilespmem:v3+s16+$0x0] =	vst.idx.add.s32.msk $0xffff, v2  }
0x187: {  	[tilespmem:v6+s16+$0x0] =	vst.idx.add.s32.msk $0xffff, v2  }
0x188: {  	[tilespmem:v4+s16+$0x0] =	vst.idx.add.s32.msk $0xffff, v2  }
0x189: {  	[tilespmem:v13+s16+$0x0] =	vst.idx.add.s32.msk $0xffff, v2  }
0x18a: {  	v3 =	vand.u32 $0x1FFFFF, v40;
	[tilespmem:v8+s16+$0x0] =	vst.idx.add.s32.msk $0xffff, v2  }
0x18b: {  	v3 =	vor.u32 v3, v61;
	v4 =	vand.u32 $0x1FFFFF, v39;
	[tilespmem:v14+s16+$0x0] =	vst.idx.add.s32.msk $0xffff, v2  }
0x18c: {  	v6 =	vand.u32 $0x1FFFFF, v37;
	v4 =	vor.u32 v4, v58;
	[tilespmem:s24+$0xFFFFFF80] =	vst v3  }
0x18d: {  	v3 =	vor.u32 v6, v7;
	v6 =	vand.u32 $0x1FFFFF, v35;
	[tilespmem:s24+$0xFFFFFF90] =	vst v4  }
0x18e: {  	v4 =	vor.u32 v6, v57;
	v6 =	vand.u32 $0x1FFFFF, v41;
	[tilespmem:s24+$0xFFFFFFA0] =	vst v3  }
0x18f: {  	v3 =	vor.u32 v6, v56;
	v6 =	vand.u32 $0x1FFFFF, v30;
	[tilespmem:s24+$0xFFFFFFB0] =	vst v4  }
0x190: {  	v4 =	vor.u32 v6, v59;
	v6 =	vand.u32 $0x1FFFFF, v34;
	[tilespmem:s24+$0xFFFFFFC0] =	vst v3  }
0x191: {  	v3 =	vor.u32 v6, v12;
	v6 =	vand.u32 $0x1FFFFF, v32;
	[tilespmem:s24+$0xFFFFFFF0] =	vst v4  }
0x192: {  	v4 =	vor.u32 v6, v16;
	v6 =	vand.u32 $0x1FFFFF, v31;
	[tilespmem:s24+$0x0] =	vst v3  }
0x193: {  	v7 =	vand.u32 $0x1FFFFF, v38;
	v3 =	vor.u32 v6, v17;
	v6 =	vshll.u32 v46, $0x15;
	[tilespmem:s24+$0x10] =	vst v4  }
0x194: {  	v4 =	vor.u32 v7, v6;
	v6 =	vand.u32 $0x1FFFFF, v36;
	[tilespmem:s24+$0x20] =	vst v3  }
0x195: {  	v3 =	vor.u32 v6, v53;
	v6 =	vand.u32 $0x1FFFFF, v33;
	[tilespmem:s24+$0x30] =	vst v4  }
0x196: {  	v4 =	vor.u32 v6, v48;
	v6 =	vand.u32 $0x1FFFFF, v29;
	[tilespmem:s24+$0x40] =	vst v3  }
0x197: {  	v3 =	vor.u32 v6, v47;
	v6 =	vand.u32 $0x1FFFFF, v26;
	[tilespmem:s24+$0x50] =	vst v4  }
0x198: {  	v4 =	vand.u32 $0x1FFFFF, v27;
	v6 =	vor.u32 v6, v45;
	[tilespmem:s24+$0x60] =	vst v3  }
0x199: {  	v3 =	vor.u32 v4, v9;
	v4 =	vand.u32 $0x1FFFFF, v25;
	[tilespmem:s24+$0x70] =	vst v6  }
0x19a: {  	s28 =	sshra.s32 s28, $0x2;
	v4 =	vor.u32 v4, v18;
	[tilespmem:s24+$0xFFFFFFD0] =	vst v3  }
0x19b: {  	[tilespmem:s24+$0xFFFFFFE0] =	vst v4;
	s24 =	smov.u32 s25  }
0x19c: {  	v35 =	vld.idx.msk [tilespmem:v28+s28+$0xFFFFFF30 ss:$0x1], $0xffff  }
0x19d: {  	v30 =	vld.idx.msk [tilespmem:v28+s28+$0xFFFFFF70 ss:$0x1], $0xffff  }
0x19e: {  	v25 =	vld.idx.msk [tilespmem:v28+s28+$0xFFFFFF60 ss:$0x1], $0xffff  }
0x19f: {  	v37 =	vld.idx.msk [tilespmem:v28+s28+$0xFFFFFF20 ss:$0x1], $0xffff  }
0x1a0: {  	v26 =	vld.idx.msk [tilespmem:v28+s28+$0x70 ss:$0x1], $0xffff  }
0x1a1: {  	v40 =	vld.idx.msk [tilespmem:v28+s28+$0xFFFFFF00 ss:$0x1], $0xffff  }
0x1a2: {  	v39 =	vld.idx.msk [tilespmem:v28+s28+$0xFFFFFF10 ss:$0x1], $0xffff  }
0x1a3: {  	v34 =	vld.idx.msk [tilespmem:v28+s28+$0x0 ss:$0x1], $0xffff  }
0x1a4: {  	v32 =	vld.idx.msk [tilespmem:v28+s28+$0x10 ss:$0x1], $0xffff  }
0x1a5: {  	v4 =	vshrl.u32 v30, $0xE;
	v3 =	vshrl.u32 v37, $0x15;
	v31 =	vld.idx.msk [tilespmem:v28+s28+$0x20 ss:$0x1], $0xffff  }
0x1a6: {  	v8 =	vshrl.u32 v35, $0xE;
	v7 =	vshrl.u32 v37, $0xE;
	v6 =	vshrl.u32 v26, $0x15;
	v27 =	vld.idx.msk [tilespmem:v28+s28+$0xFFFFFF50 ss:$0x1], $0xffff  }
0x1a7: {  	v9 =	vshrl.u32 v25, $0x15;
	v12 =	vshrl.u32 v25, $0xE;
	v7 =	vand.u32 $0x7F, v7;
	v29 =	vld.idx.msk [tilespmem:v28+s28+$0x60 ss:$0x1], $0xffff  }
0x1a8: {  	v14 =	vshrl.u32 v30, $0x15;
	v12 =	vand.u32 $0x7F, v12;
	v13 =	vshrl.u32 v39, $0x15;
	v33 =	vld.idx.msk [tilespmem:v28+s28+$0x50 ss:$0x1], $0xffff  }
0x1a9: {  	v4 =	vand.u32 $0x7F, v4;
	v15 =	vshrl.u32 v34, $0x15;
	v16 =	vshrl.u32 v34, $0xE;
	v36 =	vld.idx.msk [tilespmem:v28+s28+$0x40 ss:$0x1], $0xffff  }
0x1aa: {  	v17 =	vshrl.u32 v40, $0x15;
	v18 =	vshrl.u32 v32, $0x15;
	v16 =	vand.u32 $0x7F, v16;
	v41 =	vld.idx.msk [tilespmem:v28+s28+$0xFFFFFF40 ss:$0x1], $0xffff  }
0x1ab: {  	v43 =	vshrl.u32 v40, $0xE;
	v45 =	vshrl.u32 v32, $0xE;
	v44 =	vshrl.u32 v31, $0x15;
	v38 =	vld.idx.msk [tilespmem:v28+s28+$0x30 ss:$0x1], $0xffff  }
0x1ac: {  	v8 =	vand.u32 $0x7F, v8;
	v7 =	vmul.u32 $0x30, v7;
	v42 =	vld.idx.msk [tilespmem:v9+s15+$0x0], $0xffff;
	v9 =	vand.u32 $0x7F, v45  }
0x1ad: {  	v8 =	vmul.u32 $0x30, v8;
	v47 =	vld.idx.msk [tilespmem:v14+s15+$0x0], $0xffff;
	v14 =	vand.u32 $0x7F, v43;
	v43 =	vshrl.u32 v31, $0xE  }
0x1ae: {  	v45 =	vshrl.u32 v35, $0x15;
	v53 =	vld.idx.msk [tilespmem:v15+s15+$0x0], $0xffff;
	v15 =	vshrl.u32 v27, $0xE;
	v46 =	vand.u32 $0x7F, v43  }
0x1af: {  	v48 =	vshrl.u32 v39, $0xE;
	v43 =	vld.idx.msk [tilespmem:v18+s15+$0x0], $0xffff;
	v18 =	vshrl.u32 v36, $0x15;
	v15 =	vand.u32 $0x7F, v15  }
0x1b0: {  	v12 =	vmul.u32 $0x30, v12;
	v48 =	vand.u32 $0x7F, v48;
	v52 =	vshrl.u32 v41, $0x15;
	v44 =	vld.idx.msk [tilespmem:v44+s15+$0x0], $0xffff  }
0x1b1: {  	v4 =	vmul.u32 $0x30, v4;
	v54 =	vshrl.u32 v27, $0x15;
	v51 =	vshrl.u32 v38, $0xE;
	v17 =	vld.idx.msk [tilespmem:v17+s15+$0x0], $0xffff  }
0x1b2: {  	v49 =	vadd.s32 v12, v42;
	v12 =	vmul.u32 $0x30, v16;
	v56 =	vld.idx.msk [tilespmem:v13+s15+$0x0], $0xffff;
	v13 =	vshrl.u32 v33, $0x15  }
0x1b3: {  	v50 =	vadd.s32 v4, v47;
	v16 =	vld.idx.msk [tilespmem:v3+s15+$0x0], $0xffff;
	v3 =	vmul.u32 $0x30, v9;
	v9 =	vand.u32 $0x7F, v51  }
0x1b4: {  	v4 =	vshrl.u32 v29, $0x15;
	v51 =	vadd.s32 v12, v53;
	v12 =	vmul.u32 $0x30, v46;
	v45 =	vld.idx.msk [tilespmem:v45+s15+$0x0], $0xffff  }
0x1b5: {  	v14 =	vmul.u32 $0x30, v14;
	v46 =	vshrl.u32 v41, $0xE;
	v59 =	vld.idx.msk [tilespmem:v52+s15+$0x0], $0xffff;
	v52 =	vadd.s32 v3, v43  }
0x1b6: {  	v48 =	vmul.u32 $0x30, v48;
	v57 =	vshrl.u32 v38, $0x15;
	v3 =	vadd.s32 v12, v44;
	v55 =	vld.idx.msk [tilespmem:v54+s15+$0x0], $0xffff  }
0x1b7: {  	v12 =	vadd.s32 v14, v17;
	v14 =	vshrl.u32 v36, $0xE;
	v54 =	vld.idx.msk [tilespmem:v6+s15+$0x0], $0xffff;
	v6 =	vand.u32 $0x7F, v46  }
0x1b8: {  	v48 =	vadd.s32 v48, v56;
	v60 =	vld.idx.msk [tilespmem:v13+s15+$0x0], $0xffff;
	v13 =	vand.u32 $0x7F, v14;
	v14 =	vshrl.u32 v33, $0xE  }
0x1b9: {  	v63 =	vadd.s32 v7, v16;
	v6 =	vmul.u32 $0x30, v6;
	v62 =	vld.idx.msk [tilespmem:v4+s15+$0x0], $0xffff;
	v4 =	vmul.u32 $0x30, v13  }
0x1ba: {  	v7 =	vmul.u32 $0x30, v15;
	v14 =	vand.u32 $0x7F, v14;
	v13 =	vld.idx.msk [tilespmem:v18+s15+$0x0], $0xffff;
	v18 =	vadd.s32 v8, v45  }
0x1bb: {  	v61 =	vshll.u32 v17, $0x15;
	v58 =	vshll.u32 v56, $0x15;
	v10 =	vadd.s32 v6, v59;
	v46 =	vld.idx.msk [tilespmem:v57+s15+$0x0], $0xffff  }
.Ltmp8:
0x1bc: {  	v6 =	vadd.s32 v7, v55;
	v7 =	vshll.u32 v16, $0x15;
	v57 =	vshll.u32 v45, $0x15;
	[tilespmem:v12+s16+$0x0] =	vst.idx.add.s32.msk $0xffff, v2;
	(pc) =	sbr.rel @p0 .LBB2_19-.Ltmp8, $4  }
0x1bd: {  	v8 =	vshrl.u32 v29, $0xE;
	v56 =	vshll.u32 v59, $0x15;
	v45 =	vshll.u32 v54, $0x15;
	[tilespmem:v48+s16+$0x0] =	vst.idx.add.s32.msk $0xffff, v2  }
0x1be: {  	v8 =	vand.u32 $0x7F, v8;
	v12 =	vshrl.u32 v26, $0xE;
	v48 =	vshll.u32 v60, $0x15;
	[tilespmem:v63+s16+$0x0] =	vst.idx.add.s32.msk $0xffff, v2  }
0x1bf: {  	v59 =	vshll.u32 v47, $0x15;
	v15 =	vand.u32 $0x7F, v12;
	v47 =	vshll.u32 v62, $0x15;
	[tilespmem:v18+s16+$0x0] =	vst.idx.add.s32.msk $0xffff, v2  }
0x1c0: {  	v12 =	vshll.u32 v53, $0x15;
	v63 =	vmul.u32 $0x30, v9;
	v53 =	vshll.u32 v13, $0x15;
	[tilespmem:v10+s16+$0x0] =	vst.idx.add.s32.msk $0xffff, v2  }
0x1c1: {  	_ =	sdelay $0x3  }
0x1c2: {  	[tilespmem:v6+s16+$0x0] =	vst.idx.add.s32.msk $0xffff, v2  }
0x1c3: {  	[tilespmem:$0x1FF40] =	vst v5  }
0x1c4: {  	v9 =	vmul.u32 $0x30, v14;
	v6 =	vadd.s32 v63, v46;
	[tilespmem:v49+s16+$0x0] =	vst.idx.add.s32.msk $0xffff, v2  }
0x1c5: {  	v4 =	vadd.s32 v4, v13;
	v8 =	vmul.u32 $0x30, v8;
	[tilespmem:v50+s16+$0x0] =	vst.idx.add.s32.msk $0xffff, v2  }
0x1c6: {  	v10 =	vmul.u32 $0x30, v15;
	v9 =	vadd.s32 v9, v60;
	[tilespmem:v51+s16+$0x0] =	vst.idx.add.s32.msk $0xffff, v2  }
0x1c7: {  	v8 =	vadd.s32 v8, v62;
	[tilespmem:v52+s16+$0x0] =	vst.idx.add.s32.msk $0xffff, v2  }
0x1c8: {  	v10 =	vadd.s32 v10, v54;
	[tilespmem:v3+s16+$0x0] =	vst.idx.add.s32.msk $0xffff, v2  }
0x1c9: {  	[tilespmem:v6+s16+$0x0] =	vst.idx.add.s32.msk $0xffff, v2  }
0x1ca: {  	[tilespmem:v4+s16+$0x0] =	vst.idx.add.s32.msk $0xffff, v2  }
0x1cb: {  	[tilespmem:v9+s16+$0x0] =	vst.idx.add.s32.msk $0xffff, v2  }
0x1cc: {  	v3 =	vand.u32 $0x1FFFFF, v40;
	[tilespmem:v8+s16+$0x0] =	vst.idx.add.s32.msk $0xffff, v2  }
0x1cd: {  	v3 =	vor.u32 v3, v61;
	v4 =	vand.u32 $0x1FFFFF, v39;
	[tilespmem:v10+s16+$0x0] =	vst.idx.add.s32.msk $0xffff, v2  }
0x1ce: {  	v6 =	vand.u32 $0x1FFFFF, v37;
	v4 =	vor.u32 v4, v58;
	[tilespmem:s24+$0xFFFFFF80] =	vst v3  }
0x1cf: {  	vm1 =	veq.s32 v5, $0x0;
	v6 =	vor.u32 v6, v7;
	v7 =	vand.u32 $0x1FFFFF, v35;
	[tilespmem:s24+$0xFFFFFF90] =	vst v4  }
0x1d0: {  	v49 =	vand.u32 $0x1FFFFF, v32;
	v7 =	vor.u32 v7, v57;
	v8 =	vand.u32 $0x1FFFFF, v41;
	[tilespmem:s24+$0xFFFFFFA0] =	vst v6  }
0x1d1: {  	s29 =	simm.s32 $0x90;
	v8 =	vor.u32 v8, v56;
	v6 =	vshll.u32 v44, $0x15;
	[tilespmem:s24+$0xFFFFFFB0] =	vst v7;
	v44 =	vand.u32 $0x1FFFFF, v34  }
0x1d2: {  	v16 =	vadd.s32 s29, v21;
	v4 =	vshll.u32 v43, $0x15;
	[tilespmem:s24+$0xFFFFFFC0] =	vst v8;
	v8 =	vor.u32 v44, v12  }
0x1d3: {  	v50 =	vand.u32 $0x1FFFFF, v31;
	v54 =	vand.u32 $0x1FFFFF, v27;
	v4 =	vor.u32 v49, v4;
	[tilespmem:s24+$0x0] =	vst v8  }
0x1d4: {  	s26 =	simm.s32 $0x0;
	v51 =	vand.u32 $0x1FFFFF, v38;
	v3 =	vshll.u32 v55, $0x15;
	v6 =	vor.u32 v50, v6;
	[tilespmem:s24+$0x10] =	vst v4  }
0x1d5: {  	v52 =	vand.u32 $0x1FFFFF, v33;
	v58 =	vadd.s32 s26, v23;
	v55 =	vld [tilespmem:$0x1FF50];
	v3 =	vor.u32 v54, v3;
	[tilespmem:s24+$0x20] =	vst v6  }
0x1d6: {  	v43 =	vand.u32 $0x1FFFFF, v30;
	v8 =	vshll.u32 v46, $0x15;
	v6 =	vor.u32 v52, v48;
	[tilespmem:s24+$0xFFFFFFD0] =	vst v3;
	v3 =	vld [tilespmem:$0x1FF60]  }
0x1d7: {  	v7 =	vshll.u32 v42, $0x15;
	v4 =	vand.u32 $0x1FFFFF, v36;
	v8 =	vor.u32 v51, v8;
	[tilespmem:s24+$0x50] =	vst v6  }
0x1d8: {  	s25 =	simm.s32 $0x30;
	v5 =	vld [tilespmem:$0x1FFA0];
	v9 =	vor.u32 v43, v59;
	v4 =	vor.u32 v4, v53;
	[tilespmem:s24+$0x30] =	vst v8;
	v8 =	vand.u32 $0x1FFFFF, v29  }
0x1d9: {  	v59 =	vadd.s32 s25, v23;
	v6 =	vand.u32 $0x1FFFFF, v25;
	[tilespmem:s24+$0x40] =	vst v4;
	v4 =	vor.u32 v8, v47  }
0x1da: {  	v53 =	vand.u32 $0x1FFFFF, v26;
	vm0 =	veq.s32 v55, $0x0;
	[tilespmem:s24+$0x60] =	vst v4;
	v4 =	vor.u32 v6, v7  }
0x1db: {  	[tilespmem:s24+$0xFFFFFFF0] =	vst v9;
	v6 =	vsel vm0, $0x0, v24;
	v7 =	vadd.s32 s26, v22;
	vm0 =	veq.s32 v3, $0x0  }
0x1dc: {  	s28 =	simm.s32 $0x60;
	v8 =	vor.u32 v53, v45;
	v3 =	vadd.s32 s26, v21;
	[tilespmem:s24+$0xFFFFFFE0] =	vst v4;
	v4 =	vsel vm0, $0x0, v19  }
0x1dd: {  	s30 =	simm.s32 $0xF0;
	v18 =	vadd.s32 s28, v23;
	v56 =	vadd.s32 s25, v22;
	[tilespmem:s24+$0x70] =	vst v8;
	v26 =	vsub.s32 v5, v4;
	v4 =	vld [tilespmem:$0x1FFB0]  }
0x1de: {  	s31 =	simm.s32 $0x150;
	v28 =	vadd.s32 s30, v23;
	v25 =	vsub.s32 v11, v6;
	v6 =	vadd.s32 s28, v22;
	v9 =	vld.idx.msk [tilespmem:v58+s16+$0x0], $0xffff  }
0x1df: {  	v63 =	vadd.s32 s31, v22;
	v60 =	vadd.s32 s28, v21;
	v57 =	vadd.s32 s29, v22;
	v12 =	vld.idx.msk [tilespmem:v59+s16+$0x0], $0xffff  }
0x1e0: {  	v30 =	vadd.s32 s29, v23;
	v44 =	vadd.s32 s31, v23;
	v46 =	vadd.s32 s31, v21;
	v7 =	vld.idx.msk [tilespmem:v7+s16+$0x0], $0xffff  }
0x1e1: {  	v29 =	vimm.s32 $0x0;
	v45 =	vadd.s32 s30, v22;
	v8 =	vsel vm1, $0x0, v20;
	v3 =	vld.idx.msk [tilespmem:v3+s16+$0x0], $0xffff  }
0x1e2: {  	v24 =	vadd.s32 s30, v21;
	s26 =	simm.s32 $0x120;
	v27 =	vsub.s32 v4, v8;
	v4 =	vadd.s32 s25, v21;
	v8 =	vld.idx.msk [tilespmem:v56+s16+$0x0], $0xffff;
	s25 =	simm.s32 $0xC0  }
0x1e3: {  	v17 =	vadd.s32 s26, v21;
	v6 =	vld.idx.msk [tilespmem:v6+s16+$0x0], $0xffff;
	v9 =	vadd.s32 v29, v9;
	v62 =	vadd.s32 s25, v22  }
0x1e4: {  	v19 =	vadd.s32 s26, v22;
	v10 =	vld.idx.msk [tilespmem:v57+s16+$0x0], $0xffff;
	v31 =	vadd.s32 s26, v23;
	vm15 =	vle.s32 v9, v25  }
0x1e5: {  	v13 =	vld.idx.msk [tilespmem:v60+s16+$0x0], $0xffff;
	v12 =	vadd.s32 v9, v12;
	v61 =	vadd.s32 s25, v21;
	v7 =	vadd.s32 v29, v7  }
0x1e6: {  	v18 =	vld.idx.msk [tilespmem:v18+s16+$0x0], $0xffff;
	v20 =	vadd.s32 s25, v23;
	vm0 =	vle.s32 v7, v27;
	v3 =	vadd.s32 v29, v3  }
0x1e7: {  	vm2 =	vle.s32 v3, v26;
	v4 =	vld.idx.msk [tilespmem:v4+s16+$0x0], $0xffff;
	v8 =	vadd.s32 v7, v8;
	v7 =	vsel vm0, v7, v29  }
0x1e8: {  	v50 =	vsel vm2, $0x1, v0;
	vm1 =	vle.s32 v8, v27;
	v6 =	vadd.s32 v8, v6;
	v15 =	vld.idx.msk [tilespmem:v62+s16+$0x0], $0xffff  }
0x1e9: {  	v16 =	vld.idx.msk [tilespmem:v16+s16+$0x0], $0xffff;
	v10 =	vadd.s32 v6, v10;
	vm3 =	vle.s32 v6, v27;
	v7 =	vsel vm1, v8, v7  }
0x1ea: {  	v34 =	vld.idx.msk [tilespmem:v45+s16+$0x0], $0xffff;
	v47 =	vsel vm1, $0x1, v0;
	vm1 =	vle.s32 v10, v27;
	v6 =	vsel vm3, v6, v7  }
0x1eb: {  	v14 =	vld.idx.msk [tilespmem:v61+s16+$0x0], $0xffff;
	v62 =	vadd.s32 v12, v18;
	v48 =	vsel vm3, $0x1, v0;
	v6 =	vsel vm1, v10, v6  }
0x1ec: {  	v54 =	vsel vm1, $0x1, v0;
	v4 =	vadd.s32 v3, v4;
	v3 =	vsel vm2, v3, v29  }
0x1ed: {  	v24 =	vld.idx.msk [tilespmem:v24+s16+$0x0], $0xffff;
	vm4 =	vle.s32 v4, v26;
	v13 =	vadd.s32 v4, v13;
	v10 =	vadd.s32 v10, v15  }
0x1ee: {  	v49 =	vsel vm4, $0x1, v0;
	v8 =	vadd.s32 v13, v16;
	v16 =	vsel vm0, $0x1, v0  }
0x1ef: {  	v17 =	vld.idx.msk [tilespmem:v17+s16+$0x0], $0xffff;
	vm0 =	vle.s32 v13, v26;
	v3 =	vsel vm4, v4, v3;
	vm1 =	vle.s32 v10, v27  }
0x1f0: {  	v55 =	vld.idx.msk [tilespmem:v20+s16+$0x0], $0xffff;
	v20 =	vadd.s32 v10, v34;
	v14 =	vadd.s32 v8, v14;
	v16 =	vadd.s32 v16, v29  }
0x1f1: {  	vm2 =	vle.s32 v8, v26;
	v52 =	vsel vm0, $0x1, v0;
	v3 =	vsel vm0, v13, v3  }
0x1f2: {  	v35 =	vld.idx.msk [tilespmem:v46+s16+$0x0], $0xffff;
	v6 =	vsel vm1, v10, v6;
	v51 =	vadd.s32 v14, v24;
	v24 =	vadd.s32 v50, v29  }
0x1f3: {  	vm3 =	vle.s32 v14, v26;
	v4 =	vadd.s32 v47, v16;
	v3 =	vsel vm2, v8, v3;
	v8 =	vld.idx.msk [tilespmem:v28+s16+$0x0], $0xffff  }
0x1f4: {  	v28 =	vsel vm1, $0x1, v0;
	v7 =	vadd.s32 v51, v17;
	v17 =	vld.idx.msk [tilespmem:v19+s16+$0x0], $0xffff;
	v19 =	vsel vm2, $0x1, v0  }
0x1f5: {  	v16 =	vsel vm3, $0x1, v0;
	v53 =	vadd.s32 v49, v24;
	v4 =	vadd.s32 v48, v4  }
0x1f6: {  	v32 =	vld.idx.msk [tilespmem:v63+s16+$0x0], $0xffff;
	v3 =	vsel vm3, v14, v3;
	vm2 =	vle.s32 v20, v27;
	vm3 =	vle.s32 v51, v26  }
0x1f7: {  	v30 =	vld.idx.msk [tilespmem:v30+s16+$0x0], $0xffff;
	v24 =	vadd.s32 v7, v35;
	v4 =	vadd.s32 v54, v4;
	v13 =	vadd.s32 v52, v53  }
0x1f8: {  	s24 =	simm.s32 $0xC0C0;
	v33 =	vld.idx.msk [tilespmem:v44+s16+$0x0], $0xffff;
	v3 =	vsel vm3, v51, v3;
	v6 =	vsel vm2, v20, v6;
	vm0 =	vle.s32 v24, v26  }
0x1f9: {  	v57 =	vld.idx.msk [tilespmem:v31+s16+$0x0], $0xffff;
	[tilespmem:s24+$0xB0] =	vst v0;
	v4 =	vadd.s32 v28, v4;
	v13 =	vadd.s32 v19, v13;
	v19 =	vsel vm2, $0x1, v0  }
0x1fa: {  	[tilespmem:s24+$0xFFFFFF40] =	vst v0;
	vm2 =	vle.s32 v7, v26;
	v56 =	vsel vm0, $0x1, v0;
	v13 =	vadd.s32 v16, v13  }
0x1fb: {  	[tilespmem:s24+$0xFFFFFF50] =	vst v0;
	v16 =	vsel vm3, $0x1, v0;
	v4 =	vadd.s32 v19, v4;
	v60 =	vsel vm2, $0x1, v0  }
0x1fc: {  	[tilespmem:s24+$0xFFFFFF60] =	vst v0;
	v3 =	vsel vm2, v7, v3;
	v7 =	vsel vm15, $0x1, v0;
	vm2 =	vle.s32 v12, v25  }
0x1fd: {  	[tilespmem:s24+$0xFFFFFF70] =	vst v0;
	v58 =	vadd.s32 v16, v13;
	v7 =	vadd.s32 v7, v29;
	v61 =	vsel vm2, $0x1, v0  }
0x1fe: {  	[tilespmem:s24+$0xFFFFFF80] =	vst v0;
	v31 =	vsel vm0, v24, v3;
	v17 =	vadd.s32 v20, v17;
	v10 =	vadd.s32 v60, v58  }
0x1ff: {  	[tilespmem:s24+$0xFFFFFF90] =	vst v0;
	v7 =	vadd.s32 v61, v7;
	v28 =	vadd.s32 v17, v32;
	vm1 =	vle.s32 v17, v27  }
0x200: {  	[tilespmem:s24+$0xFFFFFFA0] =	vst v0;
	v19 =	vadd.s32 v56, v10;
	v59 =	vsel vm1, $0x1, v0;
	vm3 =	vle.s32 v28, v27  }
0x201: {  	[tilespmem:s24+$0xFFFFFFB0] =	vst v0;
	v6 =	vsel vm1, v17, v6;
	v4 =	vadd.s32 v59, v4;
	v3 =	vsel vm3, $0x1, v0  }
0x202: {  	[tilespmem:s24+$0xFFFFFFC0] =	vst v0;
	v32 =	vsel vm3, v28, v6;
	v6 =	vsel vm15, v9, v29;
	vm3 =	vle.s32 v62, v25  }
0x203: {  	[tilespmem:s24+$0xFFFFFFD0] =	vst v0;
	v20 =	vadd.s32 v3, v4;
	v3 =	vsel vm2, v12, v6;
	v4 =	vadd.s32 v62, v30  }
0x204: {  	[tilespmem:s24+$0xFFFFFFE0] =	vst v0;
	v3 =	vsel vm3, v62, v3;
	vm0 =	vle.s32 v4, v25;
	v6 =	vadd.s32 v4, v55  }
0x205: {  	[tilespmem:s24+$0xFFFFFFF0] =	vst v0;
	v3 =	vsel vm0, v4, v3;
	vm1 =	vle.s32 v6, v25;
	v8 =	vadd.s32 v6, v8  }
0x206: {  	[tilespmem:s24+$0x0] =	vst v0;
	v3 =	vsel vm1, v6, v3;
	vm2 =	vle.s32 v8, v25;
	v63 =	vadd.s32 v8, v57  }
0x207: {  	[tilespmem:s24+$0x10] =	vst v0;
	v4 =	vsel vm2, $0x1, v0;
	v3 =	vsel vm2, v8, v3;
	vm2 =	vle.s32 v63, v25  }
0x208: {  	s29 =	simm.s32 $0x2D0;
	s25 =	simm.s32 $0xC0C0;
	[tilespmem:s24+$0x20] =	vst v0;
	v6 =	vsel vm3, $0x1, v0;
	v33 =	vadd.s32 v63, v33;
	v35 =	vsel vm2, v63, v3  }
.LBB2_21:
0x209: {  	s30 =	sadd.s32 $0xFFFFFEB0, s29  }
0x20a: {  	v8 =	vsel vm0, $0x1, v0;
	v9 =	vsel vm1, $0x1, v0;
	v10 =	vsel vm2, $0x1, v0;
	[tilespmem:s24+$0x30] =	vst v0;
	s25 =	sadd.s32 $0x180, s25;
	s28 =	smov.u32 s29;
	s26 =	sadd.s32 $0x180, s29  }
0x20b: {  	p0 =	sne.s32 s29, $0x17D0;
	v6 =	vadd.s32 v6, v7;
	v3 =	vadd.s32 s30, v23;
	v12 =	vadd.s32 s30, v21;
	s31 =	sadd.s32 $0xFFFFFEE0, s28;
	[tilespmem:s24+$0x40] =	vst v0  }
0x20c: {  	vm0 =	vle.s32 v33, v25;
	s29 =	sadd.s32 $0xFFFFFF10, s28;
	s0 =	sadd.s32 $0xFFFFFF40, s28;
	v7 =	vadd.s32 s31, v23;
	v13 =	vadd.s32 s31, v22;
	[tilespmem:s24+$0x50] =	vst v0  }
0x20d: {  	s3 =	sadd.s32 $0xFFFFFF70, s28;
	s2 =	sadd.s32 $0xFFFFFFA0, s28;
	v16 =	vsel vm0, $0x1, v0;
	v14 =	vadd.s32 s29, v22;
	v15 =	vadd.s32 s0, v22;
	[tilespmem:s24+$0x60] =	vst v0  }
0x20e: {  	v17 =	vadd.s32 s30, v22;
	s30 =	sadd.s32 $0xFFFFFFD0, s28;
	v18 =	vadd.s32 s29, v21;
	v36 =	vadd.s32 s3, v21;
	[tilespmem:s24+$0x70] =	vst v0  }
0x20f: {  	v6 =	vadd.s32 v8, v6;
	v37 =	vadd.s32 s3, v22;
	v38 =	vadd.s32 s30, v21;
	[tilespmem:s24+$0x80] =	vst v0  }
0x210: {  	v34 =	vadd.s32 s29, v23;
	v8 =	vadd.s32 s30, v22;
	v6 =	vadd.s32 v9, v6;
	[tilespmem:s24+$0x90] =	vst v0  }
0x211: {  	v9 =	vadd.s32 s3, v23;
	v39 =	vadd.s32 s2, v23;
	v4 =	vadd.s32 v4, v6;
	[tilespmem:s24+$0xA0] =	vst v0;
	s24 =	smov.u32 s25  }
0x212: {  	v40 =	vadd.s32 s0, v23;
	v6 =	vadd.s32 s31, v21;
	v4 =	vadd.s32 v10, v4;
	v13 =	vld.idx.msk [tilespmem:v13+s16+$0x0], $0xffff  }
0x213: {  	v29 =	vsel vm0, v33, v35;
	v30 =	vadd.s32 v16, v4;
	v10 =	vld.idx.msk [tilespmem:v17+s16+$0x0], $0xffff;
	v17 =	vadd.s32 s30, v23  }
0x214: {  	v4 =	vld.idx.msk [tilespmem:v14+s16+$0x0], $0xffff;
	v14 =	vadd.s32 s0, v21  }
0x215: {  	v12 =	vld.idx.msk [tilespmem:v12+s16+$0x0], $0xffff  }
0x216: {  	v15 =	vld.idx.msk [tilespmem:v15+s16+$0x0], $0xffff  }
0x217: {  	v35 =	vadd.s32 s28, v22;
	v16 =	vadd.s32 s2, v21;
	v6 =	vld.idx.msk [tilespmem:v6+s16+$0x0], $0xffff  }
0x218: {  	v41 =	vadd.s32 s28, v23;
	v18 =	vld.idx.msk [tilespmem:v18+s16+$0x0], $0xffff  }
0x219: {  	v43 =	vadd.s32 s28, v21;
	v42 =	vadd.s32 s2, v22;
	v10 =	vadd.s32 v28, v10;
	v14 =	vld.idx.msk [tilespmem:v14+s16+$0x0], $0xffff  }
0x21a: {  	vm0 =	vle.s32 v10, v27;
	v13 =	vadd.s32 v10, v13;
	v28 =	vld.idx.msk [tilespmem:v36+s16+$0x0], $0xffff  }
0x21b: {  	v12 =	vadd.s32 v24, v12;
	vm1 =	vle.s32 v13, v27;
	v4 =	vadd.s32 v13, v4;
	v36 =	vld.idx.msk [tilespmem:v37+s16+$0x0], $0xffff  }
0x21c: {  	vm2 =	vle.s32 v12, v26;
	v24 =	vsel vm1, $0x1, v0;
	v15 =	vadd.s32 v4, v15;
	v16 =	vld.idx.msk [tilespmem:v16+s16+$0x0], $0xffff  }
0x21d: {  	v10 =	vsel vm0, v10, v32;
	vm3 =	vle.s32 v4, v27;
	v6 =	vadd.s32 v12, v6;
	v37 =	vld.idx.msk [tilespmem:v38+s16+$0x0], $0xffff  }
0x21e: {  	vm4 =	vle.s32 v6, v26;
	v18 =	vadd.s32 v6, v18;
	v38 =	vsel vm3, $0x1, v0;
	v32 =	vld.idx.msk [tilespmem:v42+s16+$0x0], $0xffff  }
0x21f: {  	v10 =	vsel vm1, v13, v10;
	v42 =	vsel vm4, $0x1, v0;
	v13 =	vadd.s32 v18, v14  }
0x220: {  	v12 =	vsel vm2, v12, v31;
	v14 =	vsel vm0, $0x1, v0;
	v28 =	vadd.s32 v13, v28;
	v8 =	vld.idx.msk [tilespmem:v8+s16+$0x0], $0xffff  }
0x221: {  	vm1 =	vle.s32 v15, v27;
	vm0 =	vle.s32 v18, v26;
	v31 =	vld.idx.msk [tilespmem:v43+s16+$0x0], $0xffff;
	v43 =	vsel vm2, $0x1, v0  }
0x222: {  	v14 =	vadd.s32 v14, v20;
	vm2 =	vle.s32 v13, v26;
	v16 =	vadd.s32 v28, v16;
	v35 =	vld.idx.msk [tilespmem:v35+s16+$0x0], $0xffff  }
0x223: {  	v4 =	vsel vm3, v4, v10;
	v19 =	vadd.s32 v43, v19;
	v10 =	vadd.s32 v16, v37  }
0x224: {  	v4 =	vsel vm1, v15, v4;
	vm3 =	vle.s32 v28, v26;
	v20 =	vsel vm2, $0x1, v0  }
0x225: {  	v6 =	vsel vm4, v6, v12;
	v12 =	vadd.s32 v24, v14;
	v14 =	vsel vm3, $0x1, v0  }
0x226: {  	v6 =	vsel vm0, v18, v6;
	v15 =	vadd.s32 v15, v36;
	v37 =	vsel vm0, $0x1, v0  }
0x227: {  	v18 =	vadd.s32 v42, v19;
	v19 =	vsel vm1, $0x1, v0;
	v24 =	vadd.s32 v10, v31;
	v7 =	vld.idx.msk [tilespmem:v7+s16+$0x0], $0xffff  }
0x228: {  	v12 =	vadd.s32 v38, v12;
	v6 =	vsel vm2, v13, v6;
	vm0 =	vle.s32 v24, v26;
	v3 =	vld.idx.msk [tilespmem:v3+s16+$0x0], $0xffff  }
0x229: {  	v6 =	vsel vm3, v28, v6;
	v12 =	vadd.s32 v19, v12;
	v19 =	vsel vm0, $0x1, v0;
	v13 =	vld.idx.msk [tilespmem:v39+s16+$0x0], $0xffff  }
0x22a: {  	vm1 =	vle.s32 v15, v27;
	v31 =	vadd.s32 v15, v32;
	v9 =	vld.idx.msk [tilespmem:v9+s16+$0x0], $0xffff  }
0x22b: {  	v28 =	vsel vm1, $0x1, v0;
	vm3 =	vle.s32 v31, v27;
	v8 =	vadd.s32 v31, v8;
	v17 =	vld.idx.msk [tilespmem:v17+s16+$0x0], $0xffff  }
0x22c: {  	v18 =	vadd.s32 v37, v18;
	v12 =	vadd.s32 v28, v12;
	v32 =	vsel vm3, $0x1, v0;
	v36 =	vld.idx.msk [tilespmem:v40+s16+$0x0], $0xffff  }
0x22d: {  	vm2 =	vle.s32 v16, v26;
	v4 =	vsel vm1, v15, v4;
	v18 =	vadd.s32 v20, v18;
	v37 =	vld.idx.msk [tilespmem:v41+s16+$0x0], $0xffff  }
0x22e: {  	v14 =	vadd.s32 v14, v18;
	v18 =	vsel vm2, $0x1, v0;
	v28 =	vadd.s32 v8, v35;
	v15 =	vld.idx.msk [tilespmem:v34+s16+$0x0], $0xffff  }
0x22f: {  	v14 =	vadd.s32 v18, v14;
	vm1 =	vle.s32 v8, v27;
	v12 =	vadd.s32 v32, v12;
	[tilespmem:s25+$0xB0] =	vst v0  }
0x230: {  	v6 =	vsel vm2, v16, v6;
	v16 =	vsel vm1, $0x1, v0;
	vm2 =	vle.s32 v28, v27;
	[tilespmem:s25+$0xFFFFFF40] =	vst v0  }
0x231: {  	v4 =	vsel vm3, v31, v4;
	vm3 =	vle.s32 v10, v26;
	v12 =	vadd.s32 v16, v12;
	[tilespmem:s25+$0xFFFFFF50] =	vst v0  }
0x232: {  	v6 =	vsel vm3, v10, v6;
	v16 =	vsel vm3, $0x1, v0;
	v3 =	vadd.s32 v33, v3;
	[tilespmem:s25+$0xFFFFFF60] =	vst v0  }
0x233: {  	vm3 =	vle.s32 v3, v25;
	v10 =	vadd.s32 v3, v7;
	v7 =	vadd.s32 v16, v14;
	[tilespmem:s25+$0xFFFFFF70] =	vst v0  }
0x234: {  	v14 =	vsel vm3, $0x1, v0;
	vm4 =	vle.s32 v10, v25;
	v19 =	vadd.s32 v19, v7;
	[tilespmem:s25+$0xFFFFFF80] =	vst v0  }
0x235: {  	v7 =	vadd.s32 v14, v30;
	v14 =	vsel vm4, $0x1, v0;
	v15 =	vadd.s32 v10, v15;
	[tilespmem:s25+$0xFFFFFF90] =	vst v0  }
0x236: {  	v4 =	vsel vm1, v8, v4;
	v31 =	vsel vm0, v24, v6;
	v7 =	vadd.s32 v14, v7;
	[tilespmem:s25+$0xFFFFFFA0] =	vst v0  }
0x237: {  	v6 =	vsel vm2, $0x1, v0;
	v32 =	vsel vm2, v28, v4;
	[tilespmem:s25+$0xFFFFFFB0] =	vst v0  }
0x238: {  	v20 =	vadd.s32 v6, v12;
	v3 =	vsel vm3, v3, v29;
	[tilespmem:s25+$0xFFFFFFC0] =	vst v0  }
0x239: {  	v3 =	vsel vm4, v10, v3;
	vm3 =	vle.s32 v15, v25;
	v4 =	vadd.s32 v15, v36;
	[tilespmem:s25+$0xFFFFFFD0] =	vst v0  }
.Ltmp9:
0x23a: {  	v3 =	vsel vm3, v15, v3;
	vm0 =	vle.s32 v4, v25;
	v6 =	vadd.s32 v4, v9;
	[tilespmem:s25+$0xFFFFFFE0] =	vst v0;
	(pc) =	sbr.rel @p0 .LBB2_21-.Ltmp9, $4  }
0x23b: {  	v3 =	vsel vm0, v4, v3;
	vm1 =	vle.s32 v6, v25;
	v8 =	vadd.s32 v6, v13;
	[tilespmem:s25+$0xFFFFFFF0] =	vst v0  }
0x23c: {  	v3 =	vsel vm1, v6, v3;
	vm2 =	vle.s32 v8, v25;
	v9 =	vadd.s32 v8, v17;
	[tilespmem:s25+$0x0] =	vst v0  }
0x23d: {  	v4 =	vsel vm2, $0x1, v0;
	v3 =	vsel vm2, v8, v3;
	vm2 =	vle.s32 v9, v25;
	[tilespmem:s25+$0x10] =	vst v0  }
0x23e: {  	s29 =	smov.u32 s26;
	v6 =	vsel vm3, $0x1, v0;
	v33 =	vadd.s32 v9, v37;
	v35 =	vsel vm2, v9, v3;
	[tilespmem:s25+$0x20] =	vst v0  }
0x23f: {  	[tilespmem:s24+$0x30] =	vst v0  }
0x240: {  	v3 =	vsel vm0, $0x1, v0;
	v6 =	vadd.s32 v6, v7;
	[tilespmem:s24+$0x40] =	vst v0  }
0x241: {  	v7 =	vsel vm1, $0x1, v0;
	[tilespmem:s24+$0x50] =	vst v0;
	v3 =	vadd.s32 v3, v6  }
0x242: {  	[tilespmem:s24+$0x60] =	vst v0;
	v3 =	vadd.s32 v7, v3  }
0x243: {  	vm0 =	vle.s32 v33, v25;
	[tilespmem:s24+$0x70] =	vst v0;
	v6 =	vsel vm2, $0x1, v0;
	v3 =	vadd.s32 v4, v3  }
0x244: {  	[tilespmem:s24+$0x80] =	vst v0;
	v4 =	vsel vm0, $0x1, v0;
	v3 =	vadd.s32 v6, v3  }
0x245: {  	[tilespmem:s24+$0x90] =	vst v0;
	v4 =	vadd.s32 v4, v3;
	v3 =	vshll.u32 v23, $0x7  }
0x246: {  	[tilespmem:s24+$0xA0] =	vst v0;
	v8 =	vadd.s32 v3, v4  }
0x247: {  	v3 =	vshll.u32 v21, $0x7;
	[tilespmem:$0x15881] =	vst v8  }
0x248: {  	v5 =	vadd.s32 v3, v19;
	v3 =	vld [tilespmem:$0x15880]  }
0x249: {  	[tilespmem:$0x15891] =	vst v5  }
0x24a: {  	[tilespmem:$0x1FEF0] =	vst v4;
	v4 =	vld [tilespmem:$0x15890];
	_ =	sdelay $0x2  }
0x24b: {  	vm1 =	vne.s32 v8, v3  }
0x24c: {  	vm1 =	vmor vm1, vm8  }
0x24d: {  	vm2 =	vne.s32 v5, v4;
	v3 =	vsel vm1, $0x1, v0  }
0x24e: {  	v4 =	vsel vm2, $0x1, v0;
	(xrf0) =	vadd.scan.msk.s32 $0xffff, v3  }
0x24f: {  	(xrf0) =	vadd.scan.msk.s32 $0xffff, v4;
	_ =	sdelay $0x4  }
0x250: {  	v3, _, _ =	vpop (xrf0)  }
0x251: {  	(v2sf) =	vpush v3, $0xF;
	v4, _, _ =	vpop (xrf0)  }
0x252: {  	v6 =	vshll.u32 v22, $0x7;
	(v2sf) =	vpush v4, $0xF  }
0x253: {  	v7 =	vadd.s32 v6, v20  }
0x254: {  	[tilespmem:$0x158A1] =	vst v7  }
0x255: {  	v6 =	vld [tilespmem:$0x158A0];
	_ =	sdelay $0x4  }
0x256: {  	vm3 =	vne.s32 v7, v6  }
0x257: {  	v6 =	vsel vm3, $0x1, v0  }
0x258: {  	(xrf0) =	vadd.scan.msk.s32 $0xffff, v6;
	_ =	sdelay $0x3  }
0x259: {  	s0 =	spop (v2sf)  }
0x25a: {  	v29 =	vadd.s32 $0xFFFFFFFF, v3;
	s2 =	spop (v2sf);
	s0 =	sadd.s32 $0xFFFFFFFF, s0  }
0x25b: {  	[tilespmem:v8+s17+$0x0] =	vst.idx.msk vm1, v29;
	v3, _, _ =	vpop (xrf0);
	v30 =	vadd.s32 s0, v4;
	s0 =	sadd.s32 s2, s0  }
0x25c: {  	v28 =	vadd.s32 s0, v3;
	[tilespmem:v5+s17+$0x0] =	vst.idx.msk vm2, v30  }
0x25d: {  	s25 =	simm.s32 $0x0;
	[tilespmem:v7+s17+$0x0] =	vst.idx.msk vm3, v28  }
0x25e: {  	v44 =	vld [tilespmem:s25+$0xD810]  }
0x25f: {  	v38 =	vld [tilespmem:s25+$0xD860]  }
0x260: {  	v39 =	vld [tilespmem:s25+$0xD850]  }
0x261: {  	v34 =	vld [tilespmem:s25+$0xD8E0]  }
0x262: {  	v45 =	vld [tilespmem:s25+$0xD820]  }
0x263: {  	v36 =	vld [tilespmem:s25+$0xD880]  }
0x264: {  	v43 =	vld [tilespmem:s25+$0xD840]  }
0x265: {  	v40 =	vld [tilespmem:s25+$0xD870]  }
0x266: {  	v46 =	vld [tilespmem:s25+$0xD830]  }
0x267: {  	v3 =	vsel vm0, v33, v35;
	v35 =	vld [tilespmem:s25+$0xD8F0]  }
0x268: {  	[tilespmem:$0x1FF20] =	vst v3;
	v41 =	vld [tilespmem:s25+$0xD8A0];
	v3 =	vshrl.u32 v44, $0xE  }
0x269: {  	[tilespmem:$0x1FF30] =	vst v7;
	v37 =	vld [tilespmem:s25+$0xD8D0];
	v4 =	vshrl.u32 v34, $0xE;
	v6 =	vshrl.u32 v34, $0x7;
	v7 =	vshrl.u32 v45, $0xE  }
0x26a: {  	[tilespmem:$0x1FF00] =	vst v8;
	v42 =	vld [tilespmem:s25+$0xD8C0];
	v8 =	vshrl.u32 v38, $0xE;
	v9 =	vshrl.u32 v38, $0x7;
	v10 =	vshrl.u32 v39, $0xE  }
0x26b: {  	v12 =	vshrl.u32 v45, $0x7;
	v13 =	vshrl.u32 v39, $0x7;
	v14 =	vshrl.u32 v43, $0xE  }
0x26c: {  	v48 =	vld [tilespmem:s25+$0xD800];
	v15 =	vshrl.u32 v43, $0x7;
	v16 =	vshrl.u32 v40, $0xE;
	v17 =	vshrl.u32 v46, $0x7  }
0x26d: {  	v18 =	vshrl.u32 v40, $0x7;
	v21 =	vshrl.u32 v36, $0x7;
	v24 =	vshrl.u32 v46, $0xE  }
0x26e: {  	v47 =	vshrl.u32 v44, $0x7;
	v49 =	vshrl.u32 v36, $0xE;
	v50 =	vshrl.u32 v35, $0xE  }
0x26f: {  	v51 =	vshrl.u32 v41, $0xE;
	v54 =	vshrl.u32 v37, $0xE;
	v52 =	vshrl.u32 v42, $0x7  }
0x270: {  	v61 =	vshrl.u32 v42, $0xE;
	v53 =	vshrl.u32 v41, $0x7;
	v47 =	vand.u32 $0x7F, v47  }
0x271: {  	v56 =	vshrl.u32 v48, $0xE;
	v55 =	vshrl.u32 v48, $0x7;
	v62 =	vmul.u32 $0x30, v47;
	v47 =	vld [tilespmem:s25+$0xD8B0]  }
0x272: {  	v59 =	vshrl.u32 v37, $0x7;
	v9 =	vand.u32 $0x7F, v9;
	v15 =	vand.u32 $0x7F, v15;
	v10 =	vld.idx.msk [tilespmem:v10+s17+$0x0], $0xffff  }
0x273: {  	v13 =	vand.u32 $0x7F, v13;
	v18 =	vand.u32 $0x7F, v18;
	v21 =	vand.u32 $0x7F, v21;
	v14 =	vld.idx.msk [tilespmem:v14+s17+$0x0], $0xffff  }
0x274: {  	v33 =	vand.u32 $0x7F, v53;
	v58 =	vand.u32 $0x7F, v55;
	v17 =	vand.u32 $0x7F, v17;
	v8 =	vld.idx.msk [tilespmem:v8+s17+$0x0], $0xffff  }
0x275: {  	v60 =	vand.u32 $0x7F, v52;
	v12 =	vand.u32 $0x7F, v12;
	v6 =	vand.u32 $0x7F, v6;
	v16 =	vld.idx.msk [tilespmem:v16+s17+$0x0], $0xffff  }
0x276: {  	v15 =	vmul.u32 $0x30, v15;
	v18 =	vmul.u32 $0x30, v18;
	v21 =	vmul.u32 $0x30, v21;
	v57 =	vld.idx.msk [tilespmem:v49+s17+$0x0], $0xffff  }
0x277: {  	v13 =	vmul.u32 $0x30, v13;
	v9 =	vmul.u32 $0x30, v9;
	v63 =	vmul.u32 $0x30, v33;
	v49 =	vld [tilespmem:s25+$0xD890]  }
0x278: {  	v17 =	vmul.u32 $0x30, v17;
	v22 =	vmul.u32 $0x30, v58;
	v33 =	vshrl.u32 v35, $0x7  }
0x279: {  	v12 =	vmul.u32 $0x30, v12;
	v53 =	vmul.u32 $0x30, v6;
	v11 =	vld.idx.msk [tilespmem:v56+s17+$0x0], $0xffff;
	v55 =	vadd.s32 v15, v14  }
0x27a: {  	v3 =	vld.idx.msk [tilespmem:v3+s17+$0x0], $0xffff;
	v15 =	vand.u32 $0x7F, v59;
	v52 =	vadd.s32 v18, v16;
	vm1 =	vne.s32 v8, $0x2F  }
0x27b: {  	v7 =	vld.idx.msk [tilespmem:v7+s17+$0x0], $0xffff;
	v58 =	vadd.s32 v13, v10;
	v13 =	vshrl.u32 v47, $0xE;
	v59 =	vadd.s32 v9, v8  }
0x27c: {  	v23 =	vld.idx.msk [tilespmem:v51+s17+$0x0], $0xffff;
	v51 =	vadd.s32 v21, v57;
	v9 =	vshrl.u32 v49, $0xE;
	vm4 =	vne.s32 v14, $0x2F  }
0x27d: {  	v56 =	vld.idx.msk [tilespmem:v4+s17+$0x0], $0xffff;
	vm3 =	vne.s32 v10, $0x2F;
	vm2 =	vne.s32 v57, $0x2F;
	v6 =	vsel vm1, $0x1, v0  }
0x27e: {  	v8 =	vld.idx.msk [tilespmem:v24+s17+$0x0], $0xffff;
	v10 =	vadd.s32 v22, v11;
	vm7 =	vne.s32 v11, $0x2F;
	v4 =	vsel vm4, $0x1, v0;
	(xrf0) =	vadd.scan.msk.s32 $0xffff, v6  }
0x27f: {  	v14 =	vadd.s32 v62, v3;
	vm6 =	vne.s32 v3, $0x2F;
	v6 =	vsel vm3, $0x1, v0;
	(xrf0) =	vadd.scan.msk.s32 $0xffff, v4  }
0x280: {  	v57 =	vld.idx.msk [tilespmem:v54+s17+$0x0], $0xffff;
	v12 =	vadd.s32 v12, v7;
	v11 =	vsel vm2, $0x1, v0;
	v4 =	vand.u32 $0x7F, v33;
	(xrf0) =	vadd.scan.msk.s32 $0xffff, v6  }
0x281: {  	v62 =	vld.idx.msk [tilespmem:v61+s17+$0x0], $0xffff;
	v61 =	vadd.s32 v63, v23;
	v54 =	vmul.u32 $0x30, v4;
	v4 =	vsel vm6, $0x1, v0;
	(xrf0) =	vadd.scan.msk.s32 $0xffff, v11  }
0x282: {  	v50 =	vld.idx.msk [tilespmem:v50+s17+$0x0], $0xffff;
	vm11 =	vne.s32 v7, $0x2F;
	v7 =	vshrl.u32 v47, $0x7;
	v11 =	vsel vm7, $0x1, v0;
	(xrf0) =	vadd.scan.msk.s32 $0xffff, v4  }
0x283: {  	vm9 =	vne.s32 v16, $0x2F;
	vm8 =	vne.s32 v23, $0x2F;
	v3 =	vld.idx.msk [tilespmem:v13+s17+$0x0], $0xffff;
	v6 =	vadd.s32 v17, v8;
	(xrf0) =	vadd.scan.msk.s32 $0xffff, v11  }
0x284: {  	[tilespmem:$0x1FF10] =	vst v5;
	v24 =	vand.u32 $0x7F, v7;
	v7 =	vmul.u32 $0x30, v15;
	vm10 =	vne.s32 v8, $0x2F;
	v4 =	vld.idx.msk [tilespmem:v9+s17+$0x0], $0xffff;
	v63, _, _ =	vpop (xrf0)  }
0x285: {  	vm5 =	vne.s32 v57, $0x2F;
	v9 =	vshrl.u32 v49, $0x7;
	[tilespmem:v10+s16+$0x0] =	vst.idx.add.s32.msk $0xffff, v2;
	v10 =	vsel vm11, $0x1, v0;
	v13, _, _ =	vpop (xrf0)  }
0x286: {  	v8 =	vand.u32 $0x7F, v9;
	v9 =	vsel vm10, $0x1, v0;
	[tilespmem:v14+s16+$0x0] =	vst.idx.add.s32.msk $0xffff, v2;
	(xrf0) =	vadd.scan.msk.s32 $0xffff, v10;
	v14, _, _ =	vpop (xrf0)  }
0x287: {  	s24 =	simm.s32 $0x0;
	s25 =	simm.s32 $0x400;
	v21 =	vsel vm9, $0x1, v0;
	v15 =	vsel vm5, $0x1, v0;
	[tilespmem:v12+s16+$0x0] =	vst.idx.add.s32.msk $0xffff, v2;
	(xrf0) =	vadd.scan.msk.s32 $0xffff, v9;
	v12, _, _ =	vpop (xrf0)  }
.LBB2_23:
0x288: {  	p0 =	seq.s32 s25, $0xFC00;
	v9 =	vmul.u32 $0x30, v60;
	vm13 =	vne.s32 v62, $0x2F;
	vm12 =	vne.s32 v50, $0x2F;
	[tilespmem:v6+s16+$0x0] =	vst.idx.add.s32.msk $0xffff, v2;
	v6, _, _ =	vpop (xrf0);
	s26 =	smov.u32 s25;
	s25 =	sadd.s32 $0x400, s25  }
0x289: {  	v8 =	vmul.u32 $0x30, v8;
	v10 =	vmul.u32 $0x30, v24;
	v11 =	vadd.s32 v53, v56;
	[tilespmem:v55+s16+$0x0] =	vst.idx.add.s32.msk $0xffff, v2;
	v16, _, _ =	vpop (xrf0)  }
0x28a: {  	vm0 =	vne.s32 v4, $0x2F;
	vm15 =	vne.s32 v3, $0x2F;
	(v2sf) =	vpush v16, $0xF;
	(xrf0) =	vadd.scan.msk.s32 $0xffff, v21  }
0x28b: {  	v4 =	vadd.s32 v8, v4;
	v8 =	vsel vm0, $0x1, v0;
	[tilespmem:v58+s16+$0x0] =	vst.idx.add.s32.msk $0xffff, v2;
	(v2sf) =	vpush v6, $0xF  }
0x28c: {  	vm14 =	vne.s32 v56, $0x2F;
	v6 =	vsel vm8, $0x1, v0;
	[tilespmem:v59+s16+$0x0] =	vst.idx.add.s32.msk $0xffff, v2;
	v16, _, _ =	vpop (xrf0);
	(xrf0) =	vadd.scan.msk.s32 $0xffff, v8  }
0x28d: {  	v8 =	vsel vm15, $0x1, v0;
	[tilespmem:v52+s16+$0x0] =	vst.idx.add.s32.msk $0xffff, v2;
	(v2sf) =	vpush v16, $0xF;
	v16, _, _ =	vpop (xrf0);
	(xrf0) =	vadd.scan.msk.s32 $0xffff, v6  }
0x28e: {  	v3 =	vadd.s32 v10, v3;
	v6 =	vsel vm13, $0x1, v0;
	(v2sf) =	vpush v16, $0xF;
	(xrf0) =	vadd.scan.msk.s32 $0xffff, v8  }
0x28f: {  	v8 =	vadd.s32 v9, v62;
	[tilespmem:v51+s16+$0x0] =	vst.idx.add.s32.msk $0xffff, v2;
	(v2sf) =	vpush v13, $0xF;
	(xrf0) =	vadd.scan.msk.s32 $0xffff, v6  }
0x290: {  	v6 =	vadd.s32 v7, v57;
	[tilespmem:v4+s16+$0x0] =	vst.idx.add.s32.msk $0xffff, v2;
	(v2sf) =	vpush v14, $0xF;
	v4, _, _ =	vpop (xrf0);
	(xrf0) =	vadd.scan.msk.s32 $0xffff, v15  }
0x291: {  	v9 =	vsel vm12, $0x1, v0;
	v7 =	vsel vm14, $0x1, v0;
	[tilespmem:v61+s16+$0x0] =	vst.idx.add.s32.msk $0xffff, v2;
	(v2sf) =	vpush v63, $0xF  }
0x292: {  	v10 =	vadd.s32 v54, v50;
	(v2sf) =	vpush v4, $0xF;
	v4, _, _ =	vpop (xrf0);
	(xrf0) =	vadd.scan.msk.s32 $0xffff, v7  }
0x293: {  	[tilespmem:v3+s16+$0x0] =	vst.idx.add.s32.msk $0xffff, v2;
	(v2sf) =	vpush v12, $0xF;
	v3, _, _ =	vpop (xrf0);
	(xrf0) =	vadd.scan.msk.s32 $0xffff, v9  }
0x294: {  	[tilespmem:v8+s16+$0x0] =	vst.idx.add.s32.msk $0xffff, v2;
	(v2sf) =	vpush v4, $0xF;
	v4, _, _ =	vpop (xrf0)  }
0x295: {  	[tilespmem:v6+s16+$0x0] =	vst.idx.add.s32.msk $0xffff, v2;
	(v2sf) =	vpush v3, $0xF;
	v3, _, _ =	vpop (xrf0)  }
0x296: {  	[tilespmem:v11+s16+$0x0] =	vst.idx.add.s32.msk $0xffff, v2;
	(v2sf) =	vpush v4, $0xF;
	v4, _, _ =	vpop (xrf0)  }
0x297: {  	[tilespmem:v10+s16+$0x0] =	vst.idx.add.s32.msk $0xffff, v2;
	(v2sf) =	vpush v3, $0xF  }
0x298: {  	[tilespmem:s24+$0x11800] =	vst.msk vm7, v48;
	(v2sf) =	vpush v4, $0xF;
	v3, _, _ =	vpop (xrf0)  }
0x299: {  	s26 =	sshra.s32 s26, $0x2;
	s0 =	spop (v2sf);
	(v2sf) =	vpush v3, $0xF;
	v3, _, _ =	vpop (xrf0)  }
0x29a: {  	s0 =	sadd.s32 s24, s0;
	s2 =	spop (v2sf);
	(v2sf) =	vpush v3, $0xF  }
0x29b: {  	[tilespmem:s0+$0x11800] =	vst.msk vm6, v44;
	s0 =	sadd.s32 s2, s0  }
0x29c: {  	[tilespmem:s0+$0x11800] =	vst.msk vm11, v45;
	s2 =	spop (v2sf)  }
0x29d: {  	s0 =	sadd.s32 s2, s0;
	s2 =	spop (v2sf)  }
0x29e: {  	[tilespmem:s0+$0x11800] =	vst.msk vm10, v46;
	s0 =	sadd.s32 s2, s0;
	s2 =	spop (v2sf)  }
0x29f: {  	[tilespmem:s0+$0x11800] =	vst.msk vm4, v43;
	s0 =	sadd.s32 s2, s0;
	s2 =	spop (v2sf)  }
0x2a0: {  	[tilespmem:s0+$0x11800] =	vst.msk vm3, v39;
	s0 =	sadd.s32 s2, s0;
	s2 =	spop (v2sf)  }
0x2a1: {  	[tilespmem:s0+$0x11800] =	vst.msk vm1, v38;
	s0 =	sadd.s32 s2, s0;
	s2 =	spop (v2sf)  }
0x2a2: {  	[tilespmem:s0+$0x11800] =	vst.msk vm9, v40;
	s0 =	sadd.s32 s2, s0;
	s2 =	spop (v2sf)  }
0x2a3: {  	[tilespmem:s0+$0x11800] =	vst.msk vm2, v36;
	s0 =	sadd.s32 s2, s0;
	s2 =	spop (v2sf)  }
0x2a4: {  	[tilespmem:s0+$0x11800] =	vst.msk vm0, v49;
	s0 =	sadd.s32 s2, s0;
	s2 =	spop (v2sf)  }
0x2a5: {  	[tilespmem:s0+$0x11800] =	vst.msk vm8, v41;
	s0 =	sadd.s32 s2, s0;
	s2 =	spop (v2sf)  }
0x2a6: {  	[tilespmem:s0+$0x11800] =	vst.msk vm15, v47;
	s0 =	sadd.s32 s2, s0;
	s2 =	spop (v2sf)  }
0x2a7: {  	[tilespmem:s0+$0x11800] =	vst.msk vm13, v42;
	s0 =	sadd.s32 s2, s0;
	s2 =	spop (v2sf)  }
0x2a8: {  	[tilespmem:s0+$0x11800] =	vst.msk vm5, v37;
	s0 =	sadd.s32 s2, s0;
	s2 =	spop (v2sf)  }
0x2a9: {  	[tilespmem:s0+$0x11800] =	vst.msk vm14, v34;
	s0 =	sadd.s32 s2, s0;
	s2 =	spop (v2sf)  }
0x2aa: {  	[tilespmem:s0+$0x11800] =	vst.msk vm12, v35;
	s24 =	sadd.s32 s2, s0  }
0x2ab: {  	v44 =	vld [tilespmem:s26+$0xD810]  }
0x2ac: {  	v38 =	vld [tilespmem:s26+$0xD860]  }
0x2ad: {  	v39 =	vld [tilespmem:s26+$0xD850]  }
0x2ae: {  	v34 =	vld [tilespmem:s26+$0xD8E0]  }
0x2af: {  	v45 =	vld [tilespmem:s26+$0xD820]  }
0x2b0: {  	v36 =	vld [tilespmem:s26+$0xD880]  }
0x2b1: {  	v43 =	vld [tilespmem:s26+$0xD840]  }
0x2b2: {  	v40 =	vld [tilespmem:s26+$0xD870]  }
0x2b3: {  	v3 =	vshrl.u32 v44, $0xE;
	v46 =	vld [tilespmem:s26+$0xD830];
	v4 =	vshrl.u32 v34, $0xE;
	v6 =	vshrl.u32 v34, $0x7  }
0x2b4: {  	v8 =	vshrl.u32 v38, $0xE;
	v9 =	vshrl.u32 v38, $0x7;
	v35 =	vld [tilespmem:s26+$0xD8F0];
	v7 =	vshrl.u32 v45, $0xE  }
0x2b5: {  	v10 =	vshrl.u32 v39, $0xE;
	v12 =	vshrl.u32 v39, $0x7;
	v11 =	vshrl.u32 v45, $0x7;
	v41 =	vld [tilespmem:s26+$0xD8A0]  }
0x2b6: {  	v9 =	vand.u32 $0x7F, v9;
	v37 =	vld [tilespmem:s26+$0xD8D0];
	v13 =	vshrl.u32 v43, $0xE;
	v14 =	vshrl.u32 v43, $0x7  }
0x2b7: {  	v12 =	vand.u32 $0x7F, v12;
	v42 =	vld [tilespmem:s26+$0xD8C0];
	v15 =	vshrl.u32 v40, $0xE;
	v14 =	vand.u32 $0x7F, v14  }
0x2b8: {  	v18 =	vshrl.u32 v36, $0x7;
	v17 =	vshrl.u32 v40, $0x7;
	v48 =	vld [tilespmem:s26+$0xD800];
	v16 =	vshrl.u32 v46, $0x7  }
0x2b9: {  	v22 =	vshrl.u32 v44, $0x7;
	v21 =	vshrl.u32 v46, $0xE;
	v17 =	vand.u32 $0x7F, v17  }
0x2ba: {  	v22 =	vand.u32 $0x7F, v22;
	v23 =	vshrl.u32 v36, $0xE;
	v24 =	vshrl.u32 v35, $0xE;
	v10 =	vld.idx.msk [tilespmem:v10+s17+$0x0], $0xffff  }
0x2bb: {  	v18 =	vand.u32 $0x7F, v18;
	v33 =	vshrl.u32 v41, $0xE;
	v13 =	vld.idx.msk [tilespmem:v13+s17+$0x0], $0xffff;
	v54 =	vshrl.u32 v37, $0xE  }
0x2bc: {  	v14 =	vmul.u32 $0x30, v14;
	v17 =	vmul.u32 $0x30, v17;
	v8 =	vld.idx.msk [tilespmem:v8+s17+$0x0], $0xffff;
	v49 =	vshrl.u32 v42, $0x7  }
0x2bd: {  	v18 =	vmul.u32 $0x30, v18;
	v47 =	vshrl.u32 v41, $0x7;
	v61 =	vshrl.u32 v42, $0xE  }
0x2be: {  	v12 =	vmul.u32 $0x30, v12;
	v50 =	vshrl.u32 v48, $0xE;
	v51 =	vshrl.u32 v48, $0x7;
	v15 =	vld.idx.msk [tilespmem:v15+s17+$0x0], $0xffff  }
0x2bf: {  	v22 =	vmul.u32 $0x30, v22;
	v9 =	vmul.u32 $0x30, v9;
	v47 =	vand.u32 $0x7F, v47;
	v23 =	vld.idx.msk [tilespmem:v23+s17+$0x0], $0xffff  }
0x2c0: {  	v16 =	vand.u32 $0x7F, v16;
	v63 =	vmul.u32 $0x30, v47;
	v51 =	vand.u32 $0x7F, v51;
	v33 =	vld.idx.msk [tilespmem:v33+s17+$0x0], $0xffff  }
0x2c1: {  	v16 =	vmul.u32 $0x30, v16;
	v52 =	vshrl.u32 v37, $0x7;
	v60 =	vand.u32 $0x7F, v49;
	v47 =	vld [tilespmem:s26+$0xD8B0]  }
0x2c2: {  	v57 =	vmul.u32 $0x30, v51;
	v55 =	vadd.s32 v14, v13;
	v14 =	vand.u32 $0x7F, v52;
	v49 =	vld [tilespmem:s26+$0xD890]  }
0x2c3: {  	v6 =	vand.u32 $0x7F, v6;
	v11 =	vand.u32 $0x7F, v11;
	v5 =	vshrl.u32 v35, $0x7;
	v62 =	vld.idx.msk [tilespmem:v50+s17+$0x0], $0xffff  }
0x2c4: {  	v11 =	vmul.u32 $0x30, v11;
	vm1 =	vne.s32 v8, $0x2F;
	v52 =	vadd.s32 v17, v15;
	v3 =	vld.idx.msk [tilespmem:v3+s17+$0x0], $0xffff  }
0x2c5: {  	v53 =	vmul.u32 $0x30, v6;
	v58 =	vadd.s32 v12, v10;
	v6 =	vsel vm1, $0x1, v0;
	v7 =	vld.idx.msk [tilespmem:v7+s17+$0x0], $0xffff  }
0x2c6: {  	v59 =	vadd.s32 v9, v8;
	v51 =	vadd.s32 v18, v23;
	v12 =	vld.idx.msk [tilespmem:v21+s17+$0x0], $0xffff;
	v17 =	vshrl.u32 v47, $0xE;
	(xrf0) =	vadd.scan.msk.s32 $0xffff, v6  }
0x2c7: {  	vm3 =	vne.s32 v10, $0x2F;
	vm4 =	vne.s32 v13, $0x2F;
	v8 =	vshrl.u32 v49, $0xE  }
0x2c8: {  	vm2 =	vne.s32 v23, $0x2F;
	v6 =	vsel vm3, $0x1, v0;
	v56 =	vld.idx.msk [tilespmem:v4+s17+$0x0], $0xffff;
	v4 =	vsel vm4, $0x1, v0  }
0x2c9: {  	v10 =	vsel vm2, $0x1, v0;
	v9 =	vadd.s32 v57, v62;
	vm7 =	vne.s32 v62, $0x2F;
	v50 =	vld.idx.msk [tilespmem:v24+s17+$0x0], $0xffff;
	(xrf0) =	vadd.scan.msk.s32 $0xffff, v4  }
0x2ca: {  	v13 =	vadd.s32 v22, v3;
	v4 =	vand.u32 $0x7F, v5;
	vm6 =	vne.s32 v3, $0x2F;
	v57 =	vld.idx.msk [tilespmem:v54+s17+$0x0], $0xffff;
	(xrf0) =	vadd.scan.msk.s32 $0xffff, v6  }
0x2cb: {  	v5 =	vadd.s32 v11, v7;
	v54 =	vmul.u32 $0x30, v4;
	v4 =	vsel vm6, $0x1, v0;
	v62 =	vld.idx.msk [tilespmem:v61+s17+$0x0], $0xffff;
	(xrf0) =	vadd.scan.msk.s32 $0xffff, v10  }
0x2cc: {  	v6 =	vadd.s32 v16, v12;
	v61 =	vadd.s32 v63, v33;
	v10 =	vsel vm7, $0x1, v0;
	v3 =	vld.idx.msk [tilespmem:v17+s17+$0x0], $0xffff;
	(xrf0) =	vadd.scan.msk.s32 $0xffff, v4;
	v63, _, _ =	vpop (xrf0)  }
.Ltmp10:
0x2cd: {  	vm11 =	vne.s32 v7, $0x2F;
	vm10 =	vne.s32 v12, $0x2F;
	v4 =	vld.idx.msk [tilespmem:v8+s17+$0x0], $0xffff;
	v8 =	vshrl.u32 v49, $0x7;
	(xrf0) =	vadd.scan.msk.s32 $0xffff, v10;
	(pc) =	sbr.rel @!p0 .LBB2_23-.Ltmp10, $4  }
0x2ce: {  	v7 =	vshrl.u32 v47, $0x7;
	v10 =	vsel vm10, $0x1, v0;
	v8 =	vand.u32 $0x7F, v8;
	[tilespmem:v9+s16+$0x0] =	vst.idx.add.s32.msk $0xffff, v2  }
0x2cf: {  	v24 =	vand.u32 $0x7F, v7;
	v7 =	vmul.u32 $0x30, v14;
	v9 =	vsel vm11, $0x1, v0;
	[tilespmem:v13+s16+$0x0] =	vst.idx.add.s32.msk $0xffff, v2;
	v13, _, _ =	vpop (xrf0)  }
0x2d0: {  	vm9 =	vne.s32 v15, $0x2F;
	vm5 =	vne.s32 v57, $0x2F;
	[tilespmem:v5+s16+$0x0] =	vst.idx.add.s32.msk $0xffff, v2;
	(xrf0) =	vadd.scan.msk.s32 $0xffff, v9;
	v14, _, _ =	vpop (xrf0)  }
0x2d1: {  	vm8 =	vne.s32 v33, $0x2F;
	v21 =	vsel vm9, $0x1, v0;
	v15 =	vsel vm5, $0x1, v0;
	(xrf0) =	vadd.scan.msk.s32 $0xffff, v10;
	v12, _, _ =	vpop (xrf0)  }
0x2d2: {  	_ =	sdelay $0x2  }
0x2d3: {  	v5, _, _ =	vpop (xrf0)  }
0x2d4: {  	[tilespmem:v6+s16+$0x0] =	vst.idx.add.s32.msk $0xffff, v2;
	v6 =	vmul.u32 $0x30, v60;
	vm12 =	vne.s32 v62, $0x2F;
	v8 =	vmul.u32 $0x30, v8;
	v9, _, _ =	vpop (xrf0)  }
0x2d5: {  	v60 =	vmul.u32 $0x30, v24;
	vm14 =	vne.s32 v4, $0x2F;
	(xrf0) =	vadd.scan.msk.s32 $0xffff, v21;
	(v2sf) =	vpush v9, $0xF  }
0x2d6: {  	vm13 =	vne.s32 v3, $0x2F;
	v10 =	vsel vm14, $0x1, v0;
	(v2sf) =	vpush v5, $0xF;
	v5, _, _ =	vpop (xrf0)  }
0x2d7: {  	v4 =	vadd.s32 v8, v4;
	v8 =	vsel vm8, $0x1, v0;
	(xrf0) =	vadd.scan.msk.s32 $0xffff, v10;
	(v2sf) =	vpush v5, $0xF;
	v5, _, _ =	vpop (xrf0)  }
0x2d8: {  	v33 =	vsel vm13, $0x1, v0;
	(xrf0) =	vadd.scan.msk.s32 $0xffff, v8;
	(v2sf) =	vpush v5, $0xF;
	v5 =	vsel vm12, $0x1, v0  }
0x2d9: {  	vm15 =	vne.s32 v56, $0x2F;
	[tilespmem:v55+s16+$0x0] =	vst.idx.add.s32.msk $0xffff, v2;
	(xrf0) =	vadd.scan.msk.s32 $0xffff, v33;
	(v2sf) =	vpush v13, $0xF  }
0x2da: {  	[tilespmem:v58+s16+$0x0] =	vst.idx.add.s32.msk $0xffff, v2;
	v3 =	vadd.s32 v60, v3;
	(xrf0) =	vadd.scan.msk.s32 $0xffff, v5;
	(v2sf) =	vpush v14, $0xF  }
0x2db: {  	[tilespmem:v59+s16+$0x0] =	vst.idx.add.s32.msk $0xffff, v2;
	v8 =	vsel vm15, $0x1, v0;
	(xrf0) =	vadd.scan.msk.s32 $0xffff, v15;
	v5, _, _ =	vpop (xrf0);
	(v2sf) =	vpush v63, $0xF  }
0x2dc: {  	v6 =	vadd.s32 v6, v62;
	[tilespmem:v52+s16+$0x0] =	vst.idx.add.s32.msk $0xffff, v2;
	(xrf0) =	vadd.scan.msk.s32 $0xffff, v8;
	(v2sf) =	vpush v5, $0xF  }
0x2dd: {  	vm0 =	vne.s32 v50, $0x2F;
	[tilespmem:v51+s16+$0x0] =	vst.idx.add.s32.msk $0xffff, v2;
	v5 =	vadd.s32 v7, v57;
	v7, _, _ =	vpop (xrf0);
	(v2sf) =	vpush v12, $0xF  }
0x2de: {  	v56 =	vadd.s32 v53, v56;
	v55 =	vsel vm0, $0x1, v0;
	[tilespmem:v4+s16+$0x0] =	vst.idx.add.s32.msk $0xffff, v2;
	v8, _, _ =	vpop (xrf0);
	(v2sf) =	vpush v7, $0xF  }
0x2df: {  	v4 =	vadd.s32 v54, v50;
	[tilespmem:v61+s16+$0x0] =	vst.idx.add.s32.msk $0xffff, v2;
	(xrf0) =	vadd.scan.msk.s32 $0xffff, v55;
	v7, _, _ =	vpop (xrf0);
	(v2sf) =	vpush v8, $0xF  }
0x2e0: {  	[tilespmem:v3+s16+$0x0] =	vst.idx.add.s32.msk $0xffff, v2;
	v3, _, _ =	vpop (xrf0);
	(v2sf) =	vpush v7, $0xF  }
0x2e1: {  	[tilespmem:v6+s16+$0x0] =	vst.idx.add.s32.msk $0xffff, v2;
	v6, _, _ =	vpop (xrf0);
	(v2sf) =	vpush v3, $0xF  }
0x2e2: {  	[tilespmem:v5+s16+$0x0] =	vst.idx.add.s32.msk $0xffff, v2;
	v3, _, _ =	vpop (xrf0);
	(v2sf) =	vpush v6, $0xF  }
0x2e3: {  	[tilespmem:v56+s16+$0x0] =	vst.idx.add.s32.msk $0xffff, v2;
	(v2sf) =	vpush v3, $0xF  }
0x2e4: {  	[tilespmem:v4+s16+$0x0] =	vst.idx.add.s32.msk $0xffff, v2;
	s0 =	spop (v2sf)  }
0x2e5: {  	v3, _, _ =	vpop (xrf0);
	[tilespmem:s24+$0x11800] =	vst.msk vm7, v48;
	s0 =	sadd.s32 s24, s0;
	s2 =	spop (v2sf)  }
0x2e6: {  	(v2sf) =	vpush v3, $0xF;
	v3 =	vld [tilespmem:$0x1FF20];
	[tilespmem:s0+$0x11800] =	vst.msk vm6, v44;
	s0 =	sadd.s32 s2, s0;
	s3 =	spop (v2sf)  }
0x2e7: {  	[tilespmem:s0+$0x11800] =	vst.msk vm11, v45;
	s0 =	sadd.s32 s3, s0;
	s10 =	spop (v2sf)  }
0x2e8: {  	[tilespmem:s0+$0x11800] =	vst.msk vm10, v46;
	s0 =	sadd.s32 s10, s0;
	s24 =	spop (v2sf)  }
0x2e9: {  	[tilespmem:s0+$0x11800] =	vst.msk vm4, v43;
	s0 =	sadd.s32 s24, s0;
	s25 =	spop (v2sf)  }
0x2ea: {  	[tilespmem:s0+$0x11800] =	vst.msk vm3, v39;
	s0 =	sadd.s32 s25, s0;
	s26 =	spop (v2sf)  }
0x2eb: {  	v33 =	vsub.s32 v25, v3;
	v3 =	vld [tilespmem:$0x1FFF0];
	[tilespmem:s0+$0x11800] =	vst.msk vm1, v38;
	s0 =	sadd.s32 s26, s0;
	s28 =	spop (v2sf)  }
0x2ec: {  	[tilespmem:s0+$0x11800] =	vst.msk vm9, v40;
	s0 =	sadd.s32 s28, s0;
	s29 =	spop (v2sf)  }
0x2ed: {  	[tilespmem:s0+$0x11800] =	vst.msk vm2, v36;
	s0 =	sadd.s32 s29, s0;
	s31 =	spop (v2sf)  }
0x2ee: {  	[tilespmem:s0+$0x11800] =	vst.msk vm14, v49;
	s0 =	sadd.s32 s31, s0;
	s3 =	spop (v2sf)  }
0x2ef: {  	s29 =	simm.s32 $0x30;
	[tilespmem:s0+$0x11800] =	vst.msk vm8, v41;
	s0 =	sadd.s32 s3, s0;
	s10 =	spop (v2sf)  }
0x2f0: {  	s31 =	simm.s32 $0x0;
	vm8 =	vnez.u8 v3;
	v3 =	vadd.s32 s29, v28;
	[tilespmem:s0+$0x11800] =	vst.msk vm13, v47;
	s0 =	sadd.s32 s10, s0;
	s24 =	spop (v2sf)  }
0x2f1: {  	v4 =	vadd.s32 s31, v28;
	[tilespmem:s0+$0x11800] =	vst.msk vm12, v42;
	s0 =	sadd.s32 s24, s0;
	s25 =	spop (v2sf)  }
0x2f2: {  	v6 =	vadd.s32 s31, v30;
	[tilespmem:s0+$0x11800] =	vst.msk vm5, v37;
	s0 =	sadd.s32 s25, s0;
	s26 =	spop (v2sf)  }
0x2f3: {  	v57 =	vadd.s32 s31, v29;
	[tilespmem:s0+$0x11800] =	vst.msk vm15, v34;
	s0 =	sadd.s32 s26, s0  }
0x2f4: {  	v8 =	vadd.s32 s29, v30;
	[tilespmem:s0+$0x11800] =	vst.msk vm0, v35  }
0x2f5: {  	v31 =	vsub.s32 v26, v31;
	v58 =	vadd.s32 s29, v29;
	s3 =	simm.s32 $0x60;
	v3 =	vld.idx.msk [tilespmem:v3+s16+$0x0], $0xffff  }
0x2f6: {  	v27 =	vsub.s32 v27, v32;
	v26 =	vimm.s32 $0x0;
	s31 =	simm.s32 $0x120;
	v5 =	vadd.s32 s3, v28;
	v4 =	vld.idx.msk [tilespmem:v4+s16+$0x0], $0xffff  }
0x2f7: {  	v44 =	vlaneseq.u32;
	s29 =	simm.s32 $0xF0;
	v11 =	vadd.s32 s3, v30;
	v62 =	vadd.s32 s31, v30;
	v6 =	vld.idx.msk [tilespmem:v6+s16+$0x0], $0xffff  }
0x2f8: {  	v16 =	vadd.s32 s3, v29;
	v17 =	vadd.s32 s31, v28;
	v21 =	vadd.s32 s29, v29;
	v9 =	vld.idx.msk [tilespmem:v57+s16+$0x0], $0xffff  }
0x2f9: {  	s10 =	simm.s32 $0xC0;
	v23 =	vadd.s32 s31, v29;
	v24 =	vadd.s32 s29, v30;
	v43 =	vadd.s32 s29, v28;
	v8 =	vld.idx.msk [tilespmem:v8+s16+$0x0], $0xffff  }
0x2fa: {  	v59 =	vadd.s32 s10, v30;
	v60 =	vadd.s32 s10, v28;
	v18 =	vadd.s32 s10, v29;
	s28 =	spop (v2sf);
	s26 =	simm.s32 $0x150;
	v10 =	vld.idx.msk [tilespmem:v58+s16+$0x0], $0xffff  }
0x2fb: {  	s24 =	sadd.s32 s28, s0;
	s28 =	simm.s32 $0x90;
	v25 =	vadd.s32 s26, v28;
	v63 =	vadd.s32 s26, v29;
	v45 =	vadd.s32 s26, v30;
	v5 =	vld.idx.msk [tilespmem:v5+s16+$0x0], $0xffff  }
0x2fc: {  	v7 =	vadd.s32 s28, v28;
	v61 =	vadd.s32 s28, v30;
	v22 =	vadd.s32 s28, v29;
	v11 =	vld.idx.msk [tilespmem:v11+s16+$0x0], $0xffff  }
0x2fd: {  	v4 =	vadd.s32 v26, v4;
	v6 =	vadd.s32 v26, v6;
	v9 =	vadd.s32 v26, v9  }
0x2fe: {  	vm0 =	vle.s32 v4, v27;
	v3 =	vadd.s32 v4, v3;
	vm2 =	vle.s32 v6, v31  }
0x2ff: {  	v8 =	vadd.s32 v6, v8;
	vm15 =	vle.s32 v9, v33;
	v10 =	vadd.s32 v9, v10  }
0x300: {  	vm1 =	vle.s32 v3, v27;
	v5 =	vadd.s32 v3, v5;
	v4 =	vsel vm0, v4, v26  }
0x301: {  	v7 =	vld.idx.msk [tilespmem:v7+s16+$0x0], $0xffff;
	vm14 =	vle.s32 v8, v31;
	v11 =	vadd.s32 v8, v11;
	v6 =	vsel vm2, v6, v26  }
0x302: {  	v14 =	vld.idx.msk [tilespmem:v61+s16+$0x0], $0xffff;
	v49 =	vsel vm0, $0x1, v0;
	v50 =	vsel vm2, $0x1, v0;
	v46 =	vsel vm1, $0x1, v0  }
0x303: {  	v12 =	vld.idx.msk [tilespmem:v59+s16+$0x0], $0xffff;
	vm3 =	vle.s32 v5, v27;
	v48 =	vsel vm14, $0x1, v0;
	v3 =	vsel vm1, v3, v4  }
0x304: {  	v24 =	vld.idx.msk [tilespmem:v24+s16+$0x0], $0xffff;
	vm0 =	vle.s32 v11, v31;
	v51 =	vadd.s32 v50, v26;
	v6 =	vsel vm14, v8, v6  }
0x305: {  	v13 =	vld.idx.msk [tilespmem:v60+s16+$0x0], $0xffff;
	v47 =	vsel vm3, $0x1, v0;
	v3 =	vsel vm3, v5, v3;
	v54 =	vsel vm0, $0x1, v0  }
0x306: {  	v15 =	vld.idx.msk [tilespmem:v62+s16+$0x0], $0xffff;
	v6 =	vsel vm0, v11, v6;
	v55 =	vadd.s32 v48, v51;
	v7 =	vadd.s32 v5, v7  }
0x307: {  	v40 =	vld.idx.msk [tilespmem:v43+s16+$0x0], $0xffff;
	v4 =	vadd.s32 v11, v14;
	v14 =	vadd.s32 v49, v26;
	v11 =	vadd.s32 v54, v55  }
0x308: {  	v52 =	vld.idx.msk [tilespmem:v17+s16+$0x0], $0xffff;
	v12 =	vadd.s32 v4, v12;
	vm1 =	vle.s32 v7, v27;
	vm2 =	vle.s32 v4, v31  }
0x309: {  	v35 =	vld.idx.msk [tilespmem:v45+s16+$0x0], $0xffff;
	v8 =	vadd.s32 v46, v14;
	v24 =	vadd.s32 v12, v24;
	v17 =	vsel vm2, $0x1, v0  }
0x30a: {  	v3 =	vsel vm1, v7, v3;
	vm3 =	vle.s32 v12, v31;
	v7 =	vadd.s32 v7, v13  }
0x30b: {  	v16 =	vld.idx.msk [tilespmem:v16+s16+$0x0], $0xffff;
	v56 =	vsel vm1, $0x1, v0;
	v8 =	vadd.s32 v47, v8;
	v4 =	vsel vm2, v4, v6  }
0x30c: {  	v57 =	vld.idx.msk [tilespmem:v18+s16+$0x0], $0xffff;
	v5 =	vadd.s32 v24, v15;
	v53 =	vsel vm3, $0x1, v0;
	v8 =	vadd.s32 v56, v8  }
0x30d: {  	v25 =	vld.idx.msk [tilespmem:v25+s16+$0x0], $0xffff;
	v4 =	vsel vm3, v12, v4;
	vm1 =	vle.s32 v7, v27;
	v18 =	vadd.s32 v7, v40  }
0x30e: {  	v6 =	vld.idx.msk [tilespmem:v21+s16+$0x0], $0xffff;
	v11 =	vadd.s32 v17, v11;
	vm3 =	vle.s32 v24, v31;
	v32 =	vadd.s32 v5, v35  }
0x30f: {  	v21 =	vld.idx.msk [tilespmem:v23+s16+$0x0], $0xffff;
	v23 =	vsel vm1, $0x1, v0;
	vm2 =	vle.s32 v18, v27;
	v15 =	vadd.s32 v18, v52  }
0x310: {  	s25 =	simm.s32 $0xC0C0;
	v22 =	vld.idx.msk [tilespmem:v22+s16+$0x0], $0xffff;
	v11 =	vadd.s32 v53, v11;
	v3 =	vsel vm1, v7, v3;
	v4 =	vsel vm3, v24, v4  }
0x311: {  	v59 =	vsel vm3, $0x1, v0;
	vm0 =	vle.s32 v32, v31;
	v8 =	vadd.s32 v23, v8;
	v23 =	vld.idx.msk [tilespmem:v63+s16+$0x0], $0xffff;
	[tilespmem:s25+$0xB0] =	vst v0  }
0x312: {  	v17 =	vsel vm2, $0x1, v0;
	v34 =	vadd.s32 v15, v25;
	v7 =	vadd.s32 v59, v11;
	[tilespmem:s25+$0xFFFFFF40] =	vst v0  }
0x313: {  	vm1 =	vle.s32 v15, v27;
	v3 =	vsel vm2, v18, v3;
	[tilespmem:s25+$0xFFFFFF50] =	vst v0;
	vm2 =	vle.s32 v5, v31  }
0x314: {  	[tilespmem:s25+$0xFFFFFF60] =	vst v0;
	v63 =	vadd.s32 v10, v16;
	v58 =	vsel vm0, $0x1, v0;
	v8 =	vadd.s32 v17, v8  }
0x315: {  	[tilespmem:s25+$0xFFFFFF70] =	vst v0;
	v60 =	vsel vm1, $0x1, v0;
	vm3 =	vle.s32 v34, v27;
	v61 =	vsel vm2, $0x1, v0  }
0x316: {  	[tilespmem:s25+$0xFFFFFF80] =	vst v0;
	v4 =	vsel vm2, v5, v4;
	v5 =	vsel vm15, $0x1, v0;
	vm2 =	vle.s32 v10, v33  }
0x317: {  	[tilespmem:s25+$0xFFFFFF90] =	vst v0;
	v3 =	vsel vm1, v15, v3;
	v8 =	vadd.s32 v60, v8;
	v7 =	vadd.s32 v61, v7  }
0x318: {  	[tilespmem:s25+$0xFFFFFFA0] =	vst v0;
	v5 =	vadd.s32 v5, v26;
	v62 =	vsel vm2, $0x1, v0;
	v38 =	vsel vm0, v32, v4  }
0x319: {  	[tilespmem:s25+$0xFFFFFFB0] =	vst v0;
	v4 =	vsel vm3, $0x1, v0;
	v40 =	vsel vm3, v34, v3;
	v3 =	vsel vm15, v9, v26  }
0x31a: {  	[tilespmem:s25+$0xFFFFFFC0] =	vst v0;
	vm3 =	vle.s32 v63, v33;
	v25 =	vadd.s32 v58, v7;
	v7 =	vadd.s32 v62, v5  }
0x31b: {  	[tilespmem:s25+$0xFFFFFFD0] =	vst v0;
	v26 =	vadd.s32 v4, v8;
	v3 =	vsel vm2, v10, v3;
	v4 =	vadd.s32 v63, v22  }
0x31c: {  	[tilespmem:s25+$0xFFFFFFE0] =	vst v0;
	v3 =	vsel vm3, v63, v3;
	vm0 =	vle.s32 v4, v33;
	v5 =	vadd.s32 v4, v57  }
0x31d: {  	[tilespmem:s25+$0xFFFFFFF0] =	vst v0;
	v3 =	vsel vm0, v4, v3;
	vm1 =	vle.s32 v5, v33;
	v6 =	vadd.s32 v5, v6  }
0x31e: {  	[tilespmem:s25+$0x0] =	vst v0;
	v3 =	vsel vm1, v5, v3;
	vm2 =	vle.s32 v6, v33;
	v5 =	vadd.s32 v6, v21  }
0x31f: {  	[tilespmem:s25+$0x10] =	vst v0;
	v4 =	vsel vm2, $0x1, v0;
	v3 =	vsel vm2, v6, v3;
	vm2 =	vle.s32 v5, v33  }
0x320: {  	s30 =	simm.s32 $0x2D0;
	s26 =	simm.s32 $0xC0C0;
	[tilespmem:s25+$0x20] =	vst v0;
	v6 =	vsel vm3, $0x1, v0;
	v37 =	vadd.s32 v5, v23;
	v41 =	vsel vm2, v5, v3  }
.LBB2_25:
0x321: {  	s0 =	sadd.s32 $0xFFFFFEB0, s30  }
0x322: {  	v5 =	vsel vm0, $0x1, v0;
	v8 =	vsel vm1, $0x1, v0;
	v9 =	vsel vm2, $0x1, v0;
	[tilespmem:s25+$0x30] =	vst v0;
	s26 =	sadd.s32 $0x180, s26;
	s29 =	smov.u32 s30;
	s28 =	sadd.s32 $0x180, s30  }
0x323: {  	p0 =	sne.s32 s30, $0x17D0;
	v6 =	vadd.s32 v6, v7;
	v3 =	vadd.s32 s0, v29;
	v10 =	vadd.s32 s0, v30;
	s2 =	sadd.s32 $0xFFFFFEE0, s29;
	[tilespmem:s25+$0x40] =	vst v0  }
0x324: {  	vm0 =	vle.s32 v37, v33;
	s3 =	sadd.s32 $0xFFFFFF10, s29;
	s30 =	sadd.s32 $0xFFFFFF40, s29;
	v7 =	vadd.s32 s2, v29;
	v11 =	vadd.s32 s2, v28;
	[tilespmem:s25+$0x50] =	vst v0  }
0x325: {  	s31 =	sadd.s32 $0xFFFFFF70, s29;
	s10 =	sadd.s32 $0xFFFFFFA0, s29;
	v14 =	vsel vm0, $0x1, v0;
	v12 =	vadd.s32 s3, v28;
	v13 =	vadd.s32 s30, v28;
	[tilespmem:s25+$0x60] =	vst v0  }
0x326: {  	v15 =	vadd.s32 s0, v28;
	s0 =	sadd.s32 $0xFFFFFFD0, s29;
	v16 =	vadd.s32 s3, v30;
	v17 =	vadd.s32 s31, v30;
	[tilespmem:s25+$0x70] =	vst v0  }
0x327: {  	v5 =	vadd.s32 v5, v6;
	v18 =	vadd.s32 s31, v28;
	v21 =	vadd.s32 s0, v30;
	[tilespmem:s25+$0x80] =	vst v0  }
0x328: {  	v39 =	vadd.s32 s3, v29;
	v6 =	vadd.s32 s0, v28;
	v5 =	vadd.s32 v8, v5;
	[tilespmem:s25+$0x90] =	vst v0  }
0x329: {  	v8 =	vadd.s32 s31, v29;
	v22 =	vadd.s32 s10, v29;
	v4 =	vadd.s32 v4, v5;
	[tilespmem:s25+$0xA0] =	vst v0;
	s25 =	smov.u32 s26  }
0x32a: {  	v23 =	vadd.s32 s30, v29;
	v5 =	vadd.s32 s2, v30;
	v4 =	vadd.s32 v9, v4;
	v11 =	vld.idx.msk [tilespmem:v11+s16+$0x0], $0xffff  }
0x32b: {  	v35 =	vsel vm0, v37, v41;
	v36 =	vadd.s32 v14, v4;
	v9 =	vld.idx.msk [tilespmem:v15+s16+$0x0], $0xffff;
	v15 =	vadd.s32 s0, v29  }
0x32c: {  	v4 =	vld.idx.msk [tilespmem:v12+s16+$0x0], $0xffff;
	v12 =	vadd.s32 s30, v30  }
0x32d: {  	v10 =	vld.idx.msk [tilespmem:v10+s16+$0x0], $0xffff  }
0x32e: {  	v13 =	vld.idx.msk [tilespmem:v13+s16+$0x0], $0xffff  }
0x32f: {  	v24 =	vadd.s32 s29, v28;
	v14 =	vadd.s32 s10, v30;
	v5 =	vld.idx.msk [tilespmem:v5+s16+$0x0], $0xffff  }
0x330: {  	v41 =	vadd.s32 s29, v29;
	v16 =	vld.idx.msk [tilespmem:v16+s16+$0x0], $0xffff  }
0x331: {  	v43 =	vadd.s32 s29, v30;
	v42 =	vadd.s32 s10, v28;
	v9 =	vadd.s32 v34, v9;
	v12 =	vld.idx.msk [tilespmem:v12+s16+$0x0], $0xffff  }
0x332: {  	vm0 =	vle.s32 v9, v27;
	v11 =	vadd.s32 v9, v11;
	v17 =	vld.idx.msk [tilespmem:v17+s16+$0x0], $0xffff  }
0x333: {  	v10 =	vadd.s32 v32, v10;
	vm1 =	vle.s32 v11, v27;
	v4 =	vadd.s32 v11, v4;
	v18 =	vld.idx.msk [tilespmem:v18+s16+$0x0], $0xffff  }
0x334: {  	vm2 =	vle.s32 v10, v31;
	v32 =	vsel vm1, $0x1, v0;
	v13 =	vadd.s32 v4, v13;
	v14 =	vld.idx.msk [tilespmem:v14+s16+$0x0], $0xffff  }
0x335: {  	v9 =	vsel vm0, v9, v40;
	vm3 =	vle.s32 v4, v27;
	v5 =	vadd.s32 v10, v5;
	v21 =	vld.idx.msk [tilespmem:v21+s16+$0x0], $0xffff  }
0x336: {  	v40 =	vsel vm3, $0x1, v0;
	vm4 =	vle.s32 v5, v31;
	v16 =	vadd.s32 v5, v16;
	v34 =	vld.idx.msk [tilespmem:v42+s16+$0x0], $0xffff  }
0x337: {  	v9 =	vsel vm1, v11, v9;
	v42 =	vsel vm4, $0x1, v0;
	v11 =	vadd.s32 v16, v12  }
0x338: {  	v10 =	vsel vm2, v10, v38;
	v12 =	vsel vm0, $0x1, v0;
	v17 =	vadd.s32 v11, v17;
	v6 =	vld.idx.msk [tilespmem:v6+s16+$0x0], $0xffff  }
0x339: {  	vm1 =	vle.s32 v13, v27;
	vm0 =	vle.s32 v16, v31;
	v38 =	vld.idx.msk [tilespmem:v43+s16+$0x0], $0xffff;
	v43 =	vsel vm2, $0x1, v0  }
0x33a: {  	v12 =	vadd.s32 v12, v26;
	vm2 =	vle.s32 v11, v31;
	v14 =	vadd.s32 v17, v14;
	v24 =	vld.idx.msk [tilespmem:v24+s16+$0x0], $0xffff  }
0x33b: {  	v4 =	vsel vm3, v4, v9;
	v25 =	vadd.s32 v43, v25;
	v9 =	vadd.s32 v14, v21  }
0x33c: {  	v4 =	vsel vm1, v13, v4;
	vm3 =	vle.s32 v17, v31;
	v21 =	vsel vm2, $0x1, v0  }
0x33d: {  	v5 =	vsel vm4, v5, v10;
	v10 =	vadd.s32 v32, v12;
	v12 =	vsel vm3, $0x1, v0  }
0x33e: {  	v26 =	vsel vm0, $0x1, v0;
	v5 =	vsel vm0, v16, v5;
	v13 =	vadd.s32 v13, v18  }
0x33f: {  	v18 =	vsel vm1, $0x1, v0;
	v16 =	vadd.s32 v42, v25;
	v32 =	vadd.s32 v9, v38;
	v7 =	vld.idx.msk [tilespmem:v7+s16+$0x0], $0xffff  }
0x340: {  	v10 =	vadd.s32 v40, v10;
	v5 =	vsel vm2, v11, v5;
	vm0 =	vle.s32 v32, v31;
	v3 =	vld.idx.msk [tilespmem:v3+s16+$0x0], $0xffff  }
0x341: {  	v10 =	vadd.s32 v18, v10;
	v5 =	vsel vm3, v17, v5;
	v17 =	vsel vm0, $0x1, v0;
	v11 =	vld.idx.msk [tilespmem:v22+s16+$0x0], $0xffff  }
0x342: {  	vm1 =	vle.s32 v13, v27;
	v18 =	vadd.s32 v13, v34;
	v8 =	vld.idx.msk [tilespmem:v8+s16+$0x0], $0xffff  }
0x343: {  	vm3 =	vle.s32 v18, v27;
	v6 =	vadd.s32 v18, v6;
	v22 =	vsel vm1, $0x1, v0;
	v15 =	vld.idx.msk [tilespmem:v15+s16+$0x0], $0xffff  }
0x344: {  	v16 =	vadd.s32 v26, v16;
	v10 =	vadd.s32 v22, v10;
	v22 =	vsel vm3, $0x1, v0;
	v23 =	vld.idx.msk [tilespmem:v23+s16+$0x0], $0xffff  }
0x345: {  	v4 =	vsel vm1, v13, v4;
	vm2 =	vle.s32 v14, v31;
	v16 =	vadd.s32 v21, v16;
	v42 =	vld.idx.msk [tilespmem:v41+s16+$0x0], $0xffff  }
0x346: {  	v12 =	vadd.s32 v12, v16;
	v16 =	vsel vm2, $0x1, v0;
	v34 =	vadd.s32 v6, v24;
	v13 =	vld.idx.msk [tilespmem:v39+s16+$0x0], $0xffff  }
0x347: {  	v12 =	vadd.s32 v16, v12;
	vm1 =	vle.s32 v6, v27;
	v10 =	vadd.s32 v22, v10;
	[tilespmem:s26+$0xB0] =	vst v0  }
0x348: {  	v5 =	vsel vm2, v14, v5;
	vm2 =	vle.s32 v34, v27;
	v14 =	vsel vm1, $0x1, v0;
	[tilespmem:s26+$0xFFFFFF40] =	vst v0  }
0x349: {  	v4 =	vsel vm3, v18, v4;
	vm3 =	vle.s32 v9, v31;
	v10 =	vadd.s32 v14, v10;
	[tilespmem:s26+$0xFFFFFF50] =	vst v0  }
0x34a: {  	v5 =	vsel vm3, v9, v5;
	v14 =	vsel vm3, $0x1, v0;
	v3 =	vadd.s32 v37, v3;
	[tilespmem:s26+$0xFFFFFF60] =	vst v0  }
0x34b: {  	vm3 =	vle.s32 v3, v33;
	v9 =	vadd.s32 v3, v7;
	v7 =	vadd.s32 v14, v12;
	[tilespmem:s26+$0xFFFFFF70] =	vst v0  }
0x34c: {  	v12 =	vsel vm3, $0x1, v0;
	vm4 =	vle.s32 v9, v33;
	v25 =	vadd.s32 v17, v7;
	[tilespmem:s26+$0xFFFFFF80] =	vst v0  }
0x34d: {  	v7 =	vadd.s32 v12, v36;
	v12 =	vsel vm4, $0x1, v0;
	v13 =	vadd.s32 v9, v13;
	[tilespmem:s26+$0xFFFFFF90] =	vst v0  }
0x34e: {  	v4 =	vsel vm1, v6, v4;
	v38 =	vsel vm0, v32, v5;
	v7 =	vadd.s32 v12, v7;
	[tilespmem:s26+$0xFFFFFFA0] =	vst v0  }
0x34f: {  	v40 =	vsel vm2, v34, v4;
	v5 =	vsel vm2, $0x1, v0;
	[tilespmem:s26+$0xFFFFFFB0] =	vst v0  }
0x350: {  	v26 =	vadd.s32 v5, v10;
	v3 =	vsel vm3, v3, v35;
	[tilespmem:s26+$0xFFFFFFC0] =	vst v0  }
0x351: {  	v3 =	vsel vm4, v9, v3;
	vm3 =	vle.s32 v13, v33;
	v4 =	vadd.s32 v13, v23;
	[tilespmem:s26+$0xFFFFFFD0] =	vst v0  }
.Ltmp11:
0x352: {  	v3 =	vsel vm3, v13, v3;
	vm0 =	vle.s32 v4, v33;
	v5 =	vadd.s32 v4, v8;
	[tilespmem:s26+$0xFFFFFFE0] =	vst v0;
	(pc) =	sbr.rel @p0 .LBB2_25-.Ltmp11, $4  }
0x353: {  	v3 =	vsel vm0, v4, v3;
	vm1 =	vle.s32 v5, v33;
	v6 =	vadd.s32 v5, v11;
	[tilespmem:s26+$0xFFFFFFF0] =	vst v0  }
0x354: {  	v3 =	vsel vm1, v5, v3;
	vm2 =	vle.s32 v6, v33;
	v5 =	vadd.s32 v6, v15;
	[tilespmem:s26+$0x0] =	vst v0  }
0x355: {  	v4 =	vsel vm2, $0x1, v0;
	v3 =	vsel vm2, v6, v3;
	vm2 =	vle.s32 v5, v33;
	[tilespmem:s26+$0x10] =	vst v0  }
0x356: {  	s30 =	smov.u32 s28;
	v6 =	vsel vm3, $0x1, v0;
	v37 =	vadd.s32 v5, v42;
	v41 =	vsel vm2, v5, v3;
	[tilespmem:s26+$0x20] =	vst v0  }
0x357: {  	[tilespmem:s25+$0x30] =	vst v0  }
0x358: {  	v3 =	vsel vm0, $0x1, v0;
	v5 =	vadd.s32 v6, v7;
	[tilespmem:s25+$0x40] =	vst v0  }
0x359: {  	v58 =	vsel vm1, $0x1, v0;
	[tilespmem:s25+$0x50] =	vst v0;
	v3 =	vadd.s32 v3, v5  }
0x35a: {  	[tilespmem:s25+$0x60] =	vst v0;
	v3 =	vadd.s32 v58, v3  }
0x35b: {  	v59 =	vsel vm2, $0x1, v0;
	vm13 =	vle.s32 v37, v33;
	[tilespmem:s25+$0x70] =	vst v0;
	v3 =	vadd.s32 v4, v3  }
0x35c: {  	[tilespmem:s25+$0x80] =	vst v0;
	v60 =	vsel vm13, $0x1, v0;
	v3 =	vadd.s32 v59, v3  }
0x35d: {  	[tilespmem:s25+$0x90] =	vst v0;
	v34 =	vadd.s32 v60, v3;
	v3 =	vshll.u32 v29, $0x7  }
0x35e: {  	[tilespmem:s25+$0xA0] =	vst v0;
	v32 =	vadd.s32 v3, v34  }
0x35f: {  	v3 =	vshll.u32 v30, $0x7;
	[tilespmem:$0x15881] =	vst v32  }
0x360: {  	v29 =	vadd.s32 v3, v25;
	v3 =	vld [tilespmem:$0x15880]  }
0x361: {  	[tilespmem:$0x15891] =	vst v29  }
0x362: {  	v61 =	vld [tilespmem:$0x15890];
	_ =	sdelay $0x2  }
0x363: {  	vm14 =	vne.s32 v32, v3  }
0x364: {  	vm1 =	vmor vm14, vm8  }
0x365: {  	vm15 =	vne.s32 v29, v61;
	v3 =	vsel vm1, $0x1, v0  }
0x366: {  	v4 =	vsel vm15, $0x1, v0;
	(xrf0) =	vadd.scan.msk.s32 $0xffff, v3  }
0x367: {  	(xrf0) =	vadd.scan.msk.s32 $0xffff, v4;
	_ =	sdelay $0x4  }
0x368: {  	v3, _, _ =	vpop (xrf0)  }
0x369: {  	(v2sf) =	vpush v3, $0xF;
	v4, _, _ =	vpop (xrf0)  }
0x36a: {  	v62 =	vshll.u32 v28, $0x7;
	(v2sf) =	vpush v4, $0xF  }
0x36b: {  	v28 =	vadd.s32 v62, v26  }
0x36c: {  	[tilespmem:$0x158A1] =	vst v28  }
0x36d: {  	v63 =	vld [tilespmem:$0x158A0];
	_ =	sdelay $0x4  }
0x36e: {  	vm3 =	vne.s32 v28, v63  }
0x36f: {  	v5 =	vsel vm3, $0x1, v0  }
0x370: {  	(xrf0) =	vadd.scan.msk.s32 $0xffff, v5  }
0x371: {  	s3 =	sadd.s32 $0x3F, s24  }
0x372: {  	s25 =	sshrl.u32 s3, $0x6  }
0x373: {  	p0 =	seq.s32 s25, $0x0  }
.Ltmp12:
0x374: {  	s0 =	spop (v2sf);
	(pc) =	sbr.rel @p0 .LBB2_29-.Ltmp12, $4  }
0x375: {  	v30 =	vadd.s32 $0xFFFFFFFF, v3;
	s2 =	spop (v2sf);
	s0 =	sadd.s32 $0xFFFFFFFF, s0  }
0x376: {  	[tilespmem:v32+s18+$0x0] =	vst.idx.msk vm1, v30;
	v3, _, _ =	vpop (xrf0);
	v35 =	vadd.s32 s0, v4;
	s0 =	sadd.s32 s2, s0  }
0x377: {  	v36 =	vadd.s32 s0, v3;
	[tilespmem:v29+s18+$0x0] =	vst.idx.msk vm15, v35  }
0x378: {  	v51 =	vsel vm13, v37, v41;
	[tilespmem:v28+s18+$0x0] =	vst.idx.msk vm3, v36  }
0x379: {  	v3 =	vmov s24;
	s24 =	simm.s32 $0x0;
	s26 =	simm.s32 $0x11820  }
.LBB2_28:
0x37a: {  	v4 =	vld [tilespmem:s26+$0xFFFFFFE0];
	_ =	sdelay $0x4  }
0x37b: {  	v5 =	vshrl.u32 v4, $0x15  }
0x37c: {  	v6 =	vshrl.u32 v4, $0xE;
	v5 =	vmin.u32 v5, $0x2F  }
0x37d: {  	v6 =	vand.u32 $0x7F, v6;
	v5 =	vshll.u32 v5, $0x7  }
0x37e: {  	v5 =	vor.u32 v6, v5;
	_ =	sdelay $0x4  }
0x37f: {  	v5 =	vld.idx.msk [tilespmem:v5+s17+$0x0], $0xffff;
	_ =	sdelay $0x3  }
0x380: {  	v53 =	vshrl.u32 v4, $0x7  }
0x381: {  	v6 =	vand.u32 $0x7F, v53;
	v5 =	vshll.u32 v5, $0x7  }
0x382: {  	v5 =	vor.u32 v6, v5;
	_ =	sdelay $0x4  }
0x383: {  	v5 =	vld.idx.msk [tilespmem:v5+s18+$0x0], $0xffff;
	_ =	sdelay $0x1  }
0x384: {  	v4 =	vand.u32 $0x7F, v4  }
0x385: {  	v54 =	vor.u32 s24, v44;
	v4 =	vmul.u32 $0x30, v4  }
0x386: {  	vm0 =	vlt.s32 v54, v3  }
0x387: {  	v4 =	vadd.s32 v5, v4;
	_ =	sdelay $0x4  }
0x388: {  	[tilespmem:v4+s16+$0x0] =	vst.idx.add.s32.msk vm0, v2  }
0x389: {  	v4 =	vld [tilespmem:s26+$0xFFFFFFF0];
	_ =	sdelay $0x4  }
0x38a: {  	v5 =	vshrl.u32 v4, $0x15  }
0x38b: {  	v55 =	vshrl.u32 v4, $0xE;
	v5 =	vmin.u32 v5, $0x2F  }
0x38c: {  	v6 =	vand.u32 $0x7F, v55;
	v5 =	vshll.u32 v5, $0x7  }
0x38d: {  	v5 =	vor.u32 v6, v5;
	_ =	sdelay $0x4  }
0x38e: {  	v5 =	vld.idx.msk [tilespmem:v5+s17+$0x0], $0xffff;
	_ =	sdelay $0x3  }
0x38f: {  	v56 =	vshrl.u32 v4, $0x7  }
0x390: {  	v6 =	vand.u32 $0x7F, v56;
	v5 =	vshll.u32 v5, $0x7  }
0x391: {  	v5 =	vor.u32 v6, v5;
	_ =	sdelay $0x4  }
0x392: {  	v5 =	vld.idx.msk [tilespmem:v5+s18+$0x0], $0xffff;
	_ =	sdelay $0x1  }
0x393: {  	s0 =	sadd.s32 $0x10, s24;
	v4 =	vand.u32 $0x7F, v4  }
0x394: {  	v57 =	vor.u32 s0, v44;
	v4 =	vmul.u32 $0x30, v4  }
0x395: {  	vm13 =	vlt.s32 v57, v3  }
0x396: {  	v4 =	vadd.s32 v5, v4;
	_ =	sdelay $0x4  }
0x397: {  	[tilespmem:v4+s16+$0x0] =	vst.idx.add.s32.msk vm13, v2  }
0x398: {  	v4 =	vld [tilespmem:s26+$0x0];
	_ =	sdelay $0x4  }
0x399: {  	v5 =	vshrl.u32 v4, $0x15  }
0x39a: {  	v58 =	vshrl.u32 v4, $0xE;
	v5 =	vmin.u32 v5, $0x2F  }
0x39b: {  	v6 =	vand.u32 $0x7F, v58;
	v5 =	vshll.u32 v5, $0x7  }
0x39c: {  	v5 =	vor.u32 v6, v5;
	_ =	sdelay $0x4  }
0x39d: {  	v5 =	vld.idx.msk [tilespmem:v5+s17+$0x0], $0xffff;
	_ =	sdelay $0x3  }
0x39e: {  	v59 =	vshrl.u32 v4, $0x7  }
0x39f: {  	v6 =	vand.u32 $0x7F, v59;
	v5 =	vshll.u32 v5, $0x7  }
0x3a0: {  	v5 =	vor.u32 v6, v5;
	_ =	sdelay $0x4  }
0x3a1: {  	v5 =	vld.idx.msk [tilespmem:v5+s18+$0x0], $0xffff;
	_ =	sdelay $0x1  }
0x3a2: {  	s30 =	sadd.s32 $0x20, s24;
	v4 =	vand.u32 $0x7F, v4  }
0x3a3: {  	v60 =	vor.u32 s30, v44;
	v4 =	vmul.u32 $0x30, v4  }
0x3a4: {  	vm14 =	vlt.s32 v60, v3  }
0x3a5: {  	v4 =	vadd.s32 v5, v4;
	_ =	sdelay $0x4  }
0x3a6: {  	[tilespmem:v4+s16+$0x0] =	vst.idx.add.s32.msk vm14, v2  }
0x3a7: {  	v4 =	vld [tilespmem:s26+$0x10];
	_ =	sdelay $0x4  }
0x3a8: {  	v5 =	vshrl.u32 v4, $0x15  }
0x3a9: {  	v61 =	vshrl.u32 v4, $0xE;
	v5 =	vmin.u32 v5, $0x2F  }
0x3aa: {  	v6 =	vand.u32 $0x7F, v61;
	v5 =	vshll.u32 v5, $0x7  }
0x3ab: {  	v5 =	vor.u32 v6, v5;
	_ =	sdelay $0x4  }
0x3ac: {  	v5 =	vld.idx.msk [tilespmem:v5+s17+$0x0], $0xffff;
	_ =	sdelay $0x3  }
0x3ad: {  	v62 =	vshrl.u32 v4, $0x7  }
0x3ae: {  	v6 =	vand.u32 $0x7F, v62;
	v5 =	vshll.u32 v5, $0x7  }
0x3af: {  	v5 =	vor.u32 v6, v5;
	_ =	sdelay $0x4  }
0x3b0: {  	v5 =	vld.idx.msk [tilespmem:v5+s18+$0x0], $0xffff;
	_ =	sdelay $0x1  }
0x3b1: {  	s31 =	sadd.s32 $0x30, s24;
	v4 =	vand.u32 $0x7F, v4  }
0x3b2: {  	v63 =	vor.u32 s31, v44;
	v4 =	vmul.u32 $0x30, v4  }
0x3b3: {  	vm15 =	vlt.s32 v63, v3  }
0x3b4: {  	p0 =	sne.s32 s25, $0x1;
	v4 =	vadd.s32 v5, v4  }
.Ltmp13:
0x3b5: {  	_ = 	snop;
	(pc) =	sbr.rel @p0 .LBB2_28-.Ltmp13, $2  }
0x3b6: {  	_ =	sdelay $0x2  }
0x3b7: {  	s24 =	sadd.s32 $0x40, s24;
	s25 =	sadd.s32 $0xFFFFFFFF, s25;
	s26 =	sadd.s32 $0x40, s26;
	[tilespmem:v4+s16+$0x0] =	vst.idx.add.s32.msk vm15, v2  }
.LBB2_29:
0x3b8: {  	s0 =	simm.s32 $0x150  }
0x3b9: {  	v3 =	vadd.s32 s0, v36  }
0x3ba: {  	v4 =	vadd.s32 s0, v35  }
0x3bb: {  	s2 =	simm.s32 $0x120;
	v5 =	vadd.s32 s0, v30  }
0x3bc: {  	v6 =	vadd.s32 s2, v36  }
0x3bd: {  	v7 =	vadd.s32 s2, v35  }
0x3be: {  	s31 =	simm.s32 $0x60;
	v8 =	vadd.s32 s2, v30;
	v37 =	vld.idx.msk [tilespmem:v3+s16+$0x0], $0xffff  }
0x3bf: {  	s29 =	simm.s32 $0xF0;
	v9 =	vadd.s32 s31, v30;
	v43 =	vld.idx.msk [tilespmem:v4+s16+$0x0], $0xffff  }
0x3c0: {  	v3 =	vadd.s32 s29, v36;
	v44 =	vld.idx.msk [tilespmem:v5+s16+$0x0], $0xffff  }
0x3c1: {  	s30 =	simm.s32 $0xC0;
	v4 =	vadd.s32 s29, v35;
	v39 =	vld.idx.msk [tilespmem:v6+s16+$0x0], $0xffff  }
0x3c2: {  	s3 =	simm.s32 $0x90;
	v5 =	vadd.s32 s30, v36;
	v45 =	vld.idx.msk [tilespmem:v7+s16+$0x0], $0xffff  }
0x3c3: {  	v6 =	vadd.s32 s3, v35;
	v47 =	vld.idx.msk [tilespmem:v8+s16+$0x0], $0xffff  }
0x3c4: {  	s10 =	simm.s32 $0x30;
	v7 =	vadd.s32 s30, v35;
	v9 =	vld.idx.msk [tilespmem:v9+s16+$0x0], $0xffff  }
0x3c5: {  	s24 =	simm.s32 $0x0;
	v8 =	vadd.s32 s10, v36;
	v41 =	vld.idx.msk [tilespmem:v3+s16+$0x0], $0xffff  }
0x3c6: {  	v3 =	vadd.s32 s24, v36;
	v48 =	vld.idx.msk [tilespmem:v4+s16+$0x0], $0xffff  }
0x3c7: {  	v42 =	vld.idx.msk [tilespmem:v5+s16+$0x0], $0xffff;
	v5 =	vadd.s32 s24, v30  }
0x3c8: {  	v50 =	vld.idx.msk [tilespmem:v6+s16+$0x0], $0xffff;
	v6 =	vadd.s32 s24, v35  }
0x3c9: {  	v49 =	vld.idx.msk [tilespmem:v7+s16+$0x0], $0xffff;
	v7 =	vadd.s32 s10, v30  }
0x3ca: {  	v4 =	vadd.s32 s10, v35;
	v8 =	vld.idx.msk [tilespmem:v8+s16+$0x0], $0xffff  }
0x3cb: {  	v10 =	vadd.s32 s31, v36;
	v3 =	vld.idx.msk [tilespmem:v3+s16+$0x0], $0xffff  }
0x3cc: {  	v5 =	vld.idx.msk [tilespmem:v5+s16+$0x0], $0xffff  }
0x3cd: {  	v12 =	vadd.s32 s3, v30;
	v13 =	vld.idx.msk [tilespmem:v6+s16+$0x0], $0xffff  }
0x3ce: {  	v14 =	vadd.s32 s3, v36;
	v7 =	vld.idx.msk [tilespmem:v7+s16+$0x0], $0xffff  }
0x3cf: {  	v46 =	vimm.s32 $0x0;
	v27 =	vsub.s32 v27, v40;
	v11 =	vld.idx.msk [tilespmem:v4+s16+$0x0], $0xffff;
	v4 =	vadd.s32 s29, v30  }
0x3d0: {  	v33 =	vsub.s32 v33, v51;
	v31 =	vsub.s32 v31, v38;
	v10 =	vld.idx.msk [tilespmem:v10+s16+$0x0], $0xffff;
	v6 =	vadd.s32 s30, v30  }
0x3d1: {  	v15 =	vadd.s32 s31, v35;
	v3 =	vadd.s32 v46, v3;
	v5 =	vadd.s32 v46, v5  }
0x3d2: {  	vm0 =	vle.s32 v3, v27;
	v16 =	vadd.s32 v3, v8;
	v8 =	vld.idx.msk [tilespmem:v12+s16+$0x0], $0xffff;
	v12 =	vadd.s32 v46, v13  }
0x3d3: {  	v38 =	vld.idx.msk [tilespmem:v14+s16+$0x0], $0xffff;
	vm1 =	vle.s32 v5, v33;
	v5 =	vadd.s32 v5, v7;
	v3 =	vsel vm0, $0x1, v0  }
0x3d4: {  	v4 =	vld.idx.msk [tilespmem:v4+s16+$0x0], $0xffff;
	vm0 =	vle.s32 v16, v27;
	vm2 =	vle.s32 v12, v31;
	v13 =	vsel vm1, $0x1, v0  }
0x3d5: {  	s24 =	simm.s32 $0xC0C0;
	v6 =	vld.idx.msk [tilespmem:v6+s16+$0x0], $0xffff;
	v12 =	vadd.s32 v12, v11;
	v14 =	vadd.s32 v5, v9;
	v40 =	vadd.s32 v16, v10  }
0x3d6: {  	v7 =	vld.idx.msk [tilespmem:v15+s16+$0x0], $0xffff;
	[tilespmem:s24+$0xFFFFFF40] =	vst v0;
	v54 =	vadd.s32 v3, v46;
	v53 =	vsel vm2, $0x1, v0;
	v3 =	vsel vm0, $0x1, v0  }
0x3d7: {  	s25 =	simm.s32 $0x2D0;
	s26 =	simm.s32 $0xC0C0;
	[tilespmem:s24+$0xFFFFFF50] =	vst v0;
	vm0 =	vle.s32 v5, v33;
	v13 =	vadd.s32 v13, v46;
	vm1 =	vle.s32 v14, v33  }
.LBB2_30:
0x3d8: {  	p0 =	sne.s32 s25, $0x17D0  }
0x3d9: {  	v5 =	vsel vm0, $0x1, v0;
	v9 =	vsel vm1, $0x1, v0;
	v8 =	vadd.s32 v14, v8;
	[tilespmem:s24+$0xFFFFFF60] =	vst v0;
	s26 =	sadd.s32 $0x180, s26;
	s28 =	smov.u32 s25;
	s25 =	sadd.s32 $0x180, s25  }
0x3da: {  	v5 =	vadd.s32 v5, v13;
	vm0 =	vle.s32 v8, v33;
	v6 =	vadd.s32 v8, v6;
	[tilespmem:s24+$0xFFFFFF70] =	vst v0  }
0x3db: {  	v8 =	vsel vm0, $0x1, v0;
	vm0 =	vle.s32 v6, v33;
	v4 =	vadd.s32 v6, v4;
	[tilespmem:s24+$0xFFFFFF80] =	vst v0  }
0x3dc: {  	vm1 =	vle.s32 v12, v31;
	v5 =	vadd.s32 v9, v5;
	v6 =	vadd.s32 v12, v7;
	[tilespmem:s24+$0xFFFFFF90] =	vst v0  }
0x3dd: {  	vm2 =	vle.s32 v6, v31;
	v5 =	vadd.s32 v8, v5;
	v7 =	vsel vm0, $0x1, v0;
	[tilespmem:s24+$0xFFFFFFA0] =	vst v0  }
0x3de: {  	v6 =	vadd.s32 v6, v50;
	vm0 =	vle.s32 v4, v33;
	v5 =	vadd.s32 v7, v5;
	[tilespmem:s24+$0xFFFFFFB0] =	vst v0  }
0x3df: {  	vm3 =	vle.s32 v6, v31;
	v6 =	vadd.s32 v6, v49;
	v7 =	vsel vm0, $0x1, v0;
	[tilespmem:s24+$0xFFFFFFC0] =	vst v0  }
0x3e0: {  	v4 =	vadd.s32 v4, v47;
	vm4 =	vle.s32 v6, v31;
	v6 =	vadd.s32 v6, v48;
	[tilespmem:s24+$0xFFFFFFD0] =	vst v0  }
0x3e1: {  	vm0 =	vle.s32 v4, v33;
	vm5 =	vle.s32 v6, v31;
	v6 =	vadd.s32 v6, v45;
	[tilespmem:s24+$0xFFFFFFE0] =	vst v0  }
0x3e2: {  	v51 =	vadd.s32 v4, v44;
	vm6 =	vle.s32 v6, v31;
	v52 =	vadd.s32 v6, v43;
	[tilespmem:s24+$0xFFFFFFF0] =	vst v0  }
0x3e3: {  	v4 =	vsel vm0, $0x1, v0;
	vm7 =	vle.s32 v51, v33;
	vm0 =	vle.s32 v52, v31;
	[tilespmem:s24+$0x0] =	vst v0  }
0x3e4: {  	v3 =	vadd.s32 v3, v54;
	v6 =	vsel vm7, $0x1, v0;
	[tilespmem:s24+$0x10] =	vst v0  }
0x3e5: {  	[tilespmem:s24+$0x20] =	vst v0  }
0x3e6: {  	[tilespmem:s24+$0x30] =	vst v0  }
0x3e7: {  	[tilespmem:s24+$0x40] =	vst v0  }
0x3e8: {  	v8 =	vsel vm4, $0x1, v0;
	v9 =	vsel vm5, $0x1, v0;
	v10 =	vsel vm6, $0x1, v0;
	[tilespmem:s24+$0x50] =	vst v0  }
0x3e9: {  	v11 =	vsel vm2, $0x1, v0;
	v12 =	vsel vm3, $0x1, v0;
	[tilespmem:s24+$0x60] =	vst v0  }
0x3ea: {  	v13 =	vadd.s32 v53, v46;
	v14 =	vsel vm1, $0x1, v0;
	[tilespmem:s24+$0x70] =	vst v0  }
0x3eb: {  	v13 =	vadd.s32 v14, v13;
	[tilespmem:s24+$0x80] =	vst v0  }
0x3ec: {  	v14 =	vadd.s32 s28, v36;
	[tilespmem:s24+$0x90] =	vst v0  }
0x3ed: {  	v15 =	vadd.s32 s28, v35;
	[tilespmem:s24+$0xA0] =	vst v0  }
0x3ee: {  	s0 =	sadd.s32 $0xFFFFFFD0, s28;
	v16 =	vadd.s32 s28, v30;
	v11 =	vadd.s32 v11, v13;
	[tilespmem:s24+$0xB0] =	vst v0;
	s24 =	smov.u32 s26  }
0x3ef: {  	v17 =	vadd.s32 s0, v36;
	v13 =	vadd.s32 s0, v30  }
0x3f0: {  	vm1 =	vle.s32 v40, v27;
	v21 =	vadd.s32 v40, v38;
	v18 =	vadd.s32 s0, v35  }
0x3f1: {  	s29 =	sadd.s32 $0xFFFFFFA0, s28;
	v22 =	vsel vm1, $0x1, v0;
	v5 =	vadd.s32 v7, v5;
	v11 =	vadd.s32 v12, v11;
	v14 =	vld.idx.msk [tilespmem:v14+s16+$0x0], $0xffff  }
0x3f2: {  	vm1 =	vle.s32 v21, v27;
	v7 =	vadd.s32 s29, v35;
	v12 =	vadd.s32 s29, v36;
	v43 =	vld.idx.msk [tilespmem:v15+s16+$0x0], $0xffff  }
0x3f3: {  	s30 =	sadd.s32 $0xFFFFFF70, s28;
	v3 =	vadd.s32 v22, v3;
	v8 =	vadd.s32 v8, v11;
	v11 =	vsel vm0, $0x1, v0;
	v44 =	vld.idx.msk [tilespmem:v16+s16+$0x0], $0xffff  }
0x3f4: {  	s0 =	sadd.s32 $0xFFFFFF40, s28;
	v8 =	vadd.s32 v9, v8;
	v15 =	vadd.s32 s30, v35;
	v16 =	vadd.s32 s30, v36;
	v17 =	vld.idx.msk [tilespmem:v17+s16+$0x0], $0xffff  }
0x3f5: {  	s2 =	sadd.s32 $0xFFFFFEB0, s28;
	v22 =	vadd.s32 s0, v36;
	v9 =	vadd.s32 s0, v35;
	v45 =	vld.idx.msk [tilespmem:v18+s16+$0x0], $0xffff;
	v18 =	vadd.s32 v21, v42  }
0x3f6: {  	s3 =	sadd.s32 $0xFFFFFEE0, s28;
	v23 =	vadd.s32 s2, v35;
	v21 =	vadd.s32 s2, v30;
	v47 =	vld.idx.msk [tilespmem:v13+s16+$0x0], $0xffff;
	v13 =	vsel vm1, $0x1, v0  }
0x3f7: {  	v24 =	vadd.s32 s3, v30;
	v38 =	vadd.s32 s3, v36;
	v12 =	vld.idx.msk [tilespmem:v12+s16+$0x0], $0xffff;
	v3 =	vadd.s32 v13, v3  }
0x3f8: {  	v40 =	vadd.s32 s3, v35;
	vm0 =	vle.s32 v18, v27;
	v13 =	vadd.s32 s2, v36;
	v48 =	vld.idx.msk [tilespmem:v7+s16+$0x0], $0xffff  }
0x3f9: {  	v4 =	vadd.s32 v4, v5;
	s2 =	sadd.s32 $0xFFFFFF10, s28;
	v7 =	vsel vm0, $0x1, v0;
	v42 =	vld.idx.msk [tilespmem:v16+s16+$0x0], $0xffff;
	v16 =	vadd.s32 v18, v41  }
0x3fa: {  	v8 =	vadd.s32 v10, v8;
	v5 =	vadd.s32 s2, v30;
	v18 =	vadd.s32 s2, v36;
	v50 =	vld.idx.msk [tilespmem:v9+s16+$0x0], $0xffff  }
0x3fb: {  	v3 =	vadd.s32 v7, v3;
	vm0 =	vle.s32 v16, v27;
	v7 =	vadd.s32 v16, v39;
	v49 =	vld.idx.msk [tilespmem:v15+s16+$0x0], $0xffff  }
0x3fc: {  	v46 =	vadd.s32 v11, v8;
	v39 =	vmovc v17;
	v10 =	vsel vm0, $0x1, v0;
	vm0 =	vle.s32 v7, v27;
	v9 =	vld.idx.msk [tilespmem:v38+s16+$0x0], $0xffff  }
0x3fd: {  	v11 =	vadd.s32 s0, v30;
	v7 =	vadd.s32 v7, v37;
	v37 =	vmovc v14;
	v3 =	vadd.s32 v10, v3;
	v8 =	vld.idx.msk [tilespmem:v13+s16+$0x0], $0xffff  }
0x3fe: {  	v15 =	vadd.s32 v6, v4;
	v41 =	vmovc v12;
	v13 =	vsel vm0, $0x1, v0;
	vm0 =	vle.s32 v7, v27;
	v10 =	vld.idx.msk [tilespmem:v40+s16+$0x0], $0xffff  }
0x3ff: {  	v4 =	vadd.s32 s29, v30;
	v3 =	vadd.s32 v13, v3;
	v6 =	vsel vm0, $0x1, v0;
	v12 =	vld.idx.msk [tilespmem:v21+s16+$0x0], $0xffff  }
0x400: {  	v3 =	vadd.s32 v6, v3;
	v13 =	vld.idx.msk [tilespmem:v23+s16+$0x0], $0xffff  }
0x401: {  	v6 =	vadd.s32 s30, v30;
	v14 =	vld.idx.msk [tilespmem:v24+s16+$0x0], $0xffff  }
0x402: {  	v5 =	vld.idx.msk [tilespmem:v5+s16+$0x0], $0xffff  }
0x403: {  	v16 =	vadd.s32 s2, v35;
	v7 =	vadd.s32 v7, v8;
	v17 =	vld.idx.msk [tilespmem:v18+s16+$0x0], $0xffff  }
0x404: {  	vm0 =	vle.s32 v7, v27;
	v9 =	vadd.s32 v7, v9;
	v4 =	vld.idx.msk [tilespmem:v4+s16+$0x0], $0xffff  }
0x405: {  	v7 =	vsel vm0, $0x1, v0;
	vm0 =	vle.s32 v9, v27;
	v8 =	vld.idx.msk [tilespmem:v11+s16+$0x0], $0xffff  }
.Ltmp14:
0x406: {  	v11 =	vadd.s32 v51, v12;
	v12 =	vadd.s32 v52, v13;
	v54 =	vadd.s32 v7, v3;
	v6 =	vld.idx.msk [tilespmem:v6+s16+$0x0], $0xffff;
	(pc) =	sbr.rel @p0 .LBB2_30-.Ltmp14, $4  }
0x407: {  	vm1 =	vle.s32 v11, v33;
	vm2 =	vle.s32 v12, v31;
	v11 =	vadd.s32 v11, v14;
	v38 =	vld.idx.msk [tilespmem:v22+s16+$0x0], $0xffff  }
0x408: {  	v3 =	vsel vm0, $0x1, v0;
	v13 =	vsel vm1, $0x1, v0;
	v53 =	vsel vm2, $0x1, v0;
	v7 =	vld.idx.msk [tilespmem:v16+s16+$0x0], $0xffff  }
0x409: {  	v12 =	vadd.s32 v12, v10;
	vm0 =	vle.s32 v11, v33;
	v14 =	vadd.s32 v11, v5;
	[tilespmem:s26+$0xFFFFFF40] =	vst v0  }
0x40a: {  	v13 =	vadd.s32 v13, v15;
	vm1 =	vle.s32 v14, v33;
	v40 =	vadd.s32 v9, v17;
	[tilespmem:s26+$0xFFFFFF50] =	vst v0  }
0x40b: {  	v5 =	vsel vm0, $0x1, v0;
	v8 =	vadd.s32 v14, v8  }
0x40c: {  	v9 =	vsel vm1, $0x1, v0;
	vm12 =	vle.s32 v12, v31;
	v3 =	vadd.s32 v3, v54  }
0x40d: {  	vm4 =	vle.s32 v8, v33;
	v6 =	vadd.s32 v8, v6;
	v5 =	vadd.s32 v5, v13  }
0x40e: {  	v35 =	vsel vm12, $0x1, v0;
	vm12 =	vle.s32 v40, v27;
	v38 =	vadd.s32 v40, v38  }
0x40f: {  	v8 =	vsel vm4, $0x1, v0;
	vm5 =	vle.s32 v6, v33;
	v4 =	vadd.s32 v6, v4  }
0x410: {  	v5 =	vadd.s32 v9, v5;
	v23 =	vadd.s32 v12, v7;
	v40 =	vsel vm12, $0x1, v0  }
0x411: {  	v24 =	vsel vm5, $0x1, v0;
	vm13 =	vle.s32 v23, v31;
	v6 =	vadd.s32 v23, v50  }
0x412: {  	vm2 =	vle.s32 v4, v33;
	v4 =	vadd.s32 v4, v47;
	v3 =	vadd.s32 v40, v3  }
0x413: {  	vm3 =	vle.s32 v6, v31;
	v6 =	vadd.s32 v6, v49;
	vm5 =	vle.s32 v4, v33  }
0x414: {  	[tilespmem:s24+$0xFFFFFF60] =	vst v0;
	v4 =	vadd.s32 v4, v44;
	v11 =	vsel vm13, $0x1, v0;
	vm13 =	vle.s32 v38, v27  }
0x415: {  	[tilespmem:s24+$0xFFFFFF70] =	vst v0;
	vm14 =	vle.s32 v6, v31;
	v6 =	vadd.s32 v6, v48;
	vm15 =	vle.s32 v4, v33  }
0x416: {  	[tilespmem:s24+$0xFFFFFF80] =	vst v0;
	v33 =	vadd.s32 v53, v46;
	v36 =	vsel vm3, $0x1, v0;
	v44 =	vsel vm13, $0x1, v0  }
0x417: {  	[tilespmem:s24+$0xFFFFFF90] =	vst v0;
	vm4 =	vle.s32 v6, v31;
	v6 =	vadd.s32 v6, v45;
	v12 =	vadd.s32 v35, v33  }
0x418: {  	[tilespmem:s24+$0xFFFFFFA0] =	vst v0;
	vm6 =	vle.s32 v6, v31;
	v6 =	vadd.s32 v6, v43;
	v11 =	vadd.s32 v11, v12  }
0x419: {  	[tilespmem:s24+$0xFFFFFFB0] =	vst v0;
	vm7 =	vle.s32 v6, v31;
	v31 =	vsel vm14, $0x1, v0;
	v11 =	vadd.s32 v36, v11  }
0x41a: {  	[tilespmem:s24+$0xFFFFFFC0] =	vst v0;
	v9 =	vsel vm4, $0x1, v0;
	v43 =	vadd.s32 v38, v42;
	v6 =	vadd.s32 v31, v11  }
0x41b: {  	[tilespmem:s24+$0xFFFFFFD0] =	vst v0;
	v10 =	vsel vm6, $0x1, v0;
	vm14 =	vle.s32 v43, v27;
	v6 =	vadd.s32 v9, v6  }
0x41c: {  	[tilespmem:s24+$0xFFFFFFE0] =	vst v0;
	v3 =	vadd.s32 v44, v3;
	v9 =	vsel vm14, $0x1, v0;
	v6 =	vadd.s32 v10, v6;
	v10 =	vld [tilespmem:$0x1FF50]  }
0x41d: {  	[tilespmem:s24+$0xFFFFFFF0] =	vst v0;
	v3 =	vadd.s32 v9, v3;
	v9 =	vld [tilespmem:$0x1FEF0]  }
0x41e: {  	[tilespmem:s24+$0x0] =	vst v0  }
0x41f: {  	[tilespmem:s24+$0x10] =	vst v0;
	v5 =	vadd.s32 v8, v5  }
0x420: {  	[tilespmem:s24+$0x20] =	vst v0;
	v5 =	vadd.s32 v24, v5;
	v30 =	vsel vm2, $0x1, v0  }
0x421: {  	[tilespmem:s24+$0x30] =	vst v0;
	v8 =	vsel vm5, $0x1, v0;
	v5 =	vadd.s32 v30, v5;
	v4 =	vsel vm15, $0x1, v0  }
0x422: {  	[tilespmem:s24+$0x40] =	vst v0;
	v5 =	vadd.s32 v8, v5;
	v45 =	vshll.u32 v10, $0x15;
	v9 =	vshll.u32 v9, $0xE  }
0x423: {  	[tilespmem:s24+$0x50] =	vst v0;
	v4 =	vadd.s32 v4, v5;
	v5 =	vor.u32 v45, v9;
	v9 =	vld [tilespmem:$0x1FF00]  }
0x424: {  	[tilespmem:s24+$0x60] =	vst v0  }
0x425: {  	[tilespmem:s24+$0x70] =	vst v0  }
0x426: {  	[tilespmem:s24+$0x80] =	vst v0  }
0x427: {  	[tilespmem:s24+$0x90] =	vst v0  }
0x428: {  	[tilespmem:s24+$0xA0] =	vst v0  }
0x429: {  	[tilespmem:s24+$0xB0] =	vst v0  }
0x42a: {  	v47 =	vld [tilespmem:$0x1FF60];
	[tilespmem:v10+s15+$0x0] =	vst.idx.msk $0xffff, v1  }
0x42b: {  	[tilespmem:v9+s17+$0x0] =	vst.idx.msk $0xffff, v1;
	v9 =	vld [tilespmem:$0x1FF10]  }
0x42c: {  	v46 =	vshll.u32 v34, $0x7;
	v48 =	vshll.u32 v19, $0xE;
	v7 =	vadd.s32 v43, v41  }
0x42d: {  	v11 =	vsel vm7, $0x1, v0;
	vm15 =	vle.s32 v7, v27;
	v7 =	vadd.s32 v7, v39;
	v10 =	vld [tilespmem:$0x1FF40]  }
0x42e: {  	v51 =	vld [tilespmem:$0x1FF30];
	v8 =	vsel vm15, $0x1, v0;
	vm4 =	vle.s32 v7, v27;
	v7 =	vadd.s32 v7, v37  }
0x42f: {  	vm5 =	vle.s32 v7, v27;
	v3 =	vadd.s32 v8, v3;
	v8 =	vsel vm4, $0x1, v0  }
0x430: {  	v6 =	vadd.s32 v11, v6;
	v3 =	vadd.s32 v8, v3;
	v5 =	vor.u32 v46, v5  }
0x431: {  	v8 =	vsel vm5, $0x1, v0;
	v4 =	vor.u32 v4, v5;
	v5 =	vshll.u32 v47, $0x15;
	[tilespmem:v32+s18+$0x0] =	vst.idx.msk $0xffff, v1  }
0x432: {  	v3 =	vadd.s32 v8, v3;
	v8 =	vshll.u32 v25, $0x7;
	v5 =	vor.u32 v5, v48;
	[tilespmem:v47+s15+$0x0] =	vst.idx.msk $0xffff, v1  }
0x433: {  	v56 =	vld [tilespmem:$0x1FFE0];
	vm12 =	vgt.s32 v4, $0xFFFFFFFF;
	v49 =	vshll.u32 v10, $0x15;
	[tilespmem:v9+s17+$0x0] =	vst.idx.msk $0xffff, v1;
	v9 =	vshll.u32 v20, $0xE  }
0x434: {  	v5 =	vor.u32 v8, v5;
	v8 =	vshll.u32 v26, $0x7;
	[tilespmem:v29+s18+$0x0] =	vst.idx.msk $0xffff, v1;
	v7 =	vor.u32 v49, v9  }
0x435: {  	v5 =	vor.u32 v6, v5;
	[tilespmem:v10+s15+$0x0] =	vst.idx.msk $0xffff, v1;
	v50 =	vor.u32 v8, v7;
	v8 =	vimm.s32 $0x80000000  }
0x436: {  	vm13 =	vgt.s32 v5, $0xFFFFFFFF;
	[tilespmem:v51+s17+$0x0] =	vst.idx.msk $0xffff, v1;
	v52 =	vsel vm12, $0xFFFFFFFF, v8;
	v3 =	vor.u32 v3, v50  }
0x437: {  	v53 =	vsel vm13, $0xFFFFFFFF, v8;
	[tilespmem:v28+s18+$0x0] =	vst.idx.msk $0xffff, v1;
	v4 =	vxor.u32 v4, v52;
	vm14 =	vgt.s32 v3, $0xFFFFFFFF  }
0x438: {  	v60 =	vld [tilespmem:$0x1FF70];
	v57 =	vor.u32 $0x1, v56;
	v54 =	vxor.u32 v5, v53;
	[tilespmem:$0x15900] =	vst v4;
	v55 =	vsel vm14, $0xFFFFFFFF, v8  }
0x439: {  	v61 =	vld [tilespmem:$0x1FFC0];
	v58 =	vor.u32 $0x20, v56;
	[tilespmem:$0x15910] =	vst v54;
	v3 =	vxor.u32 v3, v55  }
0x43a: {  	v59 =	vimm.f32 $0.0e+00;
	v62 =	vld [tilespmem:$0x1FF80];
	[tilespmem:$0x15920] =	vst v3;
	v3 =	vor.u32 $0x21, v56  }
0x43b: {  	v63 =	vld [tilespmem:$0x1FFD0];
	[tilespmem:$0x15930] =	vst v59  }
0x43c: {  	v5 =	vld.idx.msk [tilespmem:v56+s19+$0x0], $0xffff  }
0x43d: {  	v6 =	vld.idx.msk [tilespmem:v57+s19+$0x0], $0xffff  }
0x43e: {  	v4 =	vld.idx.msk [tilespmem:v58+s19+$0x0], $0xffff  }
0x43f: {  	v3 =	vld.idx.msk [tilespmem:v3+s19+$0x0], $0xffff;
	_ =	sdelay $0x3  }
0x440: {  	v5 =	vmul.f32 v5, v60;
	v6 =	vmul.f32 v6, v61  }
0x441: {  	p0 =	sne.s32 s23, $0x20;
	v4 =	vmul.f32 v4, v62;
	v3 =	vmul.f32 v3, v63  }
.Ltmp15:
0x442: {  	_ = 	snop;
	(pc) =	sbr.rel @p0 .LBB2_8-.Ltmp15, $4  }
0x443: {  	s0 =	sshll.u32 s22, $0x7;
	v5 =	vadd.f32 v6, v5;
	v3 =	vadd.f32 v3, v4  }
0x444: {  	s0 =	sand.u32 $0x3FFFFF80, s0;
	vm15 =	vmmov $0xf  }
0x445: {  	[tilespmem:s0+$0x15980] =	vst v5;
	v3 =	vnsel vm15, $0x0, v3  }
0x446: {  	s22 =	smov.u32 s23;
	v11 =	vld [tilespmem:$0x1FF90];
	[tilespmem:s0+$0x15990] =	vst v3  }
0x447: {  	s21 =	sadd.s32 $0x1, s21  }
0x448: {  	p0 =	sne.s32 s21, s9  }
.Ltmp16:
0x449: {  	_ = 	snop;
	(pc) =	sbr.rel @p0 .LBB2_1-.Ltmp16, $4  }
0x44a: {  	[hbm4b:s8+s4] =	stream.linear.scatter [tilespmem:s20], [sflag:$0x2], $0x1000, $0x38;
	[tilespmem:$0x16A80] =	vst v63  }
0x44b: {  	_ =	swait.ge [sflag:s11], $0x1000  }
0x44c: {  	[sflag:s11] =	ssyncset.done $0x0  }
0x44d: {  	[sflag:s11] =	ssyncadd.s32 $0xFFFFF000  }
0x44e: {  	_ =	sfence.sel $0x180000  }
0x44f: {  	[bflag:$0x0] =	sbarrier.arrive $0xFFFF  }
0x450: {  	_ =	strace $0x90000047  }
0x451: {  	s0 =	stileid.u32;
	[bflag:$0x2] =	sbarrier.arrive $0xFFFF  }
0x452: {  	p0 =	sne.s32 s0, $0x0;
	s0 =	rddreg [dreg:$0x3]  }
0x453: {  	s0 =	sadd.s32 @!p0 $0x100000, s0  }
0x454: {  	[sflag:s0] =	ssyncadd.tile.s32 @!p0 $0x1;
	_ =	shalt  }
.Lfunc_end2:
_tile_overlayer_lowered:
.L_overlay_start_2:
0x455: {  	(tag) =	ssettag $0x2  }
0x456: {  	s0 =	rddreg [dreg:$0x0];
	s2 =	stileid.u32  }
0x457: {  	s1 =	rddreg [dreg:$0x1];
	p0 =	sne.s32 s2, $0x0  }
0x458: {  	s3 =	rddreg [dreg:$0x2];
	[bflag:$0x3] =	sbarrier.arrive $0xFFFF;
	s2 =	simm.s32 @!p0 $0x1C02  }
0x459: {  	[timem:s3], [sflag:s2] =	dma.local @!p0 [hbm:s0], s1  }
0x45a: {  	s0 =	simm.s32 @!p0 $0x2  }
0x45b: {  	_ =	swait.ge @!p0 [sflag:s0], s1  }
0x45c: {  	s1 =	ssub.s32 @!p0 $0x0, s1;
	[sflag:s0] =	ssyncset.done @!p0 $0x0  }
0x45d: {  	[sflag:s0] =	ssyncadd.s32 @!p0 s1  }
0x45e: {  	[bflag:$0x3] =	sbarrier.arrive $0xFFFF  }
0x45f: {  	_ =	shalt  }

</sc_bundles>
